<compile_context>
chip_gen: v7x
topology: tpu7x:2x2x1
jax: 0.10.2.dev20260603
libtpu: 0.0.44.dev20260713+nightly
codegen_flags: <defaults>
</compile_context>

<pallas_src>
import functools

import jax
import jax.numpy as jnp
from jax import lax
from jax.experimental import pallas as pl
from jax.experimental.pallas import tpu as pltpu
from jax.experimental.pallas import tpu_sc as plsc

N = 10000
E = 320000
D = 128
NC = 2
NS = 16
NW = NC * NS
EPT = E // NW
K = 80
NCH = EPT // K
NPAIR = (NCH - 1) // 2
N_PAD = 10240
RPT = N_PAD // NS

_MESH = plsc.VectorSubcoreMesh(core_axis_name="c", subcore_axis_name="s")
_SC_PARAMS = pltpu.CompilerParams(needs_layout_passes=False)


def _worker(cid, sid):
    return cid * NS + sid



def _make_seg():
    out_type = [jax.ShapeDtypeStruct((NC, N_PAD, D), jnp.float32)]
    scratch = [
        pltpu.VMEM((EPT,), jnp.int32),
        pltpu.VMEM((NCH, K), jnp.int32),
        pltpu.VMEM((K, D), jnp.float32),
        pltpu.VMEM((K, D), jnp.float32),
        pltpu.VMEM_SHARED((N_PAD, D), jnp.float32),
        pltpu.SemaphoreType.DMA,
        pltpu.SemaphoreType.DMA,
    ]

    @functools.partial(pl.kernel, out_type=out_type, mesh=_MESH,
                       scratch_types=scratch, compiler_params=_SC_PARAMS)
    def seg(h_hbm, src_hbm, dst_hbm, znd_hbm, agg_out,
            sidx, didx, rows0, rows1, agg_sh, sem0, sem1):
        cid = lax.axis_index("c")
        sid = lax.axis_index("s")
        wid = _worker(cid, sid)

        pltpu.sync_copy(znd_hbm.at[pl.ds(sid * RPT, RPT)],
                        agg_sh.at[pl.ds(sid * RPT, RPT)])
        pltpu.sync_copy(src_hbm.at[wid], sidx)
        pltpu.sync_copy(dst_hbm.at[wid], didx)
        plsc.subcore_barrier()

        def gather(c, rows, sem):
            pltpu.async_copy(h_hbm.at[sidx.at[pl.ds(c * K, K)]], rows, sem)

        def wait(c, rows, sem):
            pltpu.make_async_copy(h_hbm.at[sidx.at[pl.ds(c * K, K)]],
                                  rows, sem).wait()

        def consume(c, rows):
            pltpu.sync_copy(rows, agg_sh.at[didx.at[c]], add=True)

        gather(0, rows0, sem0)

        def pair(i, carry):
            c0 = 2 * i
            wait(c0, rows0, sem0)
            gather(c0 + 1, rows1, sem1)
            consume(c0, rows0)
            wait(c0 + 1, rows1, sem1)
            gather(c0 + 2, rows0, sem0)
            consume(c0 + 1, rows1)
            return carry

        lax.fori_loop(0, NPAIR, pair, 0)
        wait(NCH - 1, rows0, sem0)
        consume(NCH - 1, rows0)

        plsc.subcore_barrier()
        pltpu.sync_copy(agg_sh.at[pl.ds(sid * RPT, RPT)],
                        agg_out.at[cid].at[pl.ds(sid * RPT, RPT)])

    return seg



@functools.partial(
    pl.kernel,
    out_type=jax.ShapeDtypeStruct((NW, N_PAD), jnp.float32),
    mesh=_MESH,
    compiler_params=_SC_PARAMS,
    scratch_types=[
        pltpu.VMEM((EPT,), jnp.int32),
        pltpu.VMEM((N_PAD,), jnp.float32),
    ],
)
def _deg_kernel(dst_hbm, zn_hbm, deg_out, didx, deg_v):
    cid = lax.axis_index("c")
    sid = lax.axis_index("s")
    wid = _worker(cid, sid)
    pltpu.sync_copy(dst_hbm.at[wid], didx)
    pltpu.sync_copy(zn_hbm, deg_v)
    ones = jnp.full((16,), 1.0, jnp.float32)

    def sub(j, carry):
        d16 = didx[pl.ds(j * 16, 16)]
        plsc.addupdate_scatter(deg_v, [d16], ones)
        return carry

    lax.fori_loop(0, EPT // 16, sub, 0)
    pltpu.sync_copy(deg_v, deg_out.at[wid])


_seg = _make_seg()



_BN = 2000


def _dense_body(relu, out_dtype, h_ref, a0_ref, a1_ref, degp_ref, ws_ref,
                wn_ref, b_ref, o_ref):
    deg = jnp.sum(degp_ref[...], axis=1)
    r = 1.0 / jnp.clip(deg, 1.0, None)
    hn = (a0_ref[...] + a1_ref[...]) * r[:, None]
    y = (jnp.dot(h_ref[...], ws_ref[...], preferred_element_type=jnp.float32)
         + jnp.dot(hn, wn_ref[...], preferred_element_type=jnp.float32)
         + b_ref[...])
    y = jnp.maximum(y, 0.0) if relu else y
    o_ref[...] = y.astype(out_dtype)


def _dense(h, a0, a1, degp, ws, wn, b, relu, out_dtype=jnp.float32):
    grid = (N // _BN,)
    row_blk = pl.BlockSpec((_BN, D), lambda i: (i, 0))
    return pl.pallas_call(
        functools.partial(_dense_body, relu, out_dtype),
        grid=grid,
        in_specs=[
            row_blk,
            row_blk,
            row_blk,
            pl.BlockSpec((_BN, NW), lambda i: (i, 0)),
            pl.BlockSpec((D, D), lambda i: (0, 0)),
            pl.BlockSpec((D, D), lambda i: (0, 0)),
            pl.BlockSpec((1, D), lambda i: (0, 0)),
        ],
        out_specs=row_blk,
        out_shape=jax.ShapeDtypeStruct((N, D), out_dtype),
    )(h, a0, a1, degp, ws, wn, b.reshape(1, D))





_BA = 125


def _gram_body(hr_ref, hv_ref, o_ref):
    hv = hv_ref[...].astype(jnp.bfloat16)
    hr = hr_ref[...].astype(jnp.bfloat16)
    ye = jax.lax.dot_general(hr[:, 0, :], hv,
                             (((1,), (1,)), ((), ())),
                             preferred_element_type=jnp.float32)
    yo = jax.lax.dot_general(hr[:, 1, :], hv,
                             (((1,), (1,)), ((), ())),
                             preferred_element_type=jnp.float32)
    ze = jax.lax.bitcast_convert_type(ye.astype(jnp.bfloat16),
                                      jnp.uint16).astype(jnp.uint32)
    zo = jax.lax.bitcast_convert_type(yo.astype(jnp.bfloat16),
                                      jnp.uint16).astype(jnp.uint32)
    packed = (ze | (zo << 16)).astype(jnp.int32)
    o_ref[...] = packed.reshape(_BA * N_PAD)


def _gram(h2r, h2):
    return pl.pallas_call(
        _gram_body,
        grid=(N // 2 // _BA,),
        in_specs=[
            pl.BlockSpec((_BA, 2, D), lambda i: (i, 0, 0)),
            pl.BlockSpec((N_PAD, D), lambda i: (0, 0)),
        ],
        out_specs=pl.BlockSpec((_BA * N_PAD,), lambda i: (i,)),
        out_shape=jax.ShapeDtypeStruct((N // 2 * N_PAD,), jnp.int32),
    )(h2r, h2)


@functools.partial(
    pl.kernel,
    out_type=[jax.ShapeDtypeStruct((E,), jnp.float32),
              jax.ShapeDtypeStruct((E,), jnp.float32)],
    mesh=_MESH,
    compiler_params=_SC_PARAMS,
    scratch_types=[
        pltpu.VMEM((EPT,), jnp.int32),
        pltpu.VMEM((EPT,), jnp.int32),
        pltpu.VMEM((K,), jnp.int32),
        pltpu.VMEM((K,), jnp.int32),
        pltpu.VMEM((K,), jnp.int32),
        pltpu.VMEM((K,), jnp.int32),
        pltpu.VMEM((EPT,), jnp.float32),
        pltpu.SemaphoreType.DMA,
        pltpu.SemaphoreType.DMA,
    ],
)
def _edge_dots(g_hbm, psrc_hbm, pdst_hbm, nsrc_hbm, ndst_hbm,
               pos_out, neg_out,
               uidx, vidx, widx0, widx1, words0, words1, scores,
               sem0, sem1):
    cid = lax.axis_index("c")
    sid = lax.axis_index("s")
    wid = _worker(cid, sid)

    for src_hbm, dst_hbm, out_hbm in ((psrc_hbm, pdst_hbm, pos_out),
                                      (nsrc_hbm, ndst_hbm, neg_out)):
        pltpu.sync_copy(src_hbm.at[wid], uidx)
        pltpu.sync_copy(dst_hbm.at[wid], vidx)

        def windex(c, widx):
            def grp(g, carry):
                u = uidx[pl.ds(c * K + g * 16, 16)]
                v = vidx[pl.ds(c * K + g * 16, 16)]
                widx[pl.ds(g * 16, 16)] = (
                    lax.shift_right_logical(u, 1) * N_PAD + v)
                return carry
            lax.fori_loop(0, K // 16, grp, 0, unroll=True)

        def gather(widx, words, sem):
            pltpu.async_copy(g_hbm.at[widx], words, sem)

        def wait(widx, words, sem):
            pltpu.make_async_copy(g_hbm.at[widx], words, sem).wait()

        def consume(c, words):
            def grp(g, carry):
                w = words[pl.ds(g * 16, 16)]
                u = uidx[pl.ds(c * K + g * 16, 16)]
                b = plsc.bitcast(w, jnp.bfloat16)
                lo, hi = plsc.unpack(b, format=plsc.PackFormat.INTERLEAVED)
                odd = lax.bitwise_and(u, 1) == 1
                scores[pl.ds(c * K + g * 16, 16)] = jnp.where(odd, hi, lo)
                return carry
            lax.fori_loop(0, K // 16, grp, 0, unroll=True)

        windex(0, widx0)
        gather(widx0, words0, sem0)

        def pair(i, carry):
            c0 = 2 * i
            windex(c0 + 1, widx1)
            wait(widx0, words0, sem0)
            gather(widx1, words1, sem1)
            consume(c0, words0)
            windex(c0 + 2, widx0)
            wait(widx1, words1, sem1)
            gather(widx0, words0, sem0)
            consume(c0 + 1, words1)
            return carry

        lax.fori_loop(0, NPAIR, pair, 0)
        wait(widx0, words0, sem0)
        consume(NCH - 1, words0)
        pltpu.sync_copy(scores, out_hbm.at[pl.ds(wid * EPT, EPT)])



def kernel(x, pos_edge_index, neg_edge_index, W_self1, W_neigh1, b1,
           W_self2, W_neigh2, b2):
    psrc = pos_edge_index[0].reshape(NW, EPT)
    pdst3 = pos_edge_index[1].reshape(NW, NCH, K)
    pdst = pos_edge_index[1].reshape(NW, EPT)
    nsrc = neg_edge_index[0].reshape(NW, EPT)
    ndst = neg_edge_index[1].reshape(NW, EPT)
    znd = jnp.zeros((N_PAD, D), jnp.float32)
    zn = jnp.zeros((N_PAD,), jnp.float32)

    agg1 = _seg(x, psrc, pdst3, znd)
    if isinstance(agg1, (list, tuple)):
        agg1 = agg1[0]
    degp = _deg_kernel(pdst, zn)
    degp = degp.T
    h1 = _dense(x, agg1[0], agg1[1], degp, W_self1, W_neigh1, b1, relu=True)
    agg2 = _seg(h1, psrc, pdst3, znd)
    if isinstance(agg2, (list, tuple)):
        agg2 = agg2[0]
    h2 = _dense(h1, agg2[0], agg2[1], degp, W_self2, W_neigh2, b2,
                relu=False)
    h2p = jnp.pad(h2, ((0, N_PAD - N), (0, 0)))
    gp = _gram(h2.reshape(N // 2, 2, D), h2p)
    pos_s, neg_s = _edge_dots(gp, psrc, pdst, nsrc, ndst)
    return pos_s.reshape(E, 1), neg_s.reshape(E, 1)

# --- scband reference (transcript-rebuilt; emitter-appended) ---
"""Pipeline reference for scband-model-48808008352173 (READ-ONLY COPY).

The authoritative reference and input builder live on the scoring server;
editing this copy changes nothing except your own understanding.
"""

import jax, jax.numpy as jnp
import numpy as np

N = 10000
E = 320000
D_IN = 128
D_HID = 128
D_OUT = 128


def setup_inputs(seed: int = 0) -> dict:
    key = jax.random.key(seed)
    ks = jax.random.split(key, 10)
    x = jax.random.normal(ks[0], (N, D_IN), dtype=jnp.float32)
    pos_edge_index = jax.random.randint(ks[1], (2, E), 0, N, dtype=jnp.int32)
    neg_edge_index = jax.random.randint(ks[2], (2, E), 0, N, dtype=jnp.int32)
    # SAGEConv layer 1 params (mean aggregator: fc_self + fc_neigh + bias)
    s1 = 1.0 / np.sqrt(D_IN)
    W_self1 = jax.random.uniform(ks[3], (D_IN, D_HID), jnp.float32, -s1, s1)
    W_neigh1 = jax.random.uniform(ks[4], (D_IN, D_HID), jnp.float32, -s1, s1)
    b1 = jnp.zeros((D_HID,), dtype=jnp.float32)
    # SAGEConv layer 2 params
    s2 = 1.0 / np.sqrt(D_HID)
    W_self2 = jax.random.uniform(ks[5], (D_HID, D_OUT), jnp.float32, -s2, s2)
    W_neigh2 = jax.random.uniform(ks[6], (D_HID, D_OUT), jnp.float32, -s2, s2)
    b2 = jnp.zeros((D_OUT,), dtype=jnp.float32)
    return {
        'x': x,
        'pos_edge_index': pos_edge_index,
        'neg_edge_index': neg_edge_index,
        'W_self1': W_self1, 'W_neigh1': W_neigh1, 'b1': b1,
        'W_self2': W_self2, 'W_neigh2': W_neigh2, 'b2': b2,
    }


def _sage_layer(h, edge_index, W_self, W_neigh, b):
    src = edge_index[0]
    dst = edge_index[1]
    msg = jnp.take(h, src, axis=0)                                   # gather
    agg = jax.ops.segment_sum(msg, dst, num_segments=N)              # scatter-add
    deg = jax.ops.segment_sum(jnp.ones((edge_index.shape[1],), dtype=h.dtype), dst, num_segments=N)
    h_neigh = agg / jnp.clip(deg, 1.0, None)[:, None]                # mean aggregation
    return h @ W_self + h_neigh @ W_neigh + b


def _edge_dot(h, edge_index):
    # DGL fn.u_dot_v: per-edge dot product of endpoint features -> [E, 1]
    hu = jnp.take(h, edge_index[0], axis=0)
    hv = jnp.take(h, edge_index[1], axis=0)
    return jnp.sum(hu * hv, axis=-1, keepdims=True)


def reference(x, pos_edge_index, neg_edge_index, W_self1, W_neigh1, b1, W_self2, W_neigh2, b2):
    h = _sage_layer(x, pos_edge_index, W_self1, W_neigh1, b1)
    h = jax.nn.relu(h)
    h = _sage_layer(h, pos_edge_index, W_self2, W_neigh2, b2)
    pos_score = _edge_dot(h, pos_edge_index)
    neg_score = _edge_dot(h, neg_edge_index)
    return (pos_score, neg_score)

if __name__ == "__main__":
    import jax
    _d = setup_inputs()
    print(jax.jit(kernel)(*tuple(_d.values())))

</pallas_src>

<mosaic_0001>
#map = affine_map<(d0, d1) -> (0, 0)>
#map1 = affine_map<(d0, d1) -> (0, 0, 0)>
module attributes {stable_mosaic.version = 14 : i64} {
  func.func @seg(%arg0: i32, %arg1: i32, %arg2: memref<10000x128xf32, #tpu.memory_space<hbm>>, %arg3: memref<32x10000xi32, #tpu.memory_space<hbm>>, %arg4: memref<32x125x80xi32, #tpu.memory_space<hbm>>, %arg5: memref<10240x128xf32, #tpu.memory_space<hbm>>, %arg6: memref<2x10240x128xf32, #tpu.memory_space<hbm>>, %arg7: memref<10000xi32, #tpu.memory_space<vmem>>, %arg8: memref<125x80xi32, #tpu.memory_space<vmem>>, %arg9: memref<80x128xf32, #tpu.memory_space<vmem>>, %arg10: memref<80x128xf32, #tpu.memory_space<vmem>>, %arg11: memref<10240x128xf32, #tpu.memory_space<vmem_shared>>, %arg12: memref<!tpu.dma_semaphore, #tpu.memory_space<semaphore_mem>>, %arg13: memref<!tpu.dma_semaphore, #tpu.memory_space<semaphore_mem>>) attributes {dimension_semantics = [#tpu.dimension_semantics<core_parallel>, #tpu.dimension_semantics<subcore_parallel>], iteration_bounds = array<i64: 2, 16>, scalar_prefetch = 0 : i64, scratch_operands = 7 : i64, tpu.core_type = #tpu.core_type<sc_vector_subcore>, window_params = [{transform_indices = #map}, {transform_indices = #map}, {transform_indices = #map1}, {transform_indices = #map}, {transform_indices = #map1}]} {
    %mul3A = arith.constant 16 : i32
    %mul3A_0 = arith.muli %arg0, %mul3A : i32
    %add3A = arith.addi %mul3A_0, %arg1 : i32
    %mul3A_1 = arith.constant 640 : i32
    %mul3A_2 = arith.muli %arg1, %mul3A_1 : i32
    %mul3A_3 = arith.constant 640 : i32
    %mul3A_4 = arith.muli %arg1, %mul3A_3 : i32
    "tpu.region"() ({
      %run_scoped3A_23 = tpu.sem_alloc : memref<!tpu.dma_semaphore, #tpu.memory_space<semaphore_mem>>
      %dma_start3A_24 = arith.constant 0 : i32
      %dma_start3A_25 = tpu.memref_slice %arg11[%mul3A_4, %dma_start3A_24] : memref<10240x128xf32, #tpu.memory_space<vmem_shared>> -> memref<640x128xf32, #tpu.memory_space<vmem_shared>>
      %dma_start3A_26 = arith.constant 0 : i32
      %dma_start3A_27 = tpu.memref_slice %arg5[%mul3A_2, %dma_start3A_26] : memref<10240x128xf32, #tpu.memory_space<hbm>> -> memref<640x128xf32, #tpu.memory_space<hbm>>
      tpu.enqueue_dma source(%dma_start3A_27 : memref<640x128xf32, #tpu.memory_space<hbm>>) target(%dma_start3A_25 : memref<640x128xf32, #tpu.memory_space<vmem_shared>>) target_semaphore(%run_scoped3A_23 : memref<!tpu.dma_semaphore, #tpu.memory_space<semaphore_mem>>)
      %dma_wait3A_28 = arith.constant 0 : i32
      %dma_wait3A_29 = tpu.memref_slice %arg11[%mul3A_4, %dma_wait3A_28] : memref<10240x128xf32, #tpu.memory_space<vmem_shared>> -> memref<640x128xf32, #tpu.memory_space<vmem_shared>>
      %dma_wait3A_30 = arith.constant 0 : i32
      %dma_wait3A_31 = tpu.memref_slice %arg5[%mul3A_2, %dma_wait3A_30] : memref<10240x128xf32, #tpu.memory_space<hbm>> -> memref<640x128xf32, #tpu.memory_space<hbm>>
      tpu.wait_dma2 semaphore(%run_scoped3A_23 : memref<!tpu.dma_semaphore, #tpu.memory_space<semaphore_mem>>) src(%dma_wait3A_31 : memref<640x128xf32, #tpu.memory_space<hbm>>) dst(%dma_wait3A_29 : memref<640x128xf32, #tpu.memory_space<vmem_shared>>)
      tpu.yield
    }) : () -> ()
    "tpu.region"() ({
      %run_scoped3A_23 = tpu.sem_alloc : memref<!tpu.dma_semaphore, #tpu.memory_space<semaphore_mem>>
      %dma_start3A_24 = arith.constant 0 : i32
      %dma_start3A_25 = tpu.memref_slice %arg3[%add3A, %dma_start3A_24] : memref<32x10000xi32, #tpu.memory_space<hbm>> -> memref<1x10000xi32, #tpu.memory_space<hbm>>
      %dma_start3A_26 = tpu.memref_squeeze %dma_start3A_25 : memref<1x10000xi32, #tpu.memory_space<hbm>> -> memref<10000xi32, #tpu.memory_space<hbm>>
      %dma_start3A_27 = arith.constant 0 : i32
      %dma_start3A_28 = tpu.memref_slice %arg3[%add3A, %dma_start3A_27] : memref<32x10000xi32, #tpu.memory_space<hbm>> -> memref<1x10000xi32, #tpu.memory_space<hbm>>
      %dma_start3A_29 = tpu.memref_squeeze %dma_start3A_28 : memref<1x10000xi32, #tpu.memory_space<hbm>> -> memref<10000xi32, #tpu.memory_space<hbm>>
      tpu.enqueue_dma source(%dma_start3A_29 : memref<10000xi32, #tpu.memory_space<hbm>>) target(%arg7 : memref<10000xi32, #tpu.memory_space<vmem>>) target_semaphore(%run_scoped3A_23 : memref<!tpu.dma_semaphore, #tpu.memory_space<semaphore_mem>>)
      %dma_wait3A_30 = arith.constant 0 : i32
      %dma_wait3A_31 = tpu.memref_slice %arg3[%add3A, %dma_wait3A_30] : memref<32x10000xi32, #tpu.memory_space<hbm>> -> memref<1x10000xi32, #tpu.memory_space<hbm>>
      %dma_wait3A_32 = tpu.memref_squeeze %dma_wait3A_31 : memref<1x10000xi32, #tpu.memory_space<hbm>> -> memref<10000xi32, #tpu.memory_space<hbm>>
      %dma_wait3A_33 = arith.constant 0 : i32
      %dma_wait3A_34 = tpu.memref_slice %arg3[%add3A, %dma_wait3A_33] : memref<32x10000xi32, #tpu.memory_space<hbm>> -> memref<1x10000xi32, #tpu.memory_space<hbm>>
      %dma_wait3A_35 = tpu.memref_squeeze %dma_wait3A_34 : memref<1x10000xi32, #tpu.memory_space<hbm>> -> memref<10000xi32, #tpu.memory_space<hbm>>
      tpu.wait_dma2 semaphore(%run_scoped3A_23 : memref<!tpu.dma_semaphore, #tpu.memory_space<semaphore_mem>>) src(%dma_wait3A_35 : memref<10000xi32, #tpu.memory_space<hbm>>) dst(%arg7 : memref<10000xi32, #tpu.memory_space<vmem>>)
      tpu.yield
    }) : () -> ()
    "tpu.region"() ({
      %run_scoped3A_23 = tpu.sem_alloc : memref<!tpu.dma_semaphore, #tpu.memory_space<semaphore_mem>>
      %dma_start3A_24 = arith.constant 0 : i32
      %dma_start3A_25 = arith.constant 0 : i32
      %dma_start3A_26 = tpu.memref_slice %arg4[%add3A, %dma_start3A_24, %dma_start3A_25] : memref<32x125x80xi32, #tpu.memory_space<hbm>> -> memref<1x125x80xi32, #tpu.memory_space<hbm>>
      %dma_start3A_27 = tpu.memref_squeeze %dma_start3A_26 : memref<1x125x80xi32, #tpu.memory_space<hbm>> -> memref<125x80xi32, #tpu.memory_space<hbm>>
      %dma_start3A_28 = arith.constant 0 : i32
      %dma_start3A_29 = arith.constant 0 : i32
      %dma_start3A_30 = tpu.memref_slice %arg4[%add3A, %dma_start3A_28, %dma_start3A_29] : memref<32x125x80xi32, #tpu.memory_space<hbm>> -> memref<1x125x80xi32, #tpu.memory_space<hbm>>
      %dma_start3A_31 = tpu.memref_squeeze %dma_start3A_30 : memref<1x125x80xi32, #tpu.memory_space<hbm>> -> memref<125x80xi32, #tpu.memory_space<hbm>>
      tpu.enqueue_dma source(%dma_start3A_31 : memref<125x80xi32, #tpu.memory_space<hbm>>) target(%arg8 : memref<125x80xi32, #tpu.memory_space<vmem>>) target_semaphore(%run_scoped3A_23 : memref<!tpu.dma_semaphore, #tpu.memory_space<semaphore_mem>>)
      %dma_wait3A_32 = arith.constant 0 : i32
      %dma_wait3A_33 = arith.constant 0 : i32
      %dma_wait3A_34 = tpu.memref_slice %arg4[%add3A, %dma_wait3A_32, %dma_wait3A_33] : memref<32x125x80xi32, #tpu.memory_space<hbm>> -> memref<1x125x80xi32, #tpu.memory_space<hbm>>
      %dma_wait3A_35 = tpu.memref_squeeze %dma_wait3A_34 : memref<1x125x80xi32, #tpu.memory_space<hbm>> -> memref<125x80xi32, #tpu.memory_space<hbm>>
      %dma_wait3A_36 = arith.constant 0 : i32
      %dma_wait3A_37 = arith.constant 0 : i32
      %dma_wait3A_38 = tpu.memref_slice %arg4[%add3A, %dma_wait3A_36, %dma_wait3A_37] : memref<32x125x80xi32, #tpu.memory_space<hbm>> -> memref<1x125x80xi32, #tpu.memory_space<hbm>>
      %dma_wait3A_39 = tpu.memref_squeeze %dma_wait3A_38 : memref<1x125x80xi32, #tpu.memory_space<hbm>> -> memref<125x80xi32, #tpu.memory_space<hbm>>
      tpu.wait_dma2 semaphore(%run_scoped3A_23 : memref<!tpu.dma_semaphore, #tpu.memory_space<semaphore_mem>>) src(%dma_wait3A_39 : memref<125x80xi32, #tpu.memory_space<hbm>>) dst(%arg8 : memref<125x80xi32, #tpu.memory_space<vmem>>)
      tpu.yield
    }) : () -> ()
    %barrier3A = arith.constant 0 : index
    tpu.barrier barrier_id(%barrier3A)
    %dma_start3A = arith.constant 0 : i32
    %dma_start3A_5 = tpu.memref_slice %arg7[%dma_start3A] : memref<10000xi32, #tpu.memory_space<vmem>> -> memref<80xi32, #tpu.memory_space<vmem>>
    %dma_start3A_6 = arith.constant 0 : i32
    %dma_start3A_7 = arith.constant 0 : i32
    %dma_start3A_8 = tpu.memref_slice %arg2[%dma_start3A_6, %dma_start3A_7] : memref<10000x128xf32, #tpu.memory_space<hbm>> -> memref<10000x128xf32, #tpu.memory_space<hbm>>
    tpu.enqueue_indirect_dma source(%dma_start3A_8 : memref<10000x128xf32, #tpu.memory_space<hbm>>) target(%arg9 : memref<80x128xf32, #tpu.memory_space<vmem>>) offsets(%dma_start3A_5 : memref<80xi32, #tpu.memory_space<vmem>>) semaphore(%arg12 : memref<!tpu.dma_semaphore, #tpu.memory_space<semaphore_mem>>)
    %scan3A = arith.constant 0 : i32
    %scan3A_9 = arith.constant 0 : i32
    %scan3A_10 = arith.constant 62 : i32
    %scan3A_11 = arith.addi %scan3A_9, %scan3A_10 : i32
    %scan3A_12 = arith.constant 1 : i32
    scf.for %scan3A_23 = %scan3A_9 to %scan3A_11 step %scan3A_12  : i32 {
      %mul3A_24 = arith.constant 2 : i32
      %mul3A_25 = arith.muli %mul3A_24, %scan3A_23 : i32
      %mul3A_26 = arith.constant 80 : i32
      %mul3A_27 = arith.muli %mul3A_25, %mul3A_26 : i32
      %dma_wait3A_28 = tpu.memref_slice %arg7[%mul3A_27] : memref<10000xi32, #tpu.memory_space<vmem>> -> memref<80xi32, #tpu.memory_space<vmem>>
      %dma_wait3A_29 = arith.constant 0 : i32
      %dma_wait3A_30 = arith.constant 0 : i32
      %dma_wait3A_31 = tpu.memref_slice %arg2[%dma_wait3A_29, %dma_wait3A_30] : memref<10000x128xf32, #tpu.memory_space<hbm>> -> memref<10000x128xf32, #tpu.memory_space<hbm>>
      tpu.wait_indirect_dma semaphore(%arg12 : memref<!tpu.dma_semaphore, #tpu.memory_space<semaphore_mem>>) src(%dma_wait3A_31 : memref<10000x128xf32, #tpu.memory_space<hbm>>) dst(%arg9 : memref<80x128xf32, #tpu.memory_space<vmem>>)
      %add3A_32 = arith.constant 1 : i32
      %add3A_33 = arith.addi %mul3A_25, %add3A_32 : i32
      %mul3A_34 = arith.constant 80 : i32
      %mul3A_35 = arith.muli %add3A_33, %mul3A_34 : i32
      %dma_start3A_36 = tpu.memref_slice %arg7[%mul3A_35] : memref<10000xi32, #tpu.memory_space<vmem>> -> memref<80xi32, #tpu.memory_space<vmem>>
      %dma_start3A_37 = arith.constant 0 : i32
      %dma_start3A_38 = arith.constant 0 : i32
      %dma_start3A_39 = tpu.memref_slice %arg2[%dma_start3A_37, %dma_start3A_38] : memref<10000x128xf32, #tpu.memory_space<hbm>> -> memref<10000x128xf32, #tpu.memory_space<hbm>>
      tpu.enqueue_indirect_dma source(%dma_start3A_39 : memref<10000x128xf32, #tpu.memory_space<hbm>>) target(%arg10 : memref<80x128xf32, #tpu.memory_space<vmem>>) offsets(%dma_start3A_36 : memref<80xi32, #tpu.memory_space<vmem>>) semaphore(%arg13 : memref<!tpu.dma_semaphore, #tpu.memory_space<semaphore_mem>>)
      "tpu.region"() ({
        %run_scoped3A_58 = tpu.sem_alloc : memref<!tpu.dma_semaphore, #tpu.memory_space<semaphore_mem>>
        %dma_start3A_59 = arith.constant 0 : i32
        %dma_start3A_60 = tpu.memref_slice %arg8[%mul3A_25, %dma_start3A_59] : memref<125x80xi32, #tpu.memory_space<vmem>> -> memref<1x80xi32, #tpu.memory_space<vmem>>
        %dma_start3A_61 = tpu.memref_squeeze %dma_start3A_60 : memref<1x80xi32, #tpu.memory_space<vmem>> -> memref<80xi32, #tpu.memory_space<vmem>>
        %dma_start3A_62 = arith.constant 0 : i32
        %dma_start3A_63 = arith.constant 0 : i32
        %dma_start3A_64 = tpu.memref_slice %arg11[%dma_start3A_62, %dma_start3A_63] : memref<10240x128xf32, #tpu.memory_space<vmem_shared>> -> memref<10240x128xf32, #tpu.memory_space<vmem_shared>>
        tpu.enqueue_indirect_dma source(%arg9 : memref<80x128xf32, #tpu.memory_space<vmem>>) target(%dma_start3A_64 : memref<10240x128xf32, #tpu.memory_space<vmem_shared>>) offsets(%dma_start3A_61 : memref<80xi32, #tpu.memory_space<vmem>>) semaphore(%run_scoped3A_58 : memref<!tpu.dma_semaphore, #tpu.memory_space<semaphore_mem>>) {add = true}
        %dma_wait3A_65 = arith.constant 0 : i32
        %dma_wait3A_66 = tpu.memref_slice %arg8[%mul3A_25, %dma_wait3A_65] : memref<125x80xi32, #tpu.memory_space<vmem>> -> memref<1x80xi32, #tpu.memory_space<vmem>>
        %dma_wait3A_67 = tpu.memref_squeeze %dma_wait3A_66 : memref<1x80xi32, #tpu.memory_space<vmem>> -> memref<80xi32, #tpu.memory_space<vmem>>
        %dma_wait3A_68 = arith.constant 0 : i32
        %dma_wait3A_69 = arith.constant 0 : i32
        %dma_wait3A_70 = tpu.memref_slice %arg11[%dma_wait3A_68, %dma_wait3A_69] : memref<10240x128xf32, #tpu.memory_space<vmem_shared>> -> memref<10240x128xf32, #tpu.memory_space<vmem_shared>>
        tpu.wait_indirect_dma semaphore(%run_scoped3A_58 : memref<!tpu.dma_semaphore, #tpu.memory_space<semaphore_mem>>) src(%arg9 : memref<80x128xf32, #tpu.memory_space<vmem>>) dst(%dma_wait3A_70 : memref<10240x128xf32, #tpu.memory_space<vmem_shared>>)
        tpu.yield
      }) : () -> ()
      %add3A_40 = arith.constant 1 : i32
      %add3A_41 = arith.addi %mul3A_25, %add3A_40 : i32
      %mul3A_42 = arith.constant 80 : i32
      %mul3A_43 = arith.muli %add3A_41, %mul3A_42 : i32
      %dma_wait3A_44 = tpu.memref_slice %arg7[%mul3A_43] : memref<10000xi32, #tpu.memory_space<vmem>> -> memref<80xi32, #tpu.memory_space<vmem>>
      %dma_wait3A_45 = arith.constant 0 : i32
      %dma_wait3A_46 = arith.constant 0 : i32
      %dma_wait3A_47 = tpu.memref_slice %arg2[%dma_wait3A_45, %dma_wait3A_46] : memref<10000x128xf32, #tpu.memory_space<hbm>> -> memref<10000x128xf32, #tpu.memory_space<hbm>>
      tpu.wait_indirect_dma semaphore(%arg13 : memref<!tpu.dma_semaphore, #tpu.memory_space<semaphore_mem>>) src(%dma_wait3A_47 : memref<10000x128xf32, #tpu.memory_space<hbm>>) dst(%arg10 : memref<80x128xf32, #tpu.memory_space<vmem>>)
      %add3A_48 = arith.constant 2 : i32
      %add3A_49 = arith.addi %mul3A_25, %add3A_48 : i32
      %mul3A_50 = arith.constant 80 : i32
      %mul3A_51 = arith.muli %add3A_49, %mul3A_50 : i32
      %dma_start3A_52 = tpu.memref_slice %arg7[%mul3A_51] : memref<10000xi32, #tpu.memory_space<vmem>> -> memref<80xi32, #tpu.memory_space<vmem>>
      %dma_start3A_53 = arith.constant 0 : i32
      %dma_start3A_54 = arith.constant 0 : i32
      %dma_start3A_55 = tpu.memref_slice %arg2[%dma_start3A_53, %dma_start3A_54] : memref<10000x128xf32, #tpu.memory_space<hbm>> -> memref<10000x128xf32, #tpu.memory_space<hbm>>
      tpu.enqueue_indirect_dma source(%dma_start3A_55 : memref<10000x128xf32, #tpu.memory_space<hbm>>) target(%arg9 : memref<80x128xf32, #tpu.memory_space<vmem>>) offsets(%dma_start3A_52 : memref<80xi32, #tpu.memory_space<vmem>>) semaphore(%arg12 : memref<!tpu.dma_semaphore, #tpu.memory_space<semaphore_mem>>)
      %add3A_56 = arith.constant 1 : i32
      %add3A_57 = arith.addi %mul3A_25, %add3A_56 : i32
      "tpu.region"() ({
        %run_scoped3A_58 = tpu.sem_alloc : memref<!tpu.dma_semaphore, #tpu.memory_space<semaphore_mem>>
        %dma_start3A_59 = arith.constant 0 : i32
        %dma_start3A_60 = tpu.memref_slice %arg8[%add3A_57, %dma_start3A_59] : memref<125x80xi32, #tpu.memory_space<vmem>> -> memref<1x80xi32, #tpu.memory_space<vmem>>
        %dma_start3A_61 = tpu.memref_squeeze %dma_start3A_60 : memref<1x80xi32, #tpu.memory_space<vmem>> -> memref<80xi32, #tpu.memory_space<vmem>>
        %dma_start3A_62 = arith.constant 0 : i32
        %dma_start3A_63 = arith.constant 0 : i32
        %dma_start3A_64 = tpu.memref_slice %arg11[%dma_start3A_62, %dma_start3A_63] : memref<10240x128xf32, #tpu.memory_space<vmem_shared>> -> memref<10240x128xf32, #tpu.memory_space<vmem_shared>>
        tpu.enqueue_indirect_dma source(%arg10 : memref<80x128xf32, #tpu.memory_space<vmem>>) target(%dma_start3A_64 : memref<10240x128xf32, #tpu.memory_space<vmem_shared>>) offsets(%dma_start3A_61 : memref<80xi32, #tpu.memory_space<vmem>>) semaphore(%run_scoped3A_58 : memref<!tpu.dma_semaphore, #tpu.memory_space<semaphore_mem>>) {add = true}
        %dma_wait3A_65 = arith.constant 0 : i32
        %dma_wait3A_66 = tpu.memref_slice %arg8[%add3A_57, %dma_wait3A_65] : memref<125x80xi32, #tpu.memory_space<vmem>> -> memref<1x80xi32, #tpu.memory_space<vmem>>
        %dma_wait3A_67 = tpu.memref_squeeze %dma_wait3A_66 : memref<1x80xi32, #tpu.memory_space<vmem>> -> memref<80xi32, #tpu.memory_space<vmem>>
        %dma_wait3A_68 = arith.constant 0 : i32
        %dma_wait3A_69 = arith.constant 0 : i32
        %dma_wait3A_70 = tpu.memref_slice %arg11[%dma_wait3A_68, %dma_wait3A_69] : memref<10240x128xf32, #tpu.memory_space<vmem_shared>> -> memref<10240x128xf32, #tpu.memory_space<vmem_shared>>
        tpu.wait_indirect_dma semaphore(%run_scoped3A_58 : memref<!tpu.dma_semaphore, #tpu.memory_space<semaphore_mem>>) src(%arg10 : memref<80x128xf32, #tpu.memory_space<vmem>>) dst(%dma_wait3A_70 : memref<10240x128xf32, #tpu.memory_space<vmem_shared>>)
        tpu.yield
      }) : () -> ()
    }
    %scan3A_13 = arith.constant 62 : i32
    %dma_wait3A = arith.constant 9920 : i32
    %dma_wait3A_14 = tpu.memref_slice %arg7[%dma_wait3A] : memref<10000xi32, #tpu.memory_space<vmem>> -> memref<80xi32, #tpu.memory_space<vmem>>
    %dma_wait3A_15 = arith.constant 0 : i32
    %dma_wait3A_16 = arith.constant 0 : i32
    %dma_wait3A_17 = tpu.memref_slice %arg2[%dma_wait3A_15, %dma_wait3A_16] : memref<10000x128xf32, #tpu.memory_space<hbm>> -> memref<10000x128xf32, #tpu.memory_space<hbm>>
    tpu.wait_indirect_dma semaphore(%arg12 : memref<!tpu.dma_semaphore, #tpu.memory_space<semaphore_mem>>) src(%dma_wait3A_17 : memref<10000x128xf32, #tpu.memory_space<hbm>>) dst(%arg9 : memref<80x128xf32, #tpu.memory_space<vmem>>)
    %run_scoped3A = arith.constant 124 : i32
    "tpu.region"() ({
      %run_scoped3A_23 = tpu.sem_alloc : memref<!tpu.dma_semaphore, #tpu.memory_space<semaphore_mem>>
      %dma_start3A_24 = arith.constant 0 : i32
      %dma_start3A_25 = tpu.memref_slice %arg8[%run_scoped3A, %dma_start3A_24] : memref<125x80xi32, #tpu.memory_space<vmem>> -> memref<1x80xi32, #tpu.memory_space<vmem>>
      %dma_start3A_26 = tpu.memref_squeeze %dma_start3A_25 : memref<1x80xi32, #tpu.memory_space<vmem>> -> memref<80xi32, #tpu.memory_space<vmem>>
      %dma_start3A_27 = arith.constant 0 : i32
      %dma_start3A_28 = arith.constant 0 : i32
      %dma_start3A_29 = tpu.memref_slice %arg11[%dma_start3A_27, %dma_start3A_28] : memref<10240x128xf32, #tpu.memory_space<vmem_shared>> -> memref<10240x128xf32, #tpu.memory_space<vmem_shared>>
      tpu.enqueue_indirect_dma source(%arg9 : memref<80x128xf32, #tpu.memory_space<vmem>>) target(%dma_start3A_29 : memref<10240x128xf32, #tpu.memory_space<vmem_shared>>) offsets(%dma_start3A_26 : memref<80xi32, #tpu.memory_space<vmem>>) semaphore(%run_scoped3A_23 : memref<!tpu.dma_semaphore, #tpu.memory_space<semaphore_mem>>) {add = true}
      %dma_wait3A_30 = arith.constant 0 : i32
      %dma_wait3A_31 = tpu.memref_slice %arg8[%run_scoped3A, %dma_wait3A_30] : memref<125x80xi32, #tpu.memory_space<vmem>> -> memref<1x80xi32, #tpu.memory_space<vmem>>
      %dma_wait3A_32 = tpu.memref_squeeze %dma_wait3A_31 : memref<1x80xi32, #tpu.memory_space<vmem>> -> memref<80xi32, #tpu.memory_space<vmem>>
      %dma_wait3A_33 = arith.constant 0 : i32
      %dma_wait3A_34 = arith.constant 0 : i32
      %dma_wait3A_35 = tpu.memref_slice %arg11[%dma_wait3A_33, %dma_wait3A_34] : memref<10240x128xf32, #tpu.memory_space<vmem_shared>> -> memref<10240x128xf32, #tpu.memory_space<vmem_shared>>
      tpu.wait_indirect_dma semaphore(%run_scoped3A_23 : memref<!tpu.dma_semaphore, #tpu.memory_space<semaphore_mem>>) src(%arg9 : memref<80x128xf32, #tpu.memory_space<vmem>>) dst(%dma_wait3A_35 : memref<10240x128xf32, #tpu.memory_space<vmem_shared>>)
      tpu.yield
    }) : () -> ()
    %barrier3A_18 = arith.constant 0 : index
    tpu.barrier barrier_id(%barrier3A_18)
    %mul3A_19 = arith.constant 640 : i32
    %mul3A_20 = arith.muli %arg1, %mul3A_19 : i32
    %mul3A_21 = arith.constant 640 : i32
    %mul3A_22 = arith.muli %arg1, %mul3A_21 : i32
    "tpu.region"() ({
      %run_scoped3A_23 = tpu.sem_alloc : memref<!tpu.dma_semaphore, #tpu.memory_space<semaphore_mem>>
      %dma_start3A_24 = arith.constant 0 : i32
      %dma_start3A_25 = arith.constant 0 : i32
      %dma_start3A_26 = tpu.memref_slice %arg6[%arg0, %dma_start3A_24, %dma_start3A_25] : memref<2x10240x128xf32, #tpu.memory_space<hbm>> -> memref<1x10240x128xf32, #tpu.memory_space<hbm>>
      %dma_start3A_27 = tpu.memref_squeeze %dma_start3A_26 : memref<1x10240x128xf32, #tpu.memory_space<hbm>> -> memref<10240x128xf32, #tpu.memory_space<hbm>>
      %dma_start3A_28 = arith.constant 0 : i32
      %dma_start3A_29 = tpu.memref_slice %dma_start3A_27[%mul3A_22, %dma_start3A_28] : memref<10240x128xf32, #tpu.memory_space<hbm>> -> memref<640x128xf32, #tpu.memory_space<hbm>>
      %dma_start3A_30 = arith.constant 0 : i32
      %dma_start3A_31 = tpu.memref_slice %arg11[%mul3A_20, %dma_start3A_30] : memref<10240x128xf32, #tpu.memory_space<vmem_shared>> -> memref<640x128xf32, #tpu.memory_space<vmem_shared>>
      tpu.enqueue_dma source(%dma_start3A_31 : memref<640x128xf32, #tpu.memory_space<vmem_shared>>) target(%dma_start3A_29 : memref<640x128xf32, #tpu.memory_space<hbm>>) target_semaphore(%run_scoped3A_23 : memref<!tpu.dma_semaphore, #tpu.memory_space<semaphore_mem>>)
      %dma_wait3A_32 = arith.constant 0 : i32
      %dma_wait3A_33 = arith.constant 0 : i32
      %dma_wait3A_34 = tpu.memref_slice %arg6[%arg0, %dma_wait3A_32, %dma_wait3A_33] : memref<2x10240x128xf32, #tpu.memory_space<hbm>> -> memref<1x10240x128xf32, #tpu.memory_space<hbm>>
      %dma_wait3A_35 = tpu.memref_squeeze %dma_wait3A_34 : memref<1x10240x128xf32, #tpu.memory_space<hbm>> -> memref<10240x128xf32, #tpu.memory_space<hbm>>
      %dma_wait3A_36 = arith.constant 0 : i32
      %dma_wait3A_37 = tpu.memref_slice %dma_wait3A_35[%mul3A_22, %dma_wait3A_36] : memref<10240x128xf32, #tpu.memory_space<hbm>> -> memref<640x128xf32, #tpu.memory_space<hbm>>
      %dma_wait3A_38 = arith.constant 0 : i32
      %dma_wait3A_39 = tpu.memref_slice %arg11[%mul3A_20, %dma_wait3A_38] : memref<10240x128xf32, #tpu.memory_space<vmem_shared>> -> memref<640x128xf32, #tpu.memory_space<vmem_shared>>
      tpu.wait_dma2 semaphore(%run_scoped3A_23 : memref<!tpu.dma_semaphore, #tpu.memory_space<semaphore_mem>>) src(%dma_wait3A_39 : memref<640x128xf32, #tpu.memory_space<vmem_shared>>) dst(%dma_wait3A_37 : memref<640x128xf32, #tpu.memory_space<hbm>>)
      tpu.yield
    }) : () -> ()
    return
  }
}

#map = affine_map<(d0, d1) -> (0, 0)>
#map1 = affine_map<(d0, d1) -> (0, 0, 0)>
module attributes {stable_mosaic.version = 14 : i64} {
  func.func @seg(%arg0: i32, %arg1: i32, %arg2: memref<10000x128xf32, #tpu.memory_space<hbm>>, %arg3: memref<32x10000xi32, #tpu.memory_space<hbm>>, %arg4: memref<32x125x80xi32, #tpu.memory_space<hbm>>, %arg5: memref<10240x128xf32, #tpu.memory_space<hbm>>, %arg6: memref<2x10240x128xf32, #tpu.memory_space<hbm>>, %arg7: memref<10000xi32, #tpu.memory_space<vmem>>, %arg8: memref<125x80xi32, #tpu.memory_space<vmem>>, %arg9: memref<80x128xf32, #tpu.memory_space<vmem>>, %arg10: memref<80x128xf32, #tpu.memory_space<vmem>>, %arg11: memref<10240x128xf32, #tpu.memory_space<vmem_shared>>, %arg12: memref<!tpu.dma_semaphore, #tpu.memory_space<semaphore_mem>>, %arg13: memref<!tpu.dma_semaphore, #tpu.memory_space<semaphore_mem>>) attributes {dimension_semantics = [#tpu.dimension_semantics<core_parallel>, #tpu.dimension_semantics<subcore_parallel>], iteration_bounds = array<i64: 2, 16>, scalar_prefetch = 0 : i64, scratch_operands = 7 : i64, tpu.core_type = #tpu.core_type<sc_vector_subcore>, window_params = [{transform_indices = #map}, {transform_indices = #map}, {transform_indices = #map1}, {transform_indices = #map}, {transform_indices = #map1}]} {
    %mul3A = arith.constant 16 : i32
    %mul3A_0 = arith.muli %arg0, %mul3A : i32
    %add3A = arith.addi %mul3A_0, %arg1 : i32
    %mul3A_1 = arith.constant 640 : i32
    %mul3A_2 = arith.muli %arg1, %mul3A_1 : i32
    %mul3A_3 = arith.constant 640 : i32
    %mul3A_4 = arith.muli %arg1, %mul3A_3 : i32
    "tpu.region"() ({
      %run_scoped3A_23 = tpu.sem_alloc : memref<!tpu.dma_semaphore, #tpu.memory_space<semaphore_mem>>
      %dma_start3A_24 = arith.constant 0 : i32
      %dma_start3A_25 = tpu.memref_slice %arg11[%mul3A_4, %dma_start3A_24] : memref<10240x128xf32, #tpu.memory_space<vmem_shared>> -> memref<640x128xf32, #tpu.memory_space<vmem_shared>>
      %dma_start3A_26 = arith.constant 0 : i32
      %dma_start3A_27 = tpu.memref_slice %arg5[%mul3A_2, %dma_start3A_26] : memref<10240x128xf32, #tpu.memory_space<hbm>> -> memref<640x128xf32, #tpu.memory_space<hbm>>
      tpu.enqueue_dma source(%dma_start3A_27 : memref<640x128xf32, #tpu.memory_space<hbm>>) target(%dma_start3A_25 : memref<640x128xf32, #tpu.memory_space<vmem_shared>>) target_semaphore(%run_scoped3A_23 : memref<!tpu.dma_semaphore, #tpu.memory_space<semaphore_mem>>)
      %dma_wait3A_28 = arith.constant 0 : i32
      %dma_wait3A_29 = tpu.memref_slice %arg11[%mul3A_4, %dma_wait3A_28] : memref<10240x128xf32, #tpu.memory_space<vmem_shared>> -> memref<640x128xf32, #tpu.memory_space<vmem_shared>>
      %dma_wait3A_30 = arith.constant 0 : i32
      %dma_wait3A_31 = tpu.memref_slice %arg5[%mul3A_2, %dma_wait3A_30] : memref<10240x128xf32, #tpu.memory_space<hbm>> -> memref<640x128xf32, #tpu.memory_space<hbm>>
      tpu.wait_dma2 semaphore(%run_scoped3A_23 : memref<!tpu.dma_semaphore, #tpu.memory_space<semaphore_mem>>) src(%dma_wait3A_31 : memref<640x128xf32, #tpu.memory_space<hbm>>) dst(%dma_wait3A_29 : memref<640x128xf32, #tpu.memory_space<vmem_shared>>)
      tpu.yield
    }) : () -> ()
    "tpu.region"() ({
      %run_scoped3A_23 = tpu.sem_alloc : memref<!tpu.dma_semaphore, #tpu.memory_space<semaphore_mem>>
      %dma_start3A_24 = arith.constant 0 : i32
      %dma_start3A_25 = tpu.memref_slice %arg3[%add3A, %dma_start3A_24] : memref<32x10000xi32, #tpu.memory_space<hbm>> -> memref<1x10000xi32, #tpu.memory_space<hbm>>
      %dma_start3A_26 = tpu.memref_squeeze %dma_start3A_25 : memref<1x10000xi32, #tpu.memory_space<hbm>> -> memref<10000xi32, #tpu.memory_space<hbm>>
      %dma_start3A_27 = arith.constant 0 : i32
      %dma_start3A_28 = tpu.memref_slice %arg3[%add3A, %dma_start3A_27] : memref<32x10000xi32, #tpu.memory_space<hbm>> -> memref<1x10000xi32, #tpu.memory_space<hbm>>
      %dma_start3A_29 = tpu.memref_squeeze %dma_start3A_28 : memref<1x10000xi32, #tpu.memory_space<hbm>> -> memref<10000xi32, #tpu.memory_space<hbm>>
      tpu.enqueue_dma source(%dma_start3A_29 : memref<10000xi32, #tpu.memory_space<hbm>>) target(%arg7 : memref<10000xi32, #tpu.memory_space<vmem>>) target_semaphore(%run_scoped3A_23 : memref<!tpu.dma_semaphore, #tpu.memory_space<semaphore_mem>>)
      %dma_wait3A_30 = arith.constant 0 : i32
      %dma_wait3A_31 = tpu.memref_slice %arg3[%add3A, %dma_wait3A_30] : memref<32x10000xi32, #tpu.memory_space<hbm>> -> memref<1x10000xi32, #tpu.memory_space<hbm>>
      %dma_wait3A_32 = tpu.memref_squeeze %dma_wait3A_31 : memref<1x10000xi32, #tpu.memory_space<hbm>> -> memref<10000xi32, #tpu.memory_space<hbm>>
      %dma_wait3A_33 = arith.constant 0 : i32
      %dma_wait3A_34 = tpu.memref_slice %arg3[%add3A, %dma_wait3A_33] : memref<32x10000xi32, #tpu.memory_space<hbm>> -> memref<1x10000xi32, #tpu.memory_space<hbm>>
      %dma_wait3A_35 = tpu.memref_squeeze %dma_wait3A_34 : memref<1x10000xi32, #tpu.memory_space<hbm>> -> memref<10000xi32, #tpu.memory_space<hbm>>
      tpu.wait_dma2 semaphore(%run_scoped3A_23 : memref<!tpu.dma_semaphore, #tpu.memory_space<semaphore_mem>>) src(%dma_wait3A_35 : memref<10000xi32, #tpu.memory_space<hbm>>) dst(%arg7 : memref<10000xi32, #tpu.memory_space<vmem>>)
      tpu.yield
    }) : () -> ()
    "tpu.region"() ({
      %run_scoped3A_23 = tpu.sem_alloc : memref<!tpu.dma_semaphore, #tpu.memory_space<semaphore_mem>>
      %dma_start3A_24 = arith.constant 0 : i32
      %dma_start3A_25 = arith.constant 0 : i32
      %dma_start3A_26 = tpu.memref_slice %arg4[%add3A, %dma_start3A_24, %dma_start3A_25] : memref<32x125x80xi32, #tpu.memory_space<hbm>> -> memref<1x125x80xi32, #tpu.memory_space<hbm>>
      %dma_start3A_27 = tpu.memref_squeeze %dma_start3A_26 : memref<1x125x80xi32, #tpu.memory_space<hbm>> -> memref<125x80xi32, #tpu.memory_space<hbm>>
      %dma_start3A_28 = arith.constant 0 : i32
      %dma_start3A_29 = arith.constant 0 : i32
      %dma_start3A_30 = tpu.memref_slice %arg4[%add3A, %dma_start3A_28, %dma_start3A_29] : memref<32x125x80xi32, #tpu.memory_space<hbm>> -> memref<1x125x80xi32, #tpu.memory_space<hbm>>
      %dma_start3A_31 = tpu.memref_squeeze %dma_start3A_30 : memref<1x125x80xi32, #tpu.memory_space<hbm>> -> memref<125x80xi32, #tpu.memory_space<hbm>>
      tpu.enqueue_dma source(%dma_start3A_31 : memref<125x80xi32, #tpu.memory_space<hbm>>) target(%arg8 : memref<125x80xi32, #tpu.memory_space<vmem>>) target_semaphore(%run_scoped3A_23 : memref<!tpu.dma_semaphore, #tpu.memory_space<semaphore_mem>>)
      %dma_wait3A_32 = arith.constant 0 : i32
      %dma_wait3A_33 = arith.constant 0 : i32
      %dma_wait3A_34 = tpu.memref_slice %arg4[%add3A, %dma_wait3A_32, %dma_wait3A_33] : memref<32x125x80xi32, #tpu.memory_space<hbm>> -> memref<1x125x80xi32, #tpu.memory_space<hbm>>
      %dma_wait3A_35 = tpu.memref_squeeze %dma_wait3A_34 : memref<1x125x80xi32, #tpu.memory_space<hbm>> -> memref<125x80xi32, #tpu.memory_space<hbm>>
      %dma_wait3A_36 = arith.constant 0 : i32
      %dma_wait3A_37 = arith.constant 0 : i32
      %dma_wait3A_38 = tpu.memref_slice %arg4[%add3A, %dma_wait3A_36, %dma_wait3A_37] : memref<32x125x80xi32, #tpu.memory_space<hbm>> -> memref<1x125x80xi32, #tpu.memory_space<hbm>>
      %dma_wait3A_39 = tpu.memref_squeeze %dma_wait3A_38 : memref<1x125x80xi32, #tpu.memory_space<hbm>> -> memref<125x80xi32, #tpu.memory_space<hbm>>
      tpu.wait_dma2 semaphore(%run_scoped3A_23 : memref<!tpu.dma_semaphore, #tpu.memory_space<semaphore_mem>>) src(%dma_wait3A_39 : memref<125x80xi32, #tpu.memory_space<hbm>>) dst(%arg8 : memref<125x80xi32, #tpu.memory_space<vmem>>)
      tpu.yield
    }) : () -> ()
    %barrier3A = arith.constant 0 : index
    tpu.barrier barrier_id(%barrier3A)
    %dma_start3A = arith.constant 0 : i32
    %dma_start3A_5 = tpu.memref_slice %arg7[%dma_start3A] : memref<10000xi32, #tpu.memory_space<vmem>> -> memref<80xi32, #tpu.memory_space<vmem>>
    %dma_start3A_6 = arith.constant 0 : i32
    %dma_start3A_7 = arith.constant 0 : i32
    %dma_start3A_8 = tpu.memref_slice %arg2[%dma_start3A_6, %dma_start3A_7] : memref<10000x128xf32, #tpu.memory_space<hbm>> -> memref<10000x128xf32, #tpu.memory_space<hbm>>
    tpu.enqueue_indirect_dma source(%dma_start3A_8 : memref<10000x128xf32, #tpu.memory_space<hbm>>) target(%arg9 : memref<80x128xf32, #tpu.memory_space<vmem>>) offsets(%dma_start3A_5 : memref<80xi32, #tpu.memory_space<vmem>>) semaphore(%arg12 : memref<!tpu.dma_semaphore, #tpu.memory_space<semaphore_mem>>)
    %scan3A = arith.constant 0 : i32
    %scan3A_9 = arith.constant 0 : i32
    %scan3A_10 = arith.constant 62 : i32
    %scan3A_11 = arith.addi %scan3A_9, %scan3A_10 : i32
    %scan3A_12 = arith.constant 1 : i32
    scf.for %scan3A_23 = %scan3A_9 to %scan3A_11 step %scan3A_12  : i32 {
      %mul3A_24 = arith.constant 2 : i32
      %mul3A_25 = arith.muli %mul3A_24, %scan3A_23 : i32
      %mul3A_26 = arith.constant 80 : i32
      %mul3A_27 = arith.muli %mul3A_25, %mul3A_26 : i32
      %dma_wait3A_28 = tpu.memref_slice %arg7[%mul3A_27] : memref<10000xi32, #tpu.memory_space<vmem>> -> memref<80xi32, #tpu.memory_space<vmem>>
      %dma_wait3A_29 = arith.constant 0 : i32
      %dma_wait3A_30 = arith.constant 0 : i32
      %dma_wait3A_31 = tpu.memref_slice %arg2[%dma_wait3A_29, %dma_wait3A_30] : memref<10000x128xf32, #tpu.memory_space<hbm>> -> memref<10000x128xf32, #tpu.memory_space<hbm>>
      tpu.wait_indirect_dma semaphore(%arg12 : memref<!tpu.dma_semaphore, #tpu.memory_space<semaphore_mem>>) src(%dma_wait3A_31 : memref<10000x128xf32, #tpu.memory_space<hbm>>) dst(%arg9 : memref<80x128xf32, #tpu.memory_space<vmem>>)
      %add3A_32 = arith.constant 1 : i32
      %add3A_33 = arith.addi %mul3A_25, %add3A_32 : i32
      %mul3A_34 = arith.constant 80 : i32
      %mul3A_35 = arith.muli %add3A_33, %mul3A_34 : i32
      %dma_start3A_36 = tpu.memref_slice %arg7[%mul3A_35] : memref<10000xi32, #tpu.memory_space<vmem>> -> memref<80xi32, #tpu.memory_space<vmem>>
      %dma_start3A_37 = arith.constant 0 : i32
      %dma_start3A_38 = arith.constant 0 : i32
      %dma_start3A_39 = tpu.memref_slice %arg2[%dma_start3A_37, %dma_start3A_38] : memref<10000x128xf32, #tpu.memory_space<hbm>> -> memref<10000x128xf32, #tpu.memory_space<hbm>>
      tpu.enqueue_indirect_dma source(%dma_start3A_39 : memref<10000x128xf32, #tpu.memory_space<hbm>>) target(%arg10 : memref<80x128xf32, #tpu.memory_space<vmem>>) offsets(%dma_start3A_36 : memref<80xi32, #tpu.memory_space<vmem>>) semaphore(%arg13 : memref<!tpu.dma_semaphore, #tpu.memory_space<semaphore_mem>>)
      "tpu.region"() ({
        %run_scoped3A_58 = tpu.sem_alloc : memref<!tpu.dma_semaphore, #tpu.memory_space<semaphore_mem>>
        %dma_start3A_59 = arith.constant 0 : i32
        %dma_start3A_60 = tpu.memref_slice %arg8[%mul3A_25, %dma_start3A_59] : memref<125x80xi32, #tpu.memory_space<vmem>> -> memref<1x80xi32, #tpu.memory_space<vmem>>
        %dma_start3A_61 = tpu.memref_squeeze %dma_start3A_60 : memref<1x80xi32, #tpu.memory_space<vmem>> -> memref<80xi32, #tpu.memory_space<vmem>>
        %dma_start3A_62 = arith.constant 0 : i32
        %dma_start3A_63 = arith.constant 0 : i32
        %dma_start3A_64 = tpu.memref_slice %arg11[%dma_start3A_62, %dma_start3A_63] : memref<10240x128xf32, #tpu.memory_space<vmem_shared>> -> memref<10240x128xf32, #tpu.memory_space<vmem_shared>>
        tpu.enqueue_indirect_dma source(%arg9 : memref<80x128xf32, #tpu.memory_space<vmem>>) target(%dma_start3A_64 : memref<10240x128xf32, #tpu.memory_space<vmem_shared>>) offsets(%dma_start3A_61 : memref<80xi32, #tpu.memory_space<vmem>>) semaphore(%run_scoped3A_58 : memref<!tpu.dma_semaphore, #tpu.memory_space<semaphore_mem>>) {add = true}
        %dma_wait3A_65 = arith.constant 0 : i32
        %dma_wait3A_66 = tpu.memref_slice %arg8[%mul3A_25, %dma_wait3A_65] : memref<125x80xi32, #tpu.memory_space<vmem>> -> memref<1x80xi32, #tpu.memory_space<vmem>>
        %dma_wait3A_67 = tpu.memref_squeeze %dma_wait3A_66 : memref<1x80xi32, #tpu.memory_space<vmem>> -> memref<80xi32, #tpu.memory_space<vmem>>
        %dma_wait3A_68 = arith.constant 0 : i32
        %dma_wait3A_69 = arith.constant 0 : i32
        %dma_wait3A_70 = tpu.memref_slice %arg11[%dma_wait3A_68, %dma_wait3A_69] : memref<10240x128xf32, #tpu.memory_space<vmem_shared>> -> memref<10240x128xf32, #tpu.memory_space<vmem_shared>>
        tpu.wait_indirect_dma semaphore(%run_scoped3A_58 : memref<!tpu.dma_semaphore, #tpu.memory_space<semaphore_mem>>) src(%arg9 : memref<80x128xf32, #tpu.memory_space<vmem>>) dst(%dma_wait3A_70 : memref<10240x128xf32, #tpu.memory_space<vmem_shared>>)
        tpu.yield
      }) : () -> ()
      %add3A_40 = arith.constant 1 : i32
      %add3A_41 = arith.addi %mul3A_25, %add3A_40 : i32
      %mul3A_42 = arith.constant 80 : i32
      %mul3A_43 = arith.muli %add3A_41, %mul3A_42 : i32
      %dma_wait3A_44 = tpu.memref_slice %arg7[%mul3A_43] : memref<10000xi32, #tpu.memory_space<vmem>> -> memref<80xi32, #tpu.memory_space<vmem>>
      %dma_wait3A_45 = arith.constant 0 : i32
      %dma_wait3A_46 = arith.constant 0 : i32
      %dma_wait3A_47 = tpu.memref_slice %arg2[%dma_wait3A_45, %dma_wait3A_46] : memref<10000x128xf32, #tpu.memory_space<hbm>> -> memref<10000x128xf32, #tpu.memory_space<hbm>>
      tpu.wait_indirect_dma semaphore(%arg13 : memref<!tpu.dma_semaphore, #tpu.memory_space<semaphore_mem>>) src(%dma_wait3A_47 : memref<10000x128xf32, #tpu.memory_space<hbm>>) dst(%arg10 : memref<80x128xf32, #tpu.memory_space<vmem>>)
      %add3A_48 = arith.constant 2 : i32
      %add3A_49 = arith.addi %mul3A_25, %add3A_48 : i32
      %mul3A_50 = arith.constant 80 : i32
      %mul3A_51 = arith.muli %add3A_49, %mul3A_50 : i32
      %dma_start3A_52 = tpu.memref_slice %arg7[%mul3A_51] : memref<10000xi32, #tpu.memory_space<vmem>> -> memref<80xi32, #tpu.memory_space<vmem>>
      %dma_start3A_53 = arith.constant 0 : i32
      %dma_start3A_54 = arith.constant 0 : i32
      %dma_start3A_55 = tpu.memref_slice %arg2[%dma_start3A_53, %dma_start3A_54] : memref<10000x128xf32, #tpu.memory_space<hbm>> -> memref<10000x128xf32, #tpu.memory_space<hbm>>
      tpu.enqueue_indirect_dma source(%dma_start3A_55 : memref<10000x128xf32, #tpu.memory_space<hbm>>) target(%arg9 : memref<80x128xf32, #tpu.memory_space<vmem>>) offsets(%dma_start3A_52 : memref<80xi32, #tpu.memory_space<vmem>>) semaphore(%arg12 : memref<!tpu.dma_semaphore, #tpu.memory_space<semaphore_mem>>)
      %add3A_56 = arith.constant 1 : i32
      %add3A_57 = arith.addi %mul3A_25, %add3A_56 : i32
      "tpu.region"() ({
        %run_scoped3A_58 = tpu.sem_alloc : memref<!tpu.dma_semaphore, #tpu.memory_space<semaphore_mem>>
        %dma_start3A_59 = arith.constant 0 : i32
        %dma_start3A_60 = tpu.memref_slice %arg8[%add3A_57, %dma_start3A_59] : memref<125x80xi32, #tpu.memory_space<vmem>> -> memref<1x80xi32, #tpu.memory_space<vmem>>
        %dma_start3A_61 = tpu.memref_squeeze %dma_start3A_60 : memref<1x80xi32, #tpu.memory_space<vmem>> -> memref<80xi32, #tpu.memory_space<vmem>>
        %dma_start3A_62 = arith.constant 0 : i32
        %dma_start3A_63 = arith.constant 0 : i32
        %dma_start3A_64 = tpu.memref_slice %arg11[%dma_start3A_62, %dma_start3A_63] : memref<10240x128xf32, #tpu.memory_space<vmem_shared>> -> memref<10240x128xf32, #tpu.memory_space<vmem_shared>>
        tpu.enqueue_indirect_dma source(%arg10 : memref<80x128xf32, #tpu.memory_space<vmem>>) target(%dma_start3A_64 : memref<10240x128xf32, #tpu.memory_space<vmem_shared>>) offsets(%dma_start3A_61 : memref<80xi32, #tpu.memory_space<vmem>>) semaphore(%run_scoped3A_58 : memref<!tpu.dma_semaphore, #tpu.memory_space<semaphore_mem>>) {add = true}
        %dma_wait3A_65 = arith.constant 0 : i32
        %dma_wait3A_66 = tpu.memref_slice %arg8[%add3A_57, %dma_wait3A_65] : memref<125x80xi32, #tpu.memory_space<vmem>> -> memref<1x80xi32, #tpu.memory_space<vmem>>
        %dma_wait3A_67 = tpu.memref_squeeze %dma_wait3A_66 : memref<1x80xi32, #tpu.memory_space<vmem>> -> memref<80xi32, #tpu.memory_space<vmem>>
        %dma_wait3A_68 = arith.constant 0 : i32
        %dma_wait3A_69 = arith.constant 0 : i32
        %dma_wait3A_70 = tpu.memref_slice %arg11[%dma_wait3A_68, %dma_wait3A_69] : memref<10240x128xf32, #tpu.memory_space<vmem_shared>> -> memref<10240x128xf32, #tpu.memory_space<vmem_shared>>
        tpu.wait_indirect_dma semaphore(%run_scoped3A_58 : memref<!tpu.dma_semaphore, #tpu.memory_space<semaphore_mem>>) src(%arg10 : memref<80x128xf32, #tpu.memory_space<vmem>>) dst(%dma_wait3A_70 : memref<10240x128xf32, #tpu.memory_space<vmem_shared>>)
        tpu.yield
      }) : () -> ()
    }
    %scan3A_13 = arith.constant 62 : i32
    %dma_wait3A = arith.constant 9920 : i32
    %dma_wait3A_14 = tpu.memref_slice %arg7[%dma_wait3A] : memref<10000xi32, #tpu.memory_space<vmem>> -> memref<80xi32, #tpu.memory_space<vmem>>
    %dma_wait3A_15 = arith.constant 0 : i32
    %dma_wait3A_16 = arith.constant 0 : i32
    %dma_wait3A_17 = tpu.memref_slice %arg2[%dma_wait3A_15, %dma_wait3A_16] : memref<10000x128xf32, #tpu.memory_space<hbm>> -> memref<10000x128xf32, #tpu.memory_space<hbm>>
    tpu.wait_indirect_dma semaphore(%arg12 : memref<!tpu.dma_semaphore, #tpu.memory_space<semaphore_mem>>) src(%dma_wait3A_17 : memref<10000x128xf32, #tpu.memory_space<hbm>>) dst(%arg9 : memref<80x128xf32, #tpu.memory_space<vmem>>)
    %run_scoped3A = arith.constant 124 : i32
    "tpu.region"() ({
      %run_scoped3A_23 = tpu.sem_alloc : memref<!tpu.dma_semaphore, #tpu.memory_space<semaphore_mem>>
      %dma_start3A_24 = arith.constant 0 : i32
      %dma_start3A_25 = tpu.memref_slice %arg8[%run_scoped3A, %dma_start3A_24] : memref<125x80xi32, #tpu.memory_space<vmem>> -> memref<1x80xi32, #tpu.memory_space<vmem>>
      %dma_start3A_26 = tpu.memref_squeeze %dma_start3A_25 : memref<1x80xi32, #tpu.memory_space<vmem>> -> memref<80xi32, #tpu.memory_space<vmem>>
      %dma_start3A_27 = arith.constant 0 : i32
      %dma_start3A_28 = arith.constant 0 : i32
      %dma_start3A_29 = tpu.memref_slice %arg11[%dma_start3A_27, %dma_start3A_28] : memref<10240x128xf32, #tpu.memory_space<vmem_shared>> -> memref<10240x128xf32, #tpu.memory_space<vmem_shared>>
      tpu.enqueue_indirect_dma source(%arg9 : memref<80x128xf32, #tpu.memory_space<vmem>>) target(%dma_start3A_29 : memref<10240x128xf32, #tpu.memory_space<vmem_shared>>) offsets(%dma_start3A_26 : memref<80xi32, #tpu.memory_space<vmem>>) semaphore(%run_scoped3A_23 : memref<!tpu.dma_semaphore, #tpu.memory_space<semaphore_mem>>) {add = true}
      %dma_wait3A_30 = arith.constant 0 : i32
      %dma_wait3A_31 = tpu.memref_slice %arg8[%run_scoped3A, %dma_wait3A_30] : memref<125x80xi32, #tpu.memory_space<vmem>> -> memref<1x80xi32, #tpu.memory_space<vmem>>
      %dma_wait3A_32 = tpu.memref_squeeze %dma_wait3A_31 : memref<1x80xi32, #tpu.memory_space<vmem>> -> memref<80xi32, #tpu.memory_space<vmem>>
      %dma_wait3A_33 = arith.constant 0 : i32
      %dma_wait3A_34 = arith.constant 0 : i32
      %dma_wait3A_35 = tpu.memref_slice %arg11[%dma_wait3A_33, %dma_wait3A_34] : memref<10240x128xf32, #tpu.memory_space<vmem_shared>> -> memref<10240x128xf32, #tpu.memory_space<vmem_shared>>
      tpu.wait_indirect_dma semaphore(%run_scoped3A_23 : memref<!tpu.dma_semaphore, #tpu.memory_space<semaphore_mem>>) src(%arg9 : memref<80x128xf32, #tpu.memory_space<vmem>>) dst(%dma_wait3A_35 : memref<10240x128xf32, #tpu.memory_space<vmem_shared>>)
      tpu.yield
    }) : () -> ()
    %barrier3A_18 = arith.constant 0 : index
    tpu.barrier barrier_id(%barrier3A_18)
    %mul3A_19 = arith.constant 640 : i32
    %mul3A_20 = arith.muli %arg1, %mul3A_19 : i32
    %mul3A_21 = arith.constant 640 : i32
    %mul3A_22 = arith.muli %arg1, %mul3A_21 : i32
    "tpu.region"() ({
      %run_scoped3A_23 = tpu.sem_alloc : memref<!tpu.dma_semaphore, #tpu.memory_space<semaphore_mem>>
      %dma_start3A_24 = arith.constant 0 : i32
      %dma_start3A_25 = arith.constant 0 : i32
      %dma_start3A_26 = tpu.memref_slice %arg6[%arg0, %dma_start3A_24, %dma_start3A_25] : memref<2x10240x128xf32, #tpu.memory_space<hbm>> -> memref<1x10240x128xf32, #tpu.memory_space<hbm>>
      %dma_start3A_27 = tpu.memref_squeeze %dma_start3A_26 : memref<1x10240x128xf32, #tpu.memory_space<hbm>> -> memref<10240x128xf32, #tpu.memory_space<hbm>>
      %dma_start3A_28 = arith.constant 0 : i32
      %dma_start3A_29 = tpu.memref_slice %dma_start3A_27[%mul3A_22, %dma_start3A_28] : memref<10240x128xf32, #tpu.memory_space<hbm>> -> memref<640x128xf32, #tpu.memory_space<hbm>>
      %dma_start3A_30 = arith.constant 0 : i32
      %dma_start3A_31 = tpu.memref_slice %arg11[%mul3A_20, %dma_start3A_30] : memref<10240x128xf32, #tpu.memory_space<vmem_shared>> -> memref<640x128xf32, #tpu.memory_space<vmem_shared>>
      tpu.enqueue_dma source(%dma_start3A_31 : memref<640x128xf32, #tpu.memory_space<vmem_shared>>) target(%dma_start3A_29 : memref<640x128xf32, #tpu.memory_space<hbm>>) target_semaphore(%run_scoped3A_23 : memref<!tpu.dma_semaphore, #tpu.memory_space<semaphore_mem>>)
      %dma_wait3A_32 = arith.constant 0 : i32
      %dma_wait3A_33 = arith.constant 0 : i32
      %dma_wait3A_34 = tpu.memref_slice %arg6[%arg0, %dma_wait3A_32, %dma_wait3A_33] : memref<2x10240x128xf32, #tpu.memory_space<hbm>> -> memref<1x10240x128xf32, #tpu.memory_space<hbm>>
      %dma_wait3A_35 = tpu.memref_squeeze %dma_wait3A_34 : memref<1x10240x128xf32, #tpu.memory_space<hbm>> -> memref<10240x128xf32, #tpu.memory_space<hbm>>
      %dma_wait3A_36 = arith.constant 0 : i32
      %dma_wait3A_37 = tpu.memref_slice %dma_wait3A_35[%mul3A_22, %dma_wait3A_36] : memref<10240x128xf32, #tpu.memory_space<hbm>> -> memref<640x128xf32, #tpu.memory_space<hbm>>
      %dma_wait3A_38 = arith.constant 0 : i32
      %dma_wait3A_39 = tpu.memref_slice %arg11[%mul3A_20, %dma_wait3A_38] : memref<10240x128xf32, #tpu.memory_space<vmem_shared>> -> memref<640x128xf32, #tpu.memory_space<vmem_shared>>
      tpu.wait_dma2 semaphore(%run_scoped3A_23 : memref<!tpu.dma_semaphore, #tpu.memory_space<semaphore_mem>>) src(%dma_wait3A_39 : memref<640x128xf32, #tpu.memory_space<vmem_shared>>) dst(%dma_wait3A_37 : memref<640x128xf32, #tpu.memory_space<hbm>>)
      tpu.yield
    }) : () -> ()
    return
  }
}

#map = affine_map<(d0, d1) -> (0)>
#map1 = affine_map<(d0, d1) -> (0, 0)>
module attributes {stable_mosaic.version = 14 : i64} {
  func.func @_edge_dots(%arg0: i32, %arg1: i32, %arg2: memref<51200000xi32, #tpu.memory_space<hbm>>, %arg3: memref<32x10000xi32, #tpu.memory_space<hbm>>, %arg4: memref<32x10000xi32, #tpu.memory_space<hbm>>, %arg5: memref<32x10000xi32, #tpu.memory_space<hbm>>, %arg6: memref<32x10000xi32, #tpu.memory_space<hbm>>, %arg7: memref<320000xf32, #tpu.memory_space<hbm>>, %arg8: memref<320000xf32, #tpu.memory_space<hbm>>, %arg9: memref<10000xi32, #tpu.memory_space<vmem>>, %arg10: memref<10000xi32, #tpu.memory_space<vmem>>, %arg11: memref<80xi32, #tpu.memory_space<vmem>>, %arg12: memref<80xi32, #tpu.memory_space<vmem>>, %arg13: memref<80xi32, #tpu.memory_space<vmem>>, %arg14: memref<80xi32, #tpu.memory_space<vmem>>, %arg15: memref<10000xf32, #tpu.memory_space<vmem>>, %arg16: memref<!tpu.dma_semaphore, #tpu.memory_space<semaphore_mem>>, %arg17: memref<!tpu.dma_semaphore, #tpu.memory_space<semaphore_mem>>) attributes {dimension_semantics = [#tpu.dimension_semantics<core_parallel>, #tpu.dimension_semantics<subcore_parallel>], iteration_bounds = array<i64: 2, 16>, scalar_prefetch = 0 : i64, scratch_operands = 9 : i64, tpu.core_type = #tpu.core_type<sc_vector_subcore>, window_params = [{transform_indices = #map}, {transform_indices = #map1}, {transform_indices = #map1}, {transform_indices = #map1}, {transform_indices = #map1}, {transform_indices = #map}, {transform_indices = #map}]} {
    %mul3A = arith.constant 16 : i32
    %mul3A_0 = arith.muli %arg0, %mul3A : i32
    %add3A = arith.addi %mul3A_0, %arg1 : i32
    "tpu.region"() ({
      %run_scoped3A = tpu.sem_alloc : memref<!tpu.dma_semaphore, #tpu.memory_space<semaphore_mem>>
      %dma_start3A_532 = arith.constant 0 : i32
      %dma_start3A_533 = tpu.memref_slice %arg3[%add3A, %dma_start3A_532] : memref<32x10000xi32, #tpu.memory_space<hbm>> -> memref<1x10000xi32, #tpu.memory_space<hbm>>
      %dma_start3A_534 = tpu.memref_squeeze %dma_start3A_533 : memref<1x10000xi32, #tpu.memory_space<hbm>> -> memref<10000xi32, #tpu.memory_space<hbm>>
      %dma_start3A_535 = arith.constant 0 : i32
      %dma_start3A_536 = tpu.memref_slice %arg3[%add3A, %dma_start3A_535] : memref<32x10000xi32, #tpu.memory_space<hbm>> -> memref<1x10000xi32, #tpu.memory_space<hbm>>
      %dma_start3A_537 = tpu.memref_squeeze %dma_start3A_536 : memref<1x10000xi32, #tpu.memory_space<hbm>> -> memref<10000xi32, #tpu.memory_space<hbm>>
      tpu.enqueue_dma source(%dma_start3A_537 : memref<10000xi32, #tpu.memory_space<hbm>>) target(%arg9 : memref<10000xi32, #tpu.memory_space<vmem>>) target_semaphore(%run_scoped3A : memref<!tpu.dma_semaphore, #tpu.memory_space<semaphore_mem>>)
      %dma_wait3A_538 = arith.constant 0 : i32
      %dma_wait3A_539 = tpu.memref_slice %arg3[%add3A, %dma_wait3A_538] : memref<32x10000xi32, #tpu.memory_space<hbm>> -> memref<1x10000xi32, #tpu.memory_space<hbm>>
      %dma_wait3A_540 = tpu.memref_squeeze %dma_wait3A_539 : memref<1x10000xi32, #tpu.memory_space<hbm>> -> memref<10000xi32, #tpu.memory_space<hbm>>
      %dma_wait3A_541 = arith.constant 0 : i32
      %dma_wait3A_542 = tpu.memref_slice %arg3[%add3A, %dma_wait3A_541] : memref<32x10000xi32, #tpu.memory_space<hbm>> -> memref<1x10000xi32, #tpu.memory_space<hbm>>
      %dma_wait3A_543 = tpu.memref_squeeze %dma_wait3A_542 : memref<1x10000xi32, #tpu.memory_space<hbm>> -> memref<10000xi32, #tpu.memory_space<hbm>>
      tpu.wait_dma2 semaphore(%run_scoped3A : memref<!tpu.dma_semaphore, #tpu.memory_space<semaphore_mem>>) src(%dma_wait3A_543 : memref<10000xi32, #tpu.memory_space<hbm>>) dst(%arg9 : memref<10000xi32, #tpu.memory_space<vmem>>)
      tpu.yield
    }) : () -> ()
    "tpu.region"() ({
      %run_scoped3A = tpu.sem_alloc : memref<!tpu.dma_semaphore, #tpu.memory_space<semaphore_mem>>
      %dma_start3A_532 = arith.constant 0 : i32
      %dma_start3A_533 = tpu.memref_slice %arg4[%add3A, %dma_start3A_532] : memref<32x10000xi32, #tpu.memory_space<hbm>> -> memref<1x10000xi32, #tpu.memory_space<hbm>>
      %dma_start3A_534 = tpu.memref_squeeze %dma_start3A_533 : memref<1x10000xi32, #tpu.memory_space<hbm>> -> memref<10000xi32, #tpu.memory_space<hbm>>
      %dma_start3A_535 = arith.constant 0 : i32
      %dma_start3A_536 = tpu.memref_slice %arg4[%add3A, %dma_start3A_535] : memref<32x10000xi32, #tpu.memory_space<hbm>> -> memref<1x10000xi32, #tpu.memory_space<hbm>>
      %dma_start3A_537 = tpu.memref_squeeze %dma_start3A_536 : memref<1x10000xi32, #tpu.memory_space<hbm>> -> memref<10000xi32, #tpu.memory_space<hbm>>
      tpu.enqueue_dma source(%dma_start3A_537 : memref<10000xi32, #tpu.memory_space<hbm>>) target(%arg10 : memref<10000xi32, #tpu.memory_space<vmem>>) target_semaphore(%run_scoped3A : memref<!tpu.dma_semaphore, #tpu.memory_space<semaphore_mem>>)
      %dma_wait3A_538 = arith.constant 0 : i32
      %dma_wait3A_539 = tpu.memref_slice %arg4[%add3A, %dma_wait3A_538] : memref<32x10000xi32, #tpu.memory_space<hbm>> -> memref<1x10000xi32, #tpu.memory_space<hbm>>
      %dma_wait3A_540 = tpu.memref_squeeze %dma_wait3A_539 : memref<1x10000xi32, #tpu.memory_space<hbm>> -> memref<10000xi32, #tpu.memory_space<hbm>>
      %dma_wait3A_541 = arith.constant 0 : i32
      %dma_wait3A_542 = tpu.memref_slice %arg4[%add3A, %dma_wait3A_541] : memref<32x10000xi32, #tpu.memory_space<hbm>> -> memref<1x10000xi32, #tpu.memory_space<hbm>>
      %dma_wait3A_543 = tpu.memref_squeeze %dma_wait3A_542 : memref<1x10000xi32, #tpu.memory_space<hbm>> -> memref<10000xi32, #tpu.memory_space<hbm>>
      tpu.wait_dma2 semaphore(%run_scoped3A : memref<!tpu.dma_semaphore, #tpu.memory_space<semaphore_mem>>) src(%dma_wait3A_543 : memref<10000xi32, #tpu.memory_space<hbm>>) dst(%arg10 : memref<10000xi32, #tpu.memory_space<vmem>>)
      tpu.yield
    }) : () -> ()
    %scan3A = arith.constant 0 : i32
    %scan3A_1 = arith.constant 0 : i32
    %mul3A_2 = arith.constant 16 : i32
    %mul3A_3 = arith.muli %scan3A_1, %mul3A_2 : i32
    %add3A_4 = arith.constant 0 : i32
    %add3A_5 = arith.addi %add3A_4, %mul3A_3 : i32
    %get3A = arith.index_cast %add3A_5 : i32 to index
    %get3A_6 = tpu.vector_load %arg9[%get3A] {strides = array<i32>} : memref<10000xi32, #tpu.memory_space<vmem>>, vector<16xi32>,
    %mul3A_7 = arith.constant 16 : i32
    %mul3A_8 = arith.muli %scan3A_1, %mul3A_7 : i32
    %add3A_9 = arith.constant 0 : i32
    %add3A_10 = arith.addi %add3A_9, %mul3A_8 : i32
    %get3A_11 = arith.index_cast %add3A_10 : i32 to index
    %get3A_12 = tpu.vector_load %arg10[%get3A_11] {strides = array<i32>} : memref<10000xi32, #tpu.memory_space<vmem>>, vector<16xi32>,
    %shift_right_logical3A = arith.constant 1 : i32
    %shift_right_logical3A_13 = vector.broadcast %shift_right_logical3A : i32 to vector<16xi32>
    %shift_right_logical3A_14 = arith.shrui %get3A_6, %shift_right_logical3A_13 : vector<16xi32>
    %mul3A_15 = arith.constant 10240 : i32
    %mul3A_16 = vector.broadcast %mul3A_15 : i32 to vector<16xi32>
    %mul3A_17 = arith.muli %shift_right_logical3A_14, %mul3A_16 : vector<16xi32>
    %add3A_18 = arith.addi %mul3A_17, %get3A_12 : vector<16xi32>
    %mul3A_19 = arith.constant 16 : i32
    %mul3A_20 = arith.muli %scan3A_1, %mul3A_19 : i32
    %swap3A = arith.index_cast %mul3A_20 : i32 to index
    %swap3A_21 = tpu.vector_load %arg11[%swap3A] {strides = array<i32>} : memref<80xi32, #tpu.memory_space<vmem>>, vector<16xi32>,
    tpu.vector_store %arg11[%swap3A], %add3A_18 {strides = array<i32>} : memref<80xi32, #tpu.memory_space<vmem>>, vector<16xi32>,
    %scan3A_22 = arith.constant 1 : i32
    %mul3A_23 = arith.constant 16 : i32
    %mul3A_24 = arith.muli %scan3A_22, %mul3A_23 : i32
    %add3A_25 = arith.constant 0 : i32
    %add3A_26 = arith.addi %add3A_25, %mul3A_24 : i32
    %get3A_27 = arith.index_cast %add3A_26 : i32 to index
    %get3A_28 = tpu.vector_load %arg9[%get3A_27] {strides = array<i32>} : memref<10000xi32, #tpu.memory_space<vmem>>, vector<16xi32>,
    %mul3A_29 = arith.constant 16 : i32
    %mul3A_30 = arith.muli %scan3A_22, %mul3A_29 : i32
    %add3A_31 = arith.constant 0 : i32
    %add3A_32 = arith.addi %add3A_31, %mul3A_30 : i32
    %get3A_33 = arith.index_cast %add3A_32 : i32 to index
    %get3A_34 = tpu.vector_load %arg10[%get3A_33] {strides = array<i32>} : memref<10000xi32, #tpu.memory_space<vmem>>, vector<16xi32>,
    %shift_right_logical3A_35 = arith.constant 1 : i32
    %shift_right_logical3A_36 = vector.broadcast %shift_right_logical3A_35 : i32 to vector<16xi32>
    %shift_right_logical3A_37 = arith.shrui %get3A_28, %shift_right_logical3A_36 : vector<16xi32>
    %mul3A_38 = arith.constant 10240 : i32
    %mul3A_39 = vector.broadcast %mul3A_38 : i32 to vector<16xi32>
    %mul3A_40 = arith.muli %shift_right_logical3A_37, %mul3A_39 : vector<16xi32>
    %add3A_41 = arith.addi %mul3A_40, %get3A_34 : vector<16xi32>
    %mul3A_42 = arith.constant 16 : i32
    %mul3A_43 = arith.muli %scan3A_22, %mul3A_42 : i32
    %swap3A_44 = arith.index_cast %mul3A_43 : i32 to index
    %swap3A_45 = tpu.vector_load %arg11[%swap3A_44] {strides = array<i32>} : memref<80xi32, #tpu.memory_space<vmem>>, vector<16xi32>,
    tpu.vector_store %arg11[%swap3A_44], %add3A_41 {strides = array<i32>} : memref<80xi32, #tpu.memory_space<vmem>>, vector<16xi32>,
    %scan3A_46 = arith.constant 2 : i32
    %mul3A_47 = arith.constant 16 : i32
    %mul3A_48 = arith.muli %scan3A_46, %mul3A_47 : i32
    %add3A_49 = arith.constant 0 : i32
    %add3A_50 = arith.addi %add3A_49, %mul3A_48 : i32
    %get3A_51 = arith.index_cast %add3A_50 : i32 to index
    %get3A_52 = tpu.vector_load %arg9[%get3A_51] {strides = array<i32>} : memref<10000xi32, #tpu.memory_space<vmem>>, vector<16xi32>,
    %mul3A_53 = arith.constant 16 : i32
    %mul3A_54 = arith.muli %scan3A_46, %mul3A_53 : i32
    %add3A_55 = arith.constant 0 : i32
    %add3A_56 = arith.addi %add3A_55, %mul3A_54 : i32
    %get3A_57 = arith.index_cast %add3A_56 : i32 to index
    %get3A_58 = tpu.vector_load %arg10[%get3A_57] {strides = array<i32>} : memref<10000xi32, #tpu.memory_space<vmem>>, vector<16xi32>,
    %shift_right_logical3A_59 = arith.constant 1 : i32
    %shift_right_logical3A_60 = vector.broadcast %shift_right_logical3A_59 : i32 to vector<16xi32>
    %shift_right_logical3A_61 = arith.shrui %get3A_52, %shift_right_logical3A_60 : vector<16xi32>
    %mul3A_62 = arith.constant 10240 : i32
    %mul3A_63 = vector.broadcast %mul3A_62 : i32 to vector<16xi32>
    %mul3A_64 = arith.muli %shift_right_logical3A_61, %mul3A_63 : vector<16xi32>
    %add3A_65 = arith.addi %mul3A_64, %get3A_58 : vector<16xi32>
    %mul3A_66 = arith.constant 16 : i32
    %mul3A_67 = arith.muli %scan3A_46, %mul3A_66 : i32
    %swap3A_68 = arith.index_cast %mul3A_67 : i32 to index
    %swap3A_69 = tpu.vector_load %arg11[%swap3A_68] {strides = array<i32>} : memref<80xi32, #tpu.memory_space<vmem>>, vector<16xi32>,
    tpu.vector_store %arg11[%swap3A_68], %add3A_65 {strides = array<i32>} : memref<80xi32, #tpu.memory_space<vmem>>, vector<16xi32>,
    %scan3A_70 = arith.constant 3 : i32
    %mul3A_71 = arith.constant 16 : i32
    %mul3A_72 = arith.muli %scan3A_70, %mul3A_71 : i32
    %add3A_73 = arith.constant 0 : i32
    %add3A_74 = arith.addi %add3A_73, %mul3A_72 : i32
    %get3A_75 = arith.index_cast %add3A_74 : i32 to index
    %get3A_76 = tpu.vector_load %arg9[%get3A_75] {strides = array<i32>} : memref<10000xi32, #tpu.memory_space<vmem>>, vector<16xi32>,
    %mul3A_77 = arith.constant 16 : i32
    %mul3A_78 = arith.muli %scan3A_70, %mul3A_77 : i32
    %add3A_79 = arith.constant 0 : i32
    %add3A_80 = arith.addi %add3A_79, %mul3A_78 : i32
    %get3A_81 = arith.index_cast %add3A_80 : i32 to index
    %get3A_82 = tpu.vector_load %arg10[%get3A_81] {strides = array<i32>} : memref<10000xi32, #tpu.memory_space<vmem>>, vector<16xi32>,
    %shift_right_logical3A_83 = arith.constant 1 : i32
    %shift_right_logical3A_84 = vector.broadcast %shift_right_logical3A_83 : i32 to vector<16xi32>
    %shift_right_logical3A_85 = arith.shrui %get3A_76, %shift_right_logical3A_84 : vector<16xi32>
    %mul3A_86 = arith.constant 10240 : i32
    %mul3A_87 = vector.broadcast %mul3A_86 : i32 to vector<16xi32>
    %mul3A_88 = arith.muli %shift_right_logical3A_85, %mul3A_87 : vector<16xi32>
    %add3A_89 = arith.addi %mul3A_88, %get3A_82 : vector<16xi32>
    %mul3A_90 = arith.constant 16 : i32
    %mul3A_91 = arith.muli %scan3A_70, %mul3A_90 : i32
    %swap3A_92 = arith.index_cast %mul3A_91 : i32 to index
    %swap3A_93 = tpu.vector_load %arg11[%swap3A_92] {strides = array<i32>} : memref<80xi32, #tpu.memory_space<vmem>>, vector<16xi32>,
    tpu.vector_store %arg11[%swap3A_92], %add3A_89 {strides = array<i32>} : memref<80xi32, #tpu.memory_space<vmem>>, vector<16xi32>,
    %scan3A_94 = arith.constant 4 : i32
    %mul3A_95 = arith.constant 16 : i32
    %mul3A_96 = arith.muli %scan3A_94, %mul3A_95 : i32
    %add3A_97 = arith.constant 0 : i32
    %add3A_98 = arith.addi %add3A_97, %mul3A_96 : i32
    %get3A_99 = arith.index_cast %add3A_98 : i32 to index
    %get3A_100 = tpu.vector_load %arg9[%get3A_99] {strides = array<i32>} : memref<10000xi32, #tpu.memory_space<vmem>>, vector<16xi32>,
    %mul3A_101 = arith.constant 16 : i32
    %mul3A_102 = arith.muli %scan3A_94, %mul3A_101 : i32
    %add3A_103 = arith.constant 0 : i32
    %add3A_104 = arith.addi %add3A_103, %mul3A_102 : i32
    %get3A_105 = arith.index_cast %add3A_104 : i32 to index
    %get3A_106 = tpu.vector_load %arg10[%get3A_105] {strides = array<i32>} : memref<10000xi32, #tpu.memory_space<vmem>>, vector<16xi32>,
    %shift_right_logical3A_107 = arith.constant 1 : i32
    %shift_right_logical3A_108 = vector.broadcast %shift_right_logical3A_107 : i32 to vector<16xi32>
    %shift_right_logical3A_109 = arith.shrui %get3A_100, %shift_right_logical3A_108 : vector<16xi32>
    %mul3A_110 = arith.constant 10240 : i32
    %mul3A_111 = vector.broadcast %mul3A_110 : i32 to vector<16xi32>
    %mul3A_112 = arith.muli %shift_right_logical3A_109, %mul3A_111 : vector<16xi32>
    %add3A_113 = arith.addi %mul3A_112, %get3A_106 : vector<16xi32>
    %mul3A_114 = arith.constant 16 : i32
    %mul3A_115 = arith.muli %scan3A_94, %mul3A_114 : i32
    %swap3A_116 = arith.index_cast %mul3A_115 : i32 to index
    %swap3A_117 = tpu.vector_load %arg11[%swap3A_116] {strides = array<i32>} : memref<80xi32, #tpu.memory_space<vmem>>, vector<16xi32>,
    tpu.vector_store %arg11[%swap3A_116], %add3A_113 {strides = array<i32>} : memref<80xi32, #tpu.memory_space<vmem>>, vector<16xi32>,
    %scan3A_118 = arith.constant 5 : i32
    %dma_start3A = arith.constant 0 : i32
    %dma_start3A_119 = tpu.memref_slice %arg2[%dma_start3A] : memref<51200000xi32, #tpu.memory_space<hbm>> -> memref<51200000xi32, #tpu.memory_space<hbm>>
    tpu.enqueue_indirect_dma source(%dma_start3A_119 : memref<51200000xi32, #tpu.memory_space<hbm>>) target(%arg13 : memref<80xi32, #tpu.memory_space<vmem>>) offsets(%arg11 : memref<80xi32, #tpu.memory_space<vmem>>) semaphore(%arg16 : memref<!tpu.dma_semaphore, #tpu.memory_space<semaphore_mem>>)
    %scan3A_120 = arith.constant 0 : i32
    %scan3A_121 = arith.constant 0 : i32
    %scan3A_122 = arith.constant 62 : i32
    %scan3A_123 = arith.addi %scan3A_121, %scan3A_122 : i32
    %scan3A_124 = arith.constant 1 : i32
    scf.for %scan3A_532 = %scan3A_121 to %scan3A_123 step %scan3A_124  : i32 {
      %mul3A_533 = arith.constant 2 : i32
      %mul3A_534 = arith.muli %mul3A_533, %scan3A_532 : i32
      %add3A_535 = arith.constant 1 : i32
      %add3A_536 = arith.addi %mul3A_534, %add3A_535 : i32
      %scan3A_537 = arith.constant 0 : i32
      %scan3A_538 = arith.constant 0 : i32
      %mul3A_539 = arith.constant 80 : i32
      %mul3A_540 = arith.muli %add3A_536, %mul3A_539 : i32
      %mul3A_541 = arith.constant 16 : i32
      %mul3A_542 = arith.muli %scan3A_538, %mul3A_541 : i32
      %add3A_543 = arith.addi %mul3A_540, %mul3A_542 : i32
      %get3A_544 = arith.index_cast %add3A_543 : i32 to index
      %get3A_545 = tpu.vector_load %arg9[%get3A_544] {strides = array<i32>} : memref<10000xi32, #tpu.memory_space<vmem>>, vector<16xi32>,
      %mul3A_546 = arith.constant 80 : i32
      %mul3A_547 = arith.muli %add3A_536, %mul3A_546 : i32
      %mul3A_548 = arith.constant 16 : i32
      %mul3A_549 = arith.muli %scan3A_538, %mul3A_548 : i32
      %add3A_550 = arith.addi %mul3A_547, %mul3A_549 : i32
      %get3A_551 = arith.index_cast %add3A_550 : i32 to index
      %get3A_552 = tpu.vector_load %arg10[%get3A_551] {strides = array<i32>} : memref<10000xi32, #tpu.memory_space<vmem>>, vector<16xi32>,
      %shift_right_logical3A_553 = arith.constant 1 : i32
      %shift_right_logical3A_554 = vector.broadcast %shift_right_logical3A_553 : i32 to vector<16xi32>
      %shift_right_logical3A_555 = arith.shrui %get3A_545, %shift_right_logical3A_554 : vector<16xi32>
      %mul3A_556 = arith.constant 10240 : i32
      %mul3A_557 = vector.broadcast %mul3A_556 : i32 to vector<16xi32>
      %mul3A_558 = arith.muli %shift_right_logical3A_555, %mul3A_557 : vector<16xi32>
      %add3A_559 = arith.addi %mul3A_558, %get3A_552 : vector<16xi32>
      %mul3A_560 = arith.constant 16 : i32
      %mul3A_561 = arith.muli %scan3A_538, %mul3A_560 : i32
      %swap3A_562 = arith.index_cast %mul3A_561 : i32 to index
      %swap3A_563 = tpu.vector_load %arg12[%swap3A_562] {strides = array<i32>} : memref<80xi32, #tpu.memory_space<vmem>>, vector<16xi32>,
      tpu.vector_store %arg12[%swap3A_562], %add3A_559 {strides = array<i32>} : memref<80xi32, #tpu.memory_space<vmem>>, vector<16xi32>,
      %scan3A_564 = arith.constant 1 : i32
      %mul3A_565 = arith.constant 80 : i32
      %mul3A_566 = arith.muli %add3A_536, %mul3A_565 : i32
      %mul3A_567 = arith.constant 16 : i32
      %mul3A_568 = arith.muli %scan3A_564, %mul3A_567 : i32
      %add3A_569 = arith.addi %mul3A_566, %mul3A_568 : i32
      %get3A_570 = arith.index_cast %add3A_569 : i32 to index
      %get3A_571 = tpu.vector_load %arg9[%get3A_570] {strides = array<i32>} : memref<10000xi32, #tpu.memory_space<vmem>>, vector<16xi32>,
      %mul3A_572 = arith.constant 80 : i32
      %mul3A_573 = arith.muli %add3A_536, %mul3A_572 : i32
      %mul3A_574 = arith.constant 16 : i32
      %mul3A_575 = arith.muli %scan3A_564, %mul3A_574 : i32
      %add3A_576 = arith.addi %mul3A_573, %mul3A_575 : i32
      %get3A_577 = arith.index_cast %add3A_576 : i32 to index
      %get3A_578 = tpu.vector_load %arg10[%get3A_577] {strides = array<i32>} : memref<10000xi32, #tpu.memory_space<vmem>>, vector<16xi32>,
      %shift_right_logical3A_579 = arith.constant 1 : i32
      %shift_right_logical3A_580 = vector.broadcast %shift_right_logical3A_579 : i32 to vector<16xi32>
      %shift_right_logical3A_581 = arith.shrui %get3A_571, %shift_right_logical3A_580 : vector<16xi32>
      %mul3A_582 = arith.constant 10240 : i32
      %mul3A_583 = vector.broadcast %mul3A_582 : i32 to vector<16xi32>
      %mul3A_584 = arith.muli %shift_right_logical3A_581, %mul3A_583 : vector<16xi32>
      %add3A_585 = arith.addi %mul3A_584, %get3A_578 : vector<16xi32>
      %mul3A_586 = arith.constant 16 : i32
      %mul3A_587 = arith.muli %scan3A_564, %mul3A_586 : i32
      %swap3A_588 = arith.index_cast %mul3A_587 : i32 to index
      %swap3A_589 = tpu.vector_load %arg12[%swap3A_588] {strides = array<i32>} : memref<80xi32, #tpu.memory_space<vmem>>, vector<16xi32>,
      tpu.vector_store %arg12[%swap3A_588], %add3A_585 {strides = array<i32>} : memref<80xi32, #tpu.memory_space<vmem>>, vector<16xi32>,
      %scan3A_590 = arith.constant 2 : i32
      %mul3A_591 = arith.constant 80 : i32
      %mul3A_592 = arith.muli %add3A_536, %mul3A_591 : i32
      %mul3A_593 = arith.constant 16 : i32
      %mul3A_594 = arith.muli %scan3A_590, %mul3A_593 : i32
      %add3A_595 = arith.addi %mul3A_592, %mul3A_594 : i32
      %get3A_596 = arith.index_cast %add3A_595 : i32 to index
      %get3A_597 = tpu.vector_load %arg9[%get3A_596] {strides = array<i32>} : memref<10000xi32, #tpu.memory_space<vmem>>, vector<16xi32>,
      %mul3A_598 = arith.constant 80 : i32
      %mul3A_599 = arith.muli %add3A_536, %mul3A_598 : i32
      %mul3A_600 = arith.constant 16 : i32
      %mul3A_601 = arith.muli %scan3A_590, %mul3A_600 : i32
      %add3A_602 = arith.addi %mul3A_599, %mul3A_601 : i32
      %get3A_603 = arith.index_cast %add3A_602 : i32 to index
      %get3A_604 = tpu.vector_load %arg10[%get3A_603] {strides = array<i32>} : memref<10000xi32, #tpu.memory_space<vmem>>, vector<16xi32>,
      %shift_right_logical3A_605 = arith.constant 1 : i32
      %shift_right_logical3A_606 = vector.broadcast %shift_right_logical3A_605 : i32 to vector<16xi32>
      %shift_right_logical3A_607 = arith.shrui %get3A_597, %shift_right_logical3A_606 : vector<16xi32>
      %mul3A_608 = arith.constant 10240 : i32
      %mul3A_609 = vector.broadcast %mul3A_608 : i32 to vector<16xi32>
      %mul3A_610 = arith.muli %shift_right_logical3A_607, %mul3A_609 : vector<16xi32>
      %add3A_611 = arith.addi %mul3A_610, %get3A_604 : vector<16xi32>
      %mul3A_612 = arith.constant 16 : i32
      %mul3A_613 = arith.muli %scan3A_590, %mul3A_612 : i32
      %swap3A_614 = arith.index_cast %mul3A_613 : i32 to index
      %swap3A_615 = tpu.vector_load %arg12[%swap3A_614] {strides = array<i32>} : memref<80xi32, #tpu.memory_space<vmem>>, vector<16xi32>,
      tpu.vector_store %arg12[%swap3A_614], %add3A_611 {strides = array<i32>} : memref<80xi32, #tpu.memory_space<vmem>>, vector<16xi32>,
      %scan3A_616 = arith.constant 3 : i32
      %mul3A_617 = arith.constant 80 : i32
      %mul3A_618 = arith.muli %add3A_536, %mul3A_617 : i32
      %mul3A_619 = arith.constant 16 : i32
      %mul3A_620 = arith.muli %scan3A_616, %mul3A_619 : i32
      %add3A_621 = arith.addi %mul3A_618, %mul3A_620 : i32
      %get3A_622 = arith.index_cast %add3A_621 : i32 to index
      %get3A_623 = tpu.vector_load %arg9[%get3A_622] {strides = array<i32>} : memref<10000xi32, #tpu.memory_space<vmem>>, vector<16xi32>,
      %mul3A_624 = arith.constant 80 : i32
      %mul3A_625 = arith.muli %add3A_536, %mul3A_624 : i32
      %mul3A_626 = arith.constant 16 : i32
      %mul3A_627 = arith.muli %scan3A_616, %mul3A_626 : i32
      %add3A_628 = arith.addi %mul3A_625, %mul3A_627 : i32
      %get3A_629 = arith.index_cast %add3A_628 : i32 to index
      %get3A_630 = tpu.vector_load %arg10[%get3A_629] {strides = array<i32>} : memref<10000xi32, #tpu.memory_space<vmem>>, vector<16xi32>,
      %shift_right_logical3A_631 = arith.constant 1 : i32
      %shift_right_logical3A_632 = vector.broadcast %shift_right_logical3A_631 : i32 to vector<16xi32>
      %shift_right_logical3A_633 = arith.shrui %get3A_623, %shift_right_logical3A_632 : vector<16xi32>
      %mul3A_634 = arith.constant 10240 : i32
      %mul3A_635 = vector.broadcast %mul3A_634 : i32 to vector<16xi32>
      %mul3A_636 = arith.muli %shift_right_logical3A_633, %mul3A_635 : vector<16xi32>
      %add3A_637 = arith.addi %mul3A_636, %get3A_630 : vector<16xi32>
      %mul3A_638 = arith.constant 16 : i32
      %mul3A_639 = arith.muli %scan3A_616, %mul3A_638 : i32
      %swap3A_640 = arith.index_cast %mul3A_639 : i32 to index
      %swap3A_641 = tpu.vector_load %arg12[%swap3A_640] {strides = array<i32>} : memref<80xi32, #tpu.memory_space<vmem>>, vector<16xi32>,
      tpu.vector_store %arg12[%swap3A_640], %add3A_637 {strides = array<i32>} : memref<80xi32, #tpu.memory_space<vmem>>, vector<16xi32>,
      %scan3A_642 = arith.constant 4 : i32
      %mul3A_643 = arith.constant 80 : i32
      %mul3A_644 = arith.muli %add3A_536, %mul3A_643 : i32
      %mul3A_645 = arith.constant 16 : i32
      %mul3A_646 = arith.muli %scan3A_642, %mul3A_645 : i32
      %add3A_647 = arith.addi %mul3A_644, %mul3A_646 : i32
      %get3A_648 = arith.index_cast %add3A_647 : i32 to index
      %get3A_649 = tpu.vector_load %arg9[%get3A_648] {strides = array<i32>} : memref<10000xi32, #tpu.memory_space<vmem>>, vector<16xi32>,
      %mul3A_650 = arith.constant 80 : i32
      %mul3A_651 = arith.muli %add3A_536, %mul3A_650 : i32
      %mul3A_652 = arith.constant 16 : i32
      %mul3A_653 = arith.muli %scan3A_642, %mul3A_652 : i32
      %add3A_654 = arith.addi %mul3A_651, %mul3A_653 : i32
      %get3A_655 = arith.index_cast %add3A_654 : i32 to index
      %get3A_656 = tpu.vector_load %arg10[%get3A_655] {strides = array<i32>} : memref<10000xi32, #tpu.memory_space<vmem>>, vector<16xi32>,
      %shift_right_logical3A_657 = arith.constant 1 : i32
      %shift_right_logical3A_658 = vector.broadcast %shift_right_logical3A_657 : i32 to vector<16xi32>
      %shift_right_logical3A_659 = arith.shrui %get3A_649, %shift_right_logical3A_658 : vector<16xi32>
      %mul3A_660 = arith.constant 10240 : i32
      %mul3A_661 = vector.broadcast %mul3A_660 : i32 to vector<16xi32>
      %mul3A_662 = arith.muli %shift_right_logical3A_659, %mul3A_661 : vector<16xi32>
      %add3A_663 = arith.addi %mul3A_662, %get3A_656 : vector<16xi32>
      %mul3A_664 = arith.constant 16 : i32
      %mul3A_665 = arith.muli %scan3A_642, %mul3A_664 : i32
      %swap3A_666 = arith.index_cast %mul3A_665 : i32 to index
      %swap3A_667 = tpu.vector_load %arg12[%swap3A_666] {strides = array<i32>} : memref<80xi32, #tpu.memory_space<vmem>>, vector<16xi32>,
      tpu.vector_store %arg12[%swap3A_666], %add3A_663 {strides = array<i32>} : memref<80xi32, #tpu.memory_space<vmem>>, vector<16xi32>,
      %scan3A_668 = arith.constant 5 : i32
      %dma_wait3A_669 = arith.constant 0 : i32
      %dma_wait3A_670 = tpu.memref_slice %arg2[%dma_wait3A_669] : memref<51200000xi32, #tpu.memory_space<hbm>> -> memref<51200000xi32, #tpu.memory_space<hbm>>
      tpu.wait_indirect_dma semaphore(%arg16 : memref<!tpu.dma_semaphore, #tpu.memory_space<semaphore_mem>>) src(%dma_wait3A_670 : memref<51200000xi32, #tpu.memory_space<hbm>>) dst(%arg13 : memref<80xi32, #tpu.memory_space<vmem>>)
      %dma_start3A_671 = arith.constant 0 : i32
      %dma_start3A_672 = tpu.memref_slice %arg2[%dma_start3A_671] : memref<51200000xi32, #tpu.memory_space<hbm>> -> memref<51200000xi32, #tpu.memory_space<hbm>>
      tpu.enqueue_indirect_dma source(%dma_start3A_672 : memref<51200000xi32, #tpu.memory_space<hbm>>) target(%arg14 : memref<80xi32, #tpu.memory_space<vmem>>) offsets(%arg12 : memref<80xi32, #tpu.memory_space<vmem>>) semaphore(%arg17 : memref<!tpu.dma_semaphore, #tpu.memory_space<semaphore_mem>>)
      %scan3A_673 = arith.constant 0 : i32
      %scan3A_674 = arith.constant 0 : i32
      %mul3A_675 = arith.constant 16 : i32
      %mul3A_676 = arith.muli %scan3A_674, %mul3A_675 : i32
      %get3A_677 = arith.index_cast %mul3A_676 : i32 to index
      %get3A_678 = tpu.vector_load %arg13[%get3A_677] {strides = array<i32>} : memref<80xi32, #tpu.memory_space<vmem>>, vector<16xi32>,
      %mul3A_679 = arith.constant 80 : i32
      %mul3A_680 = arith.muli %mul3A_534, %mul3A_679 : i32
      %mul3A_681 = arith.constant 16 : i32
      %mul3A_682 = arith.muli %scan3A_674, %mul3A_681 : i32
      %add3A_683 = arith.addi %mul3A_680, %mul3A_682 : i32
      %get3A_684 = arith.index_cast %add3A_683 : i32 to index
      %get3A_685 = tpu.vector_load %arg9[%get3A_684] {strides = array<i32>} : memref<10000xi32, #tpu.memory_space<vmem>>, vector<16xi32>,
      %bitcast3A_686 = vector.bitcast %get3A_678 : vector<16xi32> to vector<32xbf16>
      %unpack3A_687 = tpu.unpack_subelements %bitcast3A_686, 0 {pack_format = #tpu.pack_format<interleaved>} : vector<32xbf16> -> vector<16xf32>
      %unpack3A_688 = tpu.unpack_subelements %bitcast3A_686, 1 {pack_format = #tpu.pack_format<interleaved>} : vector<32xbf16> -> vector<16xf32>
      %and3A_689 = arith.constant 1 : i32
      %and3A_690 = vector.broadcast %and3A_689 : i32 to vector<16xi32>
      %and3A_691 = arith.andi %get3A_685, %and3A_690 : vector<16xi32>
      %eq3A_692 = arith.constant 1 : i32
      %eq3A_693 = vector.broadcast %eq3A_692 : i32 to vector<16xi32>
      %eq3A_694 = arith.cmpi eq, %and3A_691, %eq3A_693 : vector<16xi32>
      %select_n3A_695 = arith.select %eq3A_694, %unpack3A_688, %unpack3A_687 : vector<16xi1>, vector<16xf32>
      %mul3A_696 = arith.constant 80 : i32
      %mul3A_697 = arith.muli %mul3A_534, %mul3A_696 : i32
      %mul3A_698 = arith.constant 16 : i32
      %mul3A_699 = arith.muli %scan3A_674, %mul3A_698 : i32
      %add3A_700 = arith.addi %mul3A_697, %mul3A_699 : i32
      %swap3A_701 = arith.index_cast %add3A_700 : i32 to index
      %swap3A_702 = tpu.vector_load %arg15[%swap3A_701] {strides = array<i32>} : memref<10000xf32, #tpu.memory_space<vmem>>, vector<16xf32>,
      tpu.vector_store %arg15[%swap3A_701], %select_n3A_695 {strides = array<i32>} : memref<10000xf32, #tpu.memory_space<vmem>>, vector<16xf32>,
      %scan3A_703 = arith.constant 1 : i32
      %mul3A_704 = arith.constant 16 : i32
      %mul3A_705 = arith.muli %scan3A_703, %mul3A_704 : i32
      %get3A_706 = arith.index_cast %mul3A_705 : i32 to index
      %get3A_707 = tpu.vector_load %arg13[%get3A_706] {strides = array<i32>} : memref<80xi32, #tpu.memory_space<vmem>>, vector<16xi32>,
      %mul3A_708 = arith.constant 80 : i32
      %mul3A_709 = arith.muli %mul3A_534, %mul3A_708 : i32
      %mul3A_710 = arith.constant 16 : i32
      %mul3A_711 = arith.muli %scan3A_703, %mul3A_710 : i32
      %add3A_712 = arith.addi %mul3A_709, %mul3A_711 : i32
      %get3A_713 = arith.index_cast %add3A_712 : i32 to index
      %get3A_714 = tpu.vector_load %arg9[%get3A_713] {strides = array<i32>} : memref<10000xi32, #tpu.memory_space<vmem>>, vector<16xi32>,
      %bitcast3A_715 = vector.bitcast %get3A_707 : vector<16xi32> to vector<32xbf16>
      %unpack3A_716 = tpu.unpack_subelements %bitcast3A_715, 0 {pack_format = #tpu.pack_format<interleaved>} : vector<32xbf16> -> vector<16xf32>
      %unpack3A_717 = tpu.unpack_subelements %bitcast3A_715, 1 {pack_format = #tpu.pack_format<interleaved>} : vector<32xbf16> -> vector<16xf32>
      %and3A_718 = arith.constant 1 : i32
      %and3A_719 = vector.broadcast %and3A_718 : i32 to vector<16xi32>
      %and3A_720 = arith.andi %get3A_714, %and3A_719 : vector<16xi32>
      %eq3A_721 = arith.constant 1 : i32
      %eq3A_722 = vector.broadcast %eq3A_721 : i32 to vector<16xi32>
      %eq3A_723 = arith.cmpi eq, %and3A_720, %eq3A_722 : vector<16xi32>
      %select_n3A_724 = arith.select %eq3A_723, %unpack3A_717, %unpack3A_716 : vector<16xi1>, vector<16xf32>
      %mul3A_725 = arith.constant 80 : i32
      %mul3A_726 = arith.muli %mul3A_534, %mul3A_725 : i32
      %mul3A_727 = arith.constant 16 : i32
      %mul3A_728 = arith.muli %scan3A_703, %mul3A_727 : i32
      %add3A_729 = arith.addi %mul3A_726, %mul3A_728 : i32
      %swap3A_730 = arith.index_cast %add3A_729 : i32 to index
      %swap3A_731 = tpu.vector_load %arg15[%swap3A_730] {strides = array<i32>} : memref<10000xf32, #tpu.memory_space<vmem>>, vector<16xf32>,
      tpu.vector_store %arg15[%swap3A_730], %select_n3A_724 {strides = array<i32>} : memref<10000xf32, #tpu.memory_space<vmem>>, vector<16xf32>,
      %scan3A_732 = arith.constant 2 : i32
      %mul3A_733 = arith.constant 16 : i32
      %mul3A_734 = arith.muli %scan3A_732, %mul3A_733 : i32
      %get3A_735 = arith.index_cast %mul3A_734 : i32 to index
      %get3A_736 = tpu.vector_load %arg13[%get3A_735] {strides = array<i32>} : memref<80xi32, #tpu.memory_space<vmem>>, vector<16xi32>,
      %mul3A_737 = arith.constant 80 : i32
      %mul3A_738 = arith.muli %mul3A_534, %mul3A_737 : i32
      %mul3A_739 = arith.constant 16 : i32
      %mul3A_740 = arith.muli %scan3A_732, %mul3A_739 : i32
      %add3A_741 = arith.addi %mul3A_738, %mul3A_740 : i32
      %get3A_742 = arith.index_cast %add3A_741 : i32 to index
      %get3A_743 = tpu.vector_load %arg9[%get3A_742] {strides = array<i32>} : memref<10000xi32, #tpu.memory_space<vmem>>, vector<16xi32>,
      %bitcast3A_744 = vector.bitcast %get3A_736 : vector<16xi32> to vector<32xbf16>
      %unpack3A_745 = tpu.unpack_subelements %bitcast3A_744, 0 {pack_format = #tpu.pack_format<interleaved>} : vector<32xbf16> -> vector<16xf32>
      %unpack3A_746 = tpu.unpack_subelements %bitcast3A_744, 1 {pack_format = #tpu.pack_format<interleaved>} : vector<32xbf16> -> vector<16xf32>
      %and3A_747 = arith.constant 1 : i32
      %and3A_748 = vector.broadcast %and3A_747 : i32 to vector<16xi32>
      %and3A_749 = arith.andi %get3A_743, %and3A_748 : vector<16xi32>
      %eq3A_750 = arith.constant 1 : i32
      %eq3A_751 = vector.broadcast %eq3A_750 : i32 to vector<16xi32>
      %eq3A_752 = arith.cmpi eq, %and3A_749, %eq3A_751 : vector<16xi32>
      %select_n3A_753 = arith.select %eq3A_752, %unpack3A_746, %unpack3A_745 : vector<16xi1>, vector<16xf32>
      %mul3A_754 = arith.constant 80 : i32
      %mul3A_755 = arith.muli %mul3A_534, %mul3A_754 : i32
      %mul3A_756 = arith.constant 16 : i32
      %mul3A_757 = arith.muli %scan3A_732, %mul3A_756 : i32
      %add3A_758 = arith.addi %mul3A_755, %mul3A_757 : i32
      %swap3A_759 = arith.index_cast %add3A_758 : i32 to index
      %swap3A_760 = tpu.vector_load %arg15[%swap3A_759] {strides = array<i32>} : memref<10000xf32, #tpu.memory_space<vmem>>, vector<16xf32>,
      tpu.vector_store %arg15[%swap3A_759], %select_n3A_753 {strides = array<i32>} : memref<10000xf32, #tpu.memory_space<vmem>>, vector<16xf32>,
      %scan3A_761 = arith.constant 3 : i32
      %mul3A_762 = arith.constant 16 : i32
      %mul3A_763 = arith.muli %scan3A_761, %mul3A_762 : i32
      %get3A_764 = arith.index_cast %mul3A_763 : i32 to index
      %get3A_765 = tpu.vector_load %arg13[%get3A_764] {strides = array<i32>} : memref<80xi32, #tpu.memory_space<vmem>>, vector<16xi32>,
      %mul3A_766 = arith.constant 80 : i32
      %mul3A_767 = arith.muli %mul3A_534, %mul3A_766 : i32
      %mul3A_768 = arith.constant 16 : i32
      %mul3A_769 = arith.muli %scan3A_761, %mul3A_768 : i32
      %add3A_770 = arith.addi %mul3A_767, %mul3A_769 : i32
      %get3A_771 = arith.index_cast %add3A_770 : i32 to index
      %get3A_772 = tpu.vector_load %arg9[%get3A_771] {strides = array<i32>} : memref<10000xi32, #tpu.memory_space<vmem>>, vector<16xi32>,
      %bitcast3A_773 = vector.bitcast %get3A_765 : vector<16xi32> to vector<32xbf16>
      %unpack3A_774 = tpu.unpack_subelements %bitcast3A_773, 0 {pack_format = #tpu.pack_format<interleaved>} : vector<32xbf16> -> vector<16xf32>
      %unpack3A_775 = tpu.unpack_subelements %bitcast3A_773, 1 {pack_format = #tpu.pack_format<interleaved>} : vector<32xbf16> -> vector<16xf32>
      %and3A_776 = arith.constant 1 : i32
      %and3A_777 = vector.broadcast %and3A_776 : i32 to vector<16xi32>
      %and3A_778 = arith.andi %get3A_772, %and3A_777 : vector<16xi32>
      %eq3A_779 = arith.constant 1 : i32
      %eq3A_780 = vector.broadcast %eq3A_779 : i32 to vector<16xi32>
      %eq3A_781 = arith.cmpi eq, %and3A_778, %eq3A_780 : vector<16xi32>
      %select_n3A_782 = arith.select %eq3A_781, %unpack3A_775, %unpack3A_774 : vector<16xi1>, vector<16xf32>
      %mul3A_783 = arith.constant 80 : i32
      %mul3A_784 = arith.muli %mul3A_534, %mul3A_783 : i32
      %mul3A_785 = arith.constant 16 : i32
      %mul3A_786 = arith.muli %scan3A_761, %mul3A_785 : i32
      %add3A_787 = arith.addi %mul3A_784, %mul3A_786 : i32
      %swap3A_788 = arith.index_cast %add3A_787 : i32 to index
      %swap3A_789 = tpu.vector_load %arg15[%swap3A_788] {strides = array<i32>} : memref<10000xf32, #tpu.memory_space<vmem>>, vector<16xf32>,
      tpu.vector_store %arg15[%swap3A_788], %select_n3A_782 {strides = array<i32>} : memref<10000xf32, #tpu.memory_space<vmem>>, vector<16xf32>,
      %scan3A_790 = arith.constant 4 : i32
      %mul3A_791 = arith.constant 16 : i32
      %mul3A_792 = arith.muli %scan3A_790, %mul3A_791 : i32
      %get3A_793 = arith.index_cast %mul3A_792 : i32 to index
      %get3A_794 = tpu.vector_load %arg13[%get3A_793] {strides = array<i32>} : memref<80xi32, #tpu.memory_space<vmem>>, vector<16xi32>,
      %mul3A_795 = arith.constant 80 : i32
      %mul3A_796 = arith.muli %mul3A_534, %mul3A_795 : i32
      %mul3A_797 = arith.constant 16 : i32
      %mul3A_798 = arith.muli %scan3A_790, %mul3A_797 : i32
      %add3A_799 = arith.addi %mul3A_796, %mul3A_798 : i32
      %get3A_800 = arith.index_cast %add3A_799 : i32 to index
      %get3A_801 = tpu.vector_load %arg9[%get3A_800] {strides = array<i32>} : memref<10000xi32, #tpu.memory_space<vmem>>, vector<16xi32>,
      %bitcast3A_802 = vector.bitcast %get3A_794 : vector<16xi32> to vector<32xbf16>
      %unpack3A_803 = tpu.unpack_subelements %bitcast3A_802, 0 {pack_format = #tpu.pack_format<interleaved>} : vector<32xbf16> -> vector<16xf32>
      %unpack3A_804 = tpu.unpack_subelements %bitcast3A_802, 1 {pack_format = #tpu.pack_format<interleaved>} : vector<32xbf16> -> vector<16xf32>
      %and3A_805 = arith.constant 1 : i32
      %and3A_806 = vector.broadcast %and3A_805 : i32 to vector<16xi32>
      %and3A_807 = arith.andi %get3A_801, %and3A_806 : vector<16xi32>
      %eq3A_808 = arith.constant 1 : i32
      %eq3A_809 = vector.broadcast %eq3A_808 : i32 to vector<16xi32>
      %eq3A_810 = arith.cmpi eq, %and3A_807, %eq3A_809 : vector<16xi32>
      %select_n3A_811 = arith.select %eq3A_810, %unpack3A_804, %unpack3A_803 : vector<16xi1>, vector<16xf32>
      %mul3A_812 = arith.constant 80 : i32
      %mul3A_813 = arith.muli %mul3A_534, %mul3A_812 : i32
      %mul3A_814 = arith.constant 16 : i32
      %mul3A_815 = arith.muli %scan3A_790, %mul3A_814 : i32
      %add3A_816 = arith.addi %mul3A_813, %mul3A_815 : i32
      %swap3A_817 = arith.index_cast %add3A_816 : i32 to index
      %swap3A_818 = tpu.vector_load %arg15[%swap3A_817] {strides = array<i32>} : memref<10000xf32, #tpu.memory_space<vmem>>, vector<16xf32>,
      tpu.vector_store %arg15[%swap3A_817], %select_n3A_811 {strides = array<i32>} : memref<10000xf32, #tpu.memory_space<vmem>>, vector<16xf32>,
      %scan3A_819 = arith.constant 5 : i32
      %add3A_820 = arith.constant 2 : i32
      %add3A_821 = arith.addi %mul3A_534, %add3A_820 : i32
      %scan3A_822 = arith.constant 0 : i32
      %scan3A_823 = arith.constant 0 : i32
      %mul3A_824 = arith.constant 80 : i32
      %mul3A_825 = arith.muli %add3A_821, %mul3A_824 : i32
      %mul3A_826 = arith.constant 16 : i32
      %mul3A_827 = arith.muli %scan3A_823, %mul3A_826 : i32
      %add3A_828 = arith.addi %mul3A_825, %mul3A_827 : i32
      %get3A_829 = arith.index_cast %add3A_828 : i32 to index
      %get3A_830 = tpu.vector_load %arg9[%get3A_829] {strides = array<i32>} : memref<10000xi32, #tpu.memory_space<vmem>>, vector<16xi32>,
      %mul3A_831 = arith.constant 80 : i32
      %mul3A_832 = arith.muli %add3A_821, %mul3A_831 : i32
      %mul3A_833 = arith.constant 16 : i32
      %mul3A_834 = arith.muli %scan3A_823, %mul3A_833 : i32
      %add3A_835 = arith.addi %mul3A_832, %mul3A_834 : i32
      %get3A_836 = arith.index_cast %add3A_835 : i32 to index
      %get3A_837 = tpu.vector_load %arg10[%get3A_836] {strides = array<i32>} : memref<10000xi32, #tpu.memory_space<vmem>>, vector<16xi32>,
      %shift_right_logical3A_838 = arith.constant 1 : i32
      %shift_right_logical3A_839 = vector.broadcast %shift_right_logical3A_838 : i32 to vector<16xi32>
      %shift_right_logical3A_840 = arith.shrui %get3A_830, %shift_right_logical3A_839 : vector<16xi32>
      %mul3A_841 = arith.constant 10240 : i32
      %mul3A_842 = vector.broadcast %mul3A_841 : i32 to vector<16xi32>
      %mul3A_843 = arith.muli %shift_right_logical3A_840, %mul3A_842 : vector<16xi32>
      %add3A_844 = arith.addi %mul3A_843, %get3A_837 : vector<16xi32>
      %mul3A_845 = arith.constant 16 : i32
      %mul3A_846 = arith.muli %scan3A_823, %mul3A_845 : i32
      %swap3A_847 = arith.index_cast %mul3A_846 : i32 to index
      %swap3A_848 = tpu.vector_load %arg11[%swap3A_847] {strides = array<i32>} : memref<80xi32, #tpu.memory_space<vmem>>, vector<16xi32>,
      tpu.vector_store %arg11[%swap3A_847], %add3A_844 {strides = array<i32>} : memref<80xi32, #tpu.memory_space<vmem>>, vector<16xi32>,
      %scan3A_849 = arith.constant 1 : i32
      %mul3A_850 = arith.constant 80 : i32
      %mul3A_851 = arith.muli %add3A_821, %mul3A_850 : i32
      %mul3A_852 = arith.constant 16 : i32
      %mul3A_853 = arith.muli %scan3A_849, %mul3A_852 : i32
      %add3A_854 = arith.addi %mul3A_851, %mul3A_853 : i32
      %get3A_855 = arith.index_cast %add3A_854 : i32 to index
      %get3A_856 = tpu.vector_load %arg9[%get3A_855] {strides = array<i32>} : memref<10000xi32, #tpu.memory_space<vmem>>, vector<16xi32>,
      %mul3A_857 = arith.constant 80 : i32
      %mul3A_858 = arith.muli %add3A_821, %mul3A_857 : i32
      %mul3A_859 = arith.constant 16 : i32
      %mul3A_860 = arith.muli %scan3A_849, %mul3A_859 : i32
      %add3A_861 = arith.addi %mul3A_858, %mul3A_860 : i32
      %get3A_862 = arith.index_cast %add3A_861 : i32 to index
      %get3A_863 = tpu.vector_load %arg10[%get3A_862] {strides = array<i32>} : memref<10000xi32, #tpu.memory_space<vmem>>, vector<16xi32>,
      %shift_right_logical3A_864 = arith.constant 1 : i32
      %shift_right_logical3A_865 = vector.broadcast %shift_right_logical3A_864 : i32 to vector<16xi32>
      %shift_right_logical3A_866 = arith.shrui %get3A_856, %shift_right_logical3A_865 : vector<16xi32>
      %mul3A_867 = arith.constant 10240 : i32
      %mul3A_868 = vector.broadcast %mul3A_867 : i32 to vector<16xi32>
      %mul3A_869 = arith.muli %shift_right_logical3A_866, %mul3A_868 : vector<16xi32>
      %add3A_870 = arith.addi %mul3A_869, %get3A_863 : vector<16xi32>
      %mul3A_871 = arith.constant 16 : i32
      %mul3A_872 = arith.muli %scan3A_849, %mul3A_871 : i32
      %swap3A_873 = arith.index_cast %mul3A_872 : i32 to index
      %swap3A_874 = tpu.vector_load %arg11[%swap3A_873] {strides = array<i32>} : memref<80xi32, #tpu.memory_space<vmem>>, vector<16xi32>,
      tpu.vector_store %arg11[%swap3A_873], %add3A_870 {strides = array<i32>} : memref<80xi32, #tpu.memory_space<vmem>>, vector<16xi32>,
      %scan3A_875 = arith.constant 2 : i32
      %mul3A_876 = arith.constant 80 : i32
      %mul3A_877 = arith.muli %add3A_821, %mul3A_876 : i32
      %mul3A_878 = arith.constant 16 : i32
      %mul3A_879 = arith.muli %scan3A_875, %mul3A_878 : i32
      %add3A_880 = arith.addi %mul3A_877, %mul3A_879 : i32
      %get3A_881 = arith.index_cast %add3A_880 : i32 to index
      %get3A_882 = tpu.vector_load %arg9[%get3A_881] {strides = array<i32>} : memref<10000xi32, #tpu.memory_space<vmem>>, vector<16xi32>,
      %mul3A_883 = arith.constant 80 : i32
      %mul3A_884 = arith.muli %add3A_821, %mul3A_883 : i32
      %mul3A_885 = arith.constant 16 : i32
      %mul3A_886 = arith.muli %scan3A_875, %mul3A_885 : i32
      %add3A_887 = arith.addi %mul3A_884, %mul3A_886 : i32
      %get3A_888 = arith.index_cast %add3A_887 : i32 to index
      %get3A_889 = tpu.vector_load %arg10[%get3A_888] {strides = array<i32>} : memref<10000xi32, #tpu.memory_space<vmem>>, vector<16xi32>,
      %shift_right_logical3A_890 = arith.constant 1 : i32
      %shift_right_logical3A_891 = vector.broadcast %shift_right_logical3A_890 : i32 to vector<16xi32>
      %shift_right_logical3A_892 = arith.shrui %get3A_882, %shift_right_logical3A_891 : vector<16xi32>
      %mul3A_893 = arith.constant 10240 : i32
      %mul3A_894 = vector.broadcast %mul3A_893 : i32 to vector<16xi32>
      %mul3A_895 = arith.muli %shift_right_logical3A_892, %mul3A_894 : vector<16xi32>
      %add3A_896 = arith.addi %mul3A_895, %get3A_889 : vector<16xi32>
      %mul3A_897 = arith.constant 16 : i32
      %mul3A_898 = arith.muli %scan3A_875, %mul3A_897 : i32
      %swap3A_899 = arith.index_cast %mul3A_898 : i32 to index
      %swap3A_900 = tpu.vector_load %arg11[%swap3A_899] {strides = array<i32>} : memref<80xi32, #tpu.memory_space<vmem>>, vector<16xi32>,
      tpu.vector_store %arg11[%swap3A_899], %add3A_896 {strides = array<i32>} : memref<80xi32, #tpu.memory_space<vmem>>, vector<16xi32>,
      %scan3A_901 = arith.constant 3 : i32
      %mul3A_902 = arith.constant 80 : i32
      %mul3A_903 = arith.muli %add3A_821, %mul3A_902 : i32
      %mul3A_904 = arith.constant 16 : i32
      %mul3A_905 = arith.muli %scan3A_901, %mul3A_904 : i32
      %add3A_906 = arith.addi %mul3A_903, %mul3A_905 : i32
      %get3A_907 = arith.index_cast %add3A_906 : i32 to index
      %get3A_908 = tpu.vector_load %arg9[%get3A_907] {strides = array<i32>} : memref<10000xi32, #tpu.memory_space<vmem>>, vector<16xi32>,
      %mul3A_909 = arith.constant 80 : i32
      %mul3A_910 = arith.muli %add3A_821, %mul3A_909 : i32
      %mul3A_911 = arith.constant 16 : i32
      %mul3A_912 = arith.muli %scan3A_901, %mul3A_911 : i32
      %add3A_913 = arith.addi %mul3A_910, %mul3A_912 : i32
      %get3A_914 = arith.index_cast %add3A_913 : i32 to index
      %get3A_915 = tpu.vector_load %arg10[%get3A_914] {strides = array<i32>} : memref<10000xi32, #tpu.memory_space<vmem>>, vector<16xi32>,
      %shift_right_logical3A_916 = arith.constant 1 : i32
      %shift_right_logical3A_917 = vector.broadcast %shift_right_logical3A_916 : i32 to vector<16xi32>
      %shift_right_logical3A_918 = arith.shrui %get3A_908, %shift_right_logical3A_917 : vector<16xi32>
      %mul3A_919 = arith.constant 10240 : i32
      %mul3A_920 = vector.broadcast %mul3A_919 : i32 to vector<16xi32>
      %mul3A_921 = arith.muli %shift_right_logical3A_918, %mul3A_920 : vector<16xi32>
      %add3A_922 = arith.addi %mul3A_921, %get3A_915 : vector<16xi32>
      %mul3A_923 = arith.constant 16 : i32
      %mul3A_924 = arith.muli %scan3A_901, %mul3A_923 : i32
      %swap3A_925 = arith.index_cast %mul3A_924 : i32 to index
      %swap3A_926 = tpu.vector_load %arg11[%swap3A_925] {strides = array<i32>} : memref<80xi32, #tpu.memory_space<vmem>>, vector<16xi32>,
      tpu.vector_store %arg11[%swap3A_925], %add3A_922 {strides = array<i32>} : memref<80xi32, #tpu.memory_space<vmem>>, vector<16xi32>,
      %scan3A_927 = arith.constant 4 : i32
      %mul3A_928 = arith.constant 80 : i32
      %mul3A_929 = arith.muli %add3A_821, %mul3A_928 : i32
      %mul3A_930 = arith.constant 16 : i32
      %mul3A_931 = arith.muli %scan3A_927, %mul3A_930 : i32
      %add3A_932 = arith.addi %mul3A_929, %mul3A_931 : i32
      %get3A_933 = arith.index_cast %add3A_932 : i32 to index
      %get3A_934 = tpu.vector_load %arg9[%get3A_933] {strides = array<i32>} : memref<10000xi32, #tpu.memory_space<vmem>>, vector<16xi32>,
      %mul3A_935 = arith.constant 80 : i32
      %mul3A_936 = arith.muli %add3A_821, %mul3A_935 : i32
      %mul3A_937 = arith.constant 16 : i32
      %mul3A_938 = arith.muli %scan3A_927, %mul3A_937 : i32
      %add3A_939 = arith.addi %mul3A_936, %mul3A_938 : i32
      %get3A_940 = arith.index_cast %add3A_939 : i32 to index
      %get3A_941 = tpu.vector_load %arg10[%get3A_940] {strides = array<i32>} : memref<10000xi32, #tpu.memory_space<vmem>>, vector<16xi32>,
      %shift_right_logical3A_942 = arith.constant 1 : i32
      %shift_right_logical3A_943 = vector.broadcast %shift_right_logical3A_942 : i32 to vector<16xi32>
      %shift_right_logical3A_944 = arith.shrui %get3A_934, %shift_right_logical3A_943 : vector<16xi32>
      %mul3A_945 = arith.constant 10240 : i32
      %mul3A_946 = vector.broadcast %mul3A_945 : i32 to vector<16xi32>
      %mul3A_947 = arith.muli %shift_right_logical3A_944, %mul3A_946 : vector<16xi32>
      %add3A_948 = arith.addi %mul3A_947, %get3A_941 : vector<16xi32>
      %mul3A_949 = arith.constant 16 : i32
      %mul3A_950 = arith.muli %scan3A_927, %mul3A_949 : i32
      %swap3A_951 = arith.index_cast %mul3A_950 : i32 to index
      %swap3A_952 = tpu.vector_load %arg11[%swap3A_951] {strides = array<i32>} : memref<80xi32, #tpu.memory_space<vmem>>, vector<16xi32>,
      tpu.vector_store %arg11[%swap3A_951], %add3A_948 {strides = array<i32>} : memref<80xi32, #tpu.memory_space<vmem>>, vector<16xi32>,
      %scan3A_953 = arith.constant 5 : i32
      %dma_wait3A_954 = arith.constant 0 : i32
      %dma_wait3A_955 = tpu.memref_slice %arg2[%dma_wait3A_954] : memref<51200000xi32, #tpu.memory_space<hbm>> -> memref<51200000xi32, #tpu.memory_space<hbm>>
      tpu.wait_indirect_dma semaphore(%arg17 : memref<!tpu.dma_semaphore, #tpu.memory_space<semaphore_mem>>) src(%dma_wait3A_955 : memref<51200000xi32, #tpu.memory_space<hbm>>) dst(%arg14 : memref<80xi32, #tpu.memory_space<vmem>>)
      %dma_start3A_956 = arith.constant 0 : i32
      %dma_start3A_957 = tpu.memref_slice %arg2[%dma_start3A_956] : memref<51200000xi32, #tpu.memory_space<hbm>> -> memref<51200000xi32, #tpu.memory_space<hbm>>
      tpu.enqueue_indirect_dma source(%dma_start3A_957 : memref<51200000xi32, #tpu.memory_space<hbm>>) target(%arg13 : memref<80xi32, #tpu.memory_space<vmem>>) offsets(%arg11 : memref<80xi32, #tpu.memory_space<vmem>>) semaphore(%arg16 : memref<!tpu.dma_semaphore, #tpu.memory_space<semaphore_mem>>)
      %add3A_958 = arith.constant 1 : i32
      %add3A_959 = arith.addi %mul3A_534, %add3A_958 : i32
      %scan3A_960 = arith.constant 0 : i32
      %scan3A_961 = arith.constant 0 : i32
      %mul3A_962 = arith.constant 16 : i32
      %mul3A_963 = arith.muli %scan3A_961, %mul3A_962 : i32
      %get3A_964 = arith.index_cast %mul3A_963 : i32 to index
      %get3A_965 = tpu.vector_load %arg14[%get3A_964] {strides = array<i32>} : memref<80xi32, #tpu.memory_space<vmem>>, vector<16xi32>,
      %mul3A_966 = arith.constant 80 : i32
      %mul3A_967 = arith.muli %add3A_959, %mul3A_966 : i32
      %mul3A_968 = arith.constant 16 : i32
      %mul3A_969 = arith.muli %scan3A_961, %mul3A_968 : i32
      %add3A_970 = arith.addi %mul3A_967, %mul3A_969 : i32
      %get3A_971 = arith.index_cast %add3A_970 : i32 to index
      %get3A_972 = tpu.vector_load %arg9[%get3A_971] {strides = array<i32>} : memref<10000xi32, #tpu.memory_space<vmem>>, vector<16xi32>,
      %bitcast3A_973 = vector.bitcast %get3A_965 : vector<16xi32> to vector<32xbf16>
      %unpack3A_974 = tpu.unpack_subelements %bitcast3A_973, 0 {pack_format = #tpu.pack_format<interleaved>} : vector<32xbf16> -> vector<16xf32>
      %unpack3A_975 = tpu.unpack_subelements %bitcast3A_973, 1 {pack_format = #tpu.pack_format<interleaved>} : vector<32xbf16> -> vector<16xf32>
      %and3A_976 = arith.constant 1 : i32
      %and3A_977 = vector.broadcast %and3A_976 : i32 to vector<16xi32>
      %and3A_978 = arith.andi %get3A_972, %and3A_977 : vector<16xi32>
      %eq3A_979 = arith.constant 1 : i32
      %eq3A_980 = vector.broadcast %eq3A_979 : i32 to vector<16xi32>
      %eq3A_981 = arith.cmpi eq, %and3A_978, %eq3A_980 : vector<16xi32>
      %select_n3A_982 = arith.select %eq3A_981, %unpack3A_975, %unpack3A_974 : vector<16xi1>, vector<16xf32>
      %mul3A_983 = arith.constant 80 : i32
      %mul3A_984 = arith.muli %add3A_959, %mul3A_983 : i32
      %mul3A_985 = arith.constant 16 : i32
      %mul3A_986 = arith.muli %scan3A_961, %mul3A_985 : i32
      %add3A_987 = arith.addi %mul3A_984, %mul3A_986 : i32
      %swap3A_988 = arith.index_cast %add3A_987 : i32 to index
      %swap3A_989 = tpu.vector_load %arg15[%swap3A_988] {strides = array<i32>} : memref<10000xf32, #tpu.memory_space<vmem>>, vector<16xf32>,
      tpu.vector_store %arg15[%swap3A_988], %select_n3A_982 {strides = array<i32>} : memref<10000xf32, #tpu.memory_space<vmem>>, vector<16xf32>,
      %scan3A_990 = arith.constant 1 : i32
      %mul3A_991 = arith.constant 16 : i32
      %mul3A_992 = arith.muli %scan3A_990, %mul3A_991 : i32
      %get3A_993 = arith.index_cast %mul3A_992 : i32 to index
      %get3A_994 = tpu.vector_load %arg14[%get3A_993] {strides = array<i32>} : memref<80xi32, #tpu.memory_space<vmem>>, vector<16xi32>,
      %mul3A_995 = arith.constant 80 : i32
      %mul3A_996 = arith.muli %add3A_959, %mul3A_995 : i32
      %mul3A_997 = arith.constant 16 : i32
      %mul3A_998 = arith.muli %scan3A_990, %mul3A_997 : i32
      %add3A_999 = arith.addi %mul3A_996, %mul3A_998 : i32
      %get3A_1000 = arith.index_cast %add3A_999 : i32 to index
      %get3A_1001 = tpu.vector_load %arg9[%get3A_1000] {strides = array<i32>} : memref<10000xi32, #tpu.memory_space<vmem>>, vector<16xi32>,
      %bitcast3A_1002 = vector.bitcast %get3A_994 : vector<16xi32> to vector<32xbf16>
      %unpack3A_1003 = tpu.unpack_subelements %bitcast3A_1002, 0 {pack_format = #tpu.pack_format<interleaved>} : vector<32xbf16> -> vector<16xf32>
      %unpack3A_1004 = tpu.unpack_subelements %bitcast3A_1002, 1 {pack_format = #tpu.pack_format<interleaved>} : vector<32xbf16> -> vector<16xf32>
      %and3A_1005 = arith.constant 1 : i32
      %and3A_1006 = vector.broadcast %and3A_1005 : i32 to vector<16xi32>
      %and3A_1007 = arith.andi %get3A_1001, %and3A_1006 : vector<16xi32>
      %eq3A_1008 = arith.constant 1 : i32
      %eq3A_1009 = vector.broadcast %eq3A_1008 : i32 to vector<16xi32>
      %eq3A_1010 = arith.cmpi eq, %and3A_1007, %eq3A_1009 : vector<16xi32>
      %select_n3A_1011 = arith.select %eq3A_1010, %unpack3A_1004, %unpack3A_1003 : vector<16xi1>, vector<16xf32>
      %mul3A_1012 = arith.constant 80 : i32
      %mul3A_1013 = arith.muli %add3A_959, %mul3A_1012 : i32
      %mul3A_1014 = arith.constant 16 : i32
      %mul3A_1015 = arith.muli %scan3A_990, %mul3A_1014 : i32
      %add3A_1016 = arith.addi %mul3A_1013, %mul3A_1015 : i32
      %swap3A_1017 = arith.index_cast %add3A_1016 : i32 to index
      %swap3A_1018 = tpu.vector_load %arg15[%swap3A_1017] {strides = array<i32>} : memref<10000xf32, #tpu.memory_space<vmem>>, vector<16xf32>,
      tpu.vector_store %arg15[%swap3A_1017], %select_n3A_1011 {strides = array<i32>} : memref<10000xf32, #tpu.memory_space<vmem>>, vector<16xf32>,
      %scan3A_1019 = arith.constant 2 : i32
      %mul3A_1020 = arith.constant 16 : i32
      %mul3A_1021 = arith.muli %scan3A_1019, %mul3A_1020 : i32
      %get3A_1022 = arith.index_cast %mul3A_1021 : i32 to index
      %get3A_1023 = tpu.vector_load %arg14[%get3A_1022] {strides = array<i32>} : memref<80xi32, #tpu.memory_space<vmem>>, vector<16xi32>,
      %mul3A_1024 = arith.constant 80 : i32
      %mul3A_1025 = arith.muli %add3A_959, %mul3A_1024 : i32
      %mul3A_1026 = arith.constant 16 : i32
      %mul3A_1027 = arith.muli %scan3A_1019, %mul3A_1026 : i32
      %add3A_1028 = arith.addi %mul3A_1025, %mul3A_1027 : i32
      %get3A_1029 = arith.index_cast %add3A_1028 : i32 to index
      %get3A_1030 = tpu.vector_load %arg9[%get3A_1029] {strides = array<i32>} : memref<10000xi32, #tpu.memory_space<vmem>>, vector<16xi32>,
      %bitcast3A_1031 = vector.bitcast %get3A_1023 : vector<16xi32> to vector<32xbf16>
      %unpack3A_1032 = tpu.unpack_subelements %bitcast3A_1031, 0 {pack_format = #tpu.pack_format<interleaved>} : vector<32xbf16> -> vector<16xf32>
      %unpack3A_1033 = tpu.unpack_subelements %bitcast3A_1031, 1 {pack_format = #tpu.pack_format<interleaved>} : vector<32xbf16> -> vector<16xf32>
      %and3A_1034 = arith.constant 1 : i32
      %and3A_1035 = vector.broadcast %and3A_1034 : i32 to vector<16xi32>
      %and3A_1036 = arith.andi %get3A_1030, %and3A_1035 : vector<16xi32>
      %eq3A_1037 = arith.constant 1 : i32
      %eq3A_1038 = vector.broadcast %eq3A_1037 : i32 to vector<16xi32>
      %eq3A_1039 = arith.cmpi eq, %and3A_1036, %eq3A_1038 : vector<16xi32>
      %select_n3A_1040 = arith.select %eq3A_1039, %unpack3A_1033, %unpack3A_1032 : vector<16xi1>, vector<16xf32>
      %mul3A_1041 = arith.constant 80 : i32
      %mul3A_1042 = arith.muli %add3A_959, %mul3A_1041 : i32
      %mul3A_1043 = arith.constant 16 : i32
      %mul3A_1044 = arith.muli %scan3A_1019, %mul3A_1043 : i32
      %add3A_1045 = arith.addi %mul3A_1042, %mul3A_1044 : i32
      %swap3A_1046 = arith.index_cast %add3A_1045 : i32 to index
      %swap3A_1047 = tpu.vector_load %arg15[%swap3A_1046] {strides = array<i32>} : memref<10000xf32, #tpu.memory_space<vmem>>, vector<16xf32>,
      tpu.vector_store %arg15[%swap3A_1046], %select_n3A_1040 {strides = array<i32>} : memref<10000xf32, #tpu.memory_space<vmem>>, vector<16xf32>,
      %scan3A_1048 = arith.constant 3 : i32
      %mul3A_1049 = arith.constant 16 : i32
      %mul3A_1050 = arith.muli %scan3A_1048, %mul3A_1049 : i32
      %get3A_1051 = arith.index_cast %mul3A_1050 : i32 to index
      %get3A_1052 = tpu.vector_load %arg14[%get3A_1051] {strides = array<i32>} : memref<80xi32, #tpu.memory_space<vmem>>, vector<16xi32>,
      %mul3A_1053 = arith.constant 80 : i32
      %mul3A_1054 = arith.muli %add3A_959, %mul3A_1053 : i32
      %mul3A_1055 = arith.constant 16 : i32
      %mul3A_1056 = arith.muli %scan3A_1048, %mul3A_1055 : i32
      %add3A_1057 = arith.addi %mul3A_1054, %mul3A_1056 : i32
      %get3A_1058 = arith.index_cast %add3A_1057 : i32 to index
      %get3A_1059 = tpu.vector_load %arg9[%get3A_1058] {strides = array<i32>} : memref<10000xi32, #tpu.memory_space<vmem>>, vector<16xi32>,
      %bitcast3A_1060 = vector.bitcast %get3A_1052 : vector<16xi32> to vector<32xbf16>
      %unpack3A_1061 = tpu.unpack_subelements %bitcast3A_1060, 0 {pack_format = #tpu.pack_format<interleaved>} : vector<32xbf16> -> vector<16xf32>
      %unpack3A_1062 = tpu.unpack_subelements %bitcast3A_1060, 1 {pack_format = #tpu.pack_format<interleaved>} : vector<32xbf16> -> vector<16xf32>
      %and3A_1063 = arith.constant 1 : i32
      %and3A_1064 = vector.broadcast %and3A_1063 : i32 to vector<16xi32>
      %and3A_1065 = arith.andi %get3A_1059, %and3A_1064 : vector<16xi32>
      %eq3A_1066 = arith.constant 1 : i32
      %eq3A_1067 = vector.broadcast %eq3A_1066 : i32 to vector<16xi32>
      %eq3A_1068 = arith.cmpi eq, %and3A_1065, %eq3A_1067 : vector<16xi32>
      %select_n3A_1069 = arith.select %eq3A_1068, %unpack3A_1062, %unpack3A_1061 : vector<16xi1>, vector<16xf32>
      %mul3A_1070 = arith.constant 80 : i32
      %mul3A_1071 = arith.muli %add3A_959, %mul3A_1070 : i32
      %mul3A_1072 = arith.constant 16 : i32
      %mul3A_1073 = arith.muli %scan3A_1048, %mul3A_1072 : i32
      %add3A_1074 = arith.addi %mul3A_1071, %mul3A_1073 : i32
      %swap3A_1075 = arith.index_cast %add3A_1074 : i32 to index
      %swap3A_1076 = tpu.vector_load %arg15[%swap3A_1075] {strides = array<i32>} : memref<10000xf32, #tpu.memory_space<vmem>>, vector<16xf32>,
      tpu.vector_store %arg15[%swap3A_1075], %select_n3A_1069 {strides = array<i32>} : memref<10000xf32, #tpu.memory_space<vmem>>, vector<16xf32>,
      %scan3A_1077 = arith.constant 4 : i32
      %mul3A_1078 = arith.constant 16 : i32
      %mul3A_1079 = arith.muli %scan3A_1077, %mul3A_1078 : i32
      %get3A_1080 = arith.index_cast %mul3A_1079 : i32 to index
      %get3A_1081 = tpu.vector_load %arg14[%get3A_1080] {strides = array<i32>} : memref<80xi32, #tpu.memory_space<vmem>>, vector<16xi32>,
      %mul3A_1082 = arith.constant 80 : i32
      %mul3A_1083 = arith.muli %add3A_959, %mul3A_1082 : i32
      %mul3A_1084 = arith.constant 16 : i32
      %mul3A_1085 = arith.muli %scan3A_1077, %mul3A_1084 : i32
      %add3A_1086 = arith.addi %mul3A_1083, %mul3A_1085 : i32
      %get3A_1087 = arith.index_cast %add3A_1086 : i32 to index
      %get3A_1088 = tpu.vector_load %arg9[%get3A_1087] {strides = array<i32>} : memref<10000xi32, #tpu.memory_space<vmem>>, vector<16xi32>,
      %bitcast3A_1089 = vector.bitcast %get3A_1081 : vector<16xi32> to vector<32xbf16>
      %unpack3A_1090 = tpu.unpack_subelements %bitcast3A_1089, 0 {pack_format = #tpu.pack_format<interleaved>} : vector<32xbf16> -> vector<16xf32>
      %unpack3A_1091 = tpu.unpack_subelements %bitcast3A_1089, 1 {pack_format = #tpu.pack_format<interleaved>} : vector<32xbf16> -> vector<16xf32>
      %and3A_1092 = arith.constant 1 : i32
      %and3A_1093 = vector.broadcast %and3A_1092 : i32 to vector<16xi32>
      %and3A_1094 = arith.andi %get3A_1088, %and3A_1093 : vector<16xi32>
      %eq3A_1095 = arith.constant 1 : i32
      %eq3A_1096 = vector.broadcast %eq3A_1095 : i32 to vector<16xi32>
      %eq3A_1097 = arith.cmpi eq, %and3A_1094, %eq3A_1096 : vector<16xi32>
      %select_n3A_1098 = arith.select %eq3A_1097, %unpack3A_1091, %unpack3A_1090 : vector<16xi1>, vector<16xf32>
      %mul3A_1099 = arith.constant 80 : i32
      %mul3A_1100 = arith.muli %add3A_959, %mul3A_1099 : i32
      %mul3A_1101 = arith.constant 16 : i32
      %mul3A_1102 = arith.muli %scan3A_1077, %mul3A_1101 : i32
      %add3A_1103 = arith.addi %mul3A_1100, %mul3A_1102 : i32
      %swap3A_1104 = arith.index_cast %add3A_1103 : i32 to index
      %swap3A_1105 = tpu.vector_load %arg15[%swap3A_1104] {strides = array<i32>} : memref<10000xf32, #tpu.memory_space<vmem>>, vector<16xf32>,
      tpu.vector_store %arg15[%swap3A_1104], %select_n3A_1098 {strides = array<i32>} : memref<10000xf32, #tpu.memory_space<vmem>>, vector<16xf32>,
      %scan3A_1106 = arith.constant 5 : i32
    }
    %scan3A_125 = arith.constant 62 : i32
    %dma_wait3A = arith.constant 0 : i32
    %dma_wait3A_126 = tpu.memref_slice %arg2[%dma_wait3A] : memref<51200000xi32, #tpu.memory_space<hbm>> -> memref<51200000xi32, #tpu.memory_space<hbm>>
    tpu.wait_indirect_dma semaphore(%arg16 : memref<!tpu.dma_semaphore, #tpu.memory_space<semaphore_mem>>) src(%dma_wait3A_126 : memref<51200000xi32, #tpu.memory_space<hbm>>) dst(%arg13 : memref<80xi32, #tpu.memory_space<vmem>>)
    %scan3A_127 = arith.constant 0 : i32
    %scan3A_128 = arith.constant 0 : i32
    %mul3A_129 = arith.constant 16 : i32
    %mul3A_130 = arith.muli %scan3A_128, %mul3A_129 : i32
    %get3A_131 = arith.index_cast %mul3A_130 : i32 to index
    %get3A_132 = tpu.vector_load %arg13[%get3A_131] {strides = array<i32>} : memref<80xi32, #tpu.memory_space<vmem>>, vector<16xi32>,
    %mul3A_133 = arith.constant 16 : i32
    %mul3A_134 = arith.muli %scan3A_128, %mul3A_133 : i32
    %add3A_135 = arith.constant 9920 : i32
    %add3A_136 = arith.addi %add3A_135, %mul3A_134 : i32
    %get3A_137 = arith.index_cast %add3A_136 : i32 to index
    %get3A_138 = tpu.vector_load %arg9[%get3A_137] {strides = array<i32>} : memref<10000xi32, #tpu.memory_space<vmem>>, vector<16xi32>,
    %bitcast3A = vector.bitcast %get3A_132 : vector<16xi32> to vector<32xbf16>
    %unpack3A = tpu.unpack_subelements %bitcast3A, 0 {pack_format = #tpu.pack_format<interleaved>} : vector<32xbf16> -> vector<16xf32>
    %unpack3A_139 = tpu.unpack_subelements %bitcast3A, 1 {pack_format = #tpu.pack_format<interleaved>} : vector<32xbf16> -> vector<16xf32>
    %and3A = arith.constant 1 : i32
    %and3A_140 = vector.broadcast %and3A : i32 to vector<16xi32>
    %and3A_141 = arith.andi %get3A_138, %and3A_140 : vector<16xi32>
    %eq3A = arith.constant 1 : i32
    %eq3A_142 = vector.broadcast %eq3A : i32 to vector<16xi32>
    %eq3A_143 = arith.cmpi eq, %and3A_141, %eq3A_142 : vector<16xi32>
    %select_n3A = arith.select %eq3A_143, %unpack3A_139, %unpack3A : vector<16xi1>, vector<16xf32>
    %mul3A_144 = arith.constant 16 : i32
    %mul3A_145 = arith.muli %scan3A_128, %mul3A_144 : i32
    %add3A_146 = arith.constant 9920 : i32
    %add3A_147 = arith.addi %add3A_146, %mul3A_145 : i32
    %swap3A_148 = arith.index_cast %add3A_147 : i32 to index
    %swap3A_149 = tpu.vector_load %arg15[%swap3A_148] {strides = array<i32>} : memref<10000xf32, #tpu.memory_space<vmem>>, vector<16xf32>,
    tpu.vector_store %arg15[%swap3A_148], %select_n3A {strides = array<i32>} : memref<10000xf32, #tpu.memory_space<vmem>>, vector<16xf32>,
    %scan3A_150 = arith.constant 1 : i32
    %mul3A_151 = arith.constant 16 : i32
    %mul3A_152 = arith.muli %scan3A_150, %mul3A_151 : i32
    %get3A_153 = arith.index_cast %mul3A_152 : i32 to index
    %get3A_154 = tpu.vector_load %arg13[%get3A_153] {strides = array<i32>} : memref<80xi32, #tpu.memory_space<vmem>>, vector<16xi32>,
    %mul3A_155 = arith.constant 16 : i32
    %mul3A_156 = arith.muli %scan3A_150, %mul3A_155 : i32
    %add3A_157 = arith.constant 9920 : i32
    %add3A_158 = arith.addi %add3A_157, %mul3A_156 : i32
    %get3A_159 = arith.index_cast %add3A_158 : i32 to index
    %get3A_160 = tpu.vector_load %arg9[%get3A_159] {strides = array<i32>} : memref<10000xi32, #tpu.memory_space<vmem>>, vector<16xi32>,
    %bitcast3A_161 = vector.bitcast %get3A_154 : vector<16xi32> to vector<32xbf16>
    %unpack3A_162 = tpu.unpack_subelements %bitcast3A_161, 0 {pack_format = #tpu.pack_format<interleaved>} : vector<32xbf16> -> vector<16xf32>
    %unpack3A_163 = tpu.unpack_subelements %bitcast3A_161, 1 {pack_format = #tpu.pack_format<interleaved>} : vector<32xbf16> -> vector<16xf32>
    %and3A_164 = arith.constant 1 : i32
    %and3A_165 = vector.broadcast %and3A_164 : i32 to vector<16xi32>
    %and3A_166 = arith.andi %get3A_160, %and3A_165 : vector<16xi32>
    %eq3A_167 = arith.constant 1 : i32
    %eq3A_168 = vector.broadcast %eq3A_167 : i32 to vector<16xi32>
    %eq3A_169 = arith.cmpi eq, %and3A_166, %eq3A_168 : vector<16xi32>
    %select_n3A_170 = arith.select %eq3A_169, %unpack3A_163, %unpack3A_162 : vector<16xi1>, vector<16xf32>
    %mul3A_171 = arith.constant 16 : i32
    %mul3A_172 = arith.muli %scan3A_150, %mul3A_171 : i32
    %add3A_173 = arith.constant 9920 : i32
    %add3A_174 = arith.addi %add3A_173, %mul3A_172 : i32
    %swap3A_175 = arith.index_cast %add3A_174 : i32 to index
    %swap3A_176 = tpu.vector_load %arg15[%swap3A_175] {strides = array<i32>} : memref<10000xf32, #tpu.memory_space<vmem>>, vector<16xf32>,
    tpu.vector_store %arg15[%swap3A_175], %select_n3A_170 {strides = array<i32>} : memref<10000xf32, #tpu.memory_space<vmem>>, vector<16xf32>,
    %scan3A_177 = arith.constant 2 : i32
    %mul3A_178 = arith.constant 16 : i32
    %mul3A_179 = arith.muli %scan3A_177, %mul3A_178 : i32
    %get3A_180 = arith.index_cast %mul3A_179 : i32 to index
    %get3A_181 = tpu.vector_load %arg13[%get3A_180] {strides = array<i32>} : memref<80xi32, #tpu.memory_space<vmem>>, vector<16xi32>,
    %mul3A_182 = arith.constant 16 : i32
    %mul3A_183 = arith.muli %scan3A_177, %mul3A_182 : i32
    %add3A_184 = arith.constant 9920 : i32
    %add3A_185 = arith.addi %add3A_184, %mul3A_183 : i32
    %get3A_186 = arith.index_cast %add3A_185 : i32 to index
    %get3A_187 = tpu.vector_load %arg9[%get3A_186] {strides = array<i32>} : memref<10000xi32, #tpu.memory_space<vmem>>, vector<16xi32>,
    %bitcast3A_188 = vector.bitcast %get3A_181 : vector<16xi32> to vector<32xbf16>
    %unpack3A_189 = tpu.unpack_subelements %bitcast3A_188, 0 {pack_format = #tpu.pack_format<interleaved>} : vector<32xbf16> -> vector<16xf32>
    %unpack3A_190 = tpu.unpack_subelements %bitcast3A_188, 1 {pack_format = #tpu.pack_format<interleaved>} : vector<32xbf16> -> vector<16xf32>
    %and3A_191 = arith.constant 1 : i32
    %and3A_192 = vector.broadcast %and3A_191 : i32 to vector<16xi32>
    %and3A_193 = arith.andi %get3A_187, %and3A_192 : vector<16xi32>
    %eq3A_194 = arith.constant 1 : i32
    %eq3A_195 = vector.broadcast %eq3A_194 : i32 to vector<16xi32>
    %eq3A_196 = arith.cmpi eq, %and3A_193, %eq3A_195 : vector<16xi32>
    %select_n3A_197 = arith.select %eq3A_196, %unpack3A_190, %unpack3A_189 : vector<16xi1>, vector<16xf32>
    %mul3A_198 = arith.constant 16 : i32
    %mul3A_199 = arith.muli %scan3A_177, %mul3A_198 : i32
    %add3A_200 = arith.constant 9920 : i32
    %add3A_201 = arith.addi %add3A_200, %mul3A_199 : i32
    %swap3A_202 = arith.index_cast %add3A_201 : i32 to index
    %swap3A_203 = tpu.vector_load %arg15[%swap3A_202] {strides = array<i32>} : memref<10000xf32, #tpu.memory_space<vmem>>, vector<16xf32>,
    tpu.vector_store %arg15[%swap3A_202], %select_n3A_197 {strides = array<i32>} : memref<10000xf32, #tpu.memory_space<vmem>>, vector<16xf32>,
    %scan3A_204 = arith.constant 3 : i32
    %mul3A_205 = arith.constant 16 : i32
    %mul3A_206 = arith.muli %scan3A_204, %mul3A_205 : i32
    %get3A_207 = arith.index_cast %mul3A_206 : i32 to index
    %get3A_208 = tpu.vector_load %arg13[%get3A_207] {strides = array<i32>} : memref<80xi32, #tpu.memory_space<vmem>>, vector<16xi32>,
    %mul3A_209 = arith.constant 16 : i32
    %mul3A_210 = arith.muli %scan3A_204, %mul3A_209 : i32
    %add3A_211 = arith.constant 9920 : i32
    %add3A_212 = arith.addi %add3A_211, %mul3A_210 : i32
    %get3A_213 = arith.index_cast %add3A_212 : i32 to index
    %get3A_214 = tpu.vector_load %arg9[%get3A_213] {strides = array<i32>} : memref<10000xi32, #tpu.memory_space<vmem>>, vector<16xi32>,
    %bitcast3A_215 = vector.bitcast %get3A_208 : vector<16xi32> to vector<32xbf16>
    %unpack3A_216 = tpu.unpack_subelements %bitcast3A_215, 0 {pack_format = #tpu.pack_format<interleaved>} : vector<32xbf16> -> vector<16xf32>
    %unpack3A_217 = tpu.unpack_subelements %bitcast3A_215, 1 {pack_format = #tpu.pack_format<interleaved>} : vector<32xbf16> -> vector<16xf32>
    %and3A_218 = arith.constant 1 : i32
    %and3A_219 = vector.broadcast %and3A_218 : i32 to vector<16xi32>
    %and3A_220 = arith.andi %get3A_214, %and3A_219 : vector<16xi32>
    %eq3A_221 = arith.constant 1 : i32
    %eq3A_222 = vector.broadcast %eq3A_221 : i32 to vector<16xi32>
    %eq3A_223 = arith.cmpi eq, %and3A_220, %eq3A_222 : vector<16xi32>
    %select_n3A_224 = arith.select %eq3A_223, %unpack3A_217, %unpack3A_216 : vector<16xi1>, vector<16xf32>
    %mul3A_225 = arith.constant 16 : i32
    %mul3A_226 = arith.muli %scan3A_204, %mul3A_225 : i32
    %add3A_227 = arith.constant 9920 : i32
    %add3A_228 = arith.addi %add3A_227, %mul3A_226 : i32
    %swap3A_229 = arith.index_cast %add3A_228 : i32 to index
    %swap3A_230 = tpu.vector_load %arg15[%swap3A_229] {strides = array<i32>} : memref<10000xf32, #tpu.memory_space<vmem>>, vector<16xf32>,
    tpu.vector_store %arg15[%swap3A_229], %select_n3A_224 {strides = array<i32>} : memref<10000xf32, #tpu.memory_space<vmem>>, vector<16xf32>,
    %scan3A_231 = arith.constant 4 : i32
    %mul3A_232 = arith.constant 16 : i32
    %mul3A_233 = arith.muli %scan3A_231, %mul3A_232 : i32
    %get3A_234 = arith.index_cast %mul3A_233 : i32 to index
    %get3A_235 = tpu.vector_load %arg13[%get3A_234] {strides = array<i32>} : memref<80xi32, #tpu.memory_space<vmem>>, vector<16xi32>,
    %mul3A_236 = arith.constant 16 : i32
    %mul3A_237 = arith.muli %scan3A_231, %mul3A_236 : i32
    %add3A_238 = arith.constant 9920 : i32
    %add3A_239 = arith.addi %add3A_238, %mul3A_237 : i32
    %get3A_240 = arith.index_cast %add3A_239 : i32 to index
    %get3A_241 = tpu.vector_load %arg9[%get3A_240] {strides = array<i32>} : memref<10000xi32, #tpu.memory_space<vmem>>, vector<16xi32>,
    %bitcast3A_242 = vector.bitcast %get3A_235 : vector<16xi32> to vector<32xbf16>
    %unpack3A_243 = tpu.unpack_subelements %bitcast3A_242, 0 {pack_format = #tpu.pack_format<interleaved>} : vector<32xbf16> -> vector<16xf32>
    %unpack3A_244 = tpu.unpack_subelements %bitcast3A_242, 1 {pack_format = #tpu.pack_format<interleaved>} : vector<32xbf16> -> vector<16xf32>
    %and3A_245 = arith.constant 1 : i32
    %and3A_246 = vector.broadcast %and3A_245 : i32 to vector<16xi32>
    %and3A_247 = arith.andi %get3A_241, %and3A_246 : vector<16xi32>
    %eq3A_248 = arith.constant 1 : i32
    %eq3A_249 = vector.broadcast %eq3A_248 : i32 to vector<16xi32>
    %eq3A_250 = arith.cmpi eq, %and3A_247, %eq3A_249 : vector<16xi32>
    %select_n3A_251 = arith.select %eq3A_250, %unpack3A_244, %unpack3A_243 : vector<16xi1>, vector<16xf32>
    %mul3A_252 = arith.constant 16 : i32
    %mul3A_253 = arith.muli %scan3A_231, %mul3A_252 : i32
    %add3A_254 = arith.constant 9920 : i32
    %add3A_255 = arith.addi %add3A_254, %mul3A_253 : i32
    %swap3A_256 = arith.index_cast %add3A_255 : i32 to index
    %swap3A_257 = tpu.vector_load %arg15[%swap3A_256] {strides = array<i32>} : memref<10000xf32, #tpu.memory_space<vmem>>, vector<16xf32>,
    tpu.vector_store %arg15[%swap3A_256], %select_n3A_251 {strides = array<i32>} : memref<10000xf32, #tpu.memory_space<vmem>>, vector<16xf32>,
    %scan3A_258 = arith.constant 5 : i32
    %mul3A_259 = arith.constant 10000 : i32
    %mul3A_260 = arith.muli %add3A, %mul3A_259 : i32
    "tpu.region"() ({
      %run_scoped3A = tpu.sem_alloc : memref<!tpu.dma_semaphore, #tpu.memory_space<semaphore_mem>>
      %dma_start3A_532 = tpu.memref_slice %arg7[%mul3A_260] : memref<320000xf32, #tpu.memory_space<hbm>> -> memref<10000xf32, #tpu.memory_space<hbm>>
      %dma_start3A_533 = tpu.memref_slice %arg7[%mul3A_260] : memref<320000xf32, #tpu.memory_space<hbm>> -> memref<10000xf32, #tpu.memory_space<hbm>>
      tpu.enqueue_dma source(%arg15 : memref<10000xf32, #tpu.memory_space<vmem>>) target(%dma_start3A_533 : memref<10000xf32, #tpu.memory_space<hbm>>) target_semaphore(%run_scoped3A : memref<!tpu.dma_semaphore, #tpu.memory_space<semaphore_mem>>)
      %dma_wait3A_534 = tpu.memref_slice %arg7[%mul3A_260] : memref<320000xf32, #tpu.memory_space<hbm>> -> memref<10000xf32, #tpu.memory_space<hbm>>
      %dma_wait3A_535 = tpu.memref_slice %arg7[%mul3A_260] : memref<320000xf32, #tpu.memory_space<hbm>> -> memref<10000xf32, #tpu.memory_space<hbm>>
      tpu.wait_dma2 semaphore(%run_scoped3A : memref<!tpu.dma_semaphore, #tpu.memory_space<semaphore_mem>>) src(%arg15 : memref<10000xf32, #tpu.memory_space<vmem>>) dst(%dma_wait3A_535 : memref<10000xf32, #tpu.memory_space<hbm>>)
      tpu.yield
    }) : () -> ()
    "tpu.region"() ({
      %run_scoped3A = tpu.sem_alloc : memref<!tpu.dma_semaphore, #tpu.memory_space<semaphore_mem>>
      %dma_start3A_532 = arith.constant 0 : i32
      %dma_start3A_533 = tpu.memref_slice %arg5[%add3A, %dma_start3A_532] : memref<32x10000xi32, #tpu.memory_space<hbm>> -> memref<1x10000xi32, #tpu.memory_space<hbm>>
      %dma_start3A_534 = tpu.memref_squeeze %dma_start3A_533 : memref<1x10000xi32, #tpu.memory_space<hbm>> -> memref<10000xi32, #tpu.memory_space<hbm>>
      %dma_start3A_535 = arith.constant 0 : i32
      %dma_start3A_536 = tpu.memref_slice %arg5[%add3A, %dma_start3A_535] : memref<32x10000xi32, #tpu.memory_space<hbm>> -> memref<1x10000xi32, #tpu.memory_space<hbm>>
      %dma_start3A_537 = tpu.memref_squeeze %dma_start3A_536 : memref<1x10000xi32, #tpu.memory_space<hbm>> -> memref<10000xi32, #tpu.memory_space<hbm>>
      tpu.enqueue_dma source(%dma_start3A_537 : memref<10000xi32, #tpu.memory_space<hbm>>) target(%arg9 : memref<10000xi32, #tpu.memory_space<vmem>>) target_semaphore(%run_scoped3A : memref<!tpu.dma_semaphore, #tpu.memory_space<semaphore_mem>>)
      %dma_wait3A_538 = arith.constant 0 : i32
      %dma_wait3A_539 = tpu.memref_slice %arg5[%add3A, %dma_wait3A_538] : memref<32x10000xi32, #tpu.memory_space<hbm>> -> memref<1x10000xi32, #tpu.memory_space<hbm>>
      %dma_wait3A_540 = tpu.memref_squeeze %dma_wait3A_539 : memref<1x10000xi32, #tpu.memory_space<hbm>> -> memref<10000xi32, #tpu.memory_space<hbm>>
      %dma_wait3A_541 = arith.constant 0 : i32
      %dma_wait3A_542 = tpu.memref_slice %arg5[%add3A, %dma_wait3A_541] : memref<32x10000xi32, #tpu.memory_space<hbm>> -> memref<1x10000xi32, #tpu.memory_space<hbm>>
      %dma_wait3A_543 = tpu.memref_squeeze %dma_wait3A_542 : memref<1x10000xi32, #tpu.memory_space<hbm>> -> memref<10000xi32, #tpu.memory_space<hbm>>
      tpu.wait_dma2 semaphore(%run_scoped3A : memref<!tpu.dma_semaphore, #tpu.memory_space<semaphore_mem>>) src(%dma_wait3A_543 : memref<10000xi32, #tpu.memory_space<hbm>>) dst(%arg9 : memref<10000xi32, #tpu.memory_space<vmem>>)
      tpu.yield
    }) : () -> ()
    "tpu.region"() ({
      %run_scoped3A = tpu.sem_alloc : memref<!tpu.dma_semaphore, #tpu.memory_space<semaphore_mem>>
      %dma_start3A_532 = arith.constant 0 : i32
      %dma_start3A_533 = tpu.memref_slice %arg6[%add3A, %dma_start3A_532] : memref<32x10000xi32, #tpu.memory_space<hbm>> -> memref<1x10000xi32, #tpu.memory_space<hbm>>
      %dma_start3A_534 = tpu.memref_squeeze %dma_start3A_533 : memref<1x10000xi32, #tpu.memory_space<hbm>> -> memref<10000xi32, #tpu.memory_space<hbm>>
      %dma_start3A_535 = arith.constant 0 : i32
      %dma_start3A_536 = tpu.memref_slice %arg6[%add3A, %dma_start3A_535] : memref<32x10000xi32, #tpu.memory_space<hbm>> -> memref<1x10000xi32, #tpu.memory_space<hbm>>
      %dma_start3A_537 = tpu.memref_squeeze %dma_start3A_536 : memref<1x10000xi32, #tpu.memory_space<hbm>> -> memref<10000xi32, #tpu.memory_space<hbm>>
      tpu.enqueue_dma source(%dma_start3A_537 : memref<10000xi32, #tpu.memory_space<hbm>>) target(%arg10 : memref<10000xi32, #tpu.memory_space<vmem>>) target_semaphore(%run_scoped3A : memref<!tpu.dma_semaphore, #tpu.memory_space<semaphore_mem>>)
      %dma_wait3A_538 = arith.constant 0 : i32
      %dma_wait3A_539 = tpu.memref_slice %arg6[%add3A, %dma_wait3A_538] : memref<32x10000xi32, #tpu.memory_space<hbm>> -> memref<1x10000xi32, #tpu.memory_space<hbm>>
      %dma_wait3A_540 = tpu.memref_squeeze %dma_wait3A_539 : memref<1x10000xi32, #tpu.memory_space<hbm>> -> memref<10000xi32, #tpu.memory_space<hbm>>
      %dma_wait3A_541 = arith.constant 0 : i32
      %dma_wait3A_542 = tpu.memref_slice %arg6[%add3A, %dma_wait3A_541] : memref<32x10000xi32, #tpu.memory_space<hbm>> -> memref<1x10000xi32, #tpu.memory_space<hbm>>
      %dma_wait3A_543 = tpu.memref_squeeze %dma_wait3A_542 : memref<1x10000xi32, #tpu.memory_space<hbm>> -> memref<10000xi32, #tpu.memory_space<hbm>>
      tpu.wait_dma2 semaphore(%run_scoped3A : memref<!tpu.dma_semaphore, #tpu.memory_space<semaphore_mem>>) src(%dma_wait3A_543 : memref<10000xi32, #tpu.memory_space<hbm>>) dst(%arg10 : memref<10000xi32, #tpu.memory_space<vmem>>)
      tpu.yield
    }) : () -> ()
    %scan3A_261 = arith.constant 0 : i32
    %scan3A_262 = arith.constant 0 : i32
    %mul3A_263 = arith.constant 16 : i32
    %mul3A_264 = arith.muli %scan3A_262, %mul3A_263 : i32
    %add3A_265 = arith.constant 0 : i32
    %add3A_266 = arith.addi %add3A_265, %mul3A_264 : i32
    %get3A_267 = arith.index_cast %add3A_266 : i32 to index
    %get3A_268 = tpu.vector_load %arg9[%get3A_267] {strides = array<i32>} : memref<10000xi32, #tpu.memory_space<vmem>>, vector<16xi32>,
    %mul3A_269 = arith.constant 16 : i32
    %mul3A_270 = arith.muli %scan3A_262, %mul3A_269 : i32
    %add3A_271 = arith.constant 0 : i32
    %add3A_272 = arith.addi %add3A_271, %mul3A_270 : i32
    %get3A_273 = arith.index_cast %add3A_272 : i32 to index
    %get3A_274 = tpu.vector_load %arg10[%get3A_273] {strides = array<i32>} : memref<10000xi32, #tpu.memory_space<vmem>>, vector<16xi32>,
    %shift_right_logical3A_275 = arith.constant 1 : i32
    %shift_right_logical3A_276 = vector.broadcast %shift_right_logical3A_275 : i32 to vector<16xi32>
    %shift_right_logical3A_277 = arith.shrui %get3A_268, %shift_right_logical3A_276 : vector<16xi32>
    %mul3A_278 = arith.constant 10240 : i32
    %mul3A_279 = vector.broadcast %mul3A_278 : i32 to vector<16xi32>
    %mul3A_280 = arith.muli %shift_right_logical3A_277, %mul3A_279 : vector<16xi32>
    %add3A_281 = arith.addi %mul3A_280, %get3A_274 : vector<16xi32>
    %mul3A_282 = arith.constant 16 : i32
    %mul3A_283 = arith.muli %scan3A_262, %mul3A_282 : i32
    %swap3A_284 = arith.index_cast %mul3A_283 : i32 to index
    %swap3A_285 = tpu.vector_load %arg11[%swap3A_284] {strides = array<i32>} : memref<80xi32, #tpu.memory_space<vmem>>, vector<16xi32>,
    tpu.vector_store %arg11[%swap3A_284], %add3A_281 {strides = array<i32>} : memref<80xi32, #tpu.memory_space<vmem>>, vector<16xi32>,
    %scan3A_286 = arith.constant 1 : i32
    %mul3A_287 = arith.constant 16 : i32
    %mul3A_288 = arith.muli %scan3A_286, %mul3A_287 : i32
    %add3A_289 = arith.constant 0 : i32
    %add3A_290 = arith.addi %add3A_289, %mul3A_288 : i32
    %get3A_291 = arith.index_cast %add3A_290 : i32 to index
    %get3A_292 = tpu.vector_load %arg9[%get3A_291] {strides = array<i32>} : memref<10000xi32, #tpu.memory_space<vmem>>, vector<16xi32>,
    %mul3A_293 = arith.constant 16 : i32
    %mul3A_294 = arith.muli %scan3A_286, %mul3A_293 : i32
    %add3A_295 = arith.constant 0 : i32
    %add3A_296 = arith.addi %add3A_295, %mul3A_294 : i32
    %get3A_297 = arith.index_cast %add3A_296 : i32 to index
    %get3A_298 = tpu.vector_load %arg10[%get3A_297] {strides = array<i32>} : memref<10000xi32, #tpu.memory_space<vmem>>, vector<16xi32>,
    %shift_right_logical3A_299 = arith.constant 1 : i32
    %shift_right_logical3A_300 = vector.broadcast %shift_right_logical3A_299 : i32 to vector<16xi32>
    %shift_right_logical3A_301 = arith.shrui %get3A_292, %shift_right_logical3A_300 : vector<16xi32>
    %mul3A_302 = arith.constant 10240 : i32
    %mul3A_303 = vector.broadcast %mul3A_302 : i32 to vector<16xi32>
    %mul3A_304 = arith.muli %shift_right_logical3A_301, %mul3A_303 : vector<16xi32>
    %add3A_305 = arith.addi %mul3A_304, %get3A_298 : vector<16xi32>
    %mul3A_306 = arith.constant 16 : i32
    %mul3A_307 = arith.muli %scan3A_286, %mul3A_306 : i32
    %swap3A_308 = arith.index_cast %mul3A_307 : i32 to index
    %swap3A_309 = tpu.vector_load %arg11[%swap3A_308] {strides = array<i32>} : memref<80xi32, #tpu.memory_space<vmem>>, vector<16xi32>,
    tpu.vector_store %arg11[%swap3A_308], %add3A_305 {strides = array<i32>} : memref<80xi32, #tpu.memory_space<vmem>>, vector<16xi32>,
    %scan3A_310 = arith.constant 2 : i32
    %mul3A_311 = arith.constant 16 : i32
    %mul3A_312 = arith.muli %scan3A_310, %mul3A_311 : i32
    %add3A_313 = arith.constant 0 : i32
    %add3A_314 = arith.addi %add3A_313, %mul3A_312 : i32
    %get3A_315 = arith.index_cast %add3A_314 : i32 to index
    %get3A_316 = tpu.vector_load %arg9[%get3A_315] {strides = array<i32>} : memref<10000xi32, #tpu.memory_space<vmem>>, vector<16xi32>,
    %mul3A_317 = arith.constant 16 : i32
    %mul3A_318 = arith.muli %scan3A_310, %mul3A_317 : i32
    %add3A_319 = arith.constant 0 : i32
    %add3A_320 = arith.addi %add3A_319, %mul3A_318 : i32
    %get3A_321 = arith.index_cast %add3A_320 : i32 to index
    %get3A_322 = tpu.vector_load %arg10[%get3A_321] {strides = array<i32>} : memref<10000xi32, #tpu.memory_space<vmem>>, vector<16xi32>,
    %shift_right_logical3A_323 = arith.constant 1 : i32
    %shift_right_logical3A_324 = vector.broadcast %shift_right_logical3A_323 : i32 to vector<16xi32>
    %shift_right_logical3A_325 = arith.shrui %get3A_316, %shift_right_logical3A_324 : vector<16xi32>
    %mul3A_326 = arith.constant 10240 : i32
    %mul3A_327 = vector.broadcast %mul3A_326 : i32 to vector<16xi32>
    %mul3A_328 = arith.muli %shift_right_logical3A_325, %mul3A_327 : vector<16xi32>
    %add3A_329 = arith.addi %mul3A_328, %get3A_322 : vector<16xi32>
    %mul3A_330 = arith.constant 16 : i32
    %mul3A_331 = arith.muli %scan3A_310, %mul3A_330 : i32
    %swap3A_332 = arith.index_cast %mul3A_331 : i32 to index
    %swap3A_333 = tpu.vector_load %arg11[%swap3A_332] {strides = array<i32>} : memref<80xi32, #tpu.memory_space<vmem>>, vector<16xi32>,
    tpu.vector_store %arg11[%swap3A_332], %add3A_329 {strides = array<i32>} : memref<80xi32, #tpu.memory_space<vmem>>, vector<16xi32>,
    %scan3A_334 = arith.constant 3 : i32
    %mul3A_335 = arith.constant 16 : i32
    %mul3A_336 = arith.muli %scan3A_334, %mul3A_335 : i32
    %add3A_337 = arith.constant 0 : i32
    %add3A_338 = arith.addi %add3A_337, %mul3A_336 : i32
    %get3A_339 = arith.index_cast %add3A_338 : i32 to index
    %get3A_340 = tpu.vector_load %arg9[%get3A_339] {strides = array<i32>} : memref<10000xi32, #tpu.memory_space<vmem>>, vector<16xi32>,
    %mul3A_341 = arith.constant 16 : i32
    %mul3A_342 = arith.muli %scan3A_334, %mul3A_341 : i32
    %add3A_343 = arith.constant 0 : i32
    %add3A_344 = arith.addi %add3A_343, %mul3A_342 : i32
    %get3A_345 = arith.index_cast %add3A_344 : i32 to index
    %get3A_346 = tpu.vector_load %arg10[%get3A_345] {strides = array<i32>} : memref<10000xi32, #tpu.memory_space<vmem>>, vector<16xi32>,
    %shift_right_logical3A_347 = arith.constant 1 : i32
    %shift_right_logical3A_348 = vector.broadcast %shift_right_logical3A_347 : i32 to vector<16xi32>
    %shift_right_logical3A_349 = arith.shrui %get3A_340, %shift_right_logical3A_348 : vector<16xi32>
    %mul3A_350 = arith.constant 10240 : i32
    %mul3A_351 = vector.broadcast %mul3A_350 : i32 to vector<16xi32>
    %mul3A_352 = arith.muli %shift_right_logical3A_349, %mul3A_351 : vector<16xi32>
    %add3A_353 = arith.addi %mul3A_352, %get3A_346 : vector<16xi32>
    %mul3A_354 = arith.constant 16 : i32
    %mul3A_355 = arith.muli %scan3A_334, %mul3A_354 : i32
    %swap3A_356 = arith.index_cast %mul3A_355 : i32 to index
    %swap3A_357 = tpu.vector_load %arg11[%swap3A_356] {strides = array<i32>} : memref<80xi32, #tpu.memory_space<vmem>>, vector<16xi32>,
    tpu.vector_store %arg11[%swap3A_356], %add3A_353 {strides = array<i32>} : memref<80xi32, #tpu.memory_space<vmem>>, vector<16xi32>,
    %scan3A_358 = arith.constant 4 : i32
    %mul3A_359 = arith.constant 16 : i32
    %mul3A_360 = arith.muli %scan3A_358, %mul3A_359 : i32
    %add3A_361 = arith.constant 0 : i32
    %add3A_362 = arith.addi %add3A_361, %mul3A_360 : i32
    %get3A_363 = arith.index_cast %add3A_362 : i32 to index
    %get3A_364 = tpu.vector_load %arg9[%get3A_363] {strides = array<i32>} : memref<10000xi32, #tpu.memory_space<vmem>>, vector<16xi32>,
    %mul3A_365 = arith.constant 16 : i32
    %mul3A_366 = arith.muli %scan3A_358, %mul3A_365 : i32
    %add3A_367 = arith.constant 0 : i32
    %add3A_368 = arith.addi %add3A_367, %mul3A_366 : i32
    %get3A_369 = arith.index_cast %add3A_368 : i32 to index
    %get3A_370 = tpu.vector_load %arg10[%get3A_369] {strides = array<i32>} : memref<10000xi32, #tpu.memory_space<vmem>>, vector<16xi32>,
    %shift_right_logical3A_371 = arith.constant 1 : i32
    %shift_right_logical3A_372 = vector.broadcast %shift_right_logical3A_371 : i32 to vector<16xi32>
    %shift_right_logical3A_373 = arith.shrui %get3A_364, %shift_right_logical3A_372 : vector<16xi32>
    %mul3A_374 = arith.constant 10240 : i32
    %mul3A_375 = vector.broadcast %mul3A_374 : i32 to vector<16xi32>
    %mul3A_376 = arith.muli %shift_right_logical3A_373, %mul3A_375 : vector<16xi32>
    %add3A_377 = arith.addi %mul3A_376, %get3A_370 : vector<16xi32>
    %mul3A_378 = arith.constant 16 : i32
    %mul3A_379 = arith.muli %scan3A_358, %mul3A_378 : i32
    %swap3A_380 = arith.index_cast %mul3A_379 : i32 to index
    %swap3A_381 = tpu.vector_load %arg11[%swap3A_380] {strides = array<i32>} : memref<80xi32, #tpu.memory_space<vmem>>, vector<16xi32>,
    tpu.vector_store %arg11[%swap3A_380], %add3A_377 {strides = array<i32>} : memref<80xi32, #tpu.memory_space<vmem>>, vector<16xi32>,
    %scan3A_382 = arith.constant 5 : i32
    %dma_start3A_383 = arith.constant 0 : i32
    %dma_start3A_384 = tpu.memref_slice %arg2[%dma_start3A_383] : memref<51200000xi32, #tpu.memory_space<hbm>> -> memref<51200000xi32, #tpu.memory_space<hbm>>
    tpu.enqueue_indirect_dma source(%dma_start3A_384 : memref<51200000xi32, #tpu.memory_space<hbm>>) target(%arg13 : memref<80xi32, #tpu.memory_space<vmem>>) offsets(%arg11 : memref<80xi32, #tpu.memory_space<vmem>>) semaphore(%arg16 : memref<!tpu.dma_semaphore, #tpu.memory_space<semaphore_mem>>)
    %scan3A_385 = arith.constant 0 : i32
    %scan3A_386 = arith.constant 0 : i32
    %scan3A_387 = arith.constant 62 : i32
    %scan3A_388 = arith.addi %scan3A_386, %scan3A_387 : i32
    %scan3A_389 = arith.constant 1 : i32
    scf.for %scan3A_532 = %scan3A_386 to %scan3A_388 step %scan3A_389  : i32 {
      %mul3A_533 = arith.constant 2 : i32
      %mul3A_534 = arith.muli %mul3A_533, %scan3A_532 : i32
      %add3A_535 = arith.constant 1 : i32
      %add3A_536 = arith.addi %mul3A_534, %add3A_535 : i32
      %scan3A_537 = arith.constant 0 : i32
      %scan3A_538 = arith.constant 0 : i32
      %mul3A_539 = arith.constant 80 : i32
      %mul3A_540 = arith.muli %add3A_536, %mul3A_539 : i32
      %mul3A_541 = arith.constant 16 : i32
      %mul3A_542 = arith.muli %scan3A_538, %mul3A_541 : i32
      %add3A_543 = arith.addi %mul3A_540, %mul3A_542 : i32
      %get3A_544 = arith.index_cast %add3A_543 : i32 to index
      %get3A_545 = tpu.vector_load %arg9[%get3A_544] {strides = array<i32>} : memref<10000xi32, #tpu.memory_space<vmem>>, vector<16xi32>,
      %mul3A_546 = arith.constant 80 : i32
      %mul3A_547 = arith.muli %add3A_536, %mul3A_546 : i32
      %mul3A_548 = arith.constant 16 : i32
      %mul3A_549 = arith.muli %scan3A_538, %mul3A_548 : i32
      %add3A_550 = arith.addi %mul3A_547, %mul3A_549 : i32
      %get3A_551 = arith.index_cast %add3A_550 : i32 to index
      %get3A_552 = tpu.vector_load %arg10[%get3A_551] {strides = array<i32>} : memref<10000xi32, #tpu.memory_space<vmem>>, vector<16xi32>,
      %shift_right_logical3A_553 = arith.constant 1 : i32
      %shift_right_logical3A_554 = vector.broadcast %shift_right_logical3A_553 : i32 to vector<16xi32>
      %shift_right_logical3A_555 = arith.shrui %get3A_545, %shift_right_logical3A_554 : vector<16xi32>
      %mul3A_556 = arith.constant 10240 : i32
      %mul3A_557 = vector.broadcast %mul3A_556 : i32 to vector<16xi32>
      %mul3A_558 = arith.muli %shift_right_logical3A_555, %mul3A_557 : vector<16xi32>
      %add3A_559 = arith.addi %mul3A_558, %get3A_552 : vector<16xi32>
      %mul3A_560 = arith.constant 16 : i32
      %mul3A_561 = arith.muli %scan3A_538, %mul3A_560 : i32
      %swap3A_562 = arith.index_cast %mul3A_561 : i32 to index
      %swap3A_563 = tpu.vector_load %arg12[%swap3A_562] {strides = array<i32>} : memref<80xi32, #tpu.memory_space<vmem>>, vector<16xi32>,
      tpu.vector_store %arg12[%swap3A_562], %add3A_559 {strides = array<i32>} : memref<80xi32, #tpu.memory_space<vmem>>, vector<16xi32>,
      %scan3A_564 = arith.constant 1 : i32
      %mul3A_565 = arith.constant 80 : i32
      %mul3A_566 = arith.muli %add3A_536, %mul3A_565 : i32
      %mul3A_567 = arith.constant 16 : i32
      %mul3A_568 = arith.muli %scan3A_564, %mul3A_567 : i32
      %add3A_569 = arith.addi %mul3A_566, %mul3A_568 : i32
      %get3A_570 = arith.index_cast %add3A_569 : i32 to index
      %get3A_571 = tpu.vector_load %arg9[%get3A_570] {strides = array<i32>} : memref<10000xi32, #tpu.memory_space<vmem>>, vector<16xi32>,
      %mul3A_572 = arith.constant 80 : i32
      %mul3A_573 = arith.muli %add3A_536, %mul3A_572 : i32
      %mul3A_574 = arith.constant 16 : i32
      %mul3A_575 = arith.muli %scan3A_564, %mul3A_574 : i32
      %add3A_576 = arith.addi %mul3A_573, %mul3A_575 : i32
      %get3A_577 = arith.index_cast %add3A_576 : i32 to index
      %get3A_578 = tpu.vector_load %arg10[%get3A_577] {strides = array<i32>} : memref<10000xi32, #tpu.memory_space<vmem>>, vector<16xi32>,
      %shift_right_logical3A_579 = arith.constant 1 : i32
      %shift_right_logical3A_580 = vector.broadcast %shift_right_logical3A_579 : i32 to vector<16xi32>
      %shift_right_logical3A_581 = arith.shrui %get3A_571, %shift_right_logical3A_580 : vector<16xi32>
      %mul3A_582 = arith.constant 10240 : i32
      %mul3A_583 = vector.broadcast %mul3A_582 : i32 to vector<16xi32>
      %mul3A_584 = arith.muli %shift_right_logical3A_581, %mul3A_583 : vector<16xi32>
      %add3A_585 = arith.addi %mul3A_584, %get3A_578 : vector<16xi32>
      %mul3A_586 = arith.constant 16 : i32
      %mul3A_587 = arith.muli %scan3A_564, %mul3A_586 : i32
      %swap3A_588 = arith.index_cast %mul3A_587 : i32 to index
      %swap3A_589 = tpu.vector_load %arg12[%swap3A_588] {strides = array<i32>} : memref<80xi32, #tpu.memory_space<vmem>>, vector<16xi32>,
      tpu.vector_store %arg12[%swap3A_588], %add3A_585 {strides = array<i32>} : memref<80xi32, #tpu.memory_space<vmem>>, vector<16xi32>,
      %scan3A_590 = arith.constant 2 : i32
      %mul3A_591 = arith.constant 80 : i32
      %mul3A_592 = arith.muli %add3A_536, %mul3A_591 : i32
      %mul3A_593 = arith.constant 16 : i32
      %mul3A_594 = arith.muli %scan3A_590, %mul3A_593 : i32
      %add3A_595 = arith.addi %mul3A_592, %mul3A_594 : i32
      %get3A_596 = arith.index_cast %add3A_595 : i32 to index
      %get3A_597 = tpu.vector_load %arg9[%get3A_596] {strides = array<i32>} : memref<10000xi32, #tpu.memory_space<vmem>>, vector<16xi32>,
      %mul3A_598 = arith.constant 80 : i32
      %mul3A_599 = arith.muli %add3A_536, %mul3A_598 : i32
      %mul3A_600 = arith.constant 16 : i32
      %mul3A_601 = arith.muli %scan3A_590, %mul3A_600 : i32
      %add3A_602 = arith.addi %mul3A_599, %mul3A_601 : i32
      %get3A_603 = arith.index_cast %add3A_602 : i32 to index
      %get3A_604 = tpu.vector_load %arg10[%get3A_603] {strides = array<i32>} : memref<10000xi32, #tpu.memory_space<vmem>>, vector<16xi32>,
      %shift_right_logical3A_605 = arith.constant 1 : i32
      %shift_right_logical3A_606 = vector.broadcast %shift_right_logical3A_605 : i32 to vector<16xi32>
      %shift_right_logical3A_607 = arith.shrui %get3A_597, %shift_right_logical3A_606 : vector<16xi32>
      %mul3A_608 = arith.constant 10240 : i32
      %mul3A_609 = vector.broadcast %mul3A_608 : i32 to vector<16xi32>
      %mul3A_610 = arith.muli %shift_right_logical3A_607, %mul3A_609 : vector<16xi32>
      %add3A_611 = arith.addi %mul3A_610, %get3A_604 : vector<16xi32>
      %mul3A_612 = arith.constant 16 : i32
      %mul3A_613 = arith.muli %scan3A_590, %mul3A_612 : i32
      %swap3A_614 = arith.index_cast %mul3A_613 : i32 to index
      %swap3A_615 = tpu.vector_load %arg12[%swap3A_614] {strides = array<i32>} : memref<80xi32, #tpu.memory_space<vmem>>, vector<16xi32>,
      tpu.vector_store %arg12[%swap3A_614], %add3A_611 {strides = array<i32>} : memref<80xi32, #tpu.memory_space<vmem>>, vector<16xi32>,
      %scan3A_616 = arith.constant 3 : i32
      %mul3A_617 = arith.constant 80 : i32
      %mul3A_618 = arith.muli %add3A_536, %mul3A_617 : i32
      %mul3A_619 = arith.constant 16 : i32
      %mul3A_620 = arith.muli %scan3A_616, %mul3A_619 : i32
      %add3A_621 = arith.addi %mul3A_618, %mul3A_620 : i32
      %get3A_622 = arith.index_cast %add3A_621 : i32 to index
      %get3A_623 = tpu.vector_load %arg9[%get3A_622] {strides = array<i32>} : memref<10000xi32, #tpu.memory_space<vmem>>, vector<16xi32>,
      %mul3A_624 = arith.constant 80 : i32
      %mul3A_625 = arith.muli %add3A_536, %mul3A_624 : i32
      %mul3A_626 = arith.constant 16 : i32
      %mul3A_627 = arith.muli %scan3A_616, %mul3A_626 : i32
      %add3A_628 = arith.addi %mul3A_625, %mul3A_627 : i32
      %get3A_629 = arith.index_cast %add3A_628 : i32 to index
      %get3A_630 = tpu.vector_load %arg10[%get3A_629] {strides = array<i32>} : memref<10000xi32, #tpu.memory_space<vmem>>, vector<16xi32>,
      %shift_right_logical3A_631 = arith.constant 1 : i32
      %shift_right_logical3A_632 = vector.broadcast %shift_right_logical3A_631 : i32 to vector<16xi32>
      %shift_right_logical3A_633 = arith.shrui %get3A_623, %shift_right_logical3A_632 : vector<16xi32>
      %mul3A_634 = arith.constant 10240 : i32
      %mul3A_635 = vector.broadcast %mul3A_634 : i32 to vector<16xi32>
      %mul3A_636 = arith.muli %shift_right_logical3A_633, %mul3A_635 : vector<16xi32>
      %add3A_637 = arith.addi %mul3A_636, %get3A_630 : vector<16xi32>
      %mul3A_638 = arith.constant 16 : i32
      %mul3A_639 = arith.muli %scan3A_616, %mul3A_638 : i32
      %swap3A_640 = arith.index_cast %mul3A_639 : i32 to index
      %swap3A_641 = tpu.vector_load %arg12[%swap3A_640] {strides = array<i32>} : memref<80xi32, #tpu.memory_space<vmem>>, vector<16xi32>,
      tpu.vector_store %arg12[%swap3A_640], %add3A_637 {strides = array<i32>} : memref<80xi32, #tpu.memory_space<vmem>>, vector<16xi32>,
      %scan3A_642 = arith.constant 4 : i32
      %mul3A_643 = arith.constant 80 : i32
      %mul3A_644 = arith.muli %add3A_536, %mul3A_643 : i32
      %mul3A_645 = arith.constant 16 : i32
      %mul3A_646 = arith.muli %scan3A_642, %mul3A_645 : i32
      %add3A_647 = arith.addi %mul3A_644, %mul3A_646 : i32
      %get3A_648 = arith.index_cast %add3A_647 : i32 to index
      %get3A_649 = tpu.vector_load %arg9[%get3A_648] {strides = array<i32>} : memref<10000xi32, #tpu.memory_space<vmem>>, vector<16xi32>,
      %mul3A_650 = arith.constant 80 : i32
      %mul3A_651 = arith.muli %add3A_536, %mul3A_650 : i32
      %mul3A_652 = arith.constant 16 : i32
      %mul3A_653 = arith.muli %scan3A_642, %mul3A_652 : i32
      %add3A_654 = arith.addi %mul3A_651, %mul3A_653 : i32
      %get3A_655 = arith.index_cast %add3A_654 : i32 to index
      %get3A_656 = tpu.vector_load %arg10[%get3A_655] {strides = array<i32>} : memref<10000xi32, #tpu.memory_space<vmem>>, vector<16xi32>,
      %shift_right_logical3A_657 = arith.constant 1 : i32
      %shift_right_logical3A_658 = vector.broadcast %shift_right_logical3A_657 : i32 to vector<16xi32>
      %shift_right_logical3A_659 = arith.shrui %get3A_649, %shift_right_logical3A_658 : vector<16xi32>
      %mul3A_660 = arith.constant 10240 : i32
      %mul3A_661 = vector.broadcast %mul3A_660 : i32 to vector<16xi32>
      %mul3A_662 = arith.muli %shift_right_logical3A_659, %mul3A_661 : vector<16xi32>
      %add3A_663 = arith.addi %mul3A_662, %get3A_656 : vector<16xi32>
      %mul3A_664 = arith.constant 16 : i32
      %mul3A_665 = arith.muli %scan3A_642, %mul3A_664 : i32
      %swap3A_666 = arith.index_cast %mul3A_665 : i32 to index
      %swap3A_667 = tpu.vector_load %arg12[%swap3A_666] {strides = array<i32>} : memref<80xi32, #tpu.memory_space<vmem>>, vector<16xi32>,
      tpu.vector_store %arg12[%swap3A_666], %add3A_663 {strides = array<i32>} : memref<80xi32, #tpu.memory_space<vmem>>, vector<16xi32>,
      %scan3A_668 = arith.constant 5 : i32
      %dma_wait3A_669 = arith.constant 0 : i32
      %dma_wait3A_670 = tpu.memref_slice %arg2[%dma_wait3A_669] : memref<51200000xi32, #tpu.memory_space<hbm>> -> memref<51200000xi32, #tpu.memory_space<hbm>>
      tpu.wait_indirect_dma semaphore(%arg16 : memref<!tpu.dma_semaphore, #tpu.memory_space<semaphore_mem>>) src(%dma_wait3A_670 : memref<51200000xi32, #tpu.memory_space<hbm>>) dst(%arg13 : memref<80xi32, #tpu.memory_space<vmem>>)
      %dma_start3A_671 = arith.constant 0 : i32
      %dma_start3A_672 = tpu.memref_slice %arg2[%dma_start3A_671] : memref<51200000xi32, #tpu.memory_space<hbm>> -> memref<51200000xi32, #tpu.memory_space<hbm>>
      tpu.enqueue_indirect_dma source(%dma_start3A_672 : memref<51200000xi32, #tpu.memory_space<hbm>>) target(%arg14 : memref<80xi32, #tpu.memory_space<vmem>>) offsets(%arg12 : memref<80xi32, #tpu.memory_space<vmem>>) semaphore(%arg17 : memref<!tpu.dma_semaphore, #tpu.memory_space<semaphore_mem>>)
      %scan3A_673 = arith.constant 0 : i32
      %scan3A_674 = arith.constant 0 : i32
      %mul3A_675 = arith.constant 16 : i32
      %mul3A_676 = arith.muli %scan3A_674, %mul3A_675 : i32
      %get3A_677 = arith.index_cast %mul3A_676 : i32 to index
      %get3A_678 = tpu.vector_load %arg13[%get3A_677] {strides = array<i32>} : memref<80xi32, #tpu.memory_space<vmem>>, vector<16xi32>,
      %mul3A_679 = arith.constant 80 : i32
      %mul3A_680 = arith.muli %mul3A_534, %mul3A_679 : i32
      %mul3A_681 = arith.constant 16 : i32
      %mul3A_682 = arith.muli %scan3A_674, %mul3A_681 : i32
      %add3A_683 = arith.addi %mul3A_680, %mul3A_682 : i32
      %get3A_684 = arith.index_cast %add3A_683 : i32 to index
      %get3A_685 = tpu.vector_load %arg9[%get3A_684] {strides = array<i32>} : memref<10000xi32, #tpu.memory_space<vmem>>, vector<16xi32>,
      %bitcast3A_686 = vector.bitcast %get3A_678 : vector<16xi32> to vector<32xbf16>
      %unpack3A_687 = tpu.unpack_subelements %bitcast3A_686, 0 {pack_format = #tpu.pack_format<interleaved>} : vector<32xbf16> -> vector<16xf32>
      %unpack3A_688 = tpu.unpack_subelements %bitcast3A_686, 1 {pack_format = #tpu.pack_format<interleaved>} : vector<32xbf16> -> vector<16xf32>
      %and3A_689 = arith.constant 1 : i32
      %and3A_690 = vector.broadcast %and3A_689 : i32 to vector<16xi32>
      %and3A_691 = arith.andi %get3A_685, %and3A_690 : vector<16xi32>
      %eq3A_692 = arith.constant 1 : i32
      %eq3A_693 = vector.broadcast %eq3A_692 : i32 to vector<16xi32>
      %eq3A_694 = arith.cmpi eq, %and3A_691, %eq3A_693 : vector<16xi32>
      %select_n3A_695 = arith.select %eq3A_694, %unpack3A_688, %unpack3A_687 : vector<16xi1>, vector<16xf32>
      %mul3A_696 = arith.constant 80 : i32
      %mul3A_697 = arith.muli %mul3A_534, %mul3A_696 : i32
      %mul3A_698 = arith.constant 16 : i32
      %mul3A_699 = arith.muli %scan3A_674, %mul3A_698 : i32
      %add3A_700 = arith.addi %mul3A_697, %mul3A_699 : i32
      %swap3A_701 = arith.index_cast %add3A_700 : i32 to index
      %swap3A_702 = tpu.vector_load %arg15[%swap3A_701] {strides = array<i32>} : memref<10000xf32, #tpu.memory_space<vmem>>, vector<16xf32>,
      tpu.vector_store %arg15[%swap3A_701], %select_n3A_695 {strides = array<i32>} : memref<10000xf32, #tpu.memory_space<vmem>>, vector<16xf32>,
      %scan3A_703 = arith.constant 1 : i32
      %mul3A_704 = arith.constant 16 : i32
      %mul3A_705 = arith.muli %scan3A_703, %mul3A_704 : i32
      %get3A_706 = arith.index_cast %mul3A_705 : i32 to index
      %get3A_707 = tpu.vector_load %arg13[%get3A_706] {strides = array<i32>} : memref<80xi32, #tpu.memory_space<vmem>>, vector<16xi32>,
      %mul3A_708 = arith.constant 80 : i32
      %mul3A_709 = arith.muli %mul3A_534, %mul3A_708 : i32
      %mul3A_710 = arith.constant 16 : i32
      %mul3A_711 = arith.muli %scan3A_703, %mul3A_710 : i32
      %add3A_712 = arith.addi %mul3A_709, %mul3A_711 : i32
      %get3A_713 = arith.index_cast %add3A_712 : i32 to index
      %get3A_714 = tpu.vector_load %arg9[%get3A_713] {strides = array<i32>} : memref<10000xi32, #tpu.memory_space<vmem>>, vector<16xi32>,
      %bitcast3A_715 = vector.bitcast %get3A_707 : vector<16xi32> to vector<32xbf16>
      %unpack3A_716 = tpu.unpack_subelements %bitcast3A_715, 0 {pack_format = #tpu.pack_format<interleaved>} : vector<32xbf16> -> vector<16xf32>
      %unpack3A_717 = tpu.unpack_subelements %bitcast3A_715, 1 {pack_format = #tpu.pack_format<interleaved>} : vector<32xbf16> -> vector<16xf32>
      %and3A_718 = arith.constant 1 : i32
      %and3A_719 = vector.broadcast %and3A_718 : i32 to vector<16xi32>
      %and3A_720 = arith.andi %get3A_714, %and3A_719 : vector<16xi32>
      %eq3A_721 = arith.constant 1 : i32
      %eq3A_722 = vector.broadcast %eq3A_721 : i32 to vector<16xi32>
      %eq3A_723 = arith.cmpi eq, %and3A_720, %eq3A_722 : vector<16xi32>
      %select_n3A_724 = arith.select %eq3A_723, %unpack3A_717, %unpack3A_716 : vector<16xi1>, vector<16xf32>
      %mul3A_725 = arith.constant 80 : i32
      %mul3A_726 = arith.muli %mul3A_534, %mul3A_725 : i32
      %mul3A_727 = arith.constant 16 : i32
      %mul3A_728 = arith.muli %scan3A_703, %mul3A_727 : i32
      %add3A_729 = arith.addi %mul3A_726, %mul3A_728 : i32
      %swap3A_730 = arith.index_cast %add3A_729 : i32 to index
      %swap3A_731 = tpu.vector_load %arg15[%swap3A_730] {strides = array<i32>} : memref<10000xf32, #tpu.memory_space<vmem>>, vector<16xf32>,
      tpu.vector_store %arg15[%swap3A_730], %select_n3A_724 {strides = array<i32>} : memref<10000xf32, #tpu.memory_space<vmem>>, vector<16xf32>,
      %scan3A_732 = arith.constant 2 : i32
      %mul3A_733 = arith.constant 16 : i32
      %mul3A_734 = arith.muli %scan3A_732, %mul3A_733 : i32
      %get3A_735 = arith.index_cast %mul3A_734 : i32 to index
      %get3A_736 = tpu.vector_load %arg13[%get3A_735] {strides = array<i32>} : memref<80xi32, #tpu.memory_space<vmem>>, vector<16xi32>,
      %mul3A_737 = arith.constant 80 : i32
      %mul3A_738 = arith.muli %mul3A_534, %mul3A_737 : i32
      %mul3A_739 = arith.constant 16 : i32
      %mul3A_740 = arith.muli %scan3A_732, %mul3A_739 : i32
      %add3A_741 = arith.addi %mul3A_738, %mul3A_740 : i32
      %get3A_742 = arith.index_cast %add3A_741 : i32 to index
      %get3A_743 = tpu.vector_load %arg9[%get3A_742] {strides = array<i32>} : memref<10000xi32, #tpu.memory_space<vmem>>, vector<16xi32>,
      %bitcast3A_744 = vector.bitcast %get3A_736 : vector<16xi32> to vector<32xbf16>
      %unpack3A_745 = tpu.unpack_subelements %bitcast3A_744, 0 {pack_format = #tpu.pack_format<interleaved>} : vector<32xbf16> -> vector<16xf32>
      %unpack3A_746 = tpu.unpack_subelements %bitcast3A_744, 1 {pack_format = #tpu.pack_format<interleaved>} : vector<32xbf16> -> vector<16xf32>
      %and3A_747 = arith.constant 1 : i32
      %and3A_748 = vector.broadcast %and3A_747 : i32 to vector<16xi32>
      %and3A_749 = arith.andi %get3A_743, %and3A_748 : vector<16xi32>
      %eq3A_750 = arith.constant 1 : i32
      %eq3A_751 = vector.broadcast %eq3A_750 : i32 to vector<16xi32>
      %eq3A_752 = arith.cmpi eq, %and3A_749, %eq3A_751 : vector<16xi32>
      %select_n3A_753 = arith.select %eq3A_752, %unpack3A_746, %unpack3A_745 : vector<16xi1>, vector<16xf32>
      %mul3A_754 = arith.constant 80 : i32
      %mul3A_755 = arith.muli %mul3A_534, %mul3A_754 : i32
      %mul3A_756 = arith.constant 16 : i32
      %mul3A_757 = arith.muli %scan3A_732, %mul3A_756 : i32
      %add3A_758 = arith.addi %mul3A_755, %mul3A_757 : i32
      %swap3A_759 = arith.index_cast %add3A_758 : i32 to index
      %swap3A_760 = tpu.vector_load %arg15[%swap3A_759] {strides = array<i32>} : memref<10000xf32, #tpu.memory_space<vmem>>, vector<16xf32>,
      tpu.vector_store %arg15[%swap3A_759], %select_n3A_753 {strides = array<i32>} : memref<10000xf32, #tpu.memory_space<vmem>>, vector<16xf32>,
      %scan3A_761 = arith.constant 3 : i32
      %mul3A_762 = arith.constant 16 : i32
      %mul3A_763 = arith.muli %scan3A_761, %mul3A_762 : i32
      %get3A_764 = arith.index_cast %mul3A_763 : i32 to index
      %get3A_765 = tpu.vector_load %arg13[%get3A_764] {strides = array<i32>} : memref<80xi32, #tpu.memory_space<vmem>>, vector<16xi32>,
      %mul3A_766 = arith.constant 80 : i32
      %mul3A_767 = arith.muli %mul3A_534, %mul3A_766 : i32
      %mul3A_768 = arith.constant 16 : i32
      %mul3A_769 = arith.muli %scan3A_761, %mul3A_768 : i32
      %add3A_770 = arith.addi %mul3A_767, %mul3A_769 : i32
      %get3A_771 = arith.index_cast %add3A_770 : i32 to index
      %get3A_772 = tpu.vector_load %arg9[%get3A_771] {strides = array<i32>} : memref<10000xi32, #tpu.memory_space<vmem>>, vector<16xi32>,
      %bitcast3A_773 = vector.bitcast %get3A_765 : vector<16xi32> to vector<32xbf16>
      %unpack3A_774 = tpu.unpack_subelements %bitcast3A_773, 0 {pack_format = #tpu.pack_format<interleaved>} : vector<32xbf16> -> vector<16xf32>
      %unpack3A_775 = tpu.unpack_subelements %bitcast3A_773, 1 {pack_format = #tpu.pack_format<interleaved>} : vector<32xbf16> -> vector<16xf32>
      %and3A_776 = arith.constant 1 : i32
      %and3A_777 = vector.broadcast %and3A_776 : i32 to vector<16xi32>
      %and3A_778 = arith.andi %get3A_772, %and3A_777 : vector<16xi32>
      %eq3A_779 = arith.constant 1 : i32
      %eq3A_780 = vector.broadcast %eq3A_779 : i32 to vector<16xi32>
      %eq3A_781 = arith.cmpi eq, %and3A_778, %eq3A_780 : vector<16xi32>
      %select_n3A_782 = arith.select %eq3A_781, %unpack3A_775, %unpack3A_774 : vector<16xi1>, vector<16xf32>
      %mul3A_783 = arith.constant 80 : i32
      %mul3A_784 = arith.muli %mul3A_534, %mul3A_783 : i32
      %mul3A_785 = arith.constant 16 : i32
      %mul3A_786 = arith.muli %scan3A_761, %mul3A_785 : i32
      %add3A_787 = arith.addi %mul3A_784, %mul3A_786 : i32
      %swap3A_788 = arith.index_cast %add3A_787 : i32 to index
      %swap3A_789 = tpu.vector_load %arg15[%swap3A_788] {strides = array<i32>} : memref<10000xf32, #tpu.memory_space<vmem>>, vector<16xf32>,
      tpu.vector_store %arg15[%swap3A_788], %select_n3A_782 {strides = array<i32>} : memref<10000xf32, #tpu.memory_space<vmem>>, vector<16xf32>,
      %scan3A_790 = arith.constant 4 : i32
      %mul3A_791 = arith.constant 16 : i32
      %mul3A_792 = arith.muli %scan3A_790, %mul3A_791 : i32
      %get3A_793 = arith.index_cast %mul3A_792 : i32 to index
      %get3A_794 = tpu.vector_load %arg13[%get3A_793] {strides = array<i32>} : memref<80xi32, #tpu.memory_space<vmem>>, vector<16xi32>,
      %mul3A_795 = arith.constant 80 : i32
      %mul3A_796 = arith.muli %mul3A_534, %mul3A_795 : i32
      %mul3A_797 = arith.constant 16 : i32
      %mul3A_798 = arith.muli %scan3A_790, %mul3A_797 : i32
      %add3A_799 = arith.addi %mul3A_796, %mul3A_798 : i32
      %get3A_800 = arith.index_cast %add3A_799 : i32 to index
      %get3A_801 = tpu.vector_load %arg9[%get3A_800] {strides = array<i32>} : memref<10000xi32, #tpu.memory_space<vmem>>, vector<16xi32>,
      %bitcast3A_802 = vector.bitcast %get3A_794 : vector<16xi32> to vector<32xbf16>
      %unpack3A_803 = tpu.unpack_subelements %bitcast3A_802, 0 {pack_format = #tpu.pack_format<interleaved>} : vector<32xbf16> -> vector<16xf32>
      %unpack3A_804 = tpu.unpack_subelements %bitcast3A_802, 1 {pack_format = #tpu.pack_format<interleaved>} : vector<32xbf16> -> vector<16xf32>
      %and3A_805 = arith.constant 1 : i32
      %and3A_806 = vector.broadcast %and3A_805 : i32 to vector<16xi32>
      %and3A_807 = arith.andi %get3A_801, %and3A_806 : vector<16xi32>
      %eq3A_808 = arith.constant 1 : i32
      %eq3A_809 = vector.broadcast %eq3A_808 : i32 to vector<16xi32>
      %eq3A_810 = arith.cmpi eq, %and3A_807, %eq3A_809 : vector<16xi32>
      %select_n3A_811 = arith.select %eq3A_810, %unpack3A_804, %unpack3A_803 : vector<16xi1>, vector<16xf32>
      %mul3A_812 = arith.constant 80 : i32
      %mul3A_813 = arith.muli %mul3A_534, %mul3A_812 : i32
      %mul3A_814 = arith.constant 16 : i32
      %mul3A_815 = arith.muli %scan3A_790, %mul3A_814 : i32
      %add3A_816 = arith.addi %mul3A_813, %mul3A_815 : i32
      %swap3A_817 = arith.index_cast %add3A_816 : i32 to index
      %swap3A_818 = tpu.vector_load %arg15[%swap3A_817] {strides = array<i32>} : memref<10000xf32, #tpu.memory_space<vmem>>, vector<16xf32>,
      tpu.vector_store %arg15[%swap3A_817], %select_n3A_811 {strides = array<i32>} : memref<10000xf32, #tpu.memory_space<vmem>>, vector<16xf32>,
      %scan3A_819 = arith.constant 5 : i32
      %add3A_820 = arith.constant 2 : i32
      %add3A_821 = arith.addi %mul3A_534, %add3A_820 : i32
      %scan3A_822 = arith.constant 0 : i32
      %scan3A_823 = arith.constant 0 : i32
      %mul3A_824 = arith.constant 80 : i32
      %mul3A_825 = arith.muli %add3A_821, %mul3A_824 : i32
      %mul3A_826 = arith.constant 16 : i32
      %mul3A_827 = arith.muli %scan3A_823, %mul3A_826 : i32
      %add3A_828 = arith.addi %mul3A_825, %mul3A_827 : i32
      %get3A_829 = arith.index_cast %add3A_828 : i32 to index
      %get3A_830 = tpu.vector_load %arg9[%get3A_829] {strides = array<i32>} : memref<10000xi32, #tpu.memory_space<vmem>>, vector<16xi32>,
      %mul3A_831 = arith.constant 80 : i32
      %mul3A_832 = arith.muli %add3A_821, %mul3A_831 : i32
      %mul3A_833 = arith.constant 16 : i32
      %mul3A_834 = arith.muli %scan3A_823, %mul3A_833 : i32
      %add3A_835 = arith.addi %mul3A_832, %mul3A_834 : i32
      %get3A_836 = arith.index_cast %add3A_835 : i32 to index
      %get3A_837 = tpu.vector_load %arg10[%get3A_836] {strides = array<i32>} : memref<10000xi32, #tpu.memory_space<vmem>>, vector<16xi32>,
      %shift_right_logical3A_838 = arith.constant 1 : i32
      %shift_right_logical3A_839 = vector.broadcast %shift_right_logical3A_838 : i32 to vector<16xi32>
      %shift_right_logical3A_840 = arith.shrui %get3A_830, %shift_right_logical3A_839 : vector<16xi32>
      %mul3A_841 = arith.constant 10240 : i32
      %mul3A_842 = vector.broadcast %mul3A_841 : i32 to vector<16xi32>
      %mul3A_843 = arith.muli %shift_right_logical3A_840, %mul3A_842 : vector<16xi32>
      %add3A_844 = arith.addi %mul3A_843, %get3A_837 : vector<16xi32>
      %mul3A_845 = arith.constant 16 : i32
      %mul3A_846 = arith.muli %scan3A_823, %mul3A_845 : i32
      %swap3A_847 = arith.index_cast %mul3A_846 : i32 to index
      %swap3A_848 = tpu.vector_load %arg11[%swap3A_847] {strides = array<i32>} : memref<80xi32, #tpu.memory_space<vmem>>, vector<16xi32>,
      tpu.vector_store %arg11[%swap3A_847], %add3A_844 {strides = array<i32>} : memref<80xi32, #tpu.memory_space<vmem>>, vector<16xi32>,
      %scan3A_849 = arith.constant 1 : i32
      %mul3A_850 = arith.constant 80 : i32
      %mul3A_851 = arith.muli %add3A_821, %mul3A_850 : i32
      %mul3A_852 = arith.constant 16 : i32
      %mul3A_853 = arith.muli %scan3A_849, %mul3A_852 : i32
      %add3A_854 = arith.addi %mul3A_851, %mul3A_853 : i32
      %get3A_855 = arith.index_cast %add3A_854 : i32 to index
      %get3A_856 = tpu.vector_load %arg9[%get3A_855] {strides = array<i32>} : memref<10000xi32, #tpu.memory_space<vmem>>, vector<16xi32>,
      %mul3A_857 = arith.constant 80 : i32
      %mul3A_858 = arith.muli %add3A_821, %mul3A_857 : i32
      %mul3A_859 = arith.constant 16 : i32
      %mul3A_860 = arith.muli %scan3A_849, %mul3A_859 : i32
      %add3A_861 = arith.addi %mul3A_858, %mul3A_860 : i32
      %get3A_862 = arith.index_cast %add3A_861 : i32 to index
      %get3A_863 = tpu.vector_load %arg10[%get3A_862] {strides = array<i32>} : memref<10000xi32, #tpu.memory_space<vmem>>, vector<16xi32>,
      %shift_right_logical3A_864 = arith.constant 1 : i32
      %shift_right_logical3A_865 = vector.broadcast %shift_right_logical3A_864 : i32 to vector<16xi32>
      %shift_right_logical3A_866 = arith.shrui %get3A_856, %shift_right_logical3A_865 : vector<16xi32>
      %mul3A_867 = arith.constant 10240 : i32
      %mul3A_868 = vector.broadcast %mul3A_867 : i32 to vector<16xi32>
      %mul3A_869 = arith.muli %shift_right_logical3A_866, %mul3A_868 : vector<16xi32>
      %add3A_870 = arith.addi %mul3A_869, %get3A_863 : vector<16xi32>
      %mul3A_871 = arith.constant 16 : i32
      %mul3A_872 = arith.muli %scan3A_849, %mul3A_871 : i32
      %swap3A_873 = arith.index_cast %mul3A_872 : i32 to index
      %swap3A_874 = tpu.vector_load %arg11[%swap3A_873] {strides = array<i32>} : memref<80xi32, #tpu.memory_space<vmem>>, vector<16xi32>,
      tpu.vector_store %arg11[%swap3A_873], %add3A_870 {strides = array<i32>} : memref<80xi32, #tpu.memory_space<vmem>>, vector<16xi32>,
      %scan3A_875 = arith.constant 2 : i32
      %mul3A_876 = arith.constant 80 : i32
      %mul3A_877 = arith.muli %add3A_821, %mul3A_876 : i32
      %mul3A_878 = arith.constant 16 : i32
      %mul3A_879 = arith.muli %scan3A_875, %mul3A_878 : i32
      %add3A_880 = arith.addi %mul3A_877, %mul3A_879 : i32
      %get3A_881 = arith.index_cast %add3A_880 : i32 to index
      %get3A_882 = tpu.vector_load %arg9[%get3A_881] {strides = array<i32>} : memref<10000xi32, #tpu.memory_space<vmem>>, vector<16xi32>,
      %mul3A_883 = arith.constant 80 : i32
      %mul3A_884 = arith.muli %add3A_821, %mul3A_883 : i32
      %mul3A_885 = arith.constant 16 : i32
      %mul3A_886 = arith.muli %scan3A_875, %mul3A_885 : i32
      %add3A_887 = arith.addi %mul3A_884, %mul3A_886 : i32
      %get3A_888 = arith.index_cast %add3A_887 : i32 to index
      %get3A_889 = tpu.vector_load %arg10[%get3A_888] {strides = array<i32>} : memref<10000xi32, #tpu.memory_space<vmem>>, vector<16xi32>,
      %shift_right_logical3A_890 = arith.constant 1 : i32
      %shift_right_logical3A_891 = vector.broadcast %shift_right_logical3A_890 : i32 to vector<16xi32>
      %shift_right_logical3A_892 = arith.shrui %get3A_882, %shift_right_logical3A_891 : vector<16xi32>
      %mul3A_893 = arith.constant 10240 : i32
      %mul3A_894 = vector.broadcast %mul3A_893 : i32 to vector<16xi32>
      %mul3A_895 = arith.muli %shift_right_logical3A_892, %mul3A_894 : vector<16xi32>
      %add3A_896 = arith.addi %mul3A_895, %get3A_889 : vector<16xi32>
      %mul3A_897 = arith.constant 16 : i32
      %mul3A_898 = arith.muli %scan3A_875, %mul3A_897 : i32
      %swap3A_899 = arith.index_cast %mul3A_898 : i32 to index
      %swap3A_900 = tpu.vector_load %arg11[%swap3A_899] {strides = array<i32>} : memref<80xi32, #tpu.memory_space<vmem>>, vector<16xi32>,
      tpu.vector_store %arg11[%swap3A_899], %add3A_896 {strides = array<i32>} : memref<80xi32, #tpu.memory_space<vmem>>, vector<16xi32>,
      %scan3A_901 = arith.constant 3 : i32
      %mul3A_902 = arith.constant 80 : i32
      %mul3A_903 = arith.muli %add3A_821, %mul3A_902 : i32
      %mul3A_904 = arith.constant 16 : i32
      %mul3A_905 = arith.muli %scan3A_901, %mul3A_904 : i32
      %add3A_906 = arith.addi %mul3A_903, %mul3A_905 : i32
      %get3A_907 = arith.index_cast %add3A_906 : i32 to index
      %get3A_908 = tpu.vector_load %arg9[%get3A_907] {strides = array<i32>} : memref<10000xi32, #tpu.memory_space<vmem>>, vector<16xi32>,
      %mul3A_909 = arith.constant 80 : i32
      %mul3A_910 = arith.muli %add3A_821, %mul3A_909 : i32
      %mul3A_911 = arith.constant 16 : i32
      %mul3A_912 = arith.muli %scan3A_901, %mul3A_911 : i32
      %add3A_913 = arith.addi %mul3A_910, %mul3A_912 : i32
      %get3A_914 = arith.index_cast %add3A_913 : i32 to index
      %get3A_915 = tpu.vector_load %arg10[%get3A_914] {strides = array<i32>} : memref<10000xi32, #tpu.memory_space<vmem>>, vector<16xi32>,
      %shift_right_logical3A_916 = arith.constant 1 : i32
      %shift_right_logical3A_917 = vector.broadcast %shift_right_logical3A_916 : i32 to vector<16xi32>
      %shift_right_logical3A_918 = arith.shrui %get3A_908, %shift_right_logical3A_917 : vector<16xi32>
      %mul3A_919 = arith.constant 10240 : i32
      %mul3A_920 = vector.broadcast %mul3A_919 : i32 to vector<16xi32>
      %mul3A_921 = arith.muli %shift_right_logical3A_918, %mul3A_920 : vector<16xi32>
      %add3A_922 = arith.addi %mul3A_921, %get3A_915 : vector<16xi32>
      %mul3A_923 = arith.constant 16 : i32
      %mul3A_924 = arith.muli %scan3A_901, %mul3A_923 : i32
      %swap3A_925 = arith.index_cast %mul3A_924 : i32 to index
      %swap3A_926 = tpu.vector_load %arg11[%swap3A_925] {strides = array<i32>} : memref<80xi32, #tpu.memory_space<vmem>>, vector<16xi32>,
      tpu.vector_store %arg11[%swap3A_925], %add3A_922 {strides = array<i32>} : memref<80xi32, #tpu.memory_space<vmem>>, vector<16xi32>,
      %scan3A_927 = arith.constant 4 : i32
      %mul3A_928 = arith.constant 80 : i32
      %mul3A_929 = arith.muli %add3A_821, %mul3A_928 : i32
      %mul3A_930 = arith.constant 16 : i32
      %mul3A_931 = arith.muli %scan3A_927, %mul3A_930 : i32
      %add3A_932 = arith.addi %mul3A_929, %mul3A_931 : i32
      %get3A_933 = arith.index_cast %add3A_932 : i32 to index
      %get3A_934 = tpu.vector_load %arg9[%get3A_933] {strides = array<i32>} : memref<10000xi32, #tpu.memory_space<vmem>>, vector<16xi32>,
      %mul3A_935 = arith.constant 80 : i32
      %mul3A_936 = arith.muli %add3A_821, %mul3A_935 : i32
      %mul3A_937 = arith.constant 16 : i32
      %mul3A_938 = arith.muli %scan3A_927, %mul3A_937 : i32
      %add3A_939 = arith.addi %mul3A_936, %mul3A_938 : i32
      %get3A_940 = arith.index_cast %add3A_939 : i32 to index
      %get3A_941 = tpu.vector_load %arg10[%get3A_940] {strides = array<i32>} : memref<10000xi32, #tpu.memory_space<vmem>>, vector<16xi32>,
      %shift_right_logical3A_942 = arith.constant 1 : i32
      %shift_right_logical3A_943 = vector.broadcast %shift_right_logical3A_942 : i32 to vector<16xi32>
      %shift_right_logical3A_944 = arith.shrui %get3A_934, %shift_right_logical3A_943 : vector<16xi32>
      %mul3A_945 = arith.constant 10240 : i32
      %mul3A_946 = vector.broadcast %mul3A_945 : i32 to vector<16xi32>
      %mul3A_947 = arith.muli %shift_right_logical3A_944, %mul3A_946 : vector<16xi32>
      %add3A_948 = arith.addi %mul3A_947, %get3A_941 : vector<16xi32>
      %mul3A_949 = arith.constant 16 : i32
      %mul3A_950 = arith.muli %scan3A_927, %mul3A_949 : i32
      %swap3A_951 = arith.index_cast %mul3A_950 : i32 to index
      %swap3A_952 = tpu.vector_load %arg11[%swap3A_951] {strides = array<i32>} : memref<80xi32, #tpu.memory_space<vmem>>, vector<16xi32>,
      tpu.vector_store %arg11[%swap3A_951], %add3A_948 {strides = array<i32>} : memref<80xi32, #tpu.memory_space<vmem>>, vector<16xi32>,
      %scan3A_953 = arith.constant 5 : i32
      %dma_wait3A_954 = arith.constant 0 : i32
      %dma_wait3A_955 = tpu.memref_slice %arg2[%dma_wait3A_954] : memref<51200000xi32, #tpu.memory_space<hbm>> -> memref<51200000xi32, #tpu.memory_space<hbm>>
      tpu.wait_indirect_dma semaphore(%arg17 : memref<!tpu.dma_semaphore, #tpu.memory_space<semaphore_mem>>) src(%dma_wait3A_955 : memref<51200000xi32, #tpu.memory_space<hbm>>) dst(%arg14 : memref<80xi32, #tpu.memory_space<vmem>>)
      %dma_start3A_956 = arith.constant 0 : i32
      %dma_start3A_957 = tpu.memref_slice %arg2[%dma_start3A_956] : memref<51200000xi32, #tpu.memory_space<hbm>> -> memref<51200000xi32, #tpu.memory_space<hbm>>
      tpu.enqueue_indirect_dma source(%dma_start3A_957 : memref<51200000xi32, #tpu.memory_space<hbm>>) target(%arg13 : memref<80xi32, #tpu.memory_space<vmem>>) offsets(%arg11 : memref<80xi32, #tpu.memory_space<vmem>>) semaphore(%arg16 : memref<!tpu.dma_semaphore, #tpu.memory_space<semaphore_mem>>)
      %add3A_958 = arith.constant 1 : i32
      %add3A_959 = arith.addi %mul3A_534, %add3A_958 : i32
      %scan3A_960 = arith.constant 0 : i32
      %scan3A_961 = arith.constant 0 : i32
      %mul3A_962 = arith.constant 16 : i32
      %mul3A_963 = arith.muli %scan3A_961, %mul3A_962 : i32
      %get3A_964 = arith.index_cast %mul3A_963 : i32 to index
      %get3A_965 = tpu.vector_load %arg14[%get3A_964] {strides = array<i32>} : memref<80xi32, #tpu.memory_space<vmem>>, vector<16xi32>,
      %mul3A_966 = arith.constant 80 : i32
      %mul3A_967 = arith.muli %add3A_959, %mul3A_966 : i32
      %mul3A_968 = arith.constant 16 : i32
      %mul3A_969 = arith.muli %scan3A_961, %mul3A_968 : i32
      %add3A_970 = arith.addi %mul3A_967, %mul3A_969 : i32
      %get3A_971 = arith.index_cast %add3A_970 : i32 to index
      %get3A_972 = tpu.vector_load %arg9[%get3A_971] {strides = array<i32>} : memref<10000xi32, #tpu.memory_space<vmem>>, vector<16xi32>,
      %bitcast3A_973 = vector.bitcast %get3A_965 : vector<16xi32> to vector<32xbf16>
      %unpack3A_974 = tpu.unpack_subelements %bitcast3A_973, 0 {pack_format = #tpu.pack_format<interleaved>} : vector<32xbf16> -> vector<16xf32>
      %unpack3A_975 = tpu.unpack_subelements %bitcast3A_973, 1 {pack_format = #tpu.pack_format<interleaved>} : vector<32xbf16> -> vector<16xf32>
      %and3A_976 = arith.constant 1 : i32
      %and3A_977 = vector.broadcast %and3A_976 : i32 to vector<16xi32>
      %and3A_978 = arith.andi %get3A_972, %and3A_977 : vector<16xi32>
      %eq3A_979 = arith.constant 1 : i32
      %eq3A_980 = vector.broadcast %eq3A_979 : i32 to vector<16xi32>
      %eq3A_981 = arith.cmpi eq, %and3A_978, %eq3A_980 : vector<16xi32>
      %select_n3A_982 = arith.select %eq3A_981, %unpack3A_975, %unpack3A_974 : vector<16xi1>, vector<16xf32>
      %mul3A_983 = arith.constant 80 : i32
      %mul3A_984 = arith.muli %add3A_959, %mul3A_983 : i32
      %mul3A_985 = arith.constant 16 : i32
      %mul3A_986 = arith.muli %scan3A_961, %mul3A_985 : i32
      %add3A_987 = arith.addi %mul3A_984, %mul3A_986 : i32
      %swap3A_988 = arith.index_cast %add3A_987 : i32 to index
      %swap3A_989 = tpu.vector_load %arg15[%swap3A_988] {strides = array<i32>} : memref<10000xf32, #tpu.memory_space<vmem>>, vector<16xf32>,
      tpu.vector_store %arg15[%swap3A_988], %select_n3A_982 {strides = array<i32>} : memref<10000xf32, #tpu.memory_space<vmem>>, vector<16xf32>,
      %scan3A_990 = arith.constant 1 : i32
      %mul3A_991 = arith.constant 16 : i32
      %mul3A_992 = arith.muli %scan3A_990, %mul3A_991 : i32
      %get3A_993 = arith.index_cast %mul3A_992 : i32 to index
      %get3A_994 = tpu.vector_load %arg14[%get3A_993] {strides = array<i32>} : memref<80xi32, #tpu.memory_space<vmem>>, vector<16xi32>,
      %mul3A_995 = arith.constant 80 : i32
      %mul3A_996 = arith.muli %add3A_959, %mul3A_995 : i32
      %mul3A_997 = arith.constant 16 : i32
      %mul3A_998 = arith.muli %scan3A_990, %mul3A_997 : i32
      %add3A_999 = arith.addi %mul3A_996, %mul3A_998 : i32
      %get3A_1000 = arith.index_cast %add3A_999 : i32 to index
      %get3A_1001 = tpu.vector_load %arg9[%get3A_1000] {strides = array<i32>} : memref<10000xi32, #tpu.memory_space<vmem>>, vector<16xi32>,
      %bitcast3A_1002 = vector.bitcast %get3A_994 : vector<16xi32> to vector<32xbf16>
      %unpack3A_1003 = tpu.unpack_subelements %bitcast3A_1002, 0 {pack_format = #tpu.pack_format<interleaved>} : vector<32xbf16> -> vector<16xf32>
      %unpack3A_1004 = tpu.unpack_subelements %bitcast3A_1002, 1 {pack_format = #tpu.pack_format<interleaved>} : vector<32xbf16> -> vector<16xf32>
      %and3A_1005 = arith.constant 1 : i32
      %and3A_1006 = vector.broadcast %and3A_1005 : i32 to vector<16xi32>
      %and3A_1007 = arith.andi %get3A_1001, %and3A_1006 : vector<16xi32>
      %eq3A_1008 = arith.constant 1 : i32
      %eq3A_1009 = vector.broadcast %eq3A_1008 : i32 to vector<16xi32>
      %eq3A_1010 = arith.cmpi eq, %and3A_1007, %eq3A_1009 : vector<16xi32>
      %select_n3A_1011 = arith.select %eq3A_1010, %unpack3A_1004, %unpack3A_1003 : vector<16xi1>, vector<16xf32>
      %mul3A_1012 = arith.constant 80 : i32
      %mul3A_1013 = arith.muli %add3A_959, %mul3A_1012 : i32
      %mul3A_1014 = arith.constant 16 : i32
      %mul3A_1015 = arith.muli %scan3A_990, %mul3A_1014 : i32
      %add3A_1016 = arith.addi %mul3A_1013, %mul3A_1015 : i32
      %swap3A_1017 = arith.index_cast %add3A_1016 : i32 to index
      %swap3A_1018 = tpu.vector_load %arg15[%swap3A_1017] {strides = array<i32>} : memref<10000xf32, #tpu.memory_space<vmem>>, vector<16xf32>,
      tpu.vector_store %arg15[%swap3A_1017], %select_n3A_1011 {strides = array<i32>} : memref<10000xf32, #tpu.memory_space<vmem>>, vector<16xf32>,
      %scan3A_1019 = arith.constant 2 : i32
      %mul3A_1020 = arith.constant 16 : i32
      %mul3A_1021 = arith.muli %scan3A_1019, %mul3A_1020 : i32
      %get3A_1022 = arith.index_cast %mul3A_1021 : i32 to index
      %get3A_1023 = tpu.vector_load %arg14[%get3A_1022] {strides = array<i32>} : memref<80xi32, #tpu.memory_space<vmem>>, vector<16xi32>,
      %mul3A_1024 = arith.constant 80 : i32
      %mul3A_1025 = arith.muli %add3A_959, %mul3A_1024 : i32
      %mul3A_1026 = arith.constant 16 : i32
      %mul3A_1027 = arith.muli %scan3A_1019, %mul3A_1026 : i32
      %add3A_1028 = arith.addi %mul3A_1025, %mul3A_1027 : i32
      %get3A_1029 = arith.index_cast %add3A_1028 : i32 to index
      %get3A_1030 = tpu.vector_load %arg9[%get3A_1029] {strides = array<i32>} : memref<10000xi32, #tpu.memory_space<vmem>>, vector<16xi32>,
      %bitcast3A_1031 = vector.bitcast %get3A_1023 : vector<16xi32> to vector<32xbf16>
      %unpack3A_1032 = tpu.unpack_subelements %bitcast3A_1031, 0 {pack_format = #tpu.pack_format<interleaved>} : vector<32xbf16> -> vector<16xf32>
      %unpack3A_1033 = tpu.unpack_subelements %bitcast3A_1031, 1 {pack_format = #tpu.pack_format<interleaved>} : vector<32xbf16> -> vector<16xf32>
      %and3A_1034 = arith.constant 1 : i32
      %and3A_1035 = vector.broadcast %and3A_1034 : i32 to vector<16xi32>
      %and3A_1036 = arith.andi %get3A_1030, %and3A_1035 : vector<16xi32>
      %eq3A_1037 = arith.constant 1 : i32
      %eq3A_1038 = vector.broadcast %eq3A_1037 : i32 to vector<16xi32>
      %eq3A_1039 = arith.cmpi eq, %and3A_1036, %eq3A_1038 : vector<16xi32>
      %select_n3A_1040 = arith.select %eq3A_1039, %unpack3A_1033, %unpack3A_1032 : vector<16xi1>, vector<16xf32>
      %mul3A_1041 = arith.constant 80 : i32
      %mul3A_1042 = arith.muli %add3A_959, %mul3A_1041 : i32
      %mul3A_1043 = arith.constant 16 : i32
      %mul3A_1044 = arith.muli %scan3A_1019, %mul3A_1043 : i32
      %add3A_1045 = arith.addi %mul3A_1042, %mul3A_1044 : i32
      %swap3A_1046 = arith.index_cast %add3A_1045 : i32 to index
      %swap3A_1047 = tpu.vector_load %arg15[%swap3A_1046] {strides = array<i32>} : memref<10000xf32, #tpu.memory_space<vmem>>, vector<16xf32>,
      tpu.vector_store %arg15[%swap3A_1046], %select_n3A_1040 {strides = array<i32>} : memref<10000xf32, #tpu.memory_space<vmem>>, vector<16xf32>,
      %scan3A_1048 = arith.constant 3 : i32
      %mul3A_1049 = arith.constant 16 : i32
      %mul3A_1050 = arith.muli %scan3A_1048, %mul3A_1049 : i32
      %get3A_1051 = arith.index_cast %mul3A_1050 : i32 to index
      %get3A_1052 = tpu.vector_load %arg14[%get3A_1051] {strides = array<i32>} : memref<80xi32, #tpu.memory_space<vmem>>, vector<16xi32>,
      %mul3A_1053 = arith.constant 80 : i32
      %mul3A_1054 = arith.muli %add3A_959, %mul3A_1053 : i32
      %mul3A_1055 = arith.constant 16 : i32
      %mul3A_1056 = arith.muli %scan3A_1048, %mul3A_1055 : i32
      %add3A_1057 = arith.addi %mul3A_1054, %mul3A_1056 : i32
      %get3A_1058 = arith.index_cast %add3A_1057 : i32 to index
      %get3A_1059 = tpu.vector_load %arg9[%get3A_1058] {strides = array<i32>} : memref<10000xi32, #tpu.memory_space<vmem>>, vector<16xi32>,
      %bitcast3A_1060 = vector.bitcast %get3A_1052 : vector<16xi32> to vector<32xbf16>
      %unpack3A_1061 = tpu.unpack_subelements %bitcast3A_1060, 0 {pack_format = #tpu.pack_format<interleaved>} : vector<32xbf16> -> vector<16xf32>
      %unpack3A_1062 = tpu.unpack_subelements %bitcast3A_1060, 1 {pack_format = #tpu.pack_format<interleaved>} : vector<32xbf16> -> vector<16xf32>
      %and3A_1063 = arith.constant 1 : i32
      %and3A_1064 = vector.broadcast %and3A_1063 : i32 to vector<16xi32>
      %and3A_1065 = arith.andi %get3A_1059, %and3A_1064 : vector<16xi32>
      %eq3A_1066 = arith.constant 1 : i32
      %eq3A_1067 = vector.broadcast %eq3A_1066 : i32 to vector<16xi32>
      %eq3A_1068 = arith.cmpi eq, %and3A_1065, %eq3A_1067 : vector<16xi32>
      %select_n3A_1069 = arith.select %eq3A_1068, %unpack3A_1062, %unpack3A_1061 : vector<16xi1>, vector<16xf32>
      %mul3A_1070 = arith.constant 80 : i32
      %mul3A_1071 = arith.muli %add3A_959, %mul3A_1070 : i32
      %mul3A_1072 = arith.constant 16 : i32
      %mul3A_1073 = arith.muli %scan3A_1048, %mul3A_1072 : i32
      %add3A_1074 = arith.addi %mul3A_1071, %mul3A_1073 : i32
      %swap3A_1075 = arith.index_cast %add3A_1074 : i32 to index
      %swap3A_1076 = tpu.vector_load %arg15[%swap3A_1075] {strides = array<i32>} : memref<10000xf32, #tpu.memory_space<vmem>>, vector<16xf32>,
      tpu.vector_store %arg15[%swap3A_1075], %select_n3A_1069 {strides = array<i32>} : memref<10000xf32, #tpu.memory_space<vmem>>, vector<16xf32>,
      %scan3A_1077 = arith.constant 4 : i32
      %mul3A_1078 = arith.constant 16 : i32
      %mul3A_1079 = arith.muli %scan3A_1077, %mul3A_1078 : i32
      %get3A_1080 = arith.index_cast %mul3A_1079 : i32 to index
      %get3A_1081 = tpu.vector_load %arg14[%get3A_1080] {strides = array<i32>} : memref<80xi32, #tpu.memory_space<vmem>>, vector<16xi32>,
      %mul3A_1082 = arith.constant 80 : i32
      %mul3A_1083 = arith.muli %add3A_959, %mul3A_1082 : i32
      %mul3A_1084 = arith.constant 16 : i32
      %mul3A_1085 = arith.muli %scan3A_1077, %mul3A_1084 : i32
      %add3A_1086 = arith.addi %mul3A_1083, %mul3A_1085 : i32
      %get3A_1087 = arith.index_cast %add3A_1086 : i32 to index
      %get3A_1088 = tpu.vector_load %arg9[%get3A_1087] {strides = array<i32>} : memref<10000xi32, #tpu.memory_space<vmem>>, vector<16xi32>,
      %bitcast3A_1089 = vector.bitcast %get3A_1081 : vector<16xi32> to vector<32xbf16>
      %unpack3A_1090 = tpu.unpack_subelements %bitcast3A_1089, 0 {pack_format = #tpu.pack_format<interleaved>} : vector<32xbf16> -> vector<16xf32>
      %unpack3A_1091 = tpu.unpack_subelements %bitcast3A_1089, 1 {pack_format = #tpu.pack_format<interleaved>} : vector<32xbf16> -> vector<16xf32>
      %and3A_1092 = arith.constant 1 : i32
      %and3A_1093 = vector.broadcast %and3A_1092 : i32 to vector<16xi32>
      %and3A_1094 = arith.andi %get3A_1088, %and3A_1093 : vector<16xi32>
      %eq3A_1095 = arith.constant 1 : i32
      %eq3A_1096 = vector.broadcast %eq3A_1095 : i32 to vector<16xi32>
      %eq3A_1097 = arith.cmpi eq, %and3A_1094, %eq3A_1096 : vector<16xi32>
      %select_n3A_1098 = arith.select %eq3A_1097, %unpack3A_1091, %unpack3A_1090 : vector<16xi1>, vector<16xf32>
      %mul3A_1099 = arith.constant 80 : i32
      %mul3A_1100 = arith.muli %add3A_959, %mul3A_1099 : i32
      %mul3A_1101 = arith.constant 16 : i32
      %mul3A_1102 = arith.muli %scan3A_1077, %mul3A_1101 : i32
      %add3A_1103 = arith.addi %mul3A_1100, %mul3A_1102 : i32
      %swap3A_1104 = arith.index_cast %add3A_1103 : i32 to index
      %swap3A_1105 = tpu.vector_load %arg15[%swap3A_1104] {strides = array<i32>} : memref<10000xf32, #tpu.memory_space<vmem>>, vector<16xf32>,
      tpu.vector_store %arg15[%swap3A_1104], %select_n3A_1098 {strides = array<i32>} : memref<10000xf32, #tpu.memory_space<vmem>>, vector<16xf32>,
      %scan3A_1106 = arith.constant 5 : i32
    }
    %scan3A_390 = arith.constant 62 : i32
    %dma_wait3A_391 = arith.constant 0 : i32
    %dma_wait3A_392 = tpu.memref_slice %arg2[%dma_wait3A_391] : memref<51200000xi32, #tpu.memory_space<hbm>> -> memref<51200000xi32, #tpu.memory_space<hbm>>
    tpu.wait_indirect_dma semaphore(%arg16 : memref<!tpu.dma_semaphore, #tpu.memory_space<semaphore_mem>>) src(%dma_wait3A_392 : memref<51200000xi32, #tpu.memory_space<hbm>>) dst(%arg13 : memref<80xi32, #tpu.memory_space<vmem>>)
    %scan3A_393 = arith.constant 0 : i32
    %scan3A_394 = arith.constant 0 : i32
    %mul3A_395 = arith.constant 16 : i32
    %mul3A_396 = arith.muli %scan3A_394, %mul3A_395 : i32
    %get3A_397 = arith.index_cast %mul3A_396 : i32 to index
    %get3A_398 = tpu.vector_load %arg13[%get3A_397] {strides = array<i32>} : memref<80xi32, #tpu.memory_space<vmem>>, vector<16xi32>,
    %mul3A_399 = arith.constant 16 : i32
    %mul3A_400 = arith.muli %scan3A_394, %mul3A_399 : i32
    %add3A_401 = arith.constant 9920 : i32
    %add3A_402 = arith.addi %add3A_401, %mul3A_400 : i32
    %get3A_403 = arith.index_cast %add3A_402 : i32 to index
    %get3A_404 = tpu.vector_load %arg9[%get3A_403] {strides = array<i32>} : memref<10000xi32, #tpu.memory_space<vmem>>, vector<16xi32>,
    %bitcast3A_405 = vector.bitcast %get3A_398 : vector<16xi32> to vector<32xbf16>
    %unpack3A_406 = tpu.unpack_subelements %bitcast3A_405, 0 {pack_format = #tpu.pack_format<interleaved>} : vector<32xbf16> -> vector<16xf32>
    %unpack3A_407 = tpu.unpack_subelements %bitcast3A_405, 1 {pack_format = #tpu.pack_format<interleaved>} : vector<32xbf16> -> vector<16xf32>
    %and3A_408 = arith.constant 1 : i32
    %and3A_409 = vector.broadcast %and3A_408 : i32 to vector<16xi32>
    %and3A_410 = arith.andi %get3A_404, %and3A_409 : vector<16xi32>
    %eq3A_411 = arith.constant 1 : i32
    %eq3A_412 = vector.broadcast %eq3A_411 : i32 to vector<16xi32>
    %eq3A_413 = arith.cmpi eq, %and3A_410, %eq3A_412 : vector<16xi32>
    %select_n3A_414 = arith.select %eq3A_413, %unpack3A_407, %unpack3A_406 : vector<16xi1>, vector<16xf32>
    %mul3A_415 = arith.constant 16 : i32
    %mul3A_416 = arith.muli %scan3A_394, %mul3A_415 : i32
    %add3A_417 = arith.constant 9920 : i32
    %add3A_418 = arith.addi %add3A_417, %mul3A_416 : i32
    %swap3A_419 = arith.index_cast %add3A_418 : i32 to index
    %swap3A_420 = tpu.vector_load %arg15[%swap3A_419] {strides = array<i32>} : memref<10000xf32, #tpu.memory_space<vmem>>, vector<16xf32>,
    tpu.vector_store %arg15[%swap3A_419], %select_n3A_414 {strides = array<i32>} : memref<10000xf32, #tpu.memory_space<vmem>>, vector<16xf32>,
    %scan3A_421 = arith.constant 1 : i32
    %mul3A_422 = arith.constant 16 : i32
    %mul3A_423 = arith.muli %scan3A_421, %mul3A_422 : i32
    %get3A_424 = arith.index_cast %mul3A_423 : i32 to index
    %get3A_425 = tpu.vector_load %arg13[%get3A_424] {strides = array<i32>} : memref<80xi32, #tpu.memory_space<vmem>>, vector<16xi32>,
    %mul3A_426 = arith.constant 16 : i32
    %mul3A_427 = arith.muli %scan3A_421, %mul3A_426 : i32
    %add3A_428 = arith.constant 9920 : i32
    %add3A_429 = arith.addi %add3A_428, %mul3A_427 : i32
    %get3A_430 = arith.index_cast %add3A_429 : i32 to index
    %get3A_431 = tpu.vector_load %arg9[%get3A_430] {strides = array<i32>} : memref<10000xi32, #tpu.memory_space<vmem>>, vector<16xi32>,
    %bitcast3A_432 = vector.bitcast %get3A_425 : vector<16xi32> to vector<32xbf16>
    %unpack3A_433 = tpu.unpack_subelements %bitcast3A_432, 0 {pack_format = #tpu.pack_format<interleaved>} : vector<32xbf16> -> vector<16xf32>
    %unpack3A_434 = tpu.unpack_subelements %bitcast3A_432, 1 {pack_format = #tpu.pack_format<interleaved>} : vector<32xbf16> -> vector<16xf32>
    %and3A_435 = arith.constant 1 : i32
    %and3A_436 = vector.broadcast %and3A_435 : i32 to vector<16xi32>
    %and3A_437 = arith.andi %get3A_431, %and3A_436 : vector<16xi32>
    %eq3A_438 = arith.constant 1 : i32
    %eq3A_439 = vector.broadcast %eq3A_438 : i32 to vector<16xi32>
    %eq3A_440 = arith.cmpi eq, %and3A_437, %eq3A_439 : vector<16xi32>
    %select_n3A_441 = arith.select %eq3A_440, %unpack3A_434, %unpack3A_433 : vector<16xi1>, vector<16xf32>
    %mul3A_442 = arith.constant 16 : i32
    %mul3A_443 = arith.muli %scan3A_421, %mul3A_442 : i32
    %add3A_444 = arith.constant 9920 : i32
    %add3A_445 = arith.addi %add3A_444, %mul3A_443 : i32
    %swap3A_446 = arith.index_cast %add3A_445 : i32 to index
    %swap3A_447 = tpu.vector_load %arg15[%swap3A_446] {strides = array<i32>} : memref<10000xf32, #tpu.memory_space<vmem>>, vector<16xf32>,
    tpu.vector_store %arg15[%swap3A_446], %select_n3A_441 {strides = array<i32>} : memref<10000xf32, #tpu.memory_space<vmem>>, vector<16xf32>,
    %scan3A_448 = arith.constant 2 : i32
    %mul3A_449 = arith.constant 16 : i32
    %mul3A_450 = arith.muli %scan3A_448, %mul3A_449 : i32
    %get3A_451 = arith.index_cast %mul3A_450 : i32 to index
    %get3A_452 = tpu.vector_load %arg13[%get3A_451] {strides = array<i32>} : memref<80xi32, #tpu.memory_space<vmem>>, vector<16xi32>,
    %mul3A_453 = arith.constant 16 : i32
    %mul3A_454 = arith.muli %scan3A_448, %mul3A_453 : i32
    %add3A_455 = arith.constant 9920 : i32
    %add3A_456 = arith.addi %add3A_455, %mul3A_454 : i32
    %get3A_457 = arith.index_cast %add3A_456 : i32 to index
    %get3A_458 = tpu.vector_load %arg9[%get3A_457] {strides = array<i32>} : memref<10000xi32, #tpu.memory_space<vmem>>, vector<16xi32>,
    %bitcast3A_459 = vector.bitcast %get3A_452 : vector<16xi32> to vector<32xbf16>
    %unpack3A_460 = tpu.unpack_subelements %bitcast3A_459, 0 {pack_format = #tpu.pack_format<interleaved>} : vector<32xbf16> -> vector<16xf32>
    %unpack3A_461 = tpu.unpack_subelements %bitcast3A_459, 1 {pack_format = #tpu.pack_format<interleaved>} : vector<32xbf16> -> vector<16xf32>
    %and3A_462 = arith.constant 1 : i32
    %and3A_463 = vector.broadcast %and3A_462 : i32 to vector<16xi32>
    %and3A_464 = arith.andi %get3A_458, %and3A_463 : vector<16xi32>
    %eq3A_465 = arith.constant 1 : i32
    %eq3A_466 = vector.broadcast %eq3A_465 : i32 to vector<16xi32>
    %eq3A_467 = arith.cmpi eq, %and3A_464, %eq3A_466 : vector<16xi32>
    %select_n3A_468 = arith.select %eq3A_467, %unpack3A_461, %unpack3A_460 : vector<16xi1>, vector<16xf32>
    %mul3A_469 = arith.constant 16 : i32
    %mul3A_470 = arith.muli %scan3A_448, %mul3A_469 : i32
    %add3A_471 = arith.constant 9920 : i32
    %add3A_472 = arith.addi %add3A_471, %mul3A_470 : i32
    %swap3A_473 = arith.index_cast %add3A_472 : i32 to index
    %swap3A_474 = tpu.vector_load %arg15[%swap3A_473] {strides = array<i32>} : memref<10000xf32, #tpu.memory_space<vmem>>, vector<16xf32>,
    tpu.vector_store %arg15[%swap3A_473], %select_n3A_468 {strides = array<i32>} : memref<10000xf32, #tpu.memory_space<vmem>>, vector<16xf32>,
    %scan3A_475 = arith.constant 3 : i32
    %mul3A_476 = arith.constant 16 : i32
    %mul3A_477 = arith.muli %scan3A_475, %mul3A_476 : i32
    %get3A_478 = arith.index_cast %mul3A_477 : i32 to index
    %get3A_479 = tpu.vector_load %arg13[%get3A_478] {strides = array<i32>} : memref<80xi32, #tpu.memory_space<vmem>>, vector<16xi32>,
    %mul3A_480 = arith.constant 16 : i32
    %mul3A_481 = arith.muli %scan3A_475, %mul3A_480 : i32
    %add3A_482 = arith.constant 9920 : i32
    %add3A_483 = arith.addi %add3A_482, %mul3A_481 : i32
    %get3A_484 = arith.index_cast %add3A_483 : i32 to index
    %get3A_485 = tpu.vector_load %arg9[%get3A_484] {strides = array<i32>} : memref<10000xi32, #tpu.memory_space<vmem>>, vector<16xi32>,
    %bitcast3A_486 = vector.bitcast %get3A_479 : vector<16xi32> to vector<32xbf16>
    %unpack3A_487 = tpu.unpack_subelements %bitcast3A_486, 0 {pack_format = #tpu.pack_format<interleaved>} : vector<32xbf16> -> vector<16xf32>
    %unpack3A_488 = tpu.unpack_subelements %bitcast3A_486, 1 {pack_format = #tpu.pack_format<interleaved>} : vector<32xbf16> -> vector<16xf32>
    %and3A_489 = arith.constant 1 : i32
    %and3A_490 = vector.broadcast %and3A_489 : i32 to vector<16xi32>
    %and3A_491 = arith.andi %get3A_485, %and3A_490 : vector<16xi32>
    %eq3A_492 = arith.constant 1 : i32
    %eq3A_493 = vector.broadcast %eq3A_492 : i32 to vector<16xi32>
    %eq3A_494 = arith.cmpi eq, %and3A_491, %eq3A_493 : vector<16xi32>
    %select_n3A_495 = arith.select %eq3A_494, %unpack3A_488, %unpack3A_487 : vector<16xi1>, vector<16xf32>
    %mul3A_496 = arith.constant 16 : i32
    %mul3A_497 = arith.muli %scan3A_475, %mul3A_496 : i32
    %add3A_498 = arith.constant 9920 : i32
    %add3A_499 = arith.addi %add3A_498, %mul3A_497 : i32
    %swap3A_500 = arith.index_cast %add3A_499 : i32 to index
    %swap3A_501 = tpu.vector_load %arg15[%swap3A_500] {strides = array<i32>} : memref<10000xf32, #tpu.memory_space<vmem>>, vector<16xf32>,
    tpu.vector_store %arg15[%swap3A_500], %select_n3A_495 {strides = array<i32>} : memref<10000xf32, #tpu.memory_space<vmem>>, vector<16xf32>,
    %scan3A_502 = arith.constant 4 : i32
    %mul3A_503 = arith.constant 16 : i32
    %mul3A_504 = arith.muli %scan3A_502, %mul3A_503 : i32
    %get3A_505 = arith.index_cast %mul3A_504 : i32 to index
    %get3A_506 = tpu.vector_load %arg13[%get3A_505] {strides = array<i32>} : memref<80xi32, #tpu.memory_space<vmem>>, vector<16xi32>,
    %mul3A_507 = arith.constant 16 : i32
    %mul3A_508 = arith.muli %scan3A_502, %mul3A_507 : i32
    %add3A_509 = arith.constant 9920 : i32
    %add3A_510 = arith.addi %add3A_509, %mul3A_508 : i32
    %get3A_511 = arith.index_cast %add3A_510 : i32 to index
    %get3A_512 = tpu.vector_load %arg9[%get3A_511] {strides = array<i32>} : memref<10000xi32, #tpu.memory_space<vmem>>, vector<16xi32>,
    %bitcast3A_513 = vector.bitcast %get3A_506 : vector<16xi32> to vector<32xbf16>
    %unpack3A_514 = tpu.unpack_subelements %bitcast3A_513, 0 {pack_format = #tpu.pack_format<interleaved>} : vector<32xbf16> -> vector<16xf32>
    %unpack3A_515 = tpu.unpack_subelements %bitcast3A_513, 1 {pack_format = #tpu.pack_format<interleaved>} : vector<32xbf16> -> vector<16xf32>
    %and3A_516 = arith.constant 1 : i32
    %and3A_517 = vector.broadcast %and3A_516 : i32 to vector<16xi32>
    %and3A_518 = arith.andi %get3A_512, %and3A_517 : vector<16xi32>
    %eq3A_519 = arith.constant 1 : i32
    %eq3A_520 = vector.broadcast %eq3A_519 : i32 to vector<16xi32>
    %eq3A_521 = arith.cmpi eq, %and3A_518, %eq3A_520 : vector<16xi32>
    %select_n3A_522 = arith.select %eq3A_521, %unpack3A_515, %unpack3A_514 : vector<16xi1>, vector<16xf32>
    %mul3A_523 = arith.constant 16 : i32
    %mul3A_524 = arith.muli %scan3A_502, %mul3A_523 : i32
    %add3A_525 = arith.constant 9920 : i32
    %add3A_526 = arith.addi %add3A_525, %mul3A_524 : i32
    %swap3A_527 = arith.index_cast %add3A_526 : i32 to index
    %swap3A_528 = tpu.vector_load %arg15[%swap3A_527] {strides = array<i32>} : memref<10000xf32, #tpu.memory_space<vmem>>, vector<16xf32>,
    tpu.vector_store %arg15[%swap3A_527], %select_n3A_522 {strides = array<i32>} : memref<10000xf32, #tpu.memory_space<vmem>>, vector<16xf32>,
    %scan3A_529 = arith.constant 5 : i32
    %mul3A_530 = arith.constant 10000 : i32
    %mul3A_531 = arith.muli %add3A, %mul3A_530 : i32
    "tpu.region"() ({
      %run_scoped3A = tpu.sem_alloc : memref<!tpu.dma_semaphore, #tpu.memory_space<semaphore_mem>>
      %dma_start3A_532 = tpu.memref_slice %arg8[%mul3A_531] : memref<320000xf32, #tpu.memory_space<hbm>> -> memref<10000xf32, #tpu.memory_space<hbm>>
      %dma_start3A_533 = tpu.memref_slice %arg8[%mul3A_531] : memref<320000xf32, #tpu.memory_space<hbm>> -> memref<10000xf32, #tpu.memory_space<hbm>>
      tpu.enqueue_dma source(%arg15 : memref<10000xf32, #tpu.memory_space<vmem>>) target(%dma_start3A_533 : memref<10000xf32, #tpu.memory_space<hbm>>) target_semaphore(%run_scoped3A : memref<!tpu.dma_semaphore, #tpu.memory_space<semaphore_mem>>)
      %dma_wait3A_534 = tpu.memref_slice %arg8[%mul3A_531] : memref<320000xf32, #tpu.memory_space<hbm>> -> memref<10000xf32, #tpu.memory_space<hbm>>
      %dma_wait3A_535 = tpu.memref_slice %arg8[%mul3A_531] : memref<320000xf32, #tpu.memory_space<hbm>> -> memref<10000xf32, #tpu.memory_space<hbm>>
      tpu.wait_dma2 semaphore(%run_scoped3A : memref<!tpu.dma_semaphore, #tpu.memory_space<semaphore_mem>>) src(%arg15 : memref<10000xf32, #tpu.memory_space<vmem>>) dst(%dma_wait3A_535 : memref<10000xf32, #tpu.memory_space<hbm>>)
      tpu.yield
    }) : () -> ()
    return
  }
}

#map = affine_map<(d0, d1) -> (0, 0)>
#map1 = affine_map<(d0, d1) -> (0)>
module attributes {stable_mosaic.version = 14 : i64} {
  func.func @_deg_kernel(%arg0: i32, %arg1: i32, %arg2: memref<32x10000xi32, #tpu.memory_space<hbm>>, %arg3: memref<10240xf32, #tpu.memory_space<hbm>>, %arg4: memref<32x10240xf32, #tpu.memory_space<hbm>>, %arg5: memref<10000xi32, #tpu.memory_space<vmem>>, %arg6: memref<10240xf32, #tpu.memory_space<vmem>>) attributes {dimension_semantics = [#tpu.dimension_semantics<core_parallel>, #tpu.dimension_semantics<subcore_parallel>], iteration_bounds = array<i64: 2, 16>, scalar_prefetch = 0 : i64, scratch_operands = 2 : i64, tpu.core_type = #tpu.core_type<sc_vector_subcore>, window_params = [{transform_indices = #map}, {transform_indices = #map1}, {transform_indices = #map}]} {
    %mul3A = arith.constant 16 : i32
    %mul3A_0 = arith.muli %arg0, %mul3A : i32
    %add3A = arith.addi %mul3A_0, %arg1 : i32
    "tpu.region"() ({
      %run_scoped3A = tpu.sem_alloc : memref<!tpu.dma_semaphore, #tpu.memory_space<semaphore_mem>>
      %dma_start3A = arith.constant 0 : i32
      %dma_start3A_7 = tpu.memref_slice %arg2[%add3A, %dma_start3A] : memref<32x10000xi32, #tpu.memory_space<hbm>> -> memref<1x10000xi32, #tpu.memory_space<hbm>>
      %dma_start3A_8 = tpu.memref_squeeze %dma_start3A_7 : memref<1x10000xi32, #tpu.memory_space<hbm>> -> memref<10000xi32, #tpu.memory_space<hbm>>
      %dma_start3A_9 = arith.constant 0 : i32
      %dma_start3A_10 = tpu.memref_slice %arg2[%add3A, %dma_start3A_9] : memref<32x10000xi32, #tpu.memory_space<hbm>> -> memref<1x10000xi32, #tpu.memory_space<hbm>>
      %dma_start3A_11 = tpu.memref_squeeze %dma_start3A_10 : memref<1x10000xi32, #tpu.memory_space<hbm>> -> memref<10000xi32, #tpu.memory_space<hbm>>
      tpu.enqueue_dma source(%dma_start3A_11 : memref<10000xi32, #tpu.memory_space<hbm>>) target(%arg5 : memref<10000xi32, #tpu.memory_space<vmem>>) target_semaphore(%run_scoped3A : memref<!tpu.dma_semaphore, #tpu.memory_space<semaphore_mem>>)
      %dma_wait3A = arith.constant 0 : i32
      %dma_wait3A_12 = tpu.memref_slice %arg2[%add3A, %dma_wait3A] : memref<32x10000xi32, #tpu.memory_space<hbm>> -> memref<1x10000xi32, #tpu.memory_space<hbm>>
      %dma_wait3A_13 = tpu.memref_squeeze %dma_wait3A_12 : memref<1x10000xi32, #tpu.memory_space<hbm>> -> memref<10000xi32, #tpu.memory_space<hbm>>
      %dma_wait3A_14 = arith.constant 0 : i32
      %dma_wait3A_15 = tpu.memref_slice %arg2[%add3A, %dma_wait3A_14] : memref<32x10000xi32, #tpu.memory_space<hbm>> -> memref<1x10000xi32, #tpu.memory_space<hbm>>
      %dma_wait3A_16 = tpu.memref_squeeze %dma_wait3A_15 : memref<1x10000xi32, #tpu.memory_space<hbm>> -> memref<10000xi32, #tpu.memory_space<hbm>>
      tpu.wait_dma2 semaphore(%run_scoped3A : memref<!tpu.dma_semaphore, #tpu.memory_space<semaphore_mem>>) src(%dma_wait3A_16 : memref<10000xi32, #tpu.memory_space<hbm>>) dst(%arg5 : memref<10000xi32, #tpu.memory_space<vmem>>)
      tpu.yield
    }) : () -> ()
    "tpu.region"() ({
      %run_scoped3A = tpu.sem_alloc : memref<!tpu.dma_semaphore, #tpu.memory_space<semaphore_mem>>
      tpu.enqueue_dma source(%arg3 : memref<10240xf32, #tpu.memory_space<hbm>>) target(%arg6 : memref<10240xf32, #tpu.memory_space<vmem>>) target_semaphore(%run_scoped3A : memref<!tpu.dma_semaphore, #tpu.memory_space<semaphore_mem>>)
      tpu.wait_dma2 semaphore(%run_scoped3A : memref<!tpu.dma_semaphore, #tpu.memory_space<semaphore_mem>>) src(%arg3 : memref<10240xf32, #tpu.memory_space<hbm>>) dst(%arg6 : memref<10240xf32, #tpu.memory_space<vmem>>)
      tpu.yield
    }) : () -> ()
    %broadcast_in_dim3A = arith.constant 1.000000e+00 : f32
    %broadcast_in_dim3A_1 = vector.broadcast %broadcast_in_dim3A : f32 to vector<16xf32>
    %scan3A = arith.constant 0 : i32
    %scan3A_2 = arith.constant 0 : i32
    %scan3A_3 = arith.constant 625 : i32
    %scan3A_4 = arith.addi %scan3A_2, %scan3A_3 : i32
    %scan3A_5 = arith.constant 1 : i32
    scf.for %scan3A_7 = %scan3A_2 to %scan3A_4 step %scan3A_5  : i32 {
      %mul3A_8 = arith.constant 16 : i32
      %mul3A_9 = arith.muli %scan3A_7, %mul3A_8 : i32
      %get3A = arith.index_cast %mul3A_9 : i32 to index
      %get3A_10 = tpu.vector_load %arg5[%get3A] {strides = array<i32>} : memref<10000xi32, #tpu.memory_space<vmem>>, vector<16xi32>,
      tpu.vector_store_idx %arg6[%get3A_10], %broadcast_in_dim3A_1 {add = true} : memref<10240xf32, #tpu.memory_space<vmem>>[vector<16xi32>], vector<16xf32>,
    }
    %scan3A_6 = arith.constant 625 : i32
    "tpu.region"() ({
      %run_scoped3A = tpu.sem_alloc : memref<!tpu.dma_semaphore, #tpu.memory_space<semaphore_mem>>
      %dma_start3A = arith.constant 0 : i32
      %dma_start3A_7 = tpu.memref_slice %arg4[%add3A, %dma_start3A] : memref<32x10240xf32, #tpu.memory_space<hbm>> -> memref<1x10240xf32, #tpu.memory_space<hbm>>
      %dma_start3A_8 = tpu.memref_squeeze %dma_start3A_7 : memref<1x10240xf32, #tpu.memory_space<hbm>> -> memref<10240xf32, #tpu.memory_space<hbm>>
      %dma_start3A_9 = arith.constant 0 : i32
      %dma_start3A_10 = tpu.memref_slice %arg4[%add3A, %dma_start3A_9] : memref<32x10240xf32, #tpu.memory_space<hbm>> -> memref<1x10240xf32, #tpu.memory_space<hbm>>
      %dma_start3A_11 = tpu.memref_squeeze %dma_start3A_10 : memref<1x10240xf32, #tpu.memory_space<hbm>> -> memref<10240xf32, #tpu.memory_space<hbm>>
      tpu.enqueue_dma source(%arg6 : memref<10240xf32, #tpu.memory_space<vmem>>) target(%dma_start3A_11 : memref<10240xf32, #tpu.memory_space<hbm>>) target_semaphore(%run_scoped3A : memref<!tpu.dma_semaphore, #tpu.memory_space<semaphore_mem>>)
      %dma_wait3A = arith.constant 0 : i32
      %dma_wait3A_12 = tpu.memref_slice %arg4[%add3A, %dma_wait3A] : memref<32x10240xf32, #tpu.memory_space<hbm>> -> memref<1x10240xf32, #tpu.memory_space<hbm>>
      %dma_wait3A_13 = tpu.memref_squeeze %dma_wait3A_12 : memref<1x10240xf32, #tpu.memory_space<hbm>> -> memref<10240xf32, #tpu.memory_space<hbm>>
      %dma_wait3A_14 = arith.constant 0 : i32
      %dma_wait3A_15 = tpu.memref_slice %arg4[%add3A, %dma_wait3A_14] : memref<32x10240xf32, #tpu.memory_space<hbm>> -> memref<1x10240xf32, #tpu.memory_space<hbm>>
      %dma_wait3A_16 = tpu.memref_squeeze %dma_wait3A_15 : memref<1x10240xf32, #tpu.memory_space<hbm>> -> memref<10240xf32, #tpu.memory_space<hbm>>
      tpu.wait_dma2 semaphore(%run_scoped3A : memref<!tpu.dma_semaphore, #tpu.memory_space<semaphore_mem>>) src(%arg6 : memref<10240xf32, #tpu.memory_space<vmem>>) dst(%dma_wait3A_16 : memref<10240xf32, #tpu.memory_space<hbm>>)
      tpu.yield
    }) : () -> ()
    return
  }
}

module attributes {stable_mosaic.version = 14 : i64} {
  func.func @_dense_body(%arg0: i32, %arg1: memref<2000x128xf32, #tpu.memory_space<vmem>>, %arg2: memref<2000x128xf32, #tpu.memory_space<vmem>>, %arg3: memref<2000x128xf32, #tpu.memory_space<vmem>>, %arg4: memref<2000x32xf32, #tpu.memory_space<vmem>>, %arg5: memref<128x128xf32, #tpu.memory_space<vmem>>, %arg6: memref<128x128xf32, #tpu.memory_space<vmem>>, %arg7: memref<1x128xf32, #tpu.memory_space<vmem>>, %arg8: memref<2000x128xf32, #tpu.memory_space<vmem>>) attributes {dimension_semantics = [#tpu.dimension_semantics<arbitrary>], iteration_bounds = array<i64: 5>, scalar_prefetch = 0 : i64, scratch_operands = 0 : i64, tpu.core_type = #tpu.core_type<tc>, window_params = [{transform_indices = @transform_0, window_bounds = array<i64: 2000, 128>}, {transform_indices = @transform_1, window_bounds = array<i64: 2000, 128>}, {transform_indices = @transform_2, window_bounds = array<i64: 2000, 128>}, {transform_indices = @transform_3, window_bounds = array<i64: 2000, 32>}, {pipeline_mode = #tpu.pipeline_mode<synchronous>, transform_indices = @transform_4, window_bounds = array<i64: 128, 128>}, {pipeline_mode = #tpu.pipeline_mode<synchronous>, transform_indices = @transform_5, window_bounds = array<i64: 128, 128>}, {pipeline_mode = #tpu.pipeline_mode<synchronous>, transform_indices = @transform_6, window_bounds = array<i64: 1, 128>}, {transform_indices = @transform_7, window_bounds = array<i64: 2000, 128>}]} {
    %get3A = arith.constant 0 : index
    %get3A_0 = arith.constant 0 : index
    %get3A_1 = vector.load %arg4[%get3A, %get3A_0] : memref<2000x32xf32, #tpu.memory_space<vmem>>, vector<2000x32xf32>
    %reduce_sum3A = arith.constant dense<0.000000e+00> : vector<2000xf32>
    %reduce_sum3A_2 = vector.multi_reduction <add>, %get3A_1, %reduce_sum3A [1] : vector<2000x32xf32> to vector<2000xf32>
    %jit3A = arith.constant 1.000000e+00 : f32
    %max3A = vector.broadcast %jit3A : f32 to vector<2000xf32>
    %max3A_3 = arith.maximumf %max3A, %reduce_sum3A_2 : vector<2000xf32>
    %div3A = arith.constant 1.000000e+00 : f32
    %div3A_4 = vector.broadcast %div3A : f32 to vector<2000xf32>
    %div3A_5 = arith.divf %div3A_4, %max3A_3 : vector<2000xf32>
    %get3A_6 = arith.constant 0 : index
    %get3A_7 = arith.constant 0 : index
    %get3A_8 = vector.load %arg2[%get3A_6, %get3A_7] : memref<2000x128xf32, #tpu.memory_space<vmem>>, vector<2000x128xf32>
    %get3A_9 = arith.constant 0 : index
    %get3A_10 = arith.constant 0 : index
    %get3A_11 = vector.load %arg3[%get3A_9, %get3A_10] : memref<2000x128xf32, #tpu.memory_space<vmem>>, vector<2000x128xf32>
    %add3A = arith.addf %get3A_8, %get3A_11 : vector<2000x128xf32>
    %broadcast_in_dim3A = vector.shape_cast %div3A_5 : vector<2000xf32> to vector<2000x1xf32>
    %mul3A = vector.broadcast %broadcast_in_dim3A : vector<2000x1xf32> to vector<2000x128xf32>
    %mul3A_12 = arith.mulf %add3A, %mul3A : vector<2000x128xf32>
    %get3A_13 = arith.constant 0 : index
    %get3A_14 = arith.constant 0 : index
    %get3A_15 = vector.load %arg1[%get3A_13, %get3A_14] : memref<2000x128xf32, #tpu.memory_space<vmem>>, vector<2000x128xf32>
    %get3A_16 = arith.constant 0 : index
    %get3A_17 = arith.constant 0 : index
    %get3A_18 = vector.load %arg5[%get3A_16, %get3A_17] : memref<128x128xf32, #tpu.memory_space<vmem>>, vector<128x128xf32>
    %dot_general3A = arith.constant dense<0.000000e+00> : vector<2000x128xf32>
    %dot_general3A_19 = tpu.matmul %get3A_15, %get3A_18, %dot_general3A {dimension_numbers = #tpu.dot_dimension_numbers<[1], [0], [0], [1], [0, 0, 1, 1], [], []>, transpose_lhs_hint = false} : vector<2000x128xf32>, vector<128x128xf32>, vector<2000x128xf32> -> vector<2000x128xf32>
    %get3A_20 = arith.constant 0 : index
    %get3A_21 = arith.constant 0 : index
    %get3A_22 = vector.load %arg6[%get3A_20, %get3A_21] : memref<128x128xf32, #tpu.memory_space<vmem>>, vector<128x128xf32>
    %dot_general3A_23 = arith.constant dense<0.000000e+00> : vector<2000x128xf32>
    %dot_general3A_24 = tpu.matmul %mul3A_12, %get3A_22, %dot_general3A_23 {dimension_numbers = #tpu.dot_dimension_numbers<[1], [0], [0], [1], [0, 0, 1, 1], [], []>, transpose_lhs_hint = false} : vector<2000x128xf32>, vector<128x128xf32>, vector<2000x128xf32> -> vector<2000x128xf32>
    %add3A_25 = arith.addf %dot_general3A_19, %dot_general3A_24 : vector<2000x128xf32>
    %get3A_26 = arith.constant 0 : index
    %get3A_27 = arith.constant 0 : index
    %get3A_28 = vector.load %arg7[%get3A_26, %get3A_27] : memref<1x128xf32, #tpu.memory_space<vmem>>, vector<1x128xf32>
    %add3A_29 = vector.broadcast %get3A_28 : vector<1x128xf32> to vector<2000x128xf32>
    %add3A_30 = arith.addf %add3A_25, %add3A_29 : vector<2000x128xf32>
    %max3A_31 = arith.constant 0.000000e+00 : f32
    %max3A_32 = vector.broadcast %max3A_31 : f32 to vector<2000x128xf32>
    %max3A_33 = arith.maximumf %add3A_30, %max3A_32 : vector<2000x128xf32>
    %swap3A = arith.constant 0 : index
    %swap3A_34 = arith.constant 0 : index
    %swap3A_35 = vector.load %arg8[%swap3A, %swap3A_34] : memref<2000x128xf32, #tpu.memory_space<vmem>>, vector<2000x128xf32>
    tpu.vector_store %arg8[%swap3A, %swap3A_34], %max3A_33 {strides = array<i32>} : memref<2000x128xf32, #tpu.memory_space<vmem>>, vector<2000x128xf32>,
    return
  }
  func.func @transform_0(%arg0: i32) -> (i32, i32) {
    %c0_i32 = arith.constant 0 : i32
    %c0_i32_0 = arith.constant 0 : i32
    return %arg0, %c0_i32 : i32, i32
  }
  func.func @transform_1(%arg0: i32) -> (i32, i32) {
    %c0_i32 = arith.constant 0 : i32
    %c0_i32_0 = arith.constant 0 : i32
    return %arg0, %c0_i32 : i32, i32
  }
  func.func @transform_2(%arg0: i32) -> (i32, i32) {
    %c0_i32 = arith.constant 0 : i32
    %c0_i32_0 = arith.constant 0 : i32
    return %arg0, %c0_i32 : i32, i32
  }
  func.func @transform_3(%arg0: i32) -> (i32, i32) {
    %c0_i32 = arith.constant 0 : i32
    %c0_i32_0 = arith.constant 0 : i32
    return %arg0, %c0_i32 : i32, i32
  }
  func.func @transform_4(%arg0: i32) -> (i32, i32) {
    %c0_i32 = arith.constant 0 : i32
    %c0_i32_0 = arith.constant 0 : i32
    %c0_i32_1 = arith.constant 0 : i32
    return %c0_i32, %c0_i32_0 : i32, i32
  }
  func.func @transform_5(%arg0: i32) -> (i32, i32) {
    %c0_i32 = arith.constant 0 : i32
    %c0_i32_0 = arith.constant 0 : i32
    %c0_i32_1 = arith.constant 0 : i32
    return %c0_i32, %c0_i32_0 : i32, i32
  }
  func.func @transform_6(%arg0: i32) -> (i32, i32) {
    %c0_i32 = arith.constant 0 : i32
    %c0_i32_0 = arith.constant 0 : i32
    %c0_i32_1 = arith.constant 0 : i32
    return %c0_i32, %c0_i32_0 : i32, i32
  }
  func.func @transform_7(%arg0: i32) -> (i32, i32) {
    %c0_i32 = arith.constant 0 : i32
    %c0_i32_0 = arith.constant 0 : i32
    return %arg0, %c0_i32 : i32, i32
  }
}

module attributes {stable_mosaic.version = 14 : i64} {
  func.func @_dense_body(%arg0: i32, %arg1: memref<2000x128xf32, #tpu.memory_space<vmem>>, %arg2: memref<2000x128xf32, #tpu.memory_space<vmem>>, %arg3: memref<2000x128xf32, #tpu.memory_space<vmem>>, %arg4: memref<2000x32xf32, #tpu.memory_space<vmem>>, %arg5: memref<128x128xf32, #tpu.memory_space<vmem>>, %arg6: memref<128x128xf32, #tpu.memory_space<vmem>>, %arg7: memref<1x128xf32, #tpu.memory_space<vmem>>, %arg8: memref<2000x128xf32, #tpu.memory_space<vmem>>) attributes {dimension_semantics = [#tpu.dimension_semantics<arbitrary>], iteration_bounds = array<i64: 5>, scalar_prefetch = 0 : i64, scratch_operands = 0 : i64, tpu.core_type = #tpu.core_type<tc>, window_params = [{transform_indices = @transform_0, window_bounds = array<i64: 2000, 128>}, {transform_indices = @transform_1, window_bounds = array<i64: 2000, 128>}, {transform_indices = @transform_2, window_bounds = array<i64: 2000, 128>}, {transform_indices = @transform_3, window_bounds = array<i64: 2000, 32>}, {pipeline_mode = #tpu.pipeline_mode<synchronous>, transform_indices = @transform_4, window_bounds = array<i64: 128, 128>}, {pipeline_mode = #tpu.pipeline_mode<synchronous>, transform_indices = @transform_5, window_bounds = array<i64: 128, 128>}, {pipeline_mode = #tpu.pipeline_mode<synchronous>, transform_indices = @transform_6, window_bounds = array<i64: 1, 128>}, {transform_indices = @transform_7, window_bounds = array<i64: 2000, 128>}]} {
    %get3A = arith.constant 0 : index
    %get3A_0 = arith.constant 0 : index
    %get3A_1 = vector.load %arg4[%get3A, %get3A_0] : memref<2000x32xf32, #tpu.memory_space<vmem>>, vector<2000x32xf32>
    %reduce_sum3A = arith.constant dense<0.000000e+00> : vector<2000xf32>
    %reduce_sum3A_2 = vector.multi_reduction <add>, %get3A_1, %reduce_sum3A [1] : vector<2000x32xf32> to vector<2000xf32>
    %jit3A = arith.constant 1.000000e+00 : f32
    %max3A = vector.broadcast %jit3A : f32 to vector<2000xf32>
    %max3A_3 = arith.maximumf %max3A, %reduce_sum3A_2 : vector<2000xf32>
    %div3A = arith.constant 1.000000e+00 : f32
    %div3A_4 = vector.broadcast %div3A : f32 to vector<2000xf32>
    %div3A_5 = arith.divf %div3A_4, %max3A_3 : vector<2000xf32>
    %get3A_6 = arith.constant 0 : index
    %get3A_7 = arith.constant 0 : index
    %get3A_8 = vector.load %arg2[%get3A_6, %get3A_7] : memref<2000x128xf32, #tpu.memory_space<vmem>>, vector<2000x128xf32>
    %get3A_9 = arith.constant 0 : index
    %get3A_10 = arith.constant 0 : index
    %get3A_11 = vector.load %arg3[%get3A_9, %get3A_10] : memref<2000x128xf32, #tpu.memory_space<vmem>>, vector<2000x128xf32>
    %add3A = arith.addf %get3A_8, %get3A_11 : vector<2000x128xf32>
    %broadcast_in_dim3A = vector.shape_cast %div3A_5 : vector<2000xf32> to vector<2000x1xf32>
    %mul3A = vector.broadcast %broadcast_in_dim3A : vector<2000x1xf32> to vector<2000x128xf32>
    %mul3A_12 = arith.mulf %add3A, %mul3A : vector<2000x128xf32>
    %get3A_13 = arith.constant 0 : index
    %get3A_14 = arith.constant 0 : index
    %get3A_15 = vector.load %arg1[%get3A_13, %get3A_14] : memref<2000x128xf32, #tpu.memory_space<vmem>>, vector<2000x128xf32>
    %get3A_16 = arith.constant 0 : index
    %get3A_17 = arith.constant 0 : index
    %get3A_18 = vector.load %arg5[%get3A_16, %get3A_17] : memref<128x128xf32, #tpu.memory_space<vmem>>, vector<128x128xf32>
    %dot_general3A = arith.constant dense<0.000000e+00> : vector<2000x128xf32>
    %dot_general3A_19 = tpu.matmul %get3A_15, %get3A_18, %dot_general3A {dimension_numbers = #tpu.dot_dimension_numbers<[1], [0], [0], [1], [0, 0, 1, 1], [], []>, transpose_lhs_hint = false} : vector<2000x128xf32>, vector<128x128xf32>, vector<2000x128xf32> -> vector<2000x128xf32>
    %get3A_20 = arith.constant 0 : index
    %get3A_21 = arith.constant 0 : index
    %get3A_22 = vector.load %arg6[%get3A_20, %get3A_21] : memref<128x128xf32, #tpu.memory_space<vmem>>, vector<128x128xf32>
    %dot_general3A_23 = arith.constant dense<0.000000e+00> : vector<2000x128xf32>
    %dot_general3A_24 = tpu.matmul %mul3A_12, %get3A_22, %dot_general3A_23 {dimension_numbers = #tpu.dot_dimension_numbers<[1], [0], [0], [1], [0, 0, 1, 1], [], []>, transpose_lhs_hint = false} : vector<2000x128xf32>, vector<128x128xf32>, vector<2000x128xf32> -> vector<2000x128xf32>
    %add3A_25 = arith.addf %dot_general3A_19, %dot_general3A_24 : vector<2000x128xf32>
    %get3A_26 = arith.constant 0 : index
    %get3A_27 = arith.constant 0 : index
    %get3A_28 = vector.load %arg7[%get3A_26, %get3A_27] : memref<1x128xf32, #tpu.memory_space<vmem>>, vector<1x128xf32>
    %add3A_29 = vector.broadcast %get3A_28 : vector<1x128xf32> to vector<2000x128xf32>
    %add3A_30 = arith.addf %add3A_25, %add3A_29 : vector<2000x128xf32>
    %swap3A = arith.constant 0 : index
    %swap3A_31 = arith.constant 0 : index
    %swap3A_32 = vector.load %arg8[%swap3A, %swap3A_31] : memref<2000x128xf32, #tpu.memory_space<vmem>>, vector<2000x128xf32>
    tpu.vector_store %arg8[%swap3A, %swap3A_31], %add3A_30 {strides = array<i32>} : memref<2000x128xf32, #tpu.memory_space<vmem>>, vector<2000x128xf32>,
    return
  }
  func.func @transform_0(%arg0: i32) -> (i32, i32) {
    %c0_i32 = arith.constant 0 : i32
    %c0_i32_0 = arith.constant 0 : i32
    return %arg0, %c0_i32 : i32, i32
  }
  func.func @transform_1(%arg0: i32) -> (i32, i32) {
    %c0_i32 = arith.constant 0 : i32
    %c0_i32_0 = arith.constant 0 : i32
    return %arg0, %c0_i32 : i32, i32
  }
  func.func @transform_2(%arg0: i32) -> (i32, i32) {
    %c0_i32 = arith.constant 0 : i32
    %c0_i32_0 = arith.constant 0 : i32
    return %arg0, %c0_i32 : i32, i32
  }
  func.func @transform_3(%arg0: i32) -> (i32, i32) {
    %c0_i32 = arith.constant 0 : i32
    %c0_i32_0 = arith.constant 0 : i32
    return %arg0, %c0_i32 : i32, i32
  }
  func.func @transform_4(%arg0: i32) -> (i32, i32) {
    %c0_i32 = arith.constant 0 : i32
    %c0_i32_0 = arith.constant 0 : i32
    %c0_i32_1 = arith.constant 0 : i32
    return %c0_i32, %c0_i32_0 : i32, i32
  }
  func.func @transform_5(%arg0: i32) -> (i32, i32) {
    %c0_i32 = arith.constant 0 : i32
    %c0_i32_0 = arith.constant 0 : i32
    %c0_i32_1 = arith.constant 0 : i32
    return %c0_i32, %c0_i32_0 : i32, i32
  }
  func.func @transform_6(%arg0: i32) -> (i32, i32) {
    %c0_i32 = arith.constant 0 : i32
    %c0_i32_0 = arith.constant 0 : i32
    %c0_i32_1 = arith.constant 0 : i32
    return %c0_i32, %c0_i32_0 : i32, i32
  }
  func.func @transform_7(%arg0: i32) -> (i32, i32) {
    %c0_i32 = arith.constant 0 : i32
    %c0_i32_0 = arith.constant 0 : i32
    return %arg0, %c0_i32 : i32, i32
  }
}

module attributes {stable_mosaic.version = 14 : i64} {
  func.func @_gram_body(%arg0: i32, %arg1: memref<125x2x128xf32, #tpu.memory_space<vmem>>, %arg2: memref<10240x128xf32, #tpu.memory_space<vmem>>, %arg3: memref<1280000xi32, #tpu.memory_space<vmem>>) attributes {dimension_semantics = [#tpu.dimension_semantics<arbitrary>], iteration_bounds = array<i64: 40>, scalar_prefetch = 0 : i64, scratch_operands = 0 : i64, tpu.core_type = #tpu.core_type<tc>, window_params = [{transform_indices = @transform_0, window_bounds = array<i64: 125, 2, 128>}, {pipeline_mode = #tpu.pipeline_mode<synchronous>, transform_indices = @transform_1, window_bounds = array<i64: 10240, 128>}, {transform_indices = @transform_2, window_bounds = array<i64: 1280000>}]} {
    %get3A = arith.constant 0 : index
    %get3A_0 = arith.constant 0 : index
    %get3A_1 = vector.load %arg2[%get3A, %get3A_0] : memref<10240x128xf32, #tpu.memory_space<vmem>>, vector<10240x128xf32>
    %convert_element_type3A = arith.truncf %get3A_1 : vector<10240x128xf32> to vector<10240x128xbf16>
    %get3A_2 = arith.constant 0 : index
    %get3A_3 = arith.constant 0 : index
    %get3A_4 = arith.constant 0 : index
    %get3A_5 = vector.load %arg1[%get3A_2, %get3A_3, %get3A_4] : memref<125x2x128xf32, #tpu.memory_space<vmem>>, vector<125x2x128xf32>
    %convert_element_type3A_6 = arith.truncf %get3A_5 : vector<125x2x128xf32> to vector<125x2x128xbf16>
    %slice3A = vector.extract_strided_slice %convert_element_type3A_6 {offsets = [0, 0, 0], sizes = [125, 1, 128], strides = [1, 1, 1]} : vector<125x2x128xbf16> to vector<125x1x128xbf16>
    %squeeze3A = vector.shape_cast %slice3A : vector<125x1x128xbf16> to vector<125x128xbf16>
    %dot_general3A = arith.constant dense<0.000000e+00> : vector<125x10240xf32>
    %dot_general3A_7 = tpu.matmul %squeeze3A, %convert_element_type3A, %dot_general3A {dimension_numbers = #tpu.dot_dimension_numbers<[1], [1], [0], [0], [0, 0, 1, 0], [], []>, transpose_lhs_hint = false} : vector<125x128xbf16>, vector<10240x128xbf16>, vector<125x10240xf32> -> vector<125x10240xf32>
    %slice3A_8 = vector.extract_strided_slice %convert_element_type3A_6 {offsets = [0, 1, 0], sizes = [125, 1, 128], strides = [1, 1, 1]} : vector<125x2x128xbf16> to vector<125x1x128xbf16>
    %squeeze3A_9 = vector.shape_cast %slice3A_8 : vector<125x1x128xbf16> to vector<125x128xbf16>
    %dot_general3A_10 = arith.constant dense<0.000000e+00> : vector<125x10240xf32>
    %dot_general3A_11 = tpu.matmul %squeeze3A_9, %convert_element_type3A, %dot_general3A_10 {dimension_numbers = #tpu.dot_dimension_numbers<[1], [1], [0], [0], [0, 0, 1, 0], [], []>, transpose_lhs_hint = false} : vector<125x128xbf16>, vector<10240x128xbf16>, vector<125x10240xf32> -> vector<125x10240xf32>
    %convert_element_type3A_12 = arith.truncf %dot_general3A_7 : vector<125x10240xf32> to vector<125x10240xbf16>
    %bitcast_convert_type3A = tpu.bitcast %convert_element_type3A_12 : vector<125x10240xbf16> -> vector<125x10240xi16>
    %convert_element_type3A_13 = arith.extui %bitcast_convert_type3A : vector<125x10240xi16> to vector<125x10240xi32>
    %convert_element_type3A_14 = arith.truncf %dot_general3A_11 : vector<125x10240xf32> to vector<125x10240xbf16>
    %bitcast_convert_type3A_15 = tpu.bitcast %convert_element_type3A_14 : vector<125x10240xbf16> -> vector<125x10240xi16>
    %convert_element_type3A_16 = arith.extui %bitcast_convert_type3A_15 : vector<125x10240xi16> to vector<125x10240xi32>
    %shift_left3A = arith.constant 16 : i32
    %shift_left3A_17 = vector.broadcast %shift_left3A : i32 to vector<125x10240xi32>
    %shift_left3A_18 = arith.shli %convert_element_type3A_16, %shift_left3A_17 : vector<125x10240xi32>
    %or3A = arith.ori %convert_element_type3A_13, %shift_left3A_18 : vector<125x10240xi32>
    %reshape3A = vector.shape_cast %or3A : vector<125x10240xi32> to vector<1280000xi32>
    %swap3A = arith.constant 0 : index
    %swap3A_19 = vector.load %arg3[%swap3A] : memref<1280000xi32, #tpu.memory_space<vmem>>, vector<1280000xi32>
    tpu.vector_store %arg3[%swap3A], %reshape3A {strides = array<i32>} : memref<1280000xi32, #tpu.memory_space<vmem>>, vector<1280000xi32>,
    return
  }
  func.func @transform_0(%arg0: i32) -> (i32, i32, i32) {
    %c0_i32 = arith.constant 0 : i32
    %c0_i32_0 = arith.constant 0 : i32
    %c0_i32_1 = arith.constant 0 : i32
    return %arg0, %c0_i32, %c0_i32_0 : i32, i32, i32
  }
  func.func @transform_1(%arg0: i32) -> (i32, i32) {
    %c0_i32 = arith.constant 0 : i32
    %c0_i32_0 = arith.constant 0 : i32
    %c0_i32_1 = arith.constant 0 : i32
    return %c0_i32, %c0_i32_0 : i32, i32
  }
  func.func @transform_2(%arg0: i32) -> i32 {
    %c0_i32 = arith.constant 0 : i32
    return %arg0 : i32
  }
}

</mosaic_0001>

<sc_bundles>
// kernel: kernel.12.cloned.1.call-start
scs
__scs_entry_jumppad:
0x0: {  	(pc) =	sbr.rel $0x88, $3  }
0x1: {  	(tag) =	ssettag $0x0;
	lr =	simm.s32 $0x1  }
0x2: {  	[smem:$0x3F98] =	sst lr;
	_ =	strace $0xD0000000  }
0x3: {  	_ = 	snop  }
0x4: {  	_ = 	snop  }
0x5: {  	_ = 	snop  }
0x6: {  	_ = 	snop  }
0x7: {  	_ = 	snop  }
__scs_overlays_trampoline_lowered:
0x8: {  	[smem:$0x3FA7] =	sst s0  }
0x9: {  	[smem:$0x3FA8] =	sst s1  }
0xa: {  	[smem:$0x3FA9] =	sst s2  }
0xb: {  	[smem:$0x3FAA] =	sst s3  }
0xc: {  	[smem:$0x3FAB] =	sst s4  }
0xd: {  	[smem:$0x3FAC] =	sst s5  }
0xe: {  	[smem:$0x3FAD] =	sst s6  }
0xf: {  	[smem:$0x3FAE] =	sst s7  }
0x10: {  	[smem:$0x3FAF] =	sst s8  }
0x11: {  	[smem:$0x3FB0] =	sst s9;
	s0 =	simm.s32 @!p0 $0x0  }
0x12: {  	s1 =	sld [smem:$0x3F96];
	s0 =	simm.s32 @p0 $0x1  }
0x13: {  	[smem:$0x3FB1] =	sst s0;
	s0 =	simm.s32 @!p1 $0x0  }
0x14: {  	s2 =	sld [smem:$0x3F95];
	s0 =	simm.s32 @p1 $0x1  }
0x15: {  	[smem:$0x3FB2] =	sst s0;
	s0 =	simm.s32 @!p2 $0x0  }
0x16: {  	s3 =	sld [smem:$0x3FDB];
	s0 =	simm.s32 @p2 $0x1  }
0x17: {  	s4 =	simm.s32 $0x1BF5;
	[smem:$0x3FB4] =	sst s0  }
0x18: {  	s0 =	sld [smem:$0x3F97];
	_ =	swait.ge [sflag:s4], $0x0  }
0x19: {  	s7 =	sld [smem:$0x3F98]  }
0x1a: {  	s8 =	sadd.s32 $0xFFFFE003, lr  }
0x1b: {  	s9 =	sadd.s32 $0xFFFFFEF7, lr;
	s5 =	simm.s32 $0xFFFFFFFF;
	p2 =	slt.u32 s8, $0xFFFFF086  }
0x1c: {  	p1 =	slt.u32 s9, $0xF7A;
	s5 =	simm.s32 @!p2 $0x0  }
0x1d: {  	s5 =	simm.s32 @p1 $0x1;
	p0 =	seq.s32 s7, s2  }
0x1e: {  	s7 =	smul.u32 @!p0 $0xF7A, s2;
	p2 =	seq.s32 @!p0 s5, $0x0  }
0x1f: {  	s9 =	smul.u32 $0xF7A, s1;
	s8 =	simm.s32 @!p0 $0x1BF5;
	p2 =	por !p2, p0  }
0x20: {  	[sflag:s8] =	ssyncset.s32 @!p0 $0xFFFFF086;
	s6 =	sadd.s32 @!p0 s3, s7;
	s7 =	simm.s32 @!p0 $0x108  }
0x21: {  	s3 =	sadd.s32 s3, s9;
	s6 =	sadd.s32 @!p0 $0x88, s6;
	s7 =	simm.s32 @p2 $0x1082  }
0x22: {  	[simem:s7], [sflag:s8] =	dma.local @!p0 [hbm:s6], $0xF7A  }
0x23: {  	s9 =	sor.u32 $0xD0000000, s2;
	s6 =	simm.s32 $0x108;
	_ =	swait.ge @!p0 [sflag:s8], $0x0  }
0x24: {  	s3 =	sadd.s32 $0x88, s3;
	s6 =	simm.s32 @!p1 $0x1082;
	[sflag:s4] =	ssyncset.s32 $0xFFFFF086  }
0x25: {  	[simem:s6], [sflag:s4] =	dma.local [hbm:s3], $0xF7A  }
0x26: {  	[smem:$0x3F98] =	sst s1;
	(tag) =	ssettag s2;
	_ =	strace s9  }
0x27: {  	s1 =	sld [smem:$0x3FA8]  }
0x28: {  	s2 =	sld [smem:$0x3FA9]  }
0x29: {  	s4 =	sld [smem:$0x3FAB]  }
0x2a: {  	p0 =	seq.s32 s5, $0x0;
	s5 =	sld [smem:$0x3FAC]  }
0x2b: {  	s6 =	sld [smem:$0x3FAD]  }
0x2c: {  	s7 =	sld [smem:$0x3FAE]  }
0x2d: {  	s3 =	simm.s32 $0x108;
	s8 =	sld [smem:$0x3FAF]  }
0x2e: {  	s3 =	simm.s32 @!p0 $0x1082;
	s9 =	sld [smem:$0x3FB0]  }
0x2f: {  	lr =	sadd.s32 s0, s3;
	s0 =	sld [smem:$0x3FA7]  }
0x30: {  	s3 =	sld [smem:$0x3FAA]  }
0x31: {  	[smem:$0x3FB3] =	sst s10  }
0x32: {  	s10 =	sld [smem:$0x3FB1];
	_ =	sdelay $0x3  }
0x33: {  	p0 =	seq.s32 s10, $0x1;
	s10 =	sld [smem:$0x3FB3];
	_ =	sdelay $0x3  }
0x34: {  	[smem:$0x3FB3] =	sst s10  }
0x35: {  	s10 =	sld [smem:$0x3FB2];
	_ =	sdelay $0x3  }
0x36: {  	p1 =	seq.s32 s10, $0x1;
	s10 =	sld [smem:$0x3FB3];
	_ =	sdelay $0x3  }
0x37: {  	[smem:$0x3FB3] =	sst s10  }
0x38: {  	s10 =	sld [smem:$0x3FB4]  }
0x39: {  	_ = 	snop;
	(pc) =	sbr.ind lr, $3  }
0x3a: {  	_ = 	snop  }
0x3b: {  	_ = 	snop  }
0x3c: {  	p2 =	seq.s32 s10, $0x1;
	s10 =	sld [smem:$0x3FB3]  }
0x3d: {  	_ =	shalt  }
0x3e: {  	_ =	shalt  }
0x3f: {  	_ =	shalt  }
0x40: {  	_ =	shalt  }
0x41: {  	_ =	shalt  }
0x42: {  	_ =	shalt  }
0x43: {  	_ =	shalt  }
0x44: {  	_ =	shalt  }
0x45: {  	_ =	shalt  }
0x46: {  	_ =	shalt  }
0x47: {  	_ =	shalt  }
0x48: {  	_ =	shalt  }
0x49: {  	_ =	shalt  }
0x4a: {  	_ =	shalt  }
0x4b: {  	_ =	shalt  }
0x4c: {  	_ =	shalt  }
0x4d: {  	_ =	shalt  }
0x4e: {  	_ =	shalt  }
0x4f: {  	_ =	shalt  }
0x50: {  	_ =	shalt  }
0x51: {  	_ =	shalt  }
0x52: {  	_ =	shalt  }
0x53: {  	_ =	shalt  }
0x54: {  	_ =	shalt  }
0x55: {  	_ =	shalt  }
0x56: {  	_ =	shalt  }
0x57: {  	_ =	shalt  }
0x58: {  	_ =	shalt  }
0x59: {  	_ =	shalt  }
0x5a: {  	_ =	shalt  }
0x5b: {  	_ =	shalt  }
0x5c: {  	_ =	shalt  }
0x5d: {  	_ =	shalt  }
0x5e: {  	_ =	shalt  }
0x5f: {  	_ =	shalt  }
0x60: {  	_ =	shalt  }
0x61: {  	_ =	shalt  }
0x62: {  	_ =	shalt  }
0x63: {  	_ =	shalt  }
0x64: {  	_ =	shalt  }
0x65: {  	_ =	shalt  }
0x66: {  	_ =	shalt  }
0x67: {  	_ =	shalt  }
0x68: {  	_ =	shalt  }
0x69: {  	_ =	shalt  }
0x6a: {  	_ =	shalt  }
0x6b: {  	_ =	shalt  }
0x6c: {  	_ =	shalt  }
0x6d: {  	_ =	shalt  }
0x6e: {  	_ =	shalt  }
0x6f: {  	_ =	shalt  }
0x70: {  	_ =	shalt  }
0x71: {  	_ =	shalt  }
0x72: {  	_ =	shalt  }
0x73: {  	_ =	shalt  }
0x74: {  	_ =	shalt  }
0x75: {  	_ =	shalt  }
0x76: {  	_ =	shalt  }
0x77: {  	_ =	shalt  }
0x78: {  	_ =	shalt  }
0x79: {  	_ =	shalt  }
0x7a: {  	_ =	shalt  }
0x7b: {  	_ =	shalt  }
0x7c: {  	_ =	shalt  }
0x7d: {  	_ =	shalt  }
0x7e: {  	_ =	shalt  }
0x7f: {  	_ =	shalt  }
0x80: {  	_ =	shalt  }
0x81: {  	_ =	shalt  }
0x82: {  	_ =	shalt  }
0x83: {  	_ =	shalt  }
0x84: {  	_ =	shalt  }
0x85: {  	_ =	shalt  }
0x86: {  	_ =	shalt  }
0x87: {  	_ =	shalt  }
.Lfunc_end0:
.L_simem_size_0:
called_computation.1_lowered:
.L_overlay_start_0:
0x88: {  	s2 =	sld [smem:$0x3FD9]  }
0x89: {  	s3 =	sld [smem:$0x3FFE];
	_ =	sdelay $0x1  }
0x8a: {  	s1 =	srdreg.scid  }
0x8b: {  	s0 =	sand.u32 $0x1, s1  }
0x8c: {  	s15 =	sshll.u32 s0, $0xA;
	s2 =	sadd.s32 s3, s2  }
0x8d: {  	s2 =	sadd.s32 s2, s15  }
0x8e: {  	[smem:$0x3FBF] =	sst s2  }
0x8f: {  	_ = 	snop  }
0x90: {  	s2 =	sld [smem:$0x3FD0];
	_ =	sdelay $0x2  }
0x91: {  	s16 =	simm.s32 $0xB;
	s4 =	simm.s32 $0x10  }
0x92: {  	[smem:s4], [sflag:s16] =	dma.local [hbm:s2], $0x1  }
0x93: {  	_ =	swait.eq [sflag:s16], $0x1  }
0x94: {  	[sflag:s16] =	ssyncset.done $0x0  }
0x95: {  	[sflag:s16] =	ssyncadd.s32 $0xFFFFFFFF  }
0x96: {  	s17 =	sld [smem:$0x11];
	(tm) =	ssettm $0x1  }
0x97: {  	s18 =	sld [smem:$0x3FFB];
	_ =	sdelay $0x3  }
0x98: {  	_ =	strace s18  }
0x99: {  	s2 =	sld [smem:$0x3FFC];
	_ =	sdelay $0x3  }
0x9a: {  	_ =	strace s2  }
0x9b: {  	s2 =	sld [smem:$0x3FFD];
	_ =	sdelay $0x3  }
0x9c: {  	_ =	strace s2  }
0x9d: {  	_ =	strace $0x8FFFFFFF  }
0x9e: {  	s19 =	sld [smem:$0x3FDB];
	_ =	sdelay $0x1  }
0x9f: {  	s20 =	simm.s32 $_scs_section_size  }
0xa0: {  	s5 =	simm.s32 $_size__tile_overlayer_lowered;
	s6 =	simm.s32 $_tile_overlayer_lowered  }
0xa1: {  	s7 =	simm.s32 $0x1BFF;
	s21 =	sshll.u32 s6, $0x1;
	s4 =	sadd.s32 s20, s19  }
0xa2: {  	s22 =	simm.s32 $0x0;
	s5 =	sshll.u32 s5, $0x1;
	s6 =	sadd.s32 s21, s4  }
0xa3: {  	[timem:s22], [sflag:s7] =	dma.local [hbm:s6], s5  }
0xa4: {  	_ =	swait.ge [sflag:s7], s5  }
0xa5: {  	s5 =	ssub.s32 $0x0, s5;
	[sflag:s7] =	ssyncset.done $0x0  }
0xa6: {  	[sflag:s7] =	ssyncadd.s32 s5;
	_ =	sdelay $0x1  }
0xa7: {  	s23 =	simm.s32 $0x1B8B  }
0xa8: {  	_ =	swait.ge [sflag:s23], $0x1  }
0xa9: {  	[sflag:s23] =	ssyncset.done $0x0  }
0xaa: {  	[sflag:s23] =	ssyncadd.s32 $0xFFFFFFFF  }
0xab: {  	s5 =	sld [smem:$0x0]  }
0xac: {  	s6 =	sand.u32 $0xFFFFFFFE, s1  }
0xad: {  	p0 =	sne.s32 s1, s6  }
0xae: {  	s6 =	sshll.u32 @p0 s6, $0xE  }
0xaf: {  	s6 =	sadd.s32 @p0 $0x11B8D, s6;
	s7 =	sshll.u32 @p0 s5, $0x11  }
0xb0: {  	s6 =	sor.u32 @p0 s7, s6  }
0xb1: {  	[sflag:s6] =	ssyncadd.remote.s32 @p0 $0x1;
	_ =	sdelay $0x1  }
0xb2: {  	s6 =	simm.s32 @p0 $0x1B8D  }
0xb3: {  	_ =	swait.eq @p0 [sflag:s6], $0x1  }
0xb4: {  	[sflag:s6] =	ssyncadd.s32 @p0 $0xFFFFFFFF  }
0xb5: {  	s7 =	sshll.u32 @!p0 s1, $0xE  }
0xb6: {  	s7 =	sor.u32 @!p0 $0x4000, s7;
	s6 =	simm.s32 @!p0 $0x1B8D  }
0xb7: {  	s5 =	sshll.u32 @!p0 s5, $0x11;
	s7 =	sadd.s32 @!p0 $0x11B8D, s7;
	_ =	swait.eq @!p0 [sflag:s6], $0x1  }
0xb8: {  	s5 =	sor.u32 @!p0 s5, s7;
	[sflag:s6] =	ssyncadd.s32 @!p0 $0xFFFFFFFF  }
0xb9: {  	s25 =	simm.s32 $0x1B8E;
	s24 =	sld [smem:$0x3FFE];
	[sflag:s5] =	ssyncadd.remote.s32 @!p0 $0x1  }
0xba: {  	s26 =	simm.s32 $execute0_lowered;
	[smem:$0x3FD2] =	sst s25  }
0xbb: {  	s6 =	sshll.u32 s26, $0x1;
	_ =	strace $0x80000049;
	[dreg:$0x1] =	wrdreg $0xFFFFFFFF  }
0xbc: {  	s28 =	simm.s32 $_size_execute0_lowered;
	s4 =	sadd.s32 s4, s6;
	[dreg:$0x0] =	wrdreg $0x0  }
0xbd: {  	s6 =	sshll.u32 s28, $0x1;
	[dreg:$0x2] =	wrdreg s4  }
0xbe: {  	[dreg:$0x3] =	wrdreg s6  }
0xbf: {  	[dreg:$0x4] =	wrdreg $0xC0  }
0xc0: {  	_ =	task [dreg:s22], $0x5FFFF  }
0xc1: {  	[dreg:$0x1] =	wrdreg $0xFFFFFFFF  }
0xc2: {  	[dreg:$0x0] =	wrdreg $0x60  }
0xc3: {  	[dreg:$0x2] =	wrdreg s24  }
0xc4: {  	[dreg:$0x3] =	wrdreg s17  }
0xc5: {  	[dreg:$0x4] =	wrdreg $0xA  }
0xc6: {  	_ =	task.clear_ibuf [dreg:s22], $0x5FFFF;
	_ =	strace $0x90000049  }
0xc7: {  	s29 =	simm.s32 $0xA;
	_ =	strace $0x8000004B  }
0xc8: {  	_ =	swait.ge [sflag:s29], $0x1  }
0xc9: {  	[sflag:s29] =	ssyncadd.s32 $0xFFFFFFFF  }
0xca: {  	_ =	strace $0x9000004B  }
0xcb: {  	_ =	sfence  }
0xcc: {  	s30 =	sld [smem:$0x0];
	_ =	sdelay $0x2  }
0xcd: {  	s31 =	sshll.u32 s1, $0xD;
	s1 =	sshrl.u32 s1, $0x2  }
0xce: {  	s4 =	sand.u32 $0x4000, s31;
	s1 =	sadd.s32 s1, s30  }
0xcf: {  	s0 =	sor.u32 s4, s0;
	s1 =	sshll.u32 s1, $0x11  }
0xd0: {  	s0 =	sor.u32 s1, s0  }
0xd1: {  	s0 =	sadd.s32 $0x8F2B, s0  }
0xd2: {  	[sflag:s0] =	ssyncadd.remote.s32 $0x1  }
0xd3: {  	_ =	sfence.sel $0xFFFF  }
0xd4: {  	[dreg:$0x0] =	wrdreg $0xFFFFFFFF;
	(pc) =	sbr.abs _section_cstart, $3  }
0xd5: {  	[dreg:$0x1] =	wrdreg $0xFFFFFFFF  }
0xd6: {  	_ =	task.clear_ibuf [dreg:s22], $0x2FFFF;
	_ =	strace $0x9FFFFFFF  }
0xd7: {  	(tm) =	ssettm $0x7FFFFFFF  }
tec
execute0_lowered:
.L_overlay_start_1:
0x0: {  	(tag) =	ssettag $0x1  }
0x1: {  	s0 =	srdreg.scid  }
0x2: {  	s5 =	rddreg [dreg:$0x0];
	s4 =	sand.u32 $0x1, s0  }
0x3: {  	s2 =	rddreg [dreg:$0x1];
	s0 =	stileid.u32;
	s1 =	sshll.u32 s4, $0x4  }
0x4: {  	s3 =	simm.s32 $0x0;
	s9 =	simm.s32 $0x1;
	s1 =	sor.u32 s0, s1  }
0x5: {  	s10 =	simm.s32 $0x2780;
	s11 =	simm.s32 $0x0;
	s6 =	sshrl.u32 s1, $0x3  }
0x6: {  	[smem:$0x7FF] =	sst s3;
	s8 =	sshll.u32 s0, $0x7;
	s7 =	smul.u32 $0x13C00, s6  }
0x7: {  	s4 =	ssub.s32 $0x2, s4;
	s8 =	sand.u32 $0x380, s8;
	s6 =	smul.u32 $0x14000, s6  }
0x8: {  	s31 =	sshrl.u32 s4, $0x1;
	s1 =	rddreg [dreg:$0x2];
	s7 =	sor.u32 s8, s7  }
0x9: {  	_ =	strace $0x8000004A;
	s6 =	sor.u32 s8, s6;
	s7 =	sshrl.u32 s7, $0x3  }
0xa: {  	s8 =	simm.s32 $0x400;
	s6 =	sshrl.u32 s6, $0x3;
	s7 =	sadd.s32 s7, s5  }
0xb: {  	s5 =	sadd.s32 s6, s5;
	s6 =	ssub.s32 s4, s31;
	s4 =	sadd.s32 $0x94600, s7  }
0xc: {  	v0 =	vimm.f32 $1.000000000e+00;
	s5 =	sadd.s32 $0x9E400, s5;
	s6 =	smax.u32 s6, $0x1;
	s7 =	simm.s32 $0x80  }
.LBB2_1:
0xd: {  	[tilespmem:s3], [sflag:$0x1] =	stream.strided.gather [hbm4b:s4+s7], $0x2780, s8, s7, $0x38;
	[tilespmem:$0x4F80] =	vst v63  }
0xe: {  	_ =	swait.ge [sflag:s9], $0x2780  }
0xf: {  	[sflag:s9] =	ssyncset.done $0x0  }
0x10: {  	[sflag:s9] =	ssyncadd.s32 $0xFFFFD880  }
0x11: {  	[tilespmem:s10], [sflag:$0x1] =	stream.linear.gather [hbm4b:s2+s3], $0x2800, $0x38;
	[tilespmem:$0x4F80] =	vst v63  }
0x12: {  	_ =	swait.ge [sflag:s9], $0x2800  }
0x13: {  	[sflag:s9] =	ssyncset.done $0x0  }
0x14: {  	s13 =	simm.s32 $0x0;
	s12 =	simm.s32 $0x40;
	[sflag:s9] =	ssyncadd.s32 $0xFFFFD800  }
.LBB2_2:
0x15: {  	p0 =	sne.s32 s12, $0x9C00;
	v1 =	vld [tilespmem:s13+$0x0];
	_ =	sdelay $0x3  }
.Ltmp0:
0x16: {  	(pc) =	sbr.rel @p0 .LBB2_2-.Ltmp0, $2  }
0x17: {  	_ =	sdelay $0x2  }
0x18: {  	s13 =	sshra.s32 s12, $0x2;
	s12 =	sadd.s32 $0x40, s12;
	[tilespmem:v1+s10+$0x0] =	vst.idx.add.f32.msk $0xffff, v0  }
0x19: {  	v1 =	vld [tilespmem:s13+$0x0];
	_ =	sdelay $0x5  }
0x1a: {  	s11 =	sadd.s32 $0x1, s11  }
0x1b: {  	p0 =	sne.s32 s11, s6  }
.Ltmp1:
0x1c: {  	[tilespmem:v1+s10+$0x0] =	vst.idx.add.f32.msk $0xffff, v0;
	(pc) =	sbr.rel @p0 .LBB2_1-.Ltmp1, $4  }
0x1d: {  	[hbm4b:s5+s7] =	stream.strided.scatter [tilespmem:s10], [sflag:$0x1], $0x2800, s8, s7, $0x38;
	[tilespmem:$0x4F80] =	vst v63  }
0x1e: {  	_ =	swait.ge [sflag:s9], $0x2800  }
0x1f: {  	[sflag:s9] =	ssyncset.done $0x0  }
0x20: {  	[sflag:s9] =	ssyncadd.s32 $0xFFFFD800  }
0x21: {  	_ =	sfence.sel $0x180000  }
0x22: {  	[bflag:$0x0] =	sbarrier.arrive $0xFFFF  }
0x23: {  	p0 =	sne.s32 s0, $0x0;
	_ =	strace $0x9000004A  }
0x24: {  	s0 =	sadd.s32 @!p0 $0x100000, s1;
	[bflag:$0x2] =	sbarrier.arrive $0xFFFF  }
0x25: {  	[sflag:s0] =	ssyncadd.tile.s32 @!p0 $0x1;
	_ =	shalt  }
.Lfunc_end2:
_tile_overlayer_lowered:
.L_overlay_start_2:
0x26: {  	(tag) =	ssettag $0x2  }
0x27: {  	s0 =	rddreg [dreg:$0x0];
	s2 =	stileid.u32  }
0x28: {  	s1 =	rddreg [dreg:$0x1];
	p0 =	sne.s32 s2, $0x0  }
0x29: {  	s3 =	rddreg [dreg:$0x2];
	[bflag:$0x3] =	sbarrier.arrive $0xFFFF;
	s2 =	simm.s32 @!p0 $0x1C01  }
0x2a: {  	[timem:s3], [sflag:s2] =	dma.local @!p0 [hbm:s0], s1  }
0x2b: {  	s0 =	simm.s32 @!p0 $0x1  }
0x2c: {  	_ =	swait.ge @!p0 [sflag:s0], s1  }
0x2d: {  	s1 =	ssub.s32 @!p0 $0x0, s1;
	[sflag:s0] =	ssyncset.done @!p0 $0x0  }
0x2e: {  	[sflag:s0] =	ssyncadd.s32 @!p0 s1  }
0x2f: {  	[bflag:$0x3] =	sbarrier.arrive $0xFFFF  }
0x30: {  	_ =	shalt  }

// kernel: kernel.15.cloned.1.call-start
scs
__scs_entry_jumppad:
0x0: {  	(pc) =	sbr.rel $0x88, $3  }
0x1: {  	(tag) =	ssettag $0x0;
	lr =	simm.s32 $0x1  }
0x2: {  	[smem:$0x3F98] =	sst lr;
	_ =	strace $0xD0000000  }
0x3: {  	_ = 	snop  }
0x4: {  	_ = 	snop  }
0x5: {  	_ = 	snop  }
0x6: {  	_ = 	snop  }
0x7: {  	_ = 	snop  }
__scs_overlays_trampoline_lowered:
0x8: {  	[smem:$0x3FA7] =	sst s0  }
0x9: {  	[smem:$0x3FA8] =	sst s1  }
0xa: {  	[smem:$0x3FA9] =	sst s2  }
0xb: {  	[smem:$0x3FAA] =	sst s3  }
0xc: {  	[smem:$0x3FAB] =	sst s4  }
0xd: {  	[smem:$0x3FAC] =	sst s5  }
0xe: {  	[smem:$0x3FAD] =	sst s6  }
0xf: {  	[smem:$0x3FAE] =	sst s7  }
0x10: {  	[smem:$0x3FAF] =	sst s8  }
0x11: {  	[smem:$0x3FB0] =	sst s9;
	s0 =	simm.s32 @!p0 $0x0  }
0x12: {  	s1 =	sld [smem:$0x3F96];
	s0 =	simm.s32 @p0 $0x1  }
0x13: {  	[smem:$0x3FB1] =	sst s0;
	s0 =	simm.s32 @!p1 $0x0  }
0x14: {  	s2 =	sld [smem:$0x3F95];
	s0 =	simm.s32 @p1 $0x1  }
0x15: {  	[smem:$0x3FB2] =	sst s0;
	s0 =	simm.s32 @!p2 $0x0  }
0x16: {  	s3 =	sld [smem:$0x3FDB];
	s0 =	simm.s32 @p2 $0x1  }
0x17: {  	s4 =	simm.s32 $0x1BF5;
	[smem:$0x3FB4] =	sst s0  }
0x18: {  	s0 =	sld [smem:$0x3F97];
	_ =	swait.ge [sflag:s4], $0x0  }
0x19: {  	s7 =	sld [smem:$0x3F98]  }
0x1a: {  	s8 =	sadd.s32 $0xFFFFE003, lr  }
0x1b: {  	s9 =	sadd.s32 $0xFFFFFEF7, lr;
	s5 =	simm.s32 $0xFFFFFFFF;
	p2 =	slt.u32 s8, $0xFFFFF086  }
0x1c: {  	p1 =	slt.u32 s9, $0xF7A;
	s5 =	simm.s32 @!p2 $0x0  }
0x1d: {  	s5 =	simm.s32 @p1 $0x1;
	p0 =	seq.s32 s7, s2  }
0x1e: {  	s7 =	smul.u32 @!p0 $0xF7A, s2;
	p2 =	seq.s32 @!p0 s5, $0x0  }
0x1f: {  	s9 =	smul.u32 $0xF7A, s1;
	s8 =	simm.s32 @!p0 $0x1BF5;
	p2 =	por !p2, p0  }
0x20: {  	[sflag:s8] =	ssyncset.s32 @!p0 $0xFFFFF086;
	s6 =	sadd.s32 @!p0 s3, s7;
	s7 =	simm.s32 @!p0 $0x108  }
0x21: {  	s3 =	sadd.s32 s3, s9;
	s6 =	sadd.s32 @!p0 $0x88, s6;
	s7 =	simm.s32 @p2 $0x1082  }
0x22: {  	[simem:s7], [sflag:s8] =	dma.local @!p0 [hbm:s6], $0xF7A  }
0x23: {  	s9 =	sor.u32 $0xD0000000, s2;
	s6 =	simm.s32 $0x108;
	_ =	swait.ge @!p0 [sflag:s8], $0x0  }
0x24: {  	s3 =	sadd.s32 $0x88, s3;
	s6 =	simm.s32 @!p1 $0x1082;
	[sflag:s4] =	ssyncset.s32 $0xFFFFF086  }
0x25: {  	[simem:s6], [sflag:s4] =	dma.local [hbm:s3], $0xF7A  }
0x26: {  	[smem:$0x3F98] =	sst s1;
	(tag) =	ssettag s2;
	_ =	strace s9  }
0x27: {  	s1 =	sld [smem:$0x3FA8]  }
0x28: {  	s2 =	sld [smem:$0x3FA9]  }
0x29: {  	s4 =	sld [smem:$0x3FAB]  }
0x2a: {  	p0 =	seq.s32 s5, $0x0;
	s5 =	sld [smem:$0x3FAC]  }
0x2b: {  	s6 =	sld [smem:$0x3FAD]  }
0x2c: {  	s7 =	sld [smem:$0x3FAE]  }
0x2d: {  	s3 =	simm.s32 $0x108;
	s8 =	sld [smem:$0x3FAF]  }
0x2e: {  	s3 =	simm.s32 @!p0 $0x1082;
	s9 =	sld [smem:$0x3FB0]  }
0x2f: {  	lr =	sadd.s32 s0, s3;
	s0 =	sld [smem:$0x3FA7]  }
0x30: {  	s3 =	sld [smem:$0x3FAA]  }
0x31: {  	[smem:$0x3FB3] =	sst s10  }
0x32: {  	s10 =	sld [smem:$0x3FB1];
	_ =	sdelay $0x3  }
0x33: {  	p0 =	seq.s32 s10, $0x1;
	s10 =	sld [smem:$0x3FB3];
	_ =	sdelay $0x3  }
0x34: {  	[smem:$0x3FB3] =	sst s10  }
0x35: {  	s10 =	sld [smem:$0x3FB2];
	_ =	sdelay $0x3  }
0x36: {  	p1 =	seq.s32 s10, $0x1;
	s10 =	sld [smem:$0x3FB3];
	_ =	sdelay $0x3  }
0x37: {  	[smem:$0x3FB3] =	sst s10  }
0x38: {  	s10 =	sld [smem:$0x3FB4]  }
0x39: {  	_ = 	snop;
	(pc) =	sbr.ind lr, $3  }
0x3a: {  	_ = 	snop  }
0x3b: {  	_ = 	snop  }
0x3c: {  	p2 =	seq.s32 s10, $0x1;
	s10 =	sld [smem:$0x3FB3]  }
0x3d: {  	_ =	shalt  }
0x3e: {  	_ =	shalt  }
0x3f: {  	_ =	shalt  }
0x40: {  	_ =	shalt  }
0x41: {  	_ =	shalt  }
0x42: {  	_ =	shalt  }
0x43: {  	_ =	shalt  }
0x44: {  	_ =	shalt  }
0x45: {  	_ =	shalt  }
0x46: {  	_ =	shalt  }
0x47: {  	_ =	shalt  }
0x48: {  	_ =	shalt  }
0x49: {  	_ =	shalt  }
0x4a: {  	_ =	shalt  }
0x4b: {  	_ =	shalt  }
0x4c: {  	_ =	shalt  }
0x4d: {  	_ =	shalt  }
0x4e: {  	_ =	shalt  }
0x4f: {  	_ =	shalt  }
0x50: {  	_ =	shalt  }
0x51: {  	_ =	shalt  }
0x52: {  	_ =	shalt  }
0x53: {  	_ =	shalt  }
0x54: {  	_ =	shalt  }
0x55: {  	_ =	shalt  }
0x56: {  	_ =	shalt  }
0x57: {  	_ =	shalt  }
0x58: {  	_ =	shalt  }
0x59: {  	_ =	shalt  }
0x5a: {  	_ =	shalt  }
0x5b: {  	_ =	shalt  }
0x5c: {  	_ =	shalt  }
0x5d: {  	_ =	shalt  }
0x5e: {  	_ =	shalt  }
0x5f: {  	_ =	shalt  }
0x60: {  	_ =	shalt  }
0x61: {  	_ =	shalt  }
0x62: {  	_ =	shalt  }
0x63: {  	_ =	shalt  }
0x64: {  	_ =	shalt  }
0x65: {  	_ =	shalt  }
0x66: {  	_ =	shalt  }
0x67: {  	_ =	shalt  }
0x68: {  	_ =	shalt  }
0x69: {  	_ =	shalt  }
0x6a: {  	_ =	shalt  }
0x6b: {  	_ =	shalt  }
0x6c: {  	_ =	shalt  }
0x6d: {  	_ =	shalt  }
0x6e: {  	_ =	shalt  }
0x6f: {  	_ =	shalt  }
0x70: {  	_ =	shalt  }
0x71: {  	_ =	shalt  }
0x72: {  	_ =	shalt  }
0x73: {  	_ =	shalt  }
0x74: {  	_ =	shalt  }
0x75: {  	_ =	shalt  }
0x76: {  	_ =	shalt  }
0x77: {  	_ =	shalt  }
0x78: {  	_ =	shalt  }
0x79: {  	_ =	shalt  }
0x7a: {  	_ =	shalt  }
0x7b: {  	_ =	shalt  }
0x7c: {  	_ =	shalt  }
0x7d: {  	_ =	shalt  }
0x7e: {  	_ =	shalt  }
0x7f: {  	_ =	shalt  }
0x80: {  	_ =	shalt  }
0x81: {  	_ =	shalt  }
0x82: {  	_ =	shalt  }
0x83: {  	_ =	shalt  }
0x84: {  	_ =	shalt  }
0x85: {  	_ =	shalt  }
0x86: {  	_ =	shalt  }
0x87: {  	_ =	shalt  }
.Lfunc_end0:
.L_simem_size_0:
called_computation.2_lowered:
.L_overlay_start_0:
0x88: {  	s2 =	sld [smem:$0x3FD9]  }
0x89: {  	s3 =	sld [smem:$0x3FFE];
	_ =	sdelay $0x1  }
0x8a: {  	s1 =	srdreg.scid  }
0x8b: {  	s0 =	sand.u32 $0x1, s1  }
0x8c: {  	s16 =	sshll.u32 s0, $0xA;
	s2 =	sadd.s32 s3, s2  }
0x8d: {  	s2 =	sadd.s32 s2, s16  }
0x8e: {  	[smem:$0x3FBF] =	sst s2  }
0x8f: {  	_ = 	snop  }
0x90: {  	(tm) =	ssettm $0x1  }
0x91: {  	s17 =	sld [smem:$0x3FFB];
	_ =	sdelay $0x3  }
0x92: {  	_ =	strace s17  }
0x93: {  	s2 =	sld [smem:$0x3FFC];
	_ =	sdelay $0x3  }
0x94: {  	_ =	strace s2  }
0x95: {  	s2 =	sld [smem:$0x3FFD];
	_ =	sdelay $0x3  }
0x96: {  	_ =	strace s2  }
0x97: {  	_ =	strace $0x8FFFFFFF  }
0x98: {  	s18 =	sld [smem:$0x3FDB];
	_ =	sdelay $0x1  }
0x99: {  	s19 =	simm.s32 $_scs_section_size  }
0x9a: {  	s4 =	simm.s32 $_size__tile_overlayer_lowered;
	s5 =	simm.s32 $_tile_overlayer_lowered  }
0x9b: {  	s22 =	simm.s32 $0x1BFF;
	s21 =	sshll.u32 s5, $0x1;
	s2 =	sadd.s32 s19, s18  }
0x9c: {  	s6 =	simm.s32 $0x0;
	s20 =	sshll.u32 s4, $0x1;
	s4 =	sadd.s32 s21, s2  }
0x9d: {  	[timem:s6], [sflag:s22] =	dma.local [hbm:s4], s20  }
0x9e: {  	_ =	swait.ge [sflag:s22], s20  }
0x9f: {  	s3 =	ssub.s32 $0x0, s20;
	[sflag:s22] =	ssyncset.done $0x0  }
0xa0: {  	[sflag:s22] =	ssyncadd.s32 s3;
	_ =	sdelay $0x1  }
0xa1: {  	s23 =	simm.s32 $0x1B8B  }
0xa2: {  	_ =	swait.ge [sflag:s23], $0x1  }
0xa3: {  	[sflag:s23] =	ssyncset.done $0x0  }
0xa4: {  	s25 =	simm.s32 $0x1B8E;
	s24 =	sld [smem:$0x3FFE];
	[sflag:s23] =	ssyncadd.s32 $0xFFFFFFFF  }
0xa5: {  	s26 =	simm.s32 $execute0_lowered;
	[smem:$0x3FD2] =	sst s25  }
0xa6: {  	s4 =	sshll.u32 s26, $0x1;
	_ =	strace $0x8000004C;
	[dreg:$0x1] =	wrdreg $0xFFFFFFFF  }
0xa7: {  	s28 =	simm.s32 $_size_execute0_lowered;
	s2 =	sadd.s32 s2, s4;
	[dreg:$0x0] =	wrdreg $0x0  }
0xa8: {  	s4 =	sshll.u32 s28, $0x1;
	[dreg:$0x2] =	wrdreg s2  }
0xa9: {  	[dreg:$0x3] =	wrdreg s4  }
0xaa: {  	[dreg:$0x4] =	wrdreg $0xC0  }
0xab: {  	_ =	task [dreg:s6], $0x5FFFF  }
0xac: {  	[dreg:$0x1] =	wrdreg $0xFFFFFFFF  }
0xad: {  	[dreg:$0x0] =	wrdreg $0x60  }
0xae: {  	[dreg:$0x2] =	wrdreg s24  }
0xaf: {  	[dreg:$0x3] =	wrdreg $0xB7800  }
0xb0: {  	[dreg:$0x4] =	wrdreg $0x9  }
0xb1: {  	_ =	task.clear_ibuf [dreg:s6], $0x5FFFF;
	_ =	strace $0x9000004C  }
0xb2: {  	s29 =	simm.s32 $0x9;
	_ =	strace $0x8000004E  }
0xb3: {  	_ =	swait.ge [sflag:s29], $0x1  }
0xb4: {  	[sflag:s29] =	ssyncadd.s32 $0xFFFFFFFF  }
0xb5: {  	_ =	strace $0x9000004E  }
0xb6: {  	_ =	sfence  }
0xb7: {  	s30 =	sld [smem:$0x0];
	_ =	sdelay $0x2  }
0xb8: {  	s31 =	sshll.u32 s1, $0xD;
	s1 =	sshrl.u32 s1, $0x2  }
0xb9: {  	s3 =	sand.u32 $0x4000, s31;
	s1 =	sadd.s32 s1, s30  }
0xba: {  	s0 =	sor.u32 s3, s0;
	s1 =	sshll.u32 s1, $0x11  }
0xbb: {  	s0 =	sor.u32 s1, s0  }
0xbc: {  	s0 =	sadd.s32 $0x8F2B, s0  }
0xbd: {  	[sflag:s0] =	ssyncadd.remote.s32 $0x1  }
0xbe: {  	_ =	sfence.sel $0xFFFF  }
0xbf: {  	[dreg:$0x0] =	wrdreg $0xFFFFFFFF;
	(pc) =	sbr.abs _section_cstart, $3  }
0xc0: {  	[dreg:$0x1] =	wrdreg $0xFFFFFFFF  }
0xc1: {  	_ =	task.clear_ibuf [dreg:s6], $0x2FFFF;
	_ =	strace $0x9FFFFFFF  }
0xc2: {  	(tm) =	ssettm $0x7FFFFFFF  }
0xc3: {  	_ =	shalt  }
tec
execute0_lowered:
.L_overlay_start_1:
0x0: {  	(tag) =	ssettag $0x1  }
0x1: {  	s7 =	rddreg [dreg:$0x0]  }
0x2: {  	s0 =	srdreg.scid;
	s2 =	rddreg [dreg:$0x1]  }
0x3: {  	s3 =	simm.s32 $0x0;
	s13 =	simm.s32 $0x400;
	s14 =	simm.s32 $0x2780  }
0x4: {  	s15 =	simm.s32 $0x50;
	s16 =	simm.s32 $0x6780;
	s17 =	simm.s32 $0x1  }
0x5: {  	s18 =	simm.s32 $0x8F80;
	s5 =	sand.u32 $0x1, s0;
	s0 =	stileid.u32  }
0x6: {  	s19 =	simm.s32 $0x2;
	s20 =	simm.s32 $0x6580;
	s21 =	smul.u32 $0x2800, s0  }
0x7: {  	[smem:$0x7FF] =	sst s3;
	s1 =	sshll.u32 s5, $0x4;
	s9 =	smul.u32 $0x28000, s5  }
0x8: {  	s8 =	sshll.u32 s0, $0x7;
	s5 =	ssub.s32 $0x2, s5;
	s10 =	smul.u32 $0x50000, s0  }
0x9: {  	s31 =	sshll.u32 s0, $0x6;
	s6 =	sor.u32 s0, s1;
	s8 =	sand.u32 $0x380, s8  }
0xa: {  	s12 =	sshrl.u32 s5, $0x1;
	s1 =	sshrl.u32 s6, $0x3;
	s6 =	sshll.u32 s6, $0xB  }
0xb: {  	s29 =	sadd.s32 s21, s7;
	s9 =	sadd.s32 s9, s7;
	s12 =	ssub.s32 s5, s12  }
0xc: {  	s30 =	sshrl.u32 s10, $0x2;
	s4 =	smul.u32 $0x13C00, s1;
	s1 =	rddreg [dreg:$0x2]  }
0xd: {  	_ =	strace $0x8000004D;
	s11 =	sadd.s32 s6, s7;
	s10 =	sadd.s32 s30, s2  }
0xe: {  	s5 =	sadd.s32 $0x1C600, s29;
	s6 =	sor.u32 $0x1C03, s31;
	s22 =	sadd.s32 $0x9E400, s9  }
0xf: {  	s9 =	smax.u32 s12, $0x1;
	s12 =	simm.s32 $0x80;
	s4 =	sor.u32 s8, s4  }
0x10: {  	s10 =	sshrl.u32 s10, $0x3;
	s21 =	sadd.s32 s21, s22;
	s8 =	sshrl.u32 s4, $0x3  }
0x11: {  	s22 =	simm.s32 $0x0;
	s4 =	sadd.s32 $0x6C600, s7;
	s8 =	sadd.s32 s8, s7  }
0x12: {  	s7 =	sadd.s32 $0x12800, s8;
	s8 =	sadd.s32 $0x2800, s11;
	s11 =	simm.s32 $0x3  }
.LBB2_1:
0x13: {  	[spmem:s10], [sflag:s6] =	dma.local [hbm:s5], $0x2800  }
0x14: {  	_ =	swait.ge [sflag:s11], $0x2800  }
0x15: {  	[sflag:s11] =	ssyncset.done $0x0  }
0x16: {  	[sflag:s11] =	ssyncadd.s32 $0xFFFFD800  }
0x17: {  	[tilespmem:s3], [sflag:$0x3] =	stream.strided.gather [hbm4b:s7+s12], $0x2780, s13, s12, $0x38;
	[tilespmem:$0x1F780] =	vst v63  }
0x18: {  	_ =	swait.ge [sflag:s11], $0x2780  }
0x19: {  	[sflag:s11] =	ssyncset.done $0x0  }
0x1a: {  	[sflag:s11] =	ssyncadd.s32 $0xFFFFD880  }
0x1b: {  	[tilespmem:s14], [sflag:$0x3] =	stream.linear.gather [hbm4b:s8+s3], $0x3E80, $0x38;
	[tilespmem:$0x1F780] =	vst v63  }
0x1c: {  	_ =	swait.ge [sflag:s11], $0x3E80  }
0x1d: {  	[sflag:s11] =	ssyncset.done $0x0  }
0x1e: {  	[sflag:s11] =	ssyncadd.s32 $0xFFFFC180  }
0x1f: {  	[bflag:$0x0] =	sbarrier.arrive $0xFFFF  }
0x20: {  	[tilespmem:s16], [sflag:$0x1] =	stream.indirect.gather [hbm4b:s4+s15], $0x80, s3, s15, $0xb8;
	[tilespmem:$0x1F780] =	vst v63  }
0x21: {  	_ =	swait.ge [sflag:s17], $0x2800  }
0x22: {  	[sflag:s17] =	ssyncset.done $0x0  }
0x23: {  	s23 =	simm.s32 $0x50;
	[sflag:s17] =	ssyncadd.s32 $0xFFFFD800  }
0x24: {  	[tilespmem:s18], [sflag:$0x2] =	stream.indirect.gather [hbm4b:s4+s15], $0x80, s23, s15, $0xb8;
	[tilespmem:$0x1F780] =	vst v63  }
0x25: {  	s31 =	simm.s32 $0x2780  }
0x26: {  	[spmem:s2] =	stream.indirect.scatter.add.f32 [tilespmem:s16], [sflag:$0x3], $0x80, s31, s15, $0xb8;
	[tilespmem:$0x1F780] =	vst v63  }
0x27: {  	_ =	swait.ge [sflag:s11], $0x2800  }
0x28: {  	[sflag:s11] =	ssyncset.done $0x0  }
0x29: {  	[sflag:s11] =	ssyncadd.s32 $0xFFFFD800  }
0x2a: {  	_ =	swait.ge [sflag:s19], $0x2800  }
0x2b: {  	[sflag:s19] =	ssyncset.done $0x0  }
0x2c: {  	s23 =	simm.s32 $0xA0;
	[sflag:s19] =	ssyncadd.s32 $0xFFFFD800  }
0x2d: {  	[tilespmem:s16], [sflag:$0x1] =	stream.indirect.gather [hbm4b:s4+s15], $0x80, s23, s15, $0xb8;
	[tilespmem:$0x1F780] =	vst v63  }
0x2e: {  	s24 =	simm.s32 $0x2800  }
0x2f: {  	[spmem:s2] =	stream.indirect.scatter.add.f32 [tilespmem:s18], [sflag:$0x3], $0x80, s24, s15, $0xb8;
	[tilespmem:$0x1F780] =	vst v63  }
0x30: {  	_ =	swait.ge [sflag:s11], $0x2800  }
0x31: {  	s24 =	simm.s32 $0x400;
	[sflag:s11] =	ssyncset.done $0x0  }
.LBB2_2:
0x32: {  	p0 =	sne.s32 s24, $0xF400;
	[sflag:s11] =	ssyncadd.s32 $0xFFFFD800;
	s23 =	sadd.s32 $0xA0, s23  }
0x33: {  	s25 =	smov.u32 s24;
	s24 =	sadd.s32 $0x400, s24  }
0x34: {  	_ =	swait.ge [sflag:s17], $0x2800  }
0x35: {  	[sflag:s17] =	ssyncset.done $0x0  }
0x36: {  	s26 =	sadd.s32 $0xFFFFFFB0, s23;
	s25 =	sshra.s32 s25, $0x2;
	[sflag:s17] =	ssyncadd.s32 $0xFFFFD800  }
0x37: {  	[tilespmem:s18], [sflag:$0x2] =	stream.indirect.gather [hbm4b:s4+s15], $0x80, s26, s15, $0xb8;
	[tilespmem:$0x1F780] =	vst v63  }
0x38: {  	s26 =	sadd.s32 $0x2780, s25  }
0x39: {  	[spmem:s2] =	stream.indirect.scatter.add.f32 [tilespmem:s16], [sflag:$0x3], $0x80, s26, s15, $0xb8;
	[tilespmem:$0x1F780] =	vst v63  }
0x3a: {  	_ =	swait.ge [sflag:s11], $0x2800  }
0x3b: {  	[sflag:s11] =	ssyncset.done $0x0  }
0x3c: {  	[sflag:s11] =	ssyncadd.s32 $0xFFFFD800  }
0x3d: {  	_ =	swait.ge [sflag:s19], $0x2800  }
0x3e: {  	[sflag:s19] =	ssyncset.done $0x0  }
0x3f: {  	[sflag:s19] =	ssyncadd.s32 $0xFFFFD800  }
0x40: {  	[tilespmem:s16], [sflag:$0x1] =	stream.indirect.gather [hbm4b:s4+s15], $0x80, s23, s15, $0xb8;
	[tilespmem:$0x1F780] =	vst v63  }
.Ltmp0:
0x41: {  	_ = 	snop;
	(pc) =	sbr.rel @p0 .LBB2_2-.Ltmp0, $4  }
0x42: {  	s25 =	sadd.s32 $0x2800, s25  }
0x43: {  	[spmem:s2] =	stream.indirect.scatter.add.f32 [tilespmem:s18], [sflag:$0x3], $0x80, s25, s15, $0xb8;
	[tilespmem:$0x1F780] =	vst v63  }
0x44: {  	_ =	swait.ge [sflag:s11], $0x2800  }
0x45: {  	[sflag:s11] =	ssyncset.done $0x0  }
0x46: {  	[sflag:s11] =	ssyncadd.s32 $0xFFFFD800  }
0x47: {  	_ =	swait.ge [sflag:s17], $0x2800  }
0x48: {  	[sflag:s17] =	ssyncset.done $0x0  }
0x49: {  	[sflag:s17] =	ssyncadd.s32 $0xFFFFD800  }
0x4a: {  	[spmem:s2] =	stream.indirect.scatter.add.f32 [tilespmem:s16], [sflag:$0x3], $0x80, s20, s15, $0xb8;
	[tilespmem:$0x1F780] =	vst v63  }
0x4b: {  	_ =	swait.ge [sflag:s11], $0x2800  }
0x4c: {  	s22 =	sadd.s32 $0x1, s22;
	[sflag:s11] =	ssyncset.done $0x0  }
0x4d: {  	p0 =	sne.s32 s22, s9;
	[sflag:s11] =	ssyncadd.s32 $0xFFFFD800  }
.Ltmp1:
0x4e: {  	[bflag:$0x0] =	sbarrier.arrive $0xFFFF;
	(pc) =	sbr.rel @p0 .LBB2_1-.Ltmp1, $4  }
0x4f: {  	[hbm:s21], [sflag:s6] =	dma.local [spmem:s10], $0x2800  }
0x50: {  	_ =	swait.ge [sflag:s11], $0x2800  }
0x51: {  	[sflag:s11] =	ssyncset.done $0x0  }
0x52: {  	[sflag:s11] =	ssyncadd.s32 $0xFFFFD800  }
0x53: {  	_ =	sfence.sel $0x180000  }
0x54: {  	[bflag:$0x0] =	sbarrier.arrive $0xFFFF  }
0x55: {  	p0 =	sne.s32 s0, $0x0;
	_ =	strace $0x9000004D  }
0x56: {  	s0 =	sadd.s32 @!p0 $0x100000, s1;
	[bflag:$0x2] =	sbarrier.arrive $0xFFFF  }
0x57: {  	[sflag:s0] =	ssyncadd.tile.s32 @!p0 $0x1;
	_ =	shalt  }
.Lfunc_end2:
_tile_overlayer_lowered:
.L_overlay_start_2:
0x58: {  	(tag) =	ssettag $0x2  }
0x59: {  	s0 =	rddreg [dreg:$0x0];
	s2 =	stileid.u32  }
0x5a: {  	s1 =	rddreg [dreg:$0x1];
	p0 =	sne.s32 s2, $0x0  }
0x5b: {  	s3 =	rddreg [dreg:$0x2];
	[bflag:$0x3] =	sbarrier.arrive $0xFFFF;
	s2 =	simm.s32 @!p0 $0x1C03  }
0x5c: {  	[timem:s3], [sflag:s2] =	dma.local @!p0 [hbm:s0], s1  }
0x5d: {  	s0 =	simm.s32 @!p0 $0x3  }
0x5e: {  	_ =	swait.ge @!p0 [sflag:s0], s1  }
0x5f: {  	s1 =	ssub.s32 @!p0 $0x0, s1;
	[sflag:s0] =	ssyncset.done @!p0 $0x0  }
0x60: {  	[sflag:s0] =	ssyncadd.s32 @!p0 s1  }
0x61: {  	[bflag:$0x3] =	sbarrier.arrive $0xFFFF  }
0x62: {  	_ =	shalt  }

// kernel: kernel.18.cloned.1.call-start
scs
__scs_entry_jumppad:
0x0: {  	(pc) =	sbr.rel $0x88, $3  }
0x1: {  	(tag) =	ssettag $0x0;
	lr =	simm.s32 $0x1  }
0x2: {  	[smem:$0x3F98] =	sst lr;
	_ =	strace $0xD0000000  }
0x3: {  	_ = 	snop  }
0x4: {  	_ = 	snop  }
0x5: {  	_ = 	snop  }
0x6: {  	_ = 	snop  }
0x7: {  	_ = 	snop  }
__scs_overlays_trampoline_lowered:
0x8: {  	[smem:$0x3FA7] =	sst s0  }
0x9: {  	[smem:$0x3FA8] =	sst s1  }
0xa: {  	[smem:$0x3FA9] =	sst s2  }
0xb: {  	[smem:$0x3FAA] =	sst s3  }
0xc: {  	[smem:$0x3FAB] =	sst s4  }
0xd: {  	[smem:$0x3FAC] =	sst s5  }
0xe: {  	[smem:$0x3FAD] =	sst s6  }
0xf: {  	[smem:$0x3FAE] =	sst s7  }
0x10: {  	[smem:$0x3FAF] =	sst s8  }
0x11: {  	[smem:$0x3FB0] =	sst s9;
	s0 =	simm.s32 @!p0 $0x0  }
0x12: {  	s1 =	sld [smem:$0x3F96];
	s0 =	simm.s32 @p0 $0x1  }
0x13: {  	[smem:$0x3FB1] =	sst s0;
	s0 =	simm.s32 @!p1 $0x0  }
0x14: {  	s2 =	sld [smem:$0x3F95];
	s0 =	simm.s32 @p1 $0x1  }
0x15: {  	[smem:$0x3FB2] =	sst s0;
	s0 =	simm.s32 @!p2 $0x0  }
0x16: {  	s3 =	sld [smem:$0x3FDB];
	s0 =	simm.s32 @p2 $0x1  }
0x17: {  	s4 =	simm.s32 $0x1BF5;
	[smem:$0x3FB4] =	sst s0  }
0x18: {  	s0 =	sld [smem:$0x3F97];
	_ =	swait.ge [sflag:s4], $0x0  }
0x19: {  	s7 =	sld [smem:$0x3F98]  }
0x1a: {  	s8 =	sadd.s32 $0xFFFFE003, lr  }
0x1b: {  	s9 =	sadd.s32 $0xFFFFFEF7, lr;
	s5 =	simm.s32 $0xFFFFFFFF;
	p2 =	slt.u32 s8, $0xFFFFF086  }
0x1c: {  	p1 =	slt.u32 s9, $0xF7A;
	s5 =	simm.s32 @!p2 $0x0  }
0x1d: {  	s5 =	simm.s32 @p1 $0x1;
	p0 =	seq.s32 s7, s2  }
0x1e: {  	s7 =	smul.u32 @!p0 $0xF7A, s2;
	p2 =	seq.s32 @!p0 s5, $0x0  }
0x1f: {  	s9 =	smul.u32 $0xF7A, s1;
	s8 =	simm.s32 @!p0 $0x1BF5;
	p2 =	por !p2, p0  }
0x20: {  	[sflag:s8] =	ssyncset.s32 @!p0 $0xFFFFF086;
	s6 =	sadd.s32 @!p0 s3, s7;
	s7 =	simm.s32 @!p0 $0x108  }
0x21: {  	s3 =	sadd.s32 s3, s9;
	s6 =	sadd.s32 @!p0 $0x88, s6;
	s7 =	simm.s32 @p2 $0x1082  }
0x22: {  	[simem:s7], [sflag:s8] =	dma.local @!p0 [hbm:s6], $0xF7A  }
0x23: {  	s9 =	sor.u32 $0xD0000000, s2;
	s6 =	simm.s32 $0x108;
	_ =	swait.ge @!p0 [sflag:s8], $0x0  }
0x24: {  	s3 =	sadd.s32 $0x88, s3;
	s6 =	simm.s32 @!p1 $0x1082;
	[sflag:s4] =	ssyncset.s32 $0xFFFFF086  }
0x25: {  	[simem:s6], [sflag:s4] =	dma.local [hbm:s3], $0xF7A  }
0x26: {  	[smem:$0x3F98] =	sst s1;
	(tag) =	ssettag s2;
	_ =	strace s9  }
0x27: {  	s1 =	sld [smem:$0x3FA8]  }
0x28: {  	s2 =	sld [smem:$0x3FA9]  }
0x29: {  	s4 =	sld [smem:$0x3FAB]  }
0x2a: {  	p0 =	seq.s32 s5, $0x0;
	s5 =	sld [smem:$0x3FAC]  }
0x2b: {  	s6 =	sld [smem:$0x3FAD]  }
0x2c: {  	s7 =	sld [smem:$0x3FAE]  }
0x2d: {  	s3 =	simm.s32 $0x108;
	s8 =	sld [smem:$0x3FAF]  }
0x2e: {  	s3 =	simm.s32 @!p0 $0x1082;
	s9 =	sld [smem:$0x3FB0]  }
0x2f: {  	lr =	sadd.s32 s0, s3;
	s0 =	sld [smem:$0x3FA7]  }
0x30: {  	s3 =	sld [smem:$0x3FAA]  }
0x31: {  	[smem:$0x3FB3] =	sst s10  }
0x32: {  	s10 =	sld [smem:$0x3FB1];
	_ =	sdelay $0x3  }
0x33: {  	p0 =	seq.s32 s10, $0x1;
	s10 =	sld [smem:$0x3FB3];
	_ =	sdelay $0x3  }
0x34: {  	[smem:$0x3FB3] =	sst s10  }
0x35: {  	s10 =	sld [smem:$0x3FB2];
	_ =	sdelay $0x3  }
0x36: {  	p1 =	seq.s32 s10, $0x1;
	s10 =	sld [smem:$0x3FB3];
	_ =	sdelay $0x3  }
0x37: {  	[smem:$0x3FB3] =	sst s10  }
0x38: {  	s10 =	sld [smem:$0x3FB4]  }
0x39: {  	_ = 	snop;
	(pc) =	sbr.ind lr, $3  }
0x3a: {  	_ = 	snop  }
0x3b: {  	_ = 	snop  }
0x3c: {  	p2 =	seq.s32 s10, $0x1;
	s10 =	sld [smem:$0x3FB3]  }
0x3d: {  	_ =	shalt  }
0x3e: {  	_ =	shalt  }
0x3f: {  	_ =	shalt  }
0x40: {  	_ =	shalt  }
0x41: {  	_ =	shalt  }
0x42: {  	_ =	shalt  }
0x43: {  	_ =	shalt  }
0x44: {  	_ =	shalt  }
0x45: {  	_ =	shalt  }
0x46: {  	_ =	shalt  }
0x47: {  	_ =	shalt  }
0x48: {  	_ =	shalt  }
0x49: {  	_ =	shalt  }
0x4a: {  	_ =	shalt  }
0x4b: {  	_ =	shalt  }
0x4c: {  	_ =	shalt  }
0x4d: {  	_ =	shalt  }
0x4e: {  	_ =	shalt  }
0x4f: {  	_ =	shalt  }
0x50: {  	_ =	shalt  }
0x51: {  	_ =	shalt  }
0x52: {  	_ =	shalt  }
0x53: {  	_ =	shalt  }
0x54: {  	_ =	shalt  }
0x55: {  	_ =	shalt  }
0x56: {  	_ =	shalt  }
0x57: {  	_ =	shalt  }
0x58: {  	_ =	shalt  }
0x59: {  	_ =	shalt  }
0x5a: {  	_ =	shalt  }
0x5b: {  	_ =	shalt  }
0x5c: {  	_ =	shalt  }
0x5d: {  	_ =	shalt  }
0x5e: {  	_ =	shalt  }
0x5f: {  	_ =	shalt  }
0x60: {  	_ =	shalt  }
0x61: {  	_ =	shalt  }
0x62: {  	_ =	shalt  }
0x63: {  	_ =	shalt  }
0x64: {  	_ =	shalt  }
0x65: {  	_ =	shalt  }
0x66: {  	_ =	shalt  }
0x67: {  	_ =	shalt  }
0x68: {  	_ =	shalt  }
0x69: {  	_ =	shalt  }
0x6a: {  	_ =	shalt  }
0x6b: {  	_ =	shalt  }
0x6c: {  	_ =	shalt  }
0x6d: {  	_ =	shalt  }
0x6e: {  	_ =	shalt  }
0x6f: {  	_ =	shalt  }
0x70: {  	_ =	shalt  }
0x71: {  	_ =	shalt  }
0x72: {  	_ =	shalt  }
0x73: {  	_ =	shalt  }
0x74: {  	_ =	shalt  }
0x75: {  	_ =	shalt  }
0x76: {  	_ =	shalt  }
0x77: {  	_ =	shalt  }
0x78: {  	_ =	shalt  }
0x79: {  	_ =	shalt  }
0x7a: {  	_ =	shalt  }
0x7b: {  	_ =	shalt  }
0x7c: {  	_ =	shalt  }
0x7d: {  	_ =	shalt  }
0x7e: {  	_ =	shalt  }
0x7f: {  	_ =	shalt  }
0x80: {  	_ =	shalt  }
0x81: {  	_ =	shalt  }
0x82: {  	_ =	shalt  }
0x83: {  	_ =	shalt  }
0x84: {  	_ =	shalt  }
0x85: {  	_ =	shalt  }
0x86: {  	_ =	shalt  }
0x87: {  	_ =	shalt  }
.Lfunc_end0:
.L_simem_size_0:
called_computation.3_lowered:
.L_overlay_start_0:
0x88: {  	s2 =	sld [smem:$0x3FD9]  }
0x89: {  	s3 =	sld [smem:$0x3FFE];
	_ =	sdelay $0x1  }
0x8a: {  	s1 =	srdreg.scid  }
0x8b: {  	s0 =	sand.u32 $0x1, s1  }
0x8c: {  	s16 =	sshll.u32 s0, $0xA;
	s2 =	sadd.s32 s3, s2  }
0x8d: {  	s2 =	sadd.s32 s2, s16  }
0x8e: {  	[smem:$0x3FBF] =	sst s2  }
0x8f: {  	_ = 	snop  }
0x90: {  	(tm) =	ssettm $0x1  }
0x91: {  	s17 =	sld [smem:$0x3FFB];
	_ =	sdelay $0x3  }
0x92: {  	_ =	strace s17  }
0x93: {  	s2 =	sld [smem:$0x3FFC];
	_ =	sdelay $0x3  }
0x94: {  	_ =	strace s2  }
0x95: {  	s2 =	sld [smem:$0x3FFD];
	_ =	sdelay $0x3  }
0x96: {  	_ =	strace s2  }
0x97: {  	_ =	strace $0x8FFFFFFF  }
0x98: {  	s18 =	sld [smem:$0x3FDB];
	_ =	sdelay $0x1  }
0x99: {  	s19 =	simm.s32 $_scs_section_size  }
0x9a: {  	s4 =	simm.s32 $_size__tile_overlayer_lowered;
	s5 =	simm.s32 $_tile_overlayer_lowered  }
0x9b: {  	s22 =	simm.s32 $0x1BFF;
	s21 =	sshll.u32 s5, $0x1;
	s2 =	sadd.s32 s19, s18  }
0x9c: {  	s6 =	simm.s32 $0x0;
	s20 =	sshll.u32 s4, $0x1;
	s4 =	sadd.s32 s21, s2  }
0x9d: {  	[timem:s6], [sflag:s22] =	dma.local [hbm:s4], s20  }
0x9e: {  	_ =	swait.ge [sflag:s22], s20  }
0x9f: {  	s3 =	ssub.s32 $0x0, s20;
	[sflag:s22] =	ssyncset.done $0x0  }
0xa0: {  	[sflag:s22] =	ssyncadd.s32 s3;
	_ =	sdelay $0x1  }
0xa1: {  	s23 =	simm.s32 $0x1B8B  }
0xa2: {  	_ =	swait.ge [sflag:s23], $0x1  }
0xa3: {  	[sflag:s23] =	ssyncset.done $0x0  }
0xa4: {  	s25 =	simm.s32 $0x1B8E;
	s24 =	sld [smem:$0x3FFE];
	[sflag:s23] =	ssyncadd.s32 $0xFFFFFFFF  }
0xa5: {  	s26 =	simm.s32 $execute0_lowered;
	[smem:$0x3FD2] =	sst s25  }
0xa6: {  	s4 =	sshll.u32 s26, $0x1;
	_ =	strace $0x8000004F;
	[dreg:$0x1] =	wrdreg $0xFFFFFFFF  }
0xa7: {  	s28 =	simm.s32 $_size_execute0_lowered;
	s2 =	sadd.s32 s2, s4;
	[dreg:$0x0] =	wrdreg $0x0  }
0xa8: {  	s4 =	sshll.u32 s28, $0x1;
	[dreg:$0x2] =	wrdreg s2  }
0xa9: {  	[dreg:$0x3] =	wrdreg s4  }
0xaa: {  	[dreg:$0x4] =	wrdreg $0xC0  }
0xab: {  	_ =	task [dreg:s6], $0x5FFFF  }
0xac: {  	[dreg:$0x1] =	wrdreg $0xFFFFFFFF  }
0xad: {  	[dreg:$0x0] =	wrdreg $0x60  }
0xae: {  	[dreg:$0x2] =	wrdreg s24  }
0xaf: {  	[dreg:$0x3] =	wrdreg $0x9  }
0xb0: {  	_ =	task.clear_ibuf [dreg:s6], $0x4FFFF;
	_ =	strace $0x9000004F  }
0xb1: {  	s29 =	simm.s32 $0x9;
	_ =	strace $0x80000051  }
0xb2: {  	_ =	swait.ge [sflag:s29], $0x1  }
0xb3: {  	[sflag:s29] =	ssyncadd.s32 $0xFFFFFFFF  }
0xb4: {  	_ =	strace $0x90000051  }
0xb5: {  	_ =	sfence  }
0xb6: {  	s30 =	sld [smem:$0x0];
	_ =	sdelay $0x2  }
0xb7: {  	s31 =	sshll.u32 s1, $0xD;
	s1 =	sshrl.u32 s1, $0x2  }
0xb8: {  	s3 =	sand.u32 $0x4000, s31;
	s1 =	sadd.s32 s1, s30  }
0xb9: {  	s0 =	sor.u32 s3, s0;
	s1 =	sshll.u32 s1, $0x11  }
0xba: {  	s0 =	sor.u32 s1, s0  }
0xbb: {  	s0 =	sadd.s32 $0x8F2B, s0  }
0xbc: {  	[sflag:s0] =	ssyncadd.remote.s32 $0x1  }
0xbd: {  	_ =	sfence.sel $0xFFFF  }
0xbe: {  	[dreg:$0x0] =	wrdreg $0xFFFFFFFF;
	(pc) =	sbr.abs _section_cstart, $3  }
0xbf: {  	[dreg:$0x1] =	wrdreg $0xFFFFFFFF  }
0xc0: {  	_ =	task.clear_ibuf [dreg:s6], $0x2FFFF;
	_ =	strace $0x9FFFFFFF  }
0xc1: {  	(tm) =	ssettm $0x7FFFFFFF  }
tec
execute0_lowered:
.L_overlay_start_1:
0x0: {  	(tag) =	ssettag $0x1  }
0x1: {  	s0 =	srdreg.scid  }
0x2: {  	s5 =	rddreg [dreg:$0x0];
	s2 =	simm.s32 $0x0;
	s11 =	simm.s32 $0x80  }
0x3: {  	s12 =	simm.s32 $0x400;
	s13 =	simm.s32 $0x3;
	s14 =	simm.s32 $0x2780  }
0x4: {  	s15 =	simm.s32 $0x50;
	s16 =	simm.s32 $0x4F00;
	s17 =	simm.s32 $0x5000  }
0x5: {  	s18 =	simm.s32 $0x1;
	s19 =	simm.s32 $0x4F80;
	s4 =	sand.u32 $0x1, s0  }
0x6: {  	s20 =	simm.s32 $0x5080;
	s0 =	stileid.u32;
	s1 =	sshll.u32 s4, $0x4  }
0x7: {  	s21 =	simm.s32 $0x2;
	s22 =	simm.s32 $0x5100;
	s3 =	sor.u32 s0, s1  }
0x8: {  	s23 =	simm.s32 $0x0;
	[smem:$0x7FF] =	sst s2;
	s6 =	sshrl.u32 s3, $0x3  }
0x9: {  	s7 =	sshll.u32 s0, $0x7;
	s4 =	ssub.s32 $0x2, s4;
	s6 =	smul.u32 $0x13C00, s6  }
0xa: {  	s1 =	rddreg [dreg:$0x1];
	s7 =	sand.u32 $0x380, s7;
	_ =	strace $0x80000050  }
0xb: {  	s31 =	sshrl.u32 s4, $0x1;
	s30 =	smul.u32 $0x4E2, s3;
	s6 =	sor.u32 s7, s6  }
0xc: {  	s3 =	sadd.s32 $0x102000, s5;
	s10 =	ssub.s32 s4, s31;
	s6 =	sshrl.u32 s6, $0x3  }
0xd: {  	s10 =	smax.u32 s10, $0x1;
	s9 =	sadd.s32 s30, s5;
	s8 =	sadd.s32 s6, s5  }
0xe: {  	s6 =	sadd.s32 $0x2800, s9;
	s9 =	sadd.s32 $0x9E400, s9;
	s4 =	sadd.s32 $0x12800, s8  }
0xf: {  	s5 =	sadd.s32 $0x94600, s8;
	s7 =	sadd.s32 $0xEE400, s8;
	s8 =	sadd.s32 $0xF8200, s8  }
.LBB2_1:
0x10: {  	[tilespmem:s2], [sflag:$0x3] =	stream.strided.gather [hbm4b:s4+s11], $0x2780, s12, s11, $0x38;
	[tilespmem:$0x7880] =	vst v63  }
0x11: {  	_ =	swait.ge [sflag:s13], $0x2780  }
0x12: {  	[sflag:s13] =	ssyncset.done $0x0  }
0x13: {  	[sflag:s13] =	ssyncadd.s32 $0xFFFFD880  }
0x14: {  	[tilespmem:s14], [sflag:$0x3] =	stream.strided.gather [hbm4b:s5+s11], $0x2780, s12, s11, $0x38;
	[tilespmem:$0x7880] =	vst v63  }
0x15: {  	_ =	swait.ge [sflag:s13], $0x2780  }
0x16: {  	[sflag:s13] =	ssyncset.done $0x0  }
0x17: {  	[sflag:s13] =	ssyncadd.s32 $0xFFFFD880  }
0x18: {  	v0 =	vld [tilespmem:$0x0]  }
0x19: {  	v1 =	vld [tilespmem:$0x2780]  }
0x1a: {  	v2 =	vld [tilespmem:$0x10]  }
0x1b: {  	v3 =	vld [tilespmem:$0x2790]  }
0x1c: {  	v4 =	vld [tilespmem:$0x20]  }
0x1d: {  	v5 =	vld [tilespmem:$0x30]  }
0x1e: {  	v6 =	vld [tilespmem:$0x40]  }
0x1f: {  	v7 =	vld [tilespmem:$0x27A0];
	v0 =	vshrl.u32 v0, $0x1  }
0x20: {  	v8 =	vld [tilespmem:$0x27B0];
	v2 =	vshrl.u32 v2, $0x1;
	v0 =	vmul.u32 $0x2800, v0  }
0x21: {  	v9 =	vld [tilespmem:$0x27C0];
	v4 =	vshrl.u32 v4, $0x1;
	v2 =	vmul.u32 $0x2800, v2  }
0x22: {  	v63 =	vshrl.u32 v5, $0x1;
	v0 =	vadd.s32 v1, v0;
	v1 =	vmul.u32 $0x2800, v4  }
0x23: {  	[tilespmem:$0x4F00] =	vst v0;
	v0 =	vadd.s32 v3, v2;
	v2 =	vmul.u32 $0x2800, v63;
	v3 =	vshrl.u32 v6, $0x1  }
0x24: {  	[tilespmem:$0x4F10] =	vst v0;
	v0 =	vadd.s32 v7, v1;
	v1 =	vmul.u32 $0x2800, v3  }
0x25: {  	[tilespmem:$0x4F20] =	vst v0;
	v0 =	vadd.s32 v8, v2  }
0x26: {  	[tilespmem:$0x4F30] =	vst v0;
	v0 =	vadd.s32 v9, v1  }
0x27: {  	s24 =	simm.s32 $0x70;
	[tilespmem:$0x4F40] =	vst v0  }
0x28: {  	[tilespmem:s17], [sflag:$0x1] =	stream.indirect.gather [hbm4b:s3+s15], $0x1, s16, s15, $0xb8;
	[tilespmem:$0x7880] =	vst v63  }
0x29: {  	v0 =	vld [tilespmem:s24+$0xFFFFFFE0];
	_ =	sdelay $0x1  }
0x2a: {  	s25 =	simm.s32 $0x27F0  }
0x2b: {  	v1 =	vld [tilespmem:s25+$0xFFFFFFE0];
	_ =	sdelay $0x1  }
0x2c: {  	v0 =	vshrl.u32 v0, $0x1  }
0x2d: {  	v0 =	vmul.u32 $0x2800, v0;
	_ =	sdelay $0x1  }
0x2e: {  	v0 =	vadd.s32 v1, v0  }
0x2f: {  	[tilespmem:$0x4F80] =	vst v0  }
0x30: {  	v0 =	vld [tilespmem:s24+$0xFFFFFFF0];
	_ =	sdelay $0x2  }
0x31: {  	v1 =	vld [tilespmem:s25+$0xFFFFFFF0];
	_ =	sdelay $0x1  }
0x32: {  	v0 =	vshrl.u32 v0, $0x1  }
0x33: {  	v0 =	vmul.u32 $0x2800, v0;
	_ =	sdelay $0x1  }
0x34: {  	v0 =	vadd.s32 v1, v0  }
0x35: {  	[tilespmem:$0x4F90] =	vst v0  }
0x36: {  	v0 =	vld [tilespmem:s24+$0x0];
	_ =	sdelay $0x2  }
0x37: {  	v1 =	vld [tilespmem:s25+$0x0];
	_ =	sdelay $0x1  }
0x38: {  	v0 =	vshrl.u32 v0, $0x1  }
0x39: {  	v0 =	vmul.u32 $0x2800, v0;
	_ =	sdelay $0x1  }
0x3a: {  	v0 =	vadd.s32 v1, v0  }
0x3b: {  	s28 =	sand.u32 $0x3FE0, s2;
	[tilespmem:$0x4FA0] =	vst v0  }
0x3c: {  	v0 =	vld [tilespmem:s28+$0x80];
	_ =	sdelay $0x2  }
0x3d: {  	v1 =	vld [tilespmem:s28+$0x2800];
	_ =	sdelay $0x1  }
0x3e: {  	v0 =	vshrl.u32 v0, $0x1  }
0x3f: {  	v0 =	vmul.u32 $0x2800, v0;
	_ =	sdelay $0x1  }
0x40: {  	v0 =	vadd.s32 v1, v0  }
0x41: {  	[tilespmem:$0x4FB0] =	vst v0  }
0x42: {  	v0 =	vld [tilespmem:s24+$0x20];
	_ =	sdelay $0x2  }
0x43: {  	v1 =	vld [tilespmem:s25+$0x20];
	_ =	sdelay $0x1  }
0x44: {  	v0 =	vshrl.u32 v0, $0x1  }
0x45: {  	v0 =	vmul.u32 $0x2800, v0;
	_ =	sdelay $0x1  }
0x46: {  	v0 =	vadd.s32 v1, v0  }
0x47: {  	[tilespmem:$0x4FC0] =	vst v0  }
0x48: {  	_ =	swait.ge [sflag:s18], $0x50  }
0x49: {  	[sflag:s18] =	ssyncset.done $0x0  }
0x4a: {  	[sflag:s18] =	ssyncadd.s32 $0xFFFFFFB0  }
0x4b: {  	[tilespmem:s20], [sflag:$0x2] =	stream.indirect.gather [hbm4b:s3+s15], $0x1, s19, s15, $0xb8;
	[tilespmem:$0x7880] =	vst v63  }
0x4c: {  	v0 =	vld [tilespmem:s24+$0xFFFFFF90]  }
0x4d: {  	v1 =	vld [tilespmem:$0x5000];
	_ =	sdelay $0x3  }
0x4e: {  	v0 =	vand.u32 $0x1, v0  }
0x4f: {  	v2 =	vunpack.i.u.bf16.f32 v1;
	v1 =	vunpack.i.l.bf16.f32 v1;
	vm0 =	veq.s32 v0, $0x0  }
0x50: {  	s26 =	simm.s32 $0x5150;
	v0 =	vsel vm0, v1, v2  }
0x51: {  	[tilespmem:s26+$0xFFFFFFB0] =	vst v0  }
0x52: {  	v0 =	vld [tilespmem:s24+$0xFFFFFFA0]  }
0x53: {  	v1 =	vld [tilespmem:$0x5010];
	_ =	sdelay $0x3  }
0x54: {  	v0 =	vand.u32 $0x1, v0  }
0x55: {  	v2 =	vunpack.i.u.bf16.f32 v1;
	v1 =	vunpack.i.l.bf16.f32 v1;
	vm7 =	veq.s32 v0, $0x0  }
0x56: {  	v0 =	vsel vm7, v1, v2  }
0x57: {  	[tilespmem:s26+$0xFFFFFFC0] =	vst v0  }
0x58: {  	v0 =	vld [tilespmem:s24+$0xFFFFFFB0]  }
0x59: {  	v1 =	vld [tilespmem:$0x5020];
	_ =	sdelay $0x3  }
0x5a: {  	v0 =	vand.u32 $0x1, v0  }
0x5b: {  	v2 =	vunpack.i.u.bf16.f32 v1;
	v1 =	vunpack.i.l.bf16.f32 v1;
	vm8 =	veq.s32 v0, $0x0  }
0x5c: {  	v0 =	vsel vm8, v1, v2  }
0x5d: {  	[tilespmem:s26+$0xFFFFFFD0] =	vst v0  }
0x5e: {  	v0 =	vld [tilespmem:s24+$0xFFFFFFC0]  }
0x5f: {  	v1 =	vld [tilespmem:$0x5030];
	_ =	sdelay $0x3  }
0x60: {  	v0 =	vand.u32 $0x1, v0  }
0x61: {  	v2 =	vunpack.i.u.bf16.f32 v1;
	v1 =	vunpack.i.l.bf16.f32 v1;
	vm9 =	veq.s32 v0, $0x0  }
0x62: {  	v0 =	vsel vm9, v1, v2  }
0x63: {  	[tilespmem:s26+$0xFFFFFFE0] =	vst v0  }
0x64: {  	v0 =	vld [tilespmem:s24+$0xFFFFFFD0]  }
0x65: {  	v1 =	vld [tilespmem:$0x5040];
	_ =	sdelay $0x3  }
0x66: {  	v0 =	vand.u32 $0x1, v0  }
0x67: {  	v2 =	vunpack.i.u.bf16.f32 v1;
	v1 =	vunpack.i.l.bf16.f32 v1;
	vm10 =	veq.s32 v0, $0x0  }
0x68: {  	v0 =	vsel vm10, v1, v2  }
0x69: {  	[tilespmem:s26+$0xFFFFFFF0] =	vst v0  }
0x6a: {  	v0 =	vld [tilespmem:s24+$0x30];
	_ =	sdelay $0x2  }
0x6b: {  	v1 =	vld [tilespmem:s25+$0x30];
	_ =	sdelay $0x1  }
0x6c: {  	v0 =	vshrl.u32 v0, $0x1  }
0x6d: {  	v0 =	vmul.u32 $0x2800, v0;
	_ =	sdelay $0x1  }
0x6e: {  	v0 =	vadd.s32 v1, v0  }
0x6f: {  	[tilespmem:$0x4F00] =	vst v0  }
0x70: {  	v0 =	vld [tilespmem:s24+$0x40];
	_ =	sdelay $0x2  }
0x71: {  	v1 =	vld [tilespmem:s25+$0x40];
	_ =	sdelay $0x1  }
0x72: {  	v0 =	vshrl.u32 v0, $0x1  }
0x73: {  	v0 =	vmul.u32 $0x2800, v0;
	_ =	sdelay $0x1  }
0x74: {  	v0 =	vadd.s32 v1, v0  }
0x75: {  	[tilespmem:$0x4F10] =	vst v0  }
0x76: {  	v0 =	vld [tilespmem:s24+$0x50];
	_ =	sdelay $0x2  }
0x77: {  	v1 =	vld [tilespmem:s25+$0x50];
	_ =	sdelay $0x1  }
0x78: {  	v0 =	vshrl.u32 v0, $0x1  }
0x79: {  	v0 =	vmul.u32 $0x2800, v0;
	_ =	sdelay $0x1  }
0x7a: {  	v0 =	vadd.s32 v1, v0  }
0x7b: {  	[tilespmem:$0x4F20] =	vst v0  }
0x7c: {  	v0 =	vld [tilespmem:s24+$0x60];
	_ =	sdelay $0x2  }
0x7d: {  	v1 =	vld [tilespmem:s25+$0x60];
	_ =	sdelay $0x1  }
0x7e: {  	v0 =	vshrl.u32 v0, $0x1  }
0x7f: {  	v0 =	vmul.u32 $0x2800, v0;
	_ =	sdelay $0x1  }
0x80: {  	v0 =	vadd.s32 v1, v0  }
0x81: {  	[tilespmem:$0x4F30] =	vst v0  }
0x82: {  	v0 =	vld [tilespmem:s24+$0x70];
	_ =	sdelay $0x2  }
0x83: {  	v1 =	vld [tilespmem:s25+$0x70];
	_ =	sdelay $0x1  }
0x84: {  	v0 =	vshrl.u32 v0, $0x1  }
0x85: {  	v0 =	vmul.u32 $0x2800, v0;
	_ =	sdelay $0x1  }
0x86: {  	v0 =	vadd.s32 v1, v0  }
0x87: {  	[tilespmem:$0x4F40] =	vst v0  }
0x88: {  	_ =	swait.ge [sflag:s21], $0x50  }
0x89: {  	[sflag:s21] =	ssyncset.done $0x0  }
0x8a: {  	[sflag:s21] =	ssyncadd.s32 $0xFFFFFFB0  }
0x8b: {  	[tilespmem:s17], [sflag:$0x1] =	stream.indirect.gather [hbm4b:s3+s15], $0x1, s16, s15, $0xb8;
	[tilespmem:$0x7880] =	vst v63  }
0x8c: {  	v0 =	vld [tilespmem:s24+$0xFFFFFFE0]  }
0x8d: {  	v1 =	vld [tilespmem:$0x5080];
	_ =	sdelay $0x3  }
0x8e: {  	v0 =	vand.u32 $0x1, v0  }
0x8f: {  	v2 =	vunpack.i.u.bf16.f32 v1;
	v1 =	vunpack.i.l.bf16.f32 v1;
	vm11 =	veq.s32 v0, $0x0  }
0x90: {  	v0 =	vsel vm11, v1, v2  }
0x91: {  	[tilespmem:s26+$0x0] =	vst v0  }
0x92: {  	v0 =	vld [tilespmem:s24+$0xFFFFFFF0]  }
0x93: {  	v1 =	vld [tilespmem:$0x5090];
	_ =	sdelay $0x3  }
0x94: {  	v0 =	vand.u32 $0x1, v0  }
0x95: {  	v2 =	vunpack.i.u.bf16.f32 v1;
	v1 =	vunpack.i.l.bf16.f32 v1;
	vm12 =	veq.s32 v0, $0x0  }
0x96: {  	v0 =	vsel vm12, v1, v2  }
0x97: {  	[tilespmem:s26+$0x10] =	vst v0  }
0x98: {  	v0 =	vld [tilespmem:s24+$0x0]  }
0x99: {  	v1 =	vld [tilespmem:$0x50A0];
	_ =	sdelay $0x3  }
0x9a: {  	v0 =	vand.u32 $0x1, v0  }
0x9b: {  	v2 =	vunpack.i.u.bf16.f32 v1;
	v1 =	vunpack.i.l.bf16.f32 v1;
	vm13 =	veq.s32 v0, $0x0  }
0x9c: {  	v0 =	vsel vm13, v1, v2  }
0x9d: {  	[tilespmem:s26+$0x20] =	vst v0  }
0x9e: {  	v0 =	vld [tilespmem:s28+$0x80]  }
0x9f: {  	v1 =	vld [tilespmem:$0x50B0];
	_ =	sdelay $0x3  }
0xa0: {  	v0 =	vand.u32 $0x1, v0  }
0xa1: {  	v2 =	vunpack.i.u.bf16.f32 v1;
	v1 =	vunpack.i.l.bf16.f32 v1;
	vm14 =	veq.s32 v0, $0x0  }
0xa2: {  	v0 =	vsel vm14, v1, v2  }
0xa3: {  	[tilespmem:s28+$0x5180] =	vst v0  }
0xa4: {  	v0 =	vld [tilespmem:s24+$0x20]  }
0xa5: {  	v1 =	vld [tilespmem:$0x50C0];
	_ =	sdelay $0x3  }
0xa6: {  	v0 =	vand.u32 $0x1, v0  }
0xa7: {  	v2 =	vunpack.i.u.bf16.f32 v1;
	v1 =	vunpack.i.l.bf16.f32 v1;
	vm15 =	veq.s32 v0, $0x0  }
0xa8: {  	s28 =	simm.s32 $0xA0;
	v0 =	vsel vm15, v1, v2  }
.LBB2_2:
0xa9: {  	[tilespmem:s26+$0x40] =	vst v0;
	s26 =	sadd.s32 $0xA0, s26;
	s25 =	sadd.s32 $0xA0, s25;
	s24 =	sadd.s32 $0xA0, s24  }
0xaa: {  	p0 =	sne.s32 s28, $0x2620;
	s29 =	smov.u32 s28;
	s28 =	sadd.s32 $0xA0, s28;
	v0 =	vld [tilespmem:s24+$0xFFFFFFE0]  }
0xab: {  	_ =	sdelay $0x1  }
0xac: {  	v1 =	vld [tilespmem:s25+$0xFFFFFFE0];
	_ =	sdelay $0x1  }
0xad: {  	v0 =	vshrl.u32 v0, $0x1  }
0xae: {  	v0 =	vmul.u32 $0x2800, v0;
	_ =	sdelay $0x1  }
0xaf: {  	v0 =	vadd.s32 v1, v0  }
0xb0: {  	[tilespmem:$0x4F80] =	vst v0  }
0xb1: {  	v0 =	vld [tilespmem:s24+$0xFFFFFFF0];
	_ =	sdelay $0x2  }
0xb2: {  	v1 =	vld [tilespmem:s25+$0xFFFFFFF0];
	_ =	sdelay $0x1  }
0xb3: {  	v0 =	vshrl.u32 v0, $0x1  }
0xb4: {  	v0 =	vmul.u32 $0x2800, v0;
	_ =	sdelay $0x1  }
0xb5: {  	v0 =	vadd.s32 v1, v0  }
0xb6: {  	[tilespmem:$0x4F90] =	vst v0  }
0xb7: {  	v0 =	vld [tilespmem:s24+$0x0];
	_ =	sdelay $0x2  }
0xb8: {  	v1 =	vld [tilespmem:s25+$0x0];
	_ =	sdelay $0x1  }
0xb9: {  	v0 =	vshrl.u32 v0, $0x1  }
0xba: {  	v0 =	vmul.u32 $0x2800, v0;
	_ =	sdelay $0x1  }
0xbb: {  	v0 =	vadd.s32 v1, v0  }
0xbc: {  	s29 =	sand.u32 $0x3FE0, s29;
	[tilespmem:$0x4FA0] =	vst v0  }
0xbd: {  	v0 =	vld [tilespmem:s29+$0x80];
	_ =	sdelay $0x2  }
0xbe: {  	v1 =	vld [tilespmem:s29+$0x2800];
	_ =	sdelay $0x1  }
0xbf: {  	v0 =	vshrl.u32 v0, $0x1  }
0xc0: {  	v0 =	vmul.u32 $0x2800, v0;
	_ =	sdelay $0x1  }
0xc1: {  	v0 =	vadd.s32 v1, v0  }
0xc2: {  	[tilespmem:$0x4FB0] =	vst v0  }
0xc3: {  	v0 =	vld [tilespmem:s24+$0x20]  }
0xc4: {  	v1 =	vld [tilespmem:s25+$0x20];
	_ =	sdelay $0x3  }
0xc5: {  	v0 =	vshrl.u32 v0, $0x1  }
0xc6: {  	v0 =	vmul.u32 $0x2800, v0;
	_ =	sdelay $0x1  }
0xc7: {  	v0 =	vadd.s32 v1, v0  }
0xc8: {  	[tilespmem:$0x4FC0] =	vst v0  }
0xc9: {  	_ =	swait.ge [sflag:s18], $0x50  }
0xca: {  	[sflag:s18] =	ssyncset.done $0x0  }
0xcb: {  	[sflag:s18] =	ssyncadd.s32 $0xFFFFFFB0  }
0xcc: {  	[tilespmem:s20], [sflag:$0x2] =	stream.indirect.gather [hbm4b:s3+s15], $0x1, s19, s15, $0xb8;
	[tilespmem:$0x7880] =	vst v63  }
0xcd: {  	v0 =	vld [tilespmem:s24+$0xFFFFFF90]  }
0xce: {  	v1 =	vld [tilespmem:$0x5000];
	_ =	sdelay $0x3  }
0xcf: {  	v0 =	vand.u32 $0x1, v0  }
0xd0: {  	v2 =	vunpack.i.u.bf16.f32 v1;
	v1 =	vunpack.i.l.bf16.f32 v1;
	vm0 =	veq.s32 v0, $0x0  }
0xd1: {  	v0 =	vsel vm0, v1, v2  }
0xd2: {  	[tilespmem:s26+$0xFFFFFFB0] =	vst v0  }
0xd3: {  	v0 =	vld [tilespmem:s24+$0xFFFFFFA0]  }
0xd4: {  	v1 =	vld [tilespmem:$0x5010];
	_ =	sdelay $0x3  }
0xd5: {  	v0 =	vand.u32 $0x1, v0  }
0xd6: {  	v2 =	vunpack.i.u.bf16.f32 v1;
	v1 =	vunpack.i.l.bf16.f32 v1;
	vm0 =	veq.s32 v0, $0x0  }
0xd7: {  	v0 =	vsel vm0, v1, v2  }
0xd8: {  	[tilespmem:s26+$0xFFFFFFC0] =	vst v0  }
0xd9: {  	v0 =	vld [tilespmem:s24+$0xFFFFFFB0]  }
0xda: {  	v1 =	vld [tilespmem:$0x5020];
	_ =	sdelay $0x3  }
0xdb: {  	v0 =	vand.u32 $0x1, v0  }
0xdc: {  	v2 =	vunpack.i.u.bf16.f32 v1;
	v1 =	vunpack.i.l.bf16.f32 v1;
	vm0 =	veq.s32 v0, $0x0  }
0xdd: {  	v0 =	vsel vm0, v1, v2  }
0xde: {  	[tilespmem:s26+$0xFFFFFFD0] =	vst v0  }
0xdf: {  	v0 =	vld [tilespmem:s24+$0xFFFFFFC0]  }
0xe0: {  	v1 =	vld [tilespmem:$0x5030];
	_ =	sdelay $0x3  }
0xe1: {  	v0 =	vand.u32 $0x1, v0  }
0xe2: {  	v2 =	vunpack.i.u.bf16.f32 v1;
	v1 =	vunpack.i.l.bf16.f32 v1;
	vm0 =	veq.s32 v0, $0x0  }
0xe3: {  	v0 =	vsel vm0, v1, v2  }
0xe4: {  	[tilespmem:s26+$0xFFFFFFE0] =	vst v0  }
0xe5: {  	v0 =	vld [tilespmem:s24+$0xFFFFFFD0]  }
0xe6: {  	v1 =	vld [tilespmem:$0x5040];
	_ =	sdelay $0x3  }
0xe7: {  	v0 =	vand.u32 $0x1, v0  }
0xe8: {  	v2 =	vunpack.i.u.bf16.f32 v1;
	v1 =	vunpack.i.l.bf16.f32 v1;
	vm0 =	veq.s32 v0, $0x0  }
0xe9: {  	v0 =	vsel vm0, v1, v2  }
0xea: {  	[tilespmem:s26+$0xFFFFFFF0] =	vst v0  }
0xeb: {  	v0 =	vld [tilespmem:s24+$0x30]  }
0xec: {  	v1 =	vld [tilespmem:s25+$0x30];
	_ =	sdelay $0x3  }
0xed: {  	v0 =	vshrl.u32 v0, $0x1  }
0xee: {  	v0 =	vmul.u32 $0x2800, v0;
	_ =	sdelay $0x1  }
0xef: {  	v0 =	vadd.s32 v1, v0  }
0xf0: {  	[tilespmem:$0x4F00] =	vst v0  }
0xf1: {  	v0 =	vld [tilespmem:s24+$0x40]  }
0xf2: {  	v1 =	vld [tilespmem:s25+$0x40];
	_ =	sdelay $0x3  }
0xf3: {  	v0 =	vshrl.u32 v0, $0x1  }
0xf4: {  	v0 =	vmul.u32 $0x2800, v0;
	_ =	sdelay $0x1  }
0xf5: {  	v0 =	vadd.s32 v1, v0  }
0xf6: {  	[tilespmem:$0x4F10] =	vst v0  }
0xf7: {  	v0 =	vld [tilespmem:s24+$0x50]  }
0xf8: {  	v1 =	vld [tilespmem:s25+$0x50];
	_ =	sdelay $0x3  }
0xf9: {  	v0 =	vshrl.u32 v0, $0x1  }
0xfa: {  	v0 =	vmul.u32 $0x2800, v0;
	_ =	sdelay $0x1  }
0xfb: {  	v0 =	vadd.s32 v1, v0  }
0xfc: {  	[tilespmem:$0x4F20] =	vst v0  }
0xfd: {  	v0 =	vld [tilespmem:s24+$0x60]  }
0xfe: {  	v1 =	vld [tilespmem:s25+$0x60];
	_ =	sdelay $0x3  }
0xff: {  	v0 =	vshrl.u32 v0, $0x1  }
0x100: {  	v0 =	vmul.u32 $0x2800, v0;
	_ =	sdelay $0x1  }
0x101: {  	v0 =	vadd.s32 v1, v0  }
0x102: {  	[tilespmem:$0x4F30] =	vst v0  }
0x103: {  	v0 =	vld [tilespmem:s24+$0x70]  }
0x104: {  	v1 =	vld [tilespmem:s25+$0x70];
	_ =	sdelay $0x3  }
0x105: {  	v0 =	vshrl.u32 v0, $0x1  }
0x106: {  	v0 =	vmul.u32 $0x2800, v0;
	_ =	sdelay $0x1  }
0x107: {  	v0 =	vadd.s32 v1, v0  }
0x108: {  	[tilespmem:$0x4F40] =	vst v0  }
0x109: {  	_ =	swait.ge [sflag:s21], $0x50  }
0x10a: {  	[sflag:s21] =	ssyncset.done $0x0  }
0x10b: {  	[sflag:s21] =	ssyncadd.s32 $0xFFFFFFB0  }
0x10c: {  	[tilespmem:s17], [sflag:$0x1] =	stream.indirect.gather [hbm4b:s3+s15], $0x1, s16, s15, $0xb8;
	[tilespmem:$0x7880] =	vst v63  }
0x10d: {  	v0 =	vld [tilespmem:s24+$0xFFFFFFE0]  }
0x10e: {  	v1 =	vld [tilespmem:$0x5080];
	_ =	sdelay $0x3  }
0x10f: {  	v0 =	vand.u32 $0x1, v0  }
0x110: {  	v2 =	vunpack.i.u.bf16.f32 v1;
	v1 =	vunpack.i.l.bf16.f32 v1;
	vm0 =	veq.s32 v0, $0x0  }
0x111: {  	v0 =	vsel vm0, v1, v2  }
0x112: {  	[tilespmem:s26+$0x0] =	vst v0  }
0x113: {  	v0 =	vld [tilespmem:s24+$0xFFFFFFF0]  }
0x114: {  	v1 =	vld [tilespmem:$0x5090];
	_ =	sdelay $0x3  }
0x115: {  	v0 =	vand.u32 $0x1, v0  }
0x116: {  	v2 =	vunpack.i.u.bf16.f32 v1;
	v1 =	vunpack.i.l.bf16.f32 v1;
	vm0 =	veq.s32 v0, $0x0  }
0x117: {  	v0 =	vsel vm0, v1, v2  }
0x118: {  	[tilespmem:s26+$0x10] =	vst v0  }
0x119: {  	v0 =	vld [tilespmem:s24+$0x0]  }
0x11a: {  	v1 =	vld [tilespmem:$0x50A0];
	_ =	sdelay $0x3  }
0x11b: {  	v0 =	vand.u32 $0x1, v0  }
0x11c: {  	v2 =	vunpack.i.u.bf16.f32 v1;
	v1 =	vunpack.i.l.bf16.f32 v1;
	vm0 =	veq.s32 v0, $0x0  }
0x11d: {  	v0 =	vsel vm0, v1, v2  }
0x11e: {  	[tilespmem:s26+$0x20] =	vst v0  }
0x11f: {  	v0 =	vld [tilespmem:s29+$0x80]  }
0x120: {  	v1 =	vld [tilespmem:$0x50B0];
	_ =	sdelay $0x3  }
0x121: {  	v0 =	vand.u32 $0x1, v0  }
0x122: {  	v2 =	vunpack.i.u.bf16.f32 v1;
	v1 =	vunpack.i.l.bf16.f32 v1;
	vm0 =	veq.s32 v0, $0x0  }
0x123: {  	v0 =	vsel vm0, v1, v2  }
0x124: {  	[tilespmem:s29+$0x5180] =	vst v0  }
0x125: {  	v0 =	vld [tilespmem:s24+$0x20]  }
0x126: {  	v1 =	vld [tilespmem:$0x50C0];
	_ =	sdelay $0x1  }
.Ltmp0:
0x127: {  	(pc) =	sbr.rel @p0 .LBB2_2-.Ltmp0, $4  }
0x128: {  	_ = 	snop  }
0x129: {  	v0 =	vand.u32 $0x1, v0  }
0x12a: {  	v2 =	vunpack.i.u.bf16.f32 v1;
	v1 =	vunpack.i.l.bf16.f32 v1;
	vm0 =	veq.s32 v0, $0x0  }
0x12b: {  	v0 =	vsel vm0, v1, v2  }
0x12c: {  	[tilespmem:s26+$0x40] =	vst v0  }
0x12d: {  	_ =	swait.ge [sflag:s18], $0x50  }
0x12e: {  	[sflag:s18] =	ssyncset.done $0x0  }
0x12f: {  	[sflag:s18] =	ssyncadd.s32 $0xFFFFFFB0  }
0x130: {  	v0 =	vld [tilespmem:$0x5000]  }
0x131: {  	v1 =	vld [tilespmem:$0x26C0]  }
0x132: {  	v2 =	vld [tilespmem:$0x5010]  }
0x133: {  	v3 =	vld [tilespmem:$0x26D0]  }
0x134: {  	v4 =	vld [tilespmem:$0x5020]  }
0x135: {  	v5 =	vld [tilespmem:$0x26E0]  }
0x136: {  	v6 =	vld [tilespmem:$0x26F0]  }
0x137: {  	v1 =	vand.u32 $0x1, v1  }
0x138: {  	v7 =	vunpack.i.u.bf16.f32 v0;
	vm0 =	veq.s32 v1, $0x0;
	v1 =	vld [tilespmem:$0x5030]  }
0x139: {  	v55 =	vld [tilespmem:$0x2700];
	v0 =	vunpack.i.l.bf16.f32 v0;
	v3 =	vand.u32 $0x1, v3;
	v8 =	vunpack.i.u.bf16.f32 v2  }
0x13a: {  	v2 =	vunpack.i.l.bf16.f32 v2;
	v56 =	vunpack.i.u.bf16.f32 v4;
	vm15 =	veq.s32 v3, $0x0;
	v3 =	vld [tilespmem:$0x5040]  }
0x13b: {  	v5 =	vand.u32 $0x1, v5;
	v4 =	vunpack.i.l.bf16.f32 v4;
	v57 =	vand.u32 $0x1, v6  }
0x13c: {  	vm4 =	veq.s32 v5, $0x0;
	vm1 =	veq.s32 v57, $0x0;
	v0 =	vsel vm0, v0, v7  }
0x13d: {  	v2 =	vsel vm15, v2, v8;
	[tilespmem:$0x77C0] =	vst v0;
	v0 =	vunpack.i.u.bf16.f32 v1;
	v1 =	vunpack.i.l.bf16.f32 v1  }
0x13e: {  	v4 =	vsel vm4, v4, v56;
	[tilespmem:$0x77D0] =	vst v2;
	v0 =	vsel vm1, v1, v0;
	v1 =	vand.u32 $0x1, v55  }
0x13f: {  	[tilespmem:$0x77E0] =	vst v4;
	v2 =	vunpack.i.u.bf16.f32 v3;
	v3 =	vunpack.i.l.bf16.f32 v3;
	vm5 =	veq.s32 v1, $0x0  }
0x140: {  	[tilespmem:$0x77F0] =	vst v0;
	v0 =	vsel vm5, v3, v2  }
0x141: {  	s31 =	simm.s32 $0x0;
	[tilespmem:$0x7800] =	vst v0  }
0x142: {  	[hbm4b:s6+s31] =	stream.linear.scatter [tilespmem:s22], [sflag:$0x3], $0x2710, $0x38;
	[tilespmem:$0x7880] =	vst v63  }
0x143: {  	_ =	swait.ge [sflag:s13], $0x2710  }
0x144: {  	[sflag:s13] =	ssyncset.done $0x0  }
0x145: {  	[sflag:s13] =	ssyncadd.s32 $0xFFFFD8F0  }
0x146: {  	[tilespmem:s31], [sflag:$0x3] =	stream.strided.gather [hbm4b:s7+s11], $0x2780, s12, s11, $0x38;
	[tilespmem:$0x7880] =	vst v63  }
0x147: {  	_ =	swait.ge [sflag:s13], $0x2780  }
0x148: {  	[sflag:s13] =	ssyncset.done $0x0  }
0x149: {  	[sflag:s13] =	ssyncadd.s32 $0xFFFFD880  }
0x14a: {  	[tilespmem:s14], [sflag:$0x3] =	stream.strided.gather [hbm4b:s8+s11], $0x2780, s12, s11, $0x38;
	[tilespmem:$0x7880] =	vst v63  }
0x14b: {  	_ =	swait.ge [sflag:s13], $0x2780  }
0x14c: {  	[sflag:s13] =	ssyncset.done $0x0  }
0x14d: {  	[sflag:s13] =	ssyncadd.s32 $0xFFFFD880  }
0x14e: {  	v0 =	vld [tilespmem:$0x0]  }
0x14f: {  	v1 =	vld [tilespmem:$0x2780]  }
0x150: {  	v2 =	vld [tilespmem:$0x10]  }
0x151: {  	v3 =	vld [tilespmem:$0x2790]  }
0x152: {  	v58 =	vld [tilespmem:$0x20]  }
0x153: {  	v59 =	vld [tilespmem:$0x30]  }
0x154: {  	v60 =	vld [tilespmem:$0x40]  }
0x155: {  	v61 =	vld [tilespmem:$0x27A0];
	v0 =	vshrl.u32 v0, $0x1  }
0x156: {  	v62 =	vld [tilespmem:$0x27B0];
	v2 =	vshrl.u32 v2, $0x1;
	v0 =	vmul.u32 $0x2800, v0  }
0x157: {  	v9 =	vld [tilespmem:$0x27C0];
	v4 =	vshrl.u32 v58, $0x1;
	v2 =	vmul.u32 $0x2800, v2  }
0x158: {  	v63 =	vshrl.u32 v59, $0x1;
	v0 =	vadd.s32 v1, v0;
	v1 =	vmul.u32 $0x2800, v4  }
0x159: {  	[tilespmem:$0x4F00] =	vst v0;
	v0 =	vadd.s32 v3, v2;
	v2 =	vmul.u32 $0x2800, v63;
	v3 =	vshrl.u32 v60, $0x1  }
0x15a: {  	[tilespmem:$0x4F10] =	vst v0;
	v0 =	vadd.s32 v61, v1;
	v1 =	vmul.u32 $0x2800, v3  }
0x15b: {  	[tilespmem:$0x4F20] =	vst v0;
	v0 =	vadd.s32 v62, v2  }
0x15c: {  	[tilespmem:$0x4F30] =	vst v0;
	v0 =	vadd.s32 v9, v1  }
0x15d: {  	s24 =	simm.s32 $0x70;
	[tilespmem:$0x4F40] =	vst v0  }
0x15e: {  	[tilespmem:s17], [sflag:$0x1] =	stream.indirect.gather [hbm4b:s3+s15], $0x1, s16, s15, $0xb8;
	[tilespmem:$0x7880] =	vst v63  }
0x15f: {  	v0 =	vld [tilespmem:s24+$0xFFFFFFE0];
	_ =	sdelay $0x1  }
0x160: {  	s25 =	simm.s32 $0x27F0  }
0x161: {  	v1 =	vld [tilespmem:s25+$0xFFFFFFE0];
	_ =	sdelay $0x1  }
0x162: {  	v0 =	vshrl.u32 v0, $0x1  }
0x163: {  	v0 =	vmul.u32 $0x2800, v0;
	_ =	sdelay $0x1  }
0x164: {  	v0 =	vadd.s32 v1, v0  }
0x165: {  	[tilespmem:$0x4F80] =	vst v0  }
0x166: {  	v0 =	vld [tilespmem:s24+$0xFFFFFFF0];
	_ =	sdelay $0x2  }
0x167: {  	v1 =	vld [tilespmem:s25+$0xFFFFFFF0];
	_ =	sdelay $0x1  }
0x168: {  	v0 =	vshrl.u32 v0, $0x1  }
0x169: {  	v0 =	vmul.u32 $0x2800, v0;
	_ =	sdelay $0x1  }
0x16a: {  	v0 =	vadd.s32 v1, v0  }
0x16b: {  	[tilespmem:$0x4F90] =	vst v0  }
0x16c: {  	v0 =	vld [tilespmem:s24+$0x0];
	_ =	sdelay $0x2  }
0x16d: {  	v1 =	vld [tilespmem:s25+$0x0];
	_ =	sdelay $0x1  }
0x16e: {  	v0 =	vshrl.u32 v0, $0x1  }
0x16f: {  	v0 =	vmul.u32 $0x2800, v0;
	_ =	sdelay $0x1  }
0x170: {  	v0 =	vadd.s32 v1, v0  }
0x171: {  	s28 =	sand.u32 $0x3FE0, s31;
	[tilespmem:$0x4FA0] =	vst v0  }
0x172: {  	v0 =	vld [tilespmem:s28+$0x80];
	_ =	sdelay $0x2  }
0x173: {  	v1 =	vld [tilespmem:s28+$0x2800];
	_ =	sdelay $0x1  }
0x174: {  	v0 =	vshrl.u32 v0, $0x1  }
0x175: {  	v0 =	vmul.u32 $0x2800, v0;
	_ =	sdelay $0x1  }
0x176: {  	v0 =	vadd.s32 v1, v0  }
0x177: {  	[tilespmem:$0x4FB0] =	vst v0  }
0x178: {  	v0 =	vld [tilespmem:s24+$0x20];
	_ =	sdelay $0x2  }
0x179: {  	v1 =	vld [tilespmem:s25+$0x20];
	_ =	sdelay $0x1  }
0x17a: {  	v0 =	vshrl.u32 v0, $0x1  }
0x17b: {  	v0 =	vmul.u32 $0x2800, v0;
	_ =	sdelay $0x1  }
0x17c: {  	v0 =	vadd.s32 v1, v0  }
0x17d: {  	[tilespmem:$0x4FC0] =	vst v0  }
0x17e: {  	_ =	swait.ge [sflag:s18], $0x50  }
0x17f: {  	[sflag:s18] =	ssyncset.done $0x0  }
0x180: {  	[sflag:s18] =	ssyncadd.s32 $0xFFFFFFB0  }
0x181: {  	[tilespmem:s20], [sflag:$0x2] =	stream.indirect.gather [hbm4b:s3+s15], $0x1, s19, s15, $0xb8;
	[tilespmem:$0x7880] =	vst v63  }
0x182: {  	v0 =	vld [tilespmem:s24+$0xFFFFFF90]  }
0x183: {  	v1 =	vld [tilespmem:$0x5000];
	_ =	sdelay $0x3  }
0x184: {  	v0 =	vand.u32 $0x1, v0  }
0x185: {  	v2 =	vunpack.i.u.bf16.f32 v1;
	v1 =	vunpack.i.l.bf16.f32 v1;
	vm6 =	veq.s32 v0, $0x0  }
0x186: {  	s26 =	simm.s32 $0x5150;
	v0 =	vsel vm6, v1, v2  }
0x187: {  	[tilespmem:s26+$0xFFFFFFB0] =	vst v0  }
0x188: {  	v0 =	vld [tilespmem:s24+$0xFFFFFFA0]  }
0x189: {  	v1 =	vld [tilespmem:$0x5010];
	_ =	sdelay $0x3  }
0x18a: {  	v0 =	vand.u32 $0x1, v0  }
0x18b: {  	v2 =	vunpack.i.u.bf16.f32 v1;
	v1 =	vunpack.i.l.bf16.f32 v1;
	vm7 =	veq.s32 v0, $0x0  }
0x18c: {  	v0 =	vsel vm7, v1, v2  }
0x18d: {  	[tilespmem:s26+$0xFFFFFFC0] =	vst v0  }
0x18e: {  	v0 =	vld [tilespmem:s24+$0xFFFFFFB0]  }
0x18f: {  	v1 =	vld [tilespmem:$0x5020];
	_ =	sdelay $0x3  }
0x190: {  	v0 =	vand.u32 $0x1, v0  }
0x191: {  	v2 =	vunpack.i.u.bf16.f32 v1;
	v1 =	vunpack.i.l.bf16.f32 v1;
	vm8 =	veq.s32 v0, $0x0  }
0x192: {  	v0 =	vsel vm8, v1, v2  }
0x193: {  	[tilespmem:s26+$0xFFFFFFD0] =	vst v0  }
0x194: {  	v0 =	vld [tilespmem:s24+$0xFFFFFFC0]  }
0x195: {  	v1 =	vld [tilespmem:$0x5030];
	_ =	sdelay $0x3  }
0x196: {  	v0 =	vand.u32 $0x1, v0  }
0x197: {  	v2 =	vunpack.i.u.bf16.f32 v1;
	v1 =	vunpack.i.l.bf16.f32 v1;
	vm9 =	veq.s32 v0, $0x0  }
0x198: {  	v0 =	vsel vm9, v1, v2  }
0x199: {  	[tilespmem:s26+$0xFFFFFFE0] =	vst v0  }
0x19a: {  	v0 =	vld [tilespmem:s24+$0xFFFFFFD0]  }
0x19b: {  	v1 =	vld [tilespmem:$0x5040];
	_ =	sdelay $0x3  }
0x19c: {  	v0 =	vand.u32 $0x1, v0  }
0x19d: {  	v2 =	vunpack.i.u.bf16.f32 v1;
	v1 =	vunpack.i.l.bf16.f32 v1;
	vm10 =	veq.s32 v0, $0x0  }
0x19e: {  	v0 =	vsel vm10, v1, v2  }
0x19f: {  	[tilespmem:s26+$0xFFFFFFF0] =	vst v0  }
0x1a0: {  	v0 =	vld [tilespmem:s24+$0x30];
	_ =	sdelay $0x2  }
0x1a1: {  	v1 =	vld [tilespmem:s25+$0x30];
	_ =	sdelay $0x1  }
0x1a2: {  	v0 =	vshrl.u32 v0, $0x1  }
0x1a3: {  	v0 =	vmul.u32 $0x2800, v0;
	_ =	sdelay $0x1  }
0x1a4: {  	v0 =	vadd.s32 v1, v0  }
0x1a5: {  	[tilespmem:$0x4F00] =	vst v0  }
0x1a6: {  	v0 =	vld [tilespmem:s24+$0x40];
	_ =	sdelay $0x2  }
0x1a7: {  	v1 =	vld [tilespmem:s25+$0x40];
	_ =	sdelay $0x1  }
0x1a8: {  	v0 =	vshrl.u32 v0, $0x1  }
0x1a9: {  	v0 =	vmul.u32 $0x2800, v0;
	_ =	sdelay $0x1  }
0x1aa: {  	v0 =	vadd.s32 v1, v0  }
0x1ab: {  	[tilespmem:$0x4F10] =	vst v0  }
0x1ac: {  	v0 =	vld [tilespmem:s24+$0x50];
	_ =	sdelay $0x2  }
0x1ad: {  	v1 =	vld [tilespmem:s25+$0x50];
	_ =	sdelay $0x1  }
0x1ae: {  	v0 =	vshrl.u32 v0, $0x1  }
0x1af: {  	v0 =	vmul.u32 $0x2800, v0;
	_ =	sdelay $0x1  }
0x1b0: {  	v0 =	vadd.s32 v1, v0  }
0x1b1: {  	[tilespmem:$0x4F20] =	vst v0  }
0x1b2: {  	v0 =	vld [tilespmem:s24+$0x60];
	_ =	sdelay $0x2  }
0x1b3: {  	v1 =	vld [tilespmem:s25+$0x60];
	_ =	sdelay $0x1  }
0x1b4: {  	v0 =	vshrl.u32 v0, $0x1  }
0x1b5: {  	v0 =	vmul.u32 $0x2800, v0;
	_ =	sdelay $0x1  }
0x1b6: {  	v0 =	vadd.s32 v1, v0  }
0x1b7: {  	[tilespmem:$0x4F30] =	vst v0  }
0x1b8: {  	v0 =	vld [tilespmem:s24+$0x70];
	_ =	sdelay $0x2  }
0x1b9: {  	v1 =	vld [tilespmem:s25+$0x70];
	_ =	sdelay $0x1  }
0x1ba: {  	v0 =	vshrl.u32 v0, $0x1  }
0x1bb: {  	v0 =	vmul.u32 $0x2800, v0;
	_ =	sdelay $0x1  }
0x1bc: {  	v0 =	vadd.s32 v1, v0  }
0x1bd: {  	[tilespmem:$0x4F40] =	vst v0  }
0x1be: {  	_ =	swait.ge [sflag:s21], $0x50  }
0x1bf: {  	[sflag:s21] =	ssyncset.done $0x0  }
0x1c0: {  	[sflag:s21] =	ssyncadd.s32 $0xFFFFFFB0  }
0x1c1: {  	[tilespmem:s17], [sflag:$0x1] =	stream.indirect.gather [hbm4b:s3+s15], $0x1, s16, s15, $0xb8;
	[tilespmem:$0x7880] =	vst v63  }
0x1c2: {  	v0 =	vld [tilespmem:s24+$0xFFFFFFE0]  }
0x1c3: {  	v1 =	vld [tilespmem:$0x5080];
	_ =	sdelay $0x3  }
0x1c4: {  	v0 =	vand.u32 $0x1, v0  }
0x1c5: {  	v2 =	vunpack.i.u.bf16.f32 v1;
	v1 =	vunpack.i.l.bf16.f32 v1;
	vm11 =	veq.s32 v0, $0x0  }
0x1c6: {  	v0 =	vsel vm11, v1, v2  }
0x1c7: {  	[tilespmem:s26+$0x0] =	vst v0  }
0x1c8: {  	v0 =	vld [tilespmem:s24+$0xFFFFFFF0]  }
0x1c9: {  	v1 =	vld [tilespmem:$0x5090];
	_ =	sdelay $0x3  }
0x1ca: {  	v0 =	vand.u32 $0x1, v0  }
0x1cb: {  	v2 =	vunpack.i.u.bf16.f32 v1;
	v1 =	vunpack.i.l.bf16.f32 v1;
	vm12 =	veq.s32 v0, $0x0  }
0x1cc: {  	v0 =	vsel vm12, v1, v2  }
0x1cd: {  	[tilespmem:s26+$0x10] =	vst v0  }
0x1ce: {  	v0 =	vld [tilespmem:s24+$0x0]  }
0x1cf: {  	v1 =	vld [tilespmem:$0x50A0];
	_ =	sdelay $0x3  }
0x1d0: {  	v0 =	vand.u32 $0x1, v0  }
0x1d1: {  	v2 =	vunpack.i.u.bf16.f32 v1;
	v1 =	vunpack.i.l.bf16.f32 v1;
	vm13 =	veq.s32 v0, $0x0  }
0x1d2: {  	v0 =	vsel vm13, v1, v2  }
0x1d3: {  	[tilespmem:s26+$0x20] =	vst v0  }
0x1d4: {  	v0 =	vld [tilespmem:s28+$0x80]  }
0x1d5: {  	v1 =	vld [tilespmem:$0x50B0];
	_ =	sdelay $0x3  }
0x1d6: {  	v0 =	vand.u32 $0x1, v0  }
0x1d7: {  	v2 =	vunpack.i.u.bf16.f32 v1;
	v1 =	vunpack.i.l.bf16.f32 v1;
	vm14 =	veq.s32 v0, $0x0  }
0x1d8: {  	v0 =	vsel vm14, v1, v2  }
0x1d9: {  	[tilespmem:s28+$0x5180] =	vst v0  }
0x1da: {  	v0 =	vld [tilespmem:s24+$0x20]  }
0x1db: {  	v1 =	vld [tilespmem:$0x50C0];
	_ =	sdelay $0x3  }
0x1dc: {  	v0 =	vand.u32 $0x1, v0  }
0x1dd: {  	v2 =	vunpack.i.u.bf16.f32 v1;
	v1 =	vunpack.i.l.bf16.f32 v1;
	vm15 =	veq.s32 v0, $0x0  }
0x1de: {  	s28 =	simm.s32 $0xA0;
	v0 =	vsel vm15, v1, v2  }
.LBB2_4:
0x1df: {  	[tilespmem:s26+$0x40] =	vst v0;
	s26 =	sadd.s32 $0xA0, s26;
	s25 =	sadd.s32 $0xA0, s25;
	s24 =	sadd.s32 $0xA0, s24  }
0x1e0: {  	p0 =	sne.s32 s28, $0x2620;
	s29 =	smov.u32 s28;
	s28 =	sadd.s32 $0xA0, s28;
	v0 =	vld [tilespmem:s24+$0xFFFFFFE0]  }
0x1e1: {  	_ =	sdelay $0x1  }
0x1e2: {  	v1 =	vld [tilespmem:s25+$0xFFFFFFE0];
	_ =	sdelay $0x1  }
0x1e3: {  	v0 =	vshrl.u32 v0, $0x1  }
0x1e4: {  	v0 =	vmul.u32 $0x2800, v0;
	_ =	sdelay $0x1  }
0x1e5: {  	v0 =	vadd.s32 v1, v0  }
0x1e6: {  	[tilespmem:$0x4F80] =	vst v0  }
0x1e7: {  	v0 =	vld [tilespmem:s24+$0xFFFFFFF0];
	_ =	sdelay $0x2  }
0x1e8: {  	v1 =	vld [tilespmem:s25+$0xFFFFFFF0];
	_ =	sdelay $0x1  }
0x1e9: {  	v0 =	vshrl.u32 v0, $0x1  }
0x1ea: {  	v0 =	vmul.u32 $0x2800, v0;
	_ =	sdelay $0x1  }
0x1eb: {  	v0 =	vadd.s32 v1, v0  }
0x1ec: {  	[tilespmem:$0x4F90] =	vst v0  }
0x1ed: {  	v0 =	vld [tilespmem:s24+$0x0];
	_ =	sdelay $0x2  }
0x1ee: {  	v1 =	vld [tilespmem:s25+$0x0];
	_ =	sdelay $0x1  }
0x1ef: {  	v0 =	vshrl.u32 v0, $0x1  }
0x1f0: {  	v0 =	vmul.u32 $0x2800, v0;
	_ =	sdelay $0x1  }
0x1f1: {  	v0 =	vadd.s32 v1, v0  }
0x1f2: {  	s29 =	sand.u32 $0x3FE0, s29;
	[tilespmem:$0x4FA0] =	vst v0  }
0x1f3: {  	v0 =	vld [tilespmem:s29+$0x80];
	_ =	sdelay $0x2  }
0x1f4: {  	v1 =	vld [tilespmem:s29+$0x2800];
	_ =	sdelay $0x1  }
0x1f5: {  	v0 =	vshrl.u32 v0, $0x1  }
0x1f6: {  	v0 =	vmul.u32 $0x2800, v0;
	_ =	sdelay $0x1  }
0x1f7: {  	v0 =	vadd.s32 v1, v0  }
0x1f8: {  	[tilespmem:$0x4FB0] =	vst v0  }
0x1f9: {  	v0 =	vld [tilespmem:s24+$0x20]  }
0x1fa: {  	v1 =	vld [tilespmem:s25+$0x20];
	_ =	sdelay $0x3  }
0x1fb: {  	v0 =	vshrl.u32 v0, $0x1  }
0x1fc: {  	v0 =	vmul.u32 $0x2800, v0;
	_ =	sdelay $0x1  }
0x1fd: {  	v0 =	vadd.s32 v1, v0  }
0x1fe: {  	[tilespmem:$0x4FC0] =	vst v0  }
0x1ff: {  	_ =	swait.ge [sflag:s18], $0x50  }
0x200: {  	[sflag:s18] =	ssyncset.done $0x0  }
0x201: {  	[sflag:s18] =	ssyncadd.s32 $0xFFFFFFB0  }
0x202: {  	[tilespmem:s20], [sflag:$0x2] =	stream.indirect.gather [hbm4b:s3+s15], $0x1, s19, s15, $0xb8;
	[tilespmem:$0x7880] =	vst v63  }
0x203: {  	v0 =	vld [tilespmem:s24+$0xFFFFFF90]  }
0x204: {  	v1 =	vld [tilespmem:$0x5000];
	_ =	sdelay $0x3  }
0x205: {  	v0 =	vand.u32 $0x1, v0  }
0x206: {  	v2 =	vunpack.i.u.bf16.f32 v1;
	v1 =	vunpack.i.l.bf16.f32 v1;
	vm0 =	veq.s32 v0, $0x0  }
0x207: {  	v0 =	vsel vm0, v1, v2  }
0x208: {  	[tilespmem:s26+$0xFFFFFFB0] =	vst v0  }
0x209: {  	v0 =	vld [tilespmem:s24+$0xFFFFFFA0]  }
0x20a: {  	v1 =	vld [tilespmem:$0x5010];
	_ =	sdelay $0x3  }
0x20b: {  	v0 =	vand.u32 $0x1, v0  }
0x20c: {  	v2 =	vunpack.i.u.bf16.f32 v1;
	v1 =	vunpack.i.l.bf16.f32 v1;
	vm0 =	veq.s32 v0, $0x0  }
0x20d: {  	v0 =	vsel vm0, v1, v2  }
0x20e: {  	[tilespmem:s26+$0xFFFFFFC0] =	vst v0  }
0x20f: {  	v0 =	vld [tilespmem:s24+$0xFFFFFFB0]  }
0x210: {  	v1 =	vld [tilespmem:$0x5020];
	_ =	sdelay $0x3  }
0x211: {  	v0 =	vand.u32 $0x1, v0  }
0x212: {  	v2 =	vunpack.i.u.bf16.f32 v1;
	v1 =	vunpack.i.l.bf16.f32 v1;
	vm0 =	veq.s32 v0, $0x0  }
0x213: {  	v0 =	vsel vm0, v1, v2  }
0x214: {  	[tilespmem:s26+$0xFFFFFFD0] =	vst v0  }
0x215: {  	v0 =	vld [tilespmem:s24+$0xFFFFFFC0]  }
0x216: {  	v1 =	vld [tilespmem:$0x5030];
	_ =	sdelay $0x3  }
0x217: {  	v0 =	vand.u32 $0x1, v0  }
0x218: {  	v2 =	vunpack.i.u.bf16.f32 v1;
	v1 =	vunpack.i.l.bf16.f32 v1;
	vm0 =	veq.s32 v0, $0x0  }
0x219: {  	v0 =	vsel vm0, v1, v2  }
0x21a: {  	[tilespmem:s26+$0xFFFFFFE0] =	vst v0  }
0x21b: {  	v0 =	vld [tilespmem:s24+$0xFFFFFFD0]  }
0x21c: {  	v1 =	vld [tilespmem:$0x5040];
	_ =	sdelay $0x3  }
0x21d: {  	v0 =	vand.u32 $0x1, v0  }
0x21e: {  	v2 =	vunpack.i.u.bf16.f32 v1;
	v1 =	vunpack.i.l.bf16.f32 v1;
	vm0 =	veq.s32 v0, $0x0  }
0x21f: {  	v0 =	vsel vm0, v1, v2  }
0x220: {  	[tilespmem:s26+$0xFFFFFFF0] =	vst v0  }
0x221: {  	v0 =	vld [tilespmem:s24+$0x30]  }
0x222: {  	v1 =	vld [tilespmem:s25+$0x30];
	_ =	sdelay $0x3  }
0x223: {  	v0 =	vshrl.u32 v0, $0x1  }
0x224: {  	v0 =	vmul.u32 $0x2800, v0;
	_ =	sdelay $0x1  }
0x225: {  	v0 =	vadd.s32 v1, v0  }
0x226: {  	[tilespmem:$0x4F00] =	vst v0  }
0x227: {  	v0 =	vld [tilespmem:s24+$0x40]  }
0x228: {  	v1 =	vld [tilespmem:s25+$0x40];
	_ =	sdelay $0x3  }
0x229: {  	v0 =	vshrl.u32 v0, $0x1  }
0x22a: {  	v0 =	vmul.u32 $0x2800, v0;
	_ =	sdelay $0x1  }
0x22b: {  	v0 =	vadd.s32 v1, v0  }
0x22c: {  	[tilespmem:$0x4F10] =	vst v0  }
0x22d: {  	v0 =	vld [tilespmem:s24+$0x50]  }
0x22e: {  	v1 =	vld [tilespmem:s25+$0x50];
	_ =	sdelay $0x3  }
0x22f: {  	v0 =	vshrl.u32 v0, $0x1  }
0x230: {  	v0 =	vmul.u32 $0x2800, v0;
	_ =	sdelay $0x1  }
0x231: {  	v0 =	vadd.s32 v1, v0  }
0x232: {  	[tilespmem:$0x4F20] =	vst v0  }
0x233: {  	v0 =	vld [tilespmem:s24+$0x60]  }
0x234: {  	v1 =	vld [tilespmem:s25+$0x60];
	_ =	sdelay $0x3  }
0x235: {  	v0 =	vshrl.u32 v0, $0x1  }
0x236: {  	v0 =	vmul.u32 $0x2800, v0;
	_ =	sdelay $0x1  }
0x237: {  	v0 =	vadd.s32 v1, v0  }
0x238: {  	[tilespmem:$0x4F30] =	vst v0  }
0x239: {  	v0 =	vld [tilespmem:s24+$0x70]  }
0x23a: {  	v1 =	vld [tilespmem:s25+$0x70];
	_ =	sdelay $0x3  }
0x23b: {  	v0 =	vshrl.u32 v0, $0x1  }
0x23c: {  	v0 =	vmul.u32 $0x2800, v0;
	_ =	sdelay $0x1  }
0x23d: {  	v0 =	vadd.s32 v1, v0  }
0x23e: {  	[tilespmem:$0x4F40] =	vst v0  }
0x23f: {  	_ =	swait.ge [sflag:s21], $0x50  }
0x240: {  	[sflag:s21] =	ssyncset.done $0x0  }
0x241: {  	[sflag:s21] =	ssyncadd.s32 $0xFFFFFFB0  }
0x242: {  	[tilespmem:s17], [sflag:$0x1] =	stream.indirect.gather [hbm4b:s3+s15], $0x1, s16, s15, $0xb8;
	[tilespmem:$0x7880] =	vst v63  }
0x243: {  	v0 =	vld [tilespmem:s24+$0xFFFFFFE0]  }
0x244: {  	v1 =	vld [tilespmem:$0x5080];
	_ =	sdelay $0x3  }
0x245: {  	v0 =	vand.u32 $0x1, v0  }
0x246: {  	v2 =	vunpack.i.u.bf16.f32 v1;
	v1 =	vunpack.i.l.bf16.f32 v1;
	vm0 =	veq.s32 v0, $0x0  }
0x247: {  	v0 =	vsel vm0, v1, v2  }
0x248: {  	[tilespmem:s26+$0x0] =	vst v0  }
0x249: {  	v0 =	vld [tilespmem:s24+$0xFFFFFFF0]  }
0x24a: {  	v1 =	vld [tilespmem:$0x5090];
	_ =	sdelay $0x3  }
0x24b: {  	v0 =	vand.u32 $0x1, v0  }
0x24c: {  	v2 =	vunpack.i.u.bf16.f32 v1;
	v1 =	vunpack.i.l.bf16.f32 v1;
	vm0 =	veq.s32 v0, $0x0  }
0x24d: {  	v0 =	vsel vm0, v1, v2  }
0x24e: {  	[tilespmem:s26+$0x10] =	vst v0  }
0x24f: {  	v0 =	vld [tilespmem:s24+$0x0]  }
0x250: {  	v1 =	vld [tilespmem:$0x50A0];
	_ =	sdelay $0x3  }
0x251: {  	v0 =	vand.u32 $0x1, v0  }
0x252: {  	v2 =	vunpack.i.u.bf16.f32 v1;
	v1 =	vunpack.i.l.bf16.f32 v1;
	vm0 =	veq.s32 v0, $0x0  }
0x253: {  	v0 =	vsel vm0, v1, v2  }
0x254: {  	[tilespmem:s26+$0x20] =	vst v0  }
0x255: {  	v0 =	vld [tilespmem:s29+$0x80]  }
0x256: {  	v1 =	vld [tilespmem:$0x50B0];
	_ =	sdelay $0x3  }
0x257: {  	v0 =	vand.u32 $0x1, v0  }
0x258: {  	v2 =	vunpack.i.u.bf16.f32 v1;
	v1 =	vunpack.i.l.bf16.f32 v1;
	vm0 =	veq.s32 v0, $0x0  }
0x259: {  	v0 =	vsel vm0, v1, v2  }
0x25a: {  	[tilespmem:s29+$0x5180] =	vst v0  }
0x25b: {  	v0 =	vld [tilespmem:s24+$0x20]  }
0x25c: {  	v1 =	vld [tilespmem:$0x50C0];
	_ =	sdelay $0x1  }
.Ltmp1:
0x25d: {  	(pc) =	sbr.rel @p0 .LBB2_4-.Ltmp1, $4  }
0x25e: {  	_ = 	snop  }
0x25f: {  	v0 =	vand.u32 $0x1, v0  }
0x260: {  	v2 =	vunpack.i.u.bf16.f32 v1;
	v1 =	vunpack.i.l.bf16.f32 v1;
	vm0 =	veq.s32 v0, $0x0  }
0x261: {  	v0 =	vsel vm0, v1, v2  }
0x262: {  	[tilespmem:s26+$0x40] =	vst v0  }
0x263: {  	_ =	swait.ge [sflag:s18], $0x50  }
0x264: {  	[sflag:s18] =	ssyncset.done $0x0  }
0x265: {  	[sflag:s18] =	ssyncadd.s32 $0xFFFFFFB0  }
0x266: {  	v51 =	vld [tilespmem:$0x5000]  }
0x267: {  	v1 =	vld [tilespmem:$0x26C0]  }
0x268: {  	v2 =	vld [tilespmem:$0x5010]  }
0x269: {  	v3 =	vld [tilespmem:$0x26D0]  }
0x26a: {  	v4 =	vld [tilespmem:$0x26E0]  }
0x26b: {  	v5 =	vld [tilespmem:$0x5020]  }
0x26c: {  	v6 =	vld [tilespmem:$0x26F0]  }
0x26d: {  	v8 =	vld [tilespmem:$0x5030]  }
0x26e: {  	v9 =	vld [tilespmem:$0x2700]  }
0x26f: {  	v54 =	vld [tilespmem:$0x5040];
	v7 =	vunpack.i.u.bf16.f32 v51;
	v0 =	vunpack.i.l.bf16.f32 v51;
	v1 =	vand.u32 $0x1, v1  }
0x270: {  	v52 =	vunpack.i.u.bf16.f32 v2;
	v3 =	vand.u32 $0x1, v3;
	v2 =	vunpack.i.l.bf16.f32 v2  }
0x271: {  	v53 =	vand.u32 $0x1, v4;
	v55 =	vunpack.i.u.bf16.f32 v5;
	v56 =	vunpack.i.l.bf16.f32 v5  }
0x272: {  	v57 =	vand.u32 $0x1, v6;
	v58 =	vunpack.i.u.bf16.f32 v8;
	vm0 =	veq.s32 v1, $0x0  }
0x273: {  	v60 =	vand.u32 $0x1, v9;
	vm1 =	veq.s32 v3, $0x0;
	v0 =	vsel vm0, v0, v7  }
0x274: {  	v61 =	vunpack.i.u.bf16.f32 v54;
	vm13 =	veq.s32 v53, $0x0;
	v1 =	vsel vm1, v2, v52;
	[tilespmem:$0x77C0] =	vst v0  }
0x275: {  	v62 =	vunpack.i.l.bf16.f32 v54;
	vm15 =	veq.s32 v60, $0x0;
	v2 =	vsel vm13, v56, v55;
	[tilespmem:$0x77D0] =	vst v1  }
0x276: {  	s23 =	sadd.s32 $0x1, s23;
	v59 =	vunpack.i.l.bf16.f32 v8;
	vm14 =	veq.s32 v57, $0x0;
	v63 =	vsel vm15, v62, v61;
	[tilespmem:$0x77E0] =	vst v2  }
0x277: {  	p0 =	sne.s32 s23, s10;
	v0 =	vsel vm14, v59, v58;
	[tilespmem:$0x7800] =	vst v63  }
.Ltmp2:
0x278: {  	[tilespmem:$0x77F0] =	vst v0;
	(pc) =	sbr.rel @p0 .LBB2_1-.Ltmp2, $4  }
0x279: {  	[hbm4b:s9+s2] =	stream.linear.scatter [tilespmem:s22], [sflag:$0x3], $0x2710, $0x38;
	[tilespmem:$0x7880] =	vst v63  }
0x27a: {  	_ =	swait.ge [sflag:s13], $0x2710  }
0x27b: {  	[sflag:s13] =	ssyncset.done $0x0  }
0x27c: {  	[sflag:s13] =	ssyncadd.s32 $0xFFFFD8F0  }
0x27d: {  	_ =	sfence.sel $0x180000  }
0x27e: {  	[bflag:$0x0] =	sbarrier.arrive $0xFFFF  }
0x27f: {  	p0 =	sne.s32 s0, $0x0;
	_ =	strace $0x90000050  }
0x280: {  	s0 =	sadd.s32 @!p0 $0x100000, s1;
	[bflag:$0x2] =	sbarrier.arrive $0xFFFF  }
0x281: {  	[sflag:s0] =	ssyncadd.tile.s32 @!p0 $0x1;
	_ =	shalt  }
.Lfunc_end2:
_tile_overlayer_lowered:
.L_overlay_start_2:
0x282: {  	(tag) =	ssettag $0x2  }
0x283: {  	s0 =	rddreg [dreg:$0x0];
	s2 =	stileid.u32  }
0x284: {  	s1 =	rddreg [dreg:$0x1];
	p0 =	sne.s32 s2, $0x0  }
0x285: {  	s3 =	rddreg [dreg:$0x2];
	[bflag:$0x3] =	sbarrier.arrive $0xFFFF;
	s2 =	simm.s32 @!p0 $0x1C03  }
0x286: {  	[timem:s3], [sflag:s2] =	dma.local @!p0 [hbm:s0], s1  }
0x287: {  	s0 =	simm.s32 @!p0 $0x3  }
0x288: {  	_ =	swait.ge @!p0 [sflag:s0], s1  }
0x289: {  	s1 =	ssub.s32 @!p0 $0x0, s1;
	[sflag:s0] =	ssyncset.done @!p0 $0x0  }
0x28a: {  	[sflag:s0] =	ssyncadd.s32 @!p0 s1  }
0x28b: {  	[bflag:$0x3] =	sbarrier.arrive $0xFFFF  }
0x28c: {  	_ =	shalt  }

// kernel: kernel.9.cloned.1.call-start
scs
__scs_entry_jumppad:
0x0: {  	(pc) =	sbr.rel $0x88, $3  }
0x1: {  	(tag) =	ssettag $0x0;
	lr =	simm.s32 $0x1  }
0x2: {  	[smem:$0x3F98] =	sst lr;
	_ =	strace $0xD0000000  }
0x3: {  	_ = 	snop  }
0x4: {  	_ = 	snop  }
0x5: {  	_ = 	snop  }
0x6: {  	_ = 	snop  }
0x7: {  	_ = 	snop  }
__scs_overlays_trampoline_lowered:
0x8: {  	[smem:$0x3FA7] =	sst s0  }
0x9: {  	[smem:$0x3FA8] =	sst s1  }
0xa: {  	[smem:$0x3FA9] =	sst s2  }
0xb: {  	[smem:$0x3FAA] =	sst s3  }
0xc: {  	[smem:$0x3FAB] =	sst s4  }
0xd: {  	[smem:$0x3FAC] =	sst s5  }
0xe: {  	[smem:$0x3FAD] =	sst s6  }
0xf: {  	[smem:$0x3FAE] =	sst s7  }
0x10: {  	[smem:$0x3FAF] =	sst s8  }
0x11: {  	[smem:$0x3FB0] =	sst s9;
	s0 =	simm.s32 @!p0 $0x0  }
0x12: {  	s1 =	sld [smem:$0x3F96];
	s0 =	simm.s32 @p0 $0x1  }
0x13: {  	[smem:$0x3FB1] =	sst s0;
	s0 =	simm.s32 @!p1 $0x0  }
0x14: {  	s2 =	sld [smem:$0x3F95];
	s0 =	simm.s32 @p1 $0x1  }
0x15: {  	[smem:$0x3FB2] =	sst s0;
	s0 =	simm.s32 @!p2 $0x0  }
0x16: {  	s3 =	sld [smem:$0x3FDB];
	s0 =	simm.s32 @p2 $0x1  }
0x17: {  	s4 =	simm.s32 $0x1BF5;
	[smem:$0x3FB4] =	sst s0  }
0x18: {  	s0 =	sld [smem:$0x3F97];
	_ =	swait.ge [sflag:s4], $0x0  }
0x19: {  	s7 =	sld [smem:$0x3F98]  }
0x1a: {  	s8 =	sadd.s32 $0xFFFFE003, lr  }
0x1b: {  	s9 =	sadd.s32 $0xFFFFFEF7, lr;
	s5 =	simm.s32 $0xFFFFFFFF;
	p2 =	slt.u32 s8, $0xFFFFF086  }
0x1c: {  	p1 =	slt.u32 s9, $0xF7A;
	s5 =	simm.s32 @!p2 $0x0  }
0x1d: {  	s5 =	simm.s32 @p1 $0x1;
	p0 =	seq.s32 s7, s2  }
0x1e: {  	s7 =	smul.u32 @!p0 $0xF7A, s2;
	p2 =	seq.s32 @!p0 s5, $0x0  }
0x1f: {  	s9 =	smul.u32 $0xF7A, s1;
	s8 =	simm.s32 @!p0 $0x1BF5;
	p2 =	por !p2, p0  }
0x20: {  	[sflag:s8] =	ssyncset.s32 @!p0 $0xFFFFF086;
	s6 =	sadd.s32 @!p0 s3, s7;
	s7 =	simm.s32 @!p0 $0x108  }
0x21: {  	s3 =	sadd.s32 s3, s9;
	s6 =	sadd.s32 @!p0 $0x88, s6;
	s7 =	simm.s32 @p2 $0x1082  }
0x22: {  	[simem:s7], [sflag:s8] =	dma.local @!p0 [hbm:s6], $0xF7A  }
0x23: {  	s9 =	sor.u32 $0xD0000000, s2;
	s6 =	simm.s32 $0x108;
	_ =	swait.ge @!p0 [sflag:s8], $0x0  }
0x24: {  	s3 =	sadd.s32 $0x88, s3;
	s6 =	simm.s32 @!p1 $0x1082;
	[sflag:s4] =	ssyncset.s32 $0xFFFFF086  }
0x25: {  	[simem:s6], [sflag:s4] =	dma.local [hbm:s3], $0xF7A  }
0x26: {  	[smem:$0x3F98] =	sst s1;
	(tag) =	ssettag s2;
	_ =	strace s9  }
0x27: {  	s1 =	sld [smem:$0x3FA8]  }
0x28: {  	s2 =	sld [smem:$0x3FA9]  }
0x29: {  	s4 =	sld [smem:$0x3FAB]  }
0x2a: {  	p0 =	seq.s32 s5, $0x0;
	s5 =	sld [smem:$0x3FAC]  }
0x2b: {  	s6 =	sld [smem:$0x3FAD]  }
0x2c: {  	s7 =	sld [smem:$0x3FAE]  }
0x2d: {  	s3 =	simm.s32 $0x108;
	s8 =	sld [smem:$0x3FAF]  }
0x2e: {  	s3 =	simm.s32 @!p0 $0x1082;
	s9 =	sld [smem:$0x3FB0]  }
0x2f: {  	lr =	sadd.s32 s0, s3;
	s0 =	sld [smem:$0x3FA7]  }
0x30: {  	s3 =	sld [smem:$0x3FAA]  }
0x31: {  	[smem:$0x3FB3] =	sst s10  }
0x32: {  	s10 =	sld [smem:$0x3FB1];
	_ =	sdelay $0x3  }
0x33: {  	p0 =	seq.s32 s10, $0x1;
	s10 =	sld [smem:$0x3FB3];
	_ =	sdelay $0x3  }
0x34: {  	[smem:$0x3FB3] =	sst s10  }
0x35: {  	s10 =	sld [smem:$0x3FB2];
	_ =	sdelay $0x3  }
0x36: {  	p1 =	seq.s32 s10, $0x1;
	s10 =	sld [smem:$0x3FB3];
	_ =	sdelay $0x3  }
0x37: {  	[smem:$0x3FB3] =	sst s10  }
0x38: {  	s10 =	sld [smem:$0x3FB4]  }
0x39: {  	_ = 	snop;
	(pc) =	sbr.ind lr, $3  }
0x3a: {  	_ = 	snop  }
0x3b: {  	_ = 	snop  }
0x3c: {  	p2 =	seq.s32 s10, $0x1;
	s10 =	sld [smem:$0x3FB3]  }
0x3d: {  	_ =	shalt  }
0x3e: {  	_ =	shalt  }
0x3f: {  	_ =	shalt  }
0x40: {  	_ =	shalt  }
0x41: {  	_ =	shalt  }
0x42: {  	_ =	shalt  }
0x43: {  	_ =	shalt  }
0x44: {  	_ =	shalt  }
0x45: {  	_ =	shalt  }
0x46: {  	_ =	shalt  }
0x47: {  	_ =	shalt  }
0x48: {  	_ =	shalt  }
0x49: {  	_ =	shalt  }
0x4a: {  	_ =	shalt  }
0x4b: {  	_ =	shalt  }
0x4c: {  	_ =	shalt  }
0x4d: {  	_ =	shalt  }
0x4e: {  	_ =	shalt  }
0x4f: {  	_ =	shalt  }
0x50: {  	_ =	shalt  }
0x51: {  	_ =	shalt  }
0x52: {  	_ =	shalt  }
0x53: {  	_ =	shalt  }
0x54: {  	_ =	shalt  }
0x55: {  	_ =	shalt  }
0x56: {  	_ =	shalt  }
0x57: {  	_ =	shalt  }
0x58: {  	_ =	shalt  }
0x59: {  	_ =	shalt  }
0x5a: {  	_ =	shalt  }
0x5b: {  	_ =	shalt  }
0x5c: {  	_ =	shalt  }
0x5d: {  	_ =	shalt  }
0x5e: {  	_ =	shalt  }
0x5f: {  	_ =	shalt  }
0x60: {  	_ =	shalt  }
0x61: {  	_ =	shalt  }
0x62: {  	_ =	shalt  }
0x63: {  	_ =	shalt  }
0x64: {  	_ =	shalt  }
0x65: {  	_ =	shalt  }
0x66: {  	_ =	shalt  }
0x67: {  	_ =	shalt  }
0x68: {  	_ =	shalt  }
0x69: {  	_ =	shalt  }
0x6a: {  	_ =	shalt  }
0x6b: {  	_ =	shalt  }
0x6c: {  	_ =	shalt  }
0x6d: {  	_ =	shalt  }
0x6e: {  	_ =	shalt  }
0x6f: {  	_ =	shalt  }
0x70: {  	_ =	shalt  }
0x71: {  	_ =	shalt  }
0x72: {  	_ =	shalt  }
0x73: {  	_ =	shalt  }
0x74: {  	_ =	shalt  }
0x75: {  	_ =	shalt  }
0x76: {  	_ =	shalt  }
0x77: {  	_ =	shalt  }
0x78: {  	_ =	shalt  }
0x79: {  	_ =	shalt  }
0x7a: {  	_ =	shalt  }
0x7b: {  	_ =	shalt  }
0x7c: {  	_ =	shalt  }
0x7d: {  	_ =	shalt  }
0x7e: {  	_ =	shalt  }
0x7f: {  	_ =	shalt  }
0x80: {  	_ =	shalt  }
0x81: {  	_ =	shalt  }
0x82: {  	_ =	shalt  }
0x83: {  	_ =	shalt  }
0x84: {  	_ =	shalt  }
0x85: {  	_ =	shalt  }
0x86: {  	_ =	shalt  }
0x87: {  	_ =	shalt  }
.Lfunc_end0:
.L_simem_size_0:
called_computation_lowered:
.L_overlay_start_0:
0x88: {  	s2 =	sld [smem:$0x3FD9]  }
0x89: {  	s3 =	sld [smem:$0x3FFE];
	_ =	sdelay $0x1  }
0x8a: {  	s1 =	srdreg.scid  }
0x8b: {  	s0 =	sand.u32 $0x1, s1  }
0x8c: {  	s17 =	sshll.u32 s0, $0xA;
	s2 =	sadd.s32 s3, s2  }
0x8d: {  	s2 =	sadd.s32 s2, s17  }
0x8e: {  	[smem:$0x3FBF] =	sst s2  }
0x8f: {  	_ = 	snop  }
0x90: {  	s2 =	sld [smem:$0x3FC9];
	(tm) =	ssettm $0x1  }
0x91: {  	s18 =	sld [smem:$0x3FFB];
	_ =	sdelay $0x3  }
0x92: {  	_ =	strace s18  }
0x93: {  	s3 =	sld [smem:$0x3FFC];
	_ =	sdelay $0x3  }
0x94: {  	_ =	strace s3  }
0x95: {  	s3 =	sld [smem:$0x3FFD];
	_ =	sdelay $0x3  }
0x96: {  	_ =	strace s3  }
0x97: {  	_ =	strace $0x8FFFFFFF  }
0x98: {  	s19 =	sld [smem:$0x3FDB];
	_ =	sdelay $0x1  }
0x99: {  	s4 =	simm.s32 $_scs_section_size  }
0x9a: {  	s5 =	simm.s32 $_size__tile_overlayer_lowered;
	s6 =	simm.s32 $_tile_overlayer_lowered  }
0x9b: {  	s22 =	simm.s32 $0x1BFF;
	s21 =	sshll.u32 s6, $0x1;
	s3 =	sadd.s32 s4, s19  }
0x9c: {  	s7 =	simm.s32 $0x0;
	s20 =	sshll.u32 s5, $0x1;
	s5 =	sadd.s32 s21, s3  }
0x9d: {  	[timem:s7], [sflag:s22] =	dma.local [hbm:s5], s20  }
0x9e: {  	_ =	swait.ge [sflag:s22], s20  }
0x9f: {  	s4 =	ssub.s32 $0x0, s20;
	[sflag:s22] =	ssyncset.done $0x0  }
0xa0: {  	[sflag:s22] =	ssyncadd.s32 s4;
	_ =	sdelay $0x1  }
0xa1: {  	s23 =	simm.s32 $0x1B8B  }
0xa2: {  	_ =	swait.ge [sflag:s23], $0x1  }
0xa3: {  	[sflag:s23] =	ssyncset.done $0x0  }
0xa4: {  	s25 =	simm.s32 $0x1B8E;
	s24 =	sld [smem:$0x3FFE];
	[sflag:s23] =	ssyncadd.s32 $0xFFFFFFFF  }
0xa5: {  	s26 =	simm.s32 $execute0_lowered;
	[smem:$0x3FD2] =	sst s25  }
0xa6: {  	s5 =	sshll.u32 s26, $0x1;
	_ =	strace $0x80000046;
	[dreg:$0x1] =	wrdreg $0xFFFFFFFF  }
0xa7: {  	s28 =	simm.s32 $_size_execute0_lowered;
	s3 =	sadd.s32 s3, s5;
	[dreg:$0x0] =	wrdreg $0x0  }
0xa8: {  	s5 =	sshll.u32 s28, $0x1;
	[dreg:$0x2] =	wrdreg s3  }
0xa9: {  	[dreg:$0x3] =	wrdreg s5  }
0xaa: {  	[dreg:$0x4] =	wrdreg $0xC0  }
0xab: {  	_ =	task [dreg:s7], $0x5FFFF  }
0xac: {  	[dreg:$0x1] =	wrdreg $0xFFFFFFFF  }
0xad: {  	[dreg:$0x0] =	wrdreg $0x60  }
0xae: {  	[dreg:$0x2] =	wrdreg s2  }
0xaf: {  	[dreg:$0x3] =	wrdreg s24  }
0xb0: {  	[dreg:$0x4] =	wrdreg $0xB7800  }
0xb1: {  	[dreg:$0x5] =	wrdreg $0x9  }
0xb2: {  	_ =	task.clear_ibuf [dreg:s7], $0x6FFFF;
	_ =	strace $0x90000046  }
0xb3: {  	s29 =	simm.s32 $0x9;
	_ =	strace $0x80000048  }
0xb4: {  	_ =	swait.ge [sflag:s29], $0x1  }
0xb5: {  	[sflag:s29] =	ssyncadd.s32 $0xFFFFFFFF  }
0xb6: {  	_ =	strace $0x90000048  }
0xb7: {  	_ =	sfence  }
0xb8: {  	s30 =	sld [smem:$0x0];
	_ =	sdelay $0x2  }
0xb9: {  	s31 =	sshll.u32 s1, $0xD;
	s1 =	sshrl.u32 s1, $0x2  }
0xba: {  	s3 =	sand.u32 $0x4000, s31;
	s1 =	sadd.s32 s1, s30  }
0xbb: {  	s0 =	sor.u32 s3, s0;
	s1 =	sshll.u32 s1, $0x11  }
0xbc: {  	s0 =	sor.u32 s1, s0  }
0xbd: {  	s0 =	sadd.s32 $0x8F2B, s0  }
0xbe: {  	[sflag:s0] =	ssyncadd.remote.s32 $0x1  }
0xbf: {  	_ =	sfence.sel $0xFFFF  }
0xc0: {  	[dreg:$0x0] =	wrdreg $0xFFFFFFFF;
	(pc) =	sbr.abs _section_cstart, $3  }
0xc1: {  	[dreg:$0x1] =	wrdreg $0xFFFFFFFF  }
0xc2: {  	_ =	task.clear_ibuf [dreg:s7], $0x2FFFF;
	_ =	strace $0x9FFFFFFF  }
0xc3: {  	(tm) =	ssettm $0x7FFFFFFF  }
tec
execute0_lowered:
.L_overlay_start_1:
0x0: {  	(tag) =	ssettag $0x1  }
0x1: {  	s7 =	rddreg [dreg:$0x1]  }
0x2: {  	s0 =	srdreg.scid;
	s3 =	rddreg [dreg:$0x2]  }
0x3: {  	s4 =	simm.s32 $0x0;
	s13 =	simm.s32 $0x400;
	s14 =	simm.s32 $0x2780  }
0x4: {  	s15 =	simm.s32 $0x50;
	s16 =	simm.s32 $0x6780;
	s17 =	simm.s32 $0x1  }
0x5: {  	s18 =	simm.s32 $0x8F80;
	s5 =	sand.u32 $0x1, s0;
	s0 =	stileid.u32  }
0x6: {  	s19 =	simm.s32 $0x2;
	s20 =	simm.s32 $0x6580;
	s21 =	smul.u32 $0x2800, s0  }
0x7: {  	[smem:$0x7FF] =	sst s4;
	s1 =	sshll.u32 s5, $0x4;
	s28 =	smul.u32 $0x28000, s5  }
0x8: {  	s26 =	sshll.u32 s0, $0x7;
	s5 =	ssub.s32 $0x2, s5;
	s10 =	smul.u32 $0x50000, s0  }
0x9: {  	s31 =	sshll.u32 s0, $0x6;
	s6 =	sor.u32 s0, s1;
	s1 =	rddreg [dreg:$0x0]  }
0xa: {  	s9 =	sand.u32 $0x380, s26;
	s12 =	sshrl.u32 s5, $0x1;
	s2 =	sshrl.u32 s6, $0x3  }
0xb: {  	s6 =	sshll.u32 s6, $0xB;
	s29 =	sadd.s32 s21, s7;
	s12 =	ssub.s32 s5, s12  }
0xc: {  	s30 =	sshrl.u32 s10, $0x2;
	s8 =	smul.u32 $0x13C00, s2;
	s2 =	rddreg [dreg:$0x3]  }
0xd: {  	_ =	strace $0x80000047;
	s11 =	sadd.s32 s6, s7;
	s10 =	sadd.s32 s30, s3  }
0xe: {  	s5 =	sadd.s32 $0x1C600, s29;
	s6 =	sor.u32 $0x1C03, s31;
	s8 =	sor.u32 s9, s8  }
0xf: {  	s10 =	sshrl.u32 s10, $0x3;
	s9 =	sadd.s32 s28, s7;
	s8 =	sshrl.u32 s8, $0x3  }
0x10: {  	s22 =	sadd.s32 $0x44600, s9;
	s9 =	smax.u32 s12, $0x1;
	s12 =	simm.s32 $0x80  }
0x11: {  	s8 =	sadd.s32 s8, s7;
	s21 =	sadd.s32 s21, s22;
	s22 =	simm.s32 $0x0  }
0x12: {  	s7 =	sadd.s32 $0x12800, s8;
	s8 =	sadd.s32 $0x2800, s11;
	s11 =	simm.s32 $0x3  }
.LBB2_1:
0x13: {  	[spmem:s10], [sflag:s6] =	dma.local [hbm:s5], $0x2800  }
0x14: {  	_ =	swait.ge [sflag:s11], $0x2800  }
0x15: {  	[sflag:s11] =	ssyncset.done $0x0  }
0x16: {  	[sflag:s11] =	ssyncadd.s32 $0xFFFFD800  }
0x17: {  	[tilespmem:s4], [sflag:$0x3] =	stream.strided.gather [hbm4b:s7+s12], $0x2780, s13, s12, $0x38;
	[tilespmem:$0x1F780] =	vst v63  }
0x18: {  	_ =	swait.ge [sflag:s11], $0x2780  }
0x19: {  	[sflag:s11] =	ssyncset.done $0x0  }
0x1a: {  	[sflag:s11] =	ssyncadd.s32 $0xFFFFD880  }
0x1b: {  	[tilespmem:s14], [sflag:$0x3] =	stream.linear.gather [hbm4b:s8+s4], $0x3E80, $0x38;
	[tilespmem:$0x1F780] =	vst v63  }
0x1c: {  	_ =	swait.ge [sflag:s11], $0x3E80  }
0x1d: {  	[sflag:s11] =	ssyncset.done $0x0  }
0x1e: {  	[sflag:s11] =	ssyncadd.s32 $0xFFFFC180  }
0x1f: {  	[bflag:$0x0] =	sbarrier.arrive $0xFFFF  }
0x20: {  	[tilespmem:s16], [sflag:$0x1] =	stream.indirect.gather [hbm4b:s1+s15], $0x80, s4, s15, $0xb8;
	[tilespmem:$0x1F780] =	vst v63  }
0x21: {  	_ =	swait.ge [sflag:s17], $0x2800  }
0x22: {  	[sflag:s17] =	ssyncset.done $0x0  }
0x23: {  	s23 =	simm.s32 $0x50;
	[sflag:s17] =	ssyncadd.s32 $0xFFFFD800  }
0x24: {  	[tilespmem:s18], [sflag:$0x2] =	stream.indirect.gather [hbm4b:s1+s15], $0x80, s23, s15, $0xb8;
	[tilespmem:$0x1F780] =	vst v63  }
0x25: {  	s31 =	simm.s32 $0x2780  }
0x26: {  	[spmem:s3] =	stream.indirect.scatter.add.f32 [tilespmem:s16], [sflag:$0x3], $0x80, s31, s15, $0xb8;
	[tilespmem:$0x1F780] =	vst v63  }
0x27: {  	_ =	swait.ge [sflag:s11], $0x2800  }
0x28: {  	[sflag:s11] =	ssyncset.done $0x0  }
0x29: {  	[sflag:s11] =	ssyncadd.s32 $0xFFFFD800  }
0x2a: {  	_ =	swait.ge [sflag:s19], $0x2800  }
0x2b: {  	[sflag:s19] =	ssyncset.done $0x0  }
0x2c: {  	s23 =	simm.s32 $0xA0;
	[sflag:s19] =	ssyncadd.s32 $0xFFFFD800  }
0x2d: {  	[tilespmem:s16], [sflag:$0x1] =	stream.indirect.gather [hbm4b:s1+s15], $0x80, s23, s15, $0xb8;
	[tilespmem:$0x1F780] =	vst v63  }
0x2e: {  	s24 =	simm.s32 $0x2800  }
0x2f: {  	[spmem:s3] =	stream.indirect.scatter.add.f32 [tilespmem:s18], [sflag:$0x3], $0x80, s24, s15, $0xb8;
	[tilespmem:$0x1F780] =	vst v63  }
0x30: {  	_ =	swait.ge [sflag:s11], $0x2800  }
0x31: {  	s24 =	simm.s32 $0x400;
	[sflag:s11] =	ssyncset.done $0x0  }
.LBB2_2:
0x32: {  	p0 =	sne.s32 s24, $0xF400;
	[sflag:s11] =	ssyncadd.s32 $0xFFFFD800;
	s23 =	sadd.s32 $0xA0, s23  }
0x33: {  	s25 =	smov.u32 s24;
	s24 =	sadd.s32 $0x400, s24  }
0x34: {  	_ =	swait.ge [sflag:s17], $0x2800  }
0x35: {  	[sflag:s17] =	ssyncset.done $0x0  }
0x36: {  	s26 =	sadd.s32 $0xFFFFFFB0, s23;
	s25 =	sshra.s32 s25, $0x2;
	[sflag:s17] =	ssyncadd.s32 $0xFFFFD800  }
0x37: {  	[tilespmem:s18], [sflag:$0x2] =	stream.indirect.gather [hbm4b:s1+s15], $0x80, s26, s15, $0xb8;
	[tilespmem:$0x1F780] =	vst v63  }
0x38: {  	s26 =	sadd.s32 $0x2780, s25  }
0x39: {  	[spmem:s3] =	stream.indirect.scatter.add.f32 [tilespmem:s16], [sflag:$0x3], $0x80, s26, s15, $0xb8;
	[tilespmem:$0x1F780] =	vst v63  }
0x3a: {  	_ =	swait.ge [sflag:s11], $0x2800  }
0x3b: {  	[sflag:s11] =	ssyncset.done $0x0  }
0x3c: {  	[sflag:s11] =	ssyncadd.s32 $0xFFFFD800  }
0x3d: {  	_ =	swait.ge [sflag:s19], $0x2800  }
0x3e: {  	[sflag:s19] =	ssyncset.done $0x0  }
0x3f: {  	[sflag:s19] =	ssyncadd.s32 $0xFFFFD800  }
0x40: {  	[tilespmem:s16], [sflag:$0x1] =	stream.indirect.gather [hbm4b:s1+s15], $0x80, s23, s15, $0xb8;
	[tilespmem:$0x1F780] =	vst v63  }
.Ltmp0:
0x41: {  	_ = 	snop;
	(pc) =	sbr.rel @p0 .LBB2_2-.Ltmp0, $4  }
0x42: {  	s25 =	sadd.s32 $0x2800, s25  }
0x43: {  	[spmem:s3] =	stream.indirect.scatter.add.f32 [tilespmem:s18], [sflag:$0x3], $0x80, s25, s15, $0xb8;
	[tilespmem:$0x1F780] =	vst v63  }
0x44: {  	_ =	swait.ge [sflag:s11], $0x2800  }
0x45: {  	[sflag:s11] =	ssyncset.done $0x0  }
0x46: {  	[sflag:s11] =	ssyncadd.s32 $0xFFFFD800  }
0x47: {  	_ =	swait.ge [sflag:s17], $0x2800  }
0x48: {  	[sflag:s17] =	ssyncset.done $0x0  }
0x49: {  	[sflag:s17] =	ssyncadd.s32 $0xFFFFD800  }
0x4a: {  	[spmem:s3] =	stream.indirect.scatter.add.f32 [tilespmem:s16], [sflag:$0x3], $0x80, s20, s15, $0xb8;
	[tilespmem:$0x1F780] =	vst v63  }
0x4b: {  	_ =	swait.ge [sflag:s11], $0x2800  }
0x4c: {  	s22 =	sadd.s32 $0x1, s22;
	[sflag:s11] =	ssyncset.done $0x0  }
0x4d: {  	p0 =	sne.s32 s22, s9;
	[sflag:s11] =	ssyncadd.s32 $0xFFFFD800  }
.Ltmp1:
0x4e: {  	[bflag:$0x0] =	sbarrier.arrive $0xFFFF;
	(pc) =	sbr.rel @p0 .LBB2_1-.Ltmp1, $4  }
0x4f: {  	[hbm:s21], [sflag:s6] =	dma.local [spmem:s10], $0x2800  }
0x50: {  	_ =	swait.ge [sflag:s11], $0x2800  }
0x51: {  	[sflag:s11] =	ssyncset.done $0x0  }
0x52: {  	[sflag:s11] =	ssyncadd.s32 $0xFFFFD800  }
0x53: {  	_ =	sfence.sel $0x180000  }
0x54: {  	[bflag:$0x0] =	sbarrier.arrive $0xFFFF  }
0x55: {  	p0 =	sne.s32 s0, $0x0;
	_ =	strace $0x90000047  }
0x56: {  	s0 =	sadd.s32 @!p0 $0x100000, s2;
	[bflag:$0x2] =	sbarrier.arrive $0xFFFF  }
0x57: {  	[sflag:s0] =	ssyncadd.tile.s32 @!p0 $0x1;
	_ =	shalt  }
.Lfunc_end2:
_tile_overlayer_lowered:
.L_overlay_start_2:
0x58: {  	(tag) =	ssettag $0x2  }
0x59: {  	s0 =	rddreg [dreg:$0x0];
	s2 =	stileid.u32  }
0x5a: {  	s1 =	rddreg [dreg:$0x1];
	p0 =	sne.s32 s2, $0x0  }
0x5b: {  	s3 =	rddreg [dreg:$0x2];
	[bflag:$0x3] =	sbarrier.arrive $0xFFFF;
	s2 =	simm.s32 @!p0 $0x1C03  }
0x5c: {  	[timem:s3], [sflag:s2] =	dma.local @!p0 [hbm:s0], s1  }
0x5d: {  	s0 =	simm.s32 @!p0 $0x3  }
0x5e: {  	_ =	swait.ge @!p0 [sflag:s0], s1  }
0x5f: {  	s1 =	ssub.s32 @!p0 $0x0, s1;
	[sflag:s0] =	ssyncset.done @!p0 $0x0  }
0x60: {  	[sflag:s0] =	ssyncadd.s32 @!p0 s1  }
0x61: {  	[bflag:$0x3] =	sbarrier.arrive $0xFFFF  }
0x62: {  	_ =	shalt  }

</sc_bundles>
